<compile_context>
chip_gen: v7x
topology: tpu7x:2x2x1
jax: 0.10.2.dev20260603
libtpu: 0.0.44.dev20260713+nightly
codegen_flags: <defaults>
</compile_context>

<pallas_src>
import functools

import jax
import jax.numpy as jnp
from jax import lax
from jax.experimental import pallas as pl
from jax.experimental.pallas import tpu as pltpu
from jax.experimental.pallas import tpu_sc as plsc

DIM = 64
WIDE = 128
LANES = 16


@functools.cache
def _make_gather(b: int, l: int, dim: int):
    info = plsc.get_sparse_core_info()
    nw = info.num_cores * info.num_subcores
    assert b % nw == 0
    bw = b // nw
    assert bw == 128 and l % 2 == 0
    mesh = plsc.VectorSubcoreMesh(core_axis_name="c", subcore_axis_name="s")

    @functools.partial(
        pl.kernel,
        mesh=mesh,
        out_type=jax.ShapeDtypeStruct((l, dim, b), jnp.float32),
        scratch_types=[
            pltpu.VMEM((bw * l + LANES,), jnp.int32),
            pltpu.VMEM((l * bw,), jnp.int32),
            pltpu.VMEM((2, bw, WIDE), jnp.float32),
            pltpu.VMEM((2, dim, bw), jnp.float32),
            pltpu.SemaphoreType.DMA,
            pltpu.SemaphoreType.DMA,
        ],
        compiler_params=pltpu.CompilerParams(
            use_tc_tiling_on_sc=True, needs_layout_passes=False
        ),
    )
    def gather_kernel(tok_hbm, table_hbm, out_hbm, idx_v, idxt_v, rows_v, tbuf_v, gsem, osem):
        wid = lax.axis_index("s") * info.num_cores + lax.axis_index("c")
        b0 = wid * bw
        pltpu.sync_copy(
            tok_hbm.at[pl.ds(b0 * l, bw * l)], idx_v.at[pl.ds(0, bw * l)]
        )

        iota = lax.iota(jnp.int32, LANES)
        nfull = l // LANES
        rem = l % LANES

        @pl.loop(0, bw)
        def _tr_idx(bp):
            for q in range(nfull):
                vals = idx_v[pl.ds(bp * l + q * LANES, LANES)]
                pos = (iota + q * LANES) * bw + bp
                plsc.store_scatter(idxt_v, [pos], vals)
            if rem:
                vals = idx_v[pl.ds(bp * l + nfull * LANES, LANES)]
                pos = (iota + nfull * LANES) * bw + bp
                plsc.store_scatter(idxt_v, [pos], vals, mask=iota < rem)

        def issue_gather(lq, slot):
            pltpu.async_copy(
                table_hbm.at[idxt_v.at[pl.ds(lq * bw, bw)]],
                rows_v.at[slot],
                gsem,
            )

        def wait_gather(slot):
            pltpu.make_async_copy(
                table_hbm.at[idxt_v.at[pl.ds(0, bw)]],
                rows_v.at[slot],
                gsem,
            ).wait()

        def issue_write(lq, slot):
            pltpu.async_copy(
                tbuf_v.at[slot],
                out_hbm.at[lq, :, pl.ds(b0, bw)],
                osem,
            )

        def wait_write(slot):
            pltpu.make_async_copy(
                tbuf_v.at[slot],
                out_hbm.at[0, :, pl.ds(b0, bw)],
                osem,
            ).wait()

        issue_gather(0, 0)

        @pl.loop(0, l, step=2)
        def outer(l0):
            for s in range(2):
                lq = l0 + s
                wait_gather(s)

                @pl.when(lq + 1 < l)
                def _issue():
                    issue_gather(lq + 1, 1 - s)

                @pl.when(lq >= 2)
                def _drain():
                    wait_write(s)

                @pl.loop(0, (dim // LANES) * (bw // LANES), unroll=4)
                def _tr(blk):
                    kk = blk // (bw // LANES) * LANES
                    bb = blk % (bw // LANES) * LANES
                    brow = bb + iota
                    for r in range(LANES):
                        drow = kk + ((iota + r) & (LANES - 1))
                        vals = plsc.load_gather(rows_v.at[s], [brow, drow])
                        plsc.store_scatter(tbuf_v.at[s], [drow, brow], vals)

                issue_write(lq, s)

        for s in range(2):
            wait_write(s)

    return gather_kernel


def kernel(tok, table):
    b, l = tok.shape
    gather_kernel = _make_gather(b, l, DIM)
    table_wide = jnp.pad(table, ((0, 0), (0, WIDE - DIM)))
    out_ldb = gather_kernel(tok.reshape(-1), table_wide)
    return jnp.transpose(out_ldb, (2, 0, 1))

# --- scband reference (transcript-rebuilt; emitter-appended) ---
"""Pipeline reference for scband-tok-embedding-53841710023116 (READ-ONLY COPY).

The authoritative reference and input builder live on the scoring server;
editing this copy changes nothing except your own understanding.
"""

import jax, jax.numpy as jnp
import numpy as np

VOCAB = 1000000
DIM = 64
B = 4096
L = 200

def setup_inputs(seed: int = 0) -> dict:
    key = jax.random.key(seed)
    k1, k2 = jax.random.split(key)
    tok = jax.random.randint(k1, (B, L), 0, VOCAB, dtype=jnp.int32)
    table = jax.random.normal(k2, (VOCAB, DIM), dtype=jnp.float32) * 0.02
    return {"tok": tok, "table": table}

def reference(tok, table):
    # TokEmbedding._padded_forward: embedding lookup on a dense [B, L] index tensor
    return jnp.take(table, tok, axis=0)

if __name__ == "__main__":
    import jax
    _d = setup_inputs()
    print(jax.jit(kernel)(*tuple(_d.values())))

</pallas_src>

<mosaic_0001>
#map = affine_map<(d0, d1) -> (0)>
#map1 = affine_map<(d0, d1) -> (0, 0)>
#map2 = affine_map<(d0, d1) -> (0, 0, 0)>
module attributes {stable_mosaic.version = 14 : i64} {
  func.func @gather_kernel(%arg0: i32, %arg1: i32, %arg2: memref<819200xi32, #tpu.memory_space<hbm>>, %arg3: memref<1000000x128xf32, #tpu.memory_space<hbm>>, %arg4: memref<200x64x4096xf32, #tpu.memory_space<hbm>>, %arg5: memref<25616xi32, #tpu.memory_space<vmem>>, %arg6: memref<25600xi32, #tpu.memory_space<vmem>>, %arg7: memref<2x128x128xf32, #tpu.memory_space<vmem>>, %arg8: memref<2x64x128xf32, #tpu.memory_space<vmem>>, %arg9: memref<!tpu.dma_semaphore, #tpu.memory_space<semaphore_mem>>, %arg10: memref<!tpu.dma_semaphore, #tpu.memory_space<semaphore_mem>>) attributes {dimension_semantics = [#tpu.dimension_semantics<core_parallel>, #tpu.dimension_semantics<subcore_parallel>], iteration_bounds = array<i64: 2, 16>, scalar_prefetch = 0 : i64, scratch_operands = 6 : i64, tpu.core_type = #tpu.core_type<sc_vector_subcore>, window_params = [{transform_indices = #map}, {transform_indices = #map1}, {transform_indices = #map2}]} {
    %mul3A = arith.constant 2 : i32
    %mul3A_0 = arith.muli %arg1, %mul3A : i32
    %add3A = arith.addi %mul3A_0, %arg0 : i32
    %mul3A_1 = arith.constant 128 : i32
    %mul3A_2 = arith.muli %add3A, %mul3A_1 : i32
    %mul3A_3 = arith.constant 200 : i32
    %mul3A_4 = arith.muli %mul3A_2, %mul3A_3 : i32
    "tpu.region"() ({
      %run_scoped3A = tpu.sem_alloc : memref<!tpu.dma_semaphore, #tpu.memory_space<semaphore_mem>>
      %dma_start3A_54 = arith.constant 0 : i32
      %dma_start3A_55 = tpu.memref_slice %arg5[%dma_start3A_54] : memref<25616xi32, #tpu.memory_space<vmem>> -> memref<25600xi32, #tpu.memory_space<vmem>>
      %dma_start3A_56 = tpu.memref_slice %arg2[%mul3A_4] : memref<819200xi32, #tpu.memory_space<hbm>> -> memref<25600xi32, #tpu.memory_space<hbm>>
      %dma_start3A_57 = arith.constant 0 : i32
      %dma_start3A_58 = tpu.memref_slice %arg5[%dma_start3A_57] : memref<25616xi32, #tpu.memory_space<vmem>> -> memref<25600xi32, #tpu.memory_space<vmem>>
      %dma_start3A_59 = tpu.memref_slice %arg2[%mul3A_4] : memref<819200xi32, #tpu.memory_space<hbm>> -> memref<25600xi32, #tpu.memory_space<hbm>>
      tpu.enqueue_dma source(%dma_start3A_59 : memref<25600xi32, #tpu.memory_space<hbm>>) target(%dma_start3A_58 : memref<25600xi32, #tpu.memory_space<vmem>>) target_semaphore(%run_scoped3A : memref<!tpu.dma_semaphore, #tpu.memory_space<semaphore_mem>>)
      %dma_wait3A_60 = arith.constant 0 : i32
      %dma_wait3A_61 = tpu.memref_slice %arg5[%dma_wait3A_60] : memref<25616xi32, #tpu.memory_space<vmem>> -> memref<25600xi32, #tpu.memory_space<vmem>>
      %dma_wait3A_62 = tpu.memref_slice %arg2[%mul3A_4] : memref<819200xi32, #tpu.memory_space<hbm>> -> memref<25600xi32, #tpu.memory_space<hbm>>
      %dma_wait3A_63 = arith.constant 0 : i32
      %dma_wait3A_64 = tpu.memref_slice %arg5[%dma_wait3A_63] : memref<25616xi32, #tpu.memory_space<vmem>> -> memref<25600xi32, #tpu.memory_space<vmem>>
      %dma_wait3A_65 = tpu.memref_slice %arg2[%mul3A_4] : memref<819200xi32, #tpu.memory_space<hbm>> -> memref<25600xi32, #tpu.memory_space<hbm>>
      tpu.wait_dma2 semaphore(%run_scoped3A : memref<!tpu.dma_semaphore, #tpu.memory_space<semaphore_mem>>) src(%dma_wait3A_65 : memref<25600xi32, #tpu.memory_space<hbm>>) dst(%dma_wait3A_64 : memref<25600xi32, #tpu.memory_space<vmem>>)
      tpu.yield
    }) : () -> ()
    %iota3A = tpu.iota {dimensions = array<i32: 0>} : vector<16xi32>
    %scan3A = arith.constant 0 : i32
    %scan3A_5 = arith.constant 128 : i32
    %scan3A_6 = arith.addi %scan3A, %scan3A_5 : i32
    %scan3A_7 = arith.constant 1 : i32
    scf.for %scan3A_54 = %scan3A to %scan3A_6 step %scan3A_7  : i32 {
      %mul3A_55 = arith.constant 1 : i32
      %mul3A_56 = arith.muli %scan3A_54, %mul3A_55 : i32
      %add3A_57 = arith.constant 0 : i32
      %add3A_58 = arith.addi %add3A_57, %mul3A_56 : i32
      %mul3A_59 = arith.constant 200 : i32
      %mul3A_60 = arith.muli %add3A_58, %mul3A_59 : i32
      %add3A_61 = arith.constant 0 : i32
      %add3A_62 = arith.addi %mul3A_60, %add3A_61 : i32
      %get3A = arith.index_cast %add3A_62 : i32 to index
      %get3A_63 = tpu.vector_load %arg5[%get3A] {strides = array<i32>} : memref<25616xi32, #tpu.memory_space<vmem>>, vector<16xi32>,
      %add3A_64 = arith.constant 0 : i32
      %add3A_65 = vector.broadcast %add3A_64 : i32 to vector<16xi32>
      %add3A_66 = arith.addi %iota3A, %add3A_65 : vector<16xi32>
      %mul3A_67 = arith.constant 128 : i32
      %mul3A_68 = vector.broadcast %mul3A_67 : i32 to vector<16xi32>
      %mul3A_69 = arith.muli %add3A_66, %mul3A_68 : vector<16xi32>
      %add3A_70 = vector.broadcast %add3A_58 : i32 to vector<16xi32>
      %add3A_71 = arith.addi %mul3A_69, %add3A_70 : vector<16xi32>
      tpu.vector_store_idx %arg6[%add3A_71], %get3A_63 : memref<25600xi32, #tpu.memory_space<vmem>>[vector<16xi32>], vector<16xi32>,
      %mul3A_72 = arith.constant 200 : i32
      %mul3A_73 = arith.muli %add3A_58, %mul3A_72 : i32
      %add3A_74 = arith.constant 16 : i32
      %add3A_75 = arith.addi %mul3A_73, %add3A_74 : i32
      %get3A_76 = arith.index_cast %add3A_75 : i32 to index
      %get3A_77 = tpu.vector_load %arg5[%get3A_76] {strides = array<i32>} : memref<25616xi32, #tpu.memory_space<vmem>>, vector<16xi32>,
      %add3A_78 = arith.constant 16 : i32
      %add3A_79 = vector.broadcast %add3A_78 : i32 to vector<16xi32>
      %add3A_80 = arith.addi %iota3A, %add3A_79 : vector<16xi32>
      %mul3A_81 = arith.constant 128 : i32
      %mul3A_82 = vector.broadcast %mul3A_81 : i32 to vector<16xi32>
      %mul3A_83 = arith.muli %add3A_80, %mul3A_82 : vector<16xi32>
      %add3A_84 = vector.broadcast %add3A_58 : i32 to vector<16xi32>
      %add3A_85 = arith.addi %mul3A_83, %add3A_84 : vector<16xi32>
      tpu.vector_store_idx %arg6[%add3A_85], %get3A_77 : memref<25600xi32, #tpu.memory_space<vmem>>[vector<16xi32>], vector<16xi32>,
      %mul3A_86 = arith.constant 200 : i32
      %mul3A_87 = arith.muli %add3A_58, %mul3A_86 : i32
      %add3A_88 = arith.constant 32 : i32
      %add3A_89 = arith.addi %mul3A_87, %add3A_88 : i32
      %get3A_90 = arith.index_cast %add3A_89 : i32 to index
      %get3A_91 = tpu.vector_load %arg5[%get3A_90] {strides = array<i32>} : memref<25616xi32, #tpu.memory_space<vmem>>, vector<16xi32>,
      %add3A_92 = arith.constant 32 : i32
      %add3A_93 = vector.broadcast %add3A_92 : i32 to vector<16xi32>
      %add3A_94 = arith.addi %iota3A, %add3A_93 : vector<16xi32>
      %mul3A_95 = arith.constant 128 : i32
      %mul3A_96 = vector.broadcast %mul3A_95 : i32 to vector<16xi32>
      %mul3A_97 = arith.muli %add3A_94, %mul3A_96 : vector<16xi32>
      %add3A_98 = vector.broadcast %add3A_58 : i32 to vector<16xi32>
      %add3A_99 = arith.addi %mul3A_97, %add3A_98 : vector<16xi32>
      tpu.vector_store_idx %arg6[%add3A_99], %get3A_91 : memref<25600xi32, #tpu.memory_space<vmem>>[vector<16xi32>], vector<16xi32>,
      %mul3A_100 = arith.constant 200 : i32
      %mul3A_101 = arith.muli %add3A_58, %mul3A_100 : i32
      %add3A_102 = arith.constant 48 : i32
      %add3A_103 = arith.addi %mul3A_101, %add3A_102 : i32
      %get3A_104 = arith.index_cast %add3A_103 : i32 to index
      %get3A_105 = tpu.vector_load %arg5[%get3A_104] {strides = array<i32>} : memref<25616xi32, #tpu.memory_space<vmem>>, vector<16xi32>,
      %add3A_106 = arith.constant 48 : i32
      %add3A_107 = vector.broadcast %add3A_106 : i32 to vector<16xi32>
      %add3A_108 = arith.addi %iota3A, %add3A_107 : vector<16xi32>
      %mul3A_109 = arith.constant 128 : i32
      %mul3A_110 = vector.broadcast %mul3A_109 : i32 to vector<16xi32>
      %mul3A_111 = arith.muli %add3A_108, %mul3A_110 : vector<16xi32>
      %add3A_112 = vector.broadcast %add3A_58 : i32 to vector<16xi32>
      %add3A_113 = arith.addi %mul3A_111, %add3A_112 : vector<16xi32>
      tpu.vector_store_idx %arg6[%add3A_113], %get3A_105 : memref<25600xi32, #tpu.memory_space<vmem>>[vector<16xi32>], vector<16xi32>,
      %mul3A_114 = arith.constant 200 : i32
      %mul3A_115 = arith.muli %add3A_58, %mul3A_114 : i32
      %add3A_116 = arith.constant 64 : i32
      %add3A_117 = arith.addi %mul3A_115, %add3A_116 : i32
      %get3A_118 = arith.index_cast %add3A_117 : i32 to index
      %get3A_119 = tpu.vector_load %arg5[%get3A_118] {strides = array<i32>} : memref<25616xi32, #tpu.memory_space<vmem>>, vector<16xi32>,
      %add3A_120 = arith.constant 64 : i32
      %add3A_121 = vector.broadcast %add3A_120 : i32 to vector<16xi32>
      %add3A_122 = arith.addi %iota3A, %add3A_121 : vector<16xi32>
      %mul3A_123 = arith.constant 128 : i32
      %mul3A_124 = vector.broadcast %mul3A_123 : i32 to vector<16xi32>
      %mul3A_125 = arith.muli %add3A_122, %mul3A_124 : vector<16xi32>
      %add3A_126 = vector.broadcast %add3A_58 : i32 to vector<16xi32>
      %add3A_127 = arith.addi %mul3A_125, %add3A_126 : vector<16xi32>
      tpu.vector_store_idx %arg6[%add3A_127], %get3A_119 : memref<25600xi32, #tpu.memory_space<vmem>>[vector<16xi32>], vector<16xi32>,
      %mul3A_128 = arith.constant 200 : i32
      %mul3A_129 = arith.muli %add3A_58, %mul3A_128 : i32
      %add3A_130 = arith.constant 80 : i32
      %add3A_131 = arith.addi %mul3A_129, %add3A_130 : i32
      %get3A_132 = arith.index_cast %add3A_131 : i32 to index
      %get3A_133 = tpu.vector_load %arg5[%get3A_132] {strides = array<i32>} : memref<25616xi32, #tpu.memory_space<vmem>>, vector<16xi32>,
      %add3A_134 = arith.constant 80 : i32
      %add3A_135 = vector.broadcast %add3A_134 : i32 to vector<16xi32>
      %add3A_136 = arith.addi %iota3A, %add3A_135 : vector<16xi32>
      %mul3A_137 = arith.constant 128 : i32
      %mul3A_138 = vector.broadcast %mul3A_137 : i32 to vector<16xi32>
      %mul3A_139 = arith.muli %add3A_136, %mul3A_138 : vector<16xi32>
      %add3A_140 = vector.broadcast %add3A_58 : i32 to vector<16xi32>
      %add3A_141 = arith.addi %mul3A_139, %add3A_140 : vector<16xi32>
      tpu.vector_store_idx %arg6[%add3A_141], %get3A_133 : memref<25600xi32, #tpu.memory_space<vmem>>[vector<16xi32>], vector<16xi32>,
      %mul3A_142 = arith.constant 200 : i32
      %mul3A_143 = arith.muli %add3A_58, %mul3A_142 : i32
      %add3A_144 = arith.constant 96 : i32
      %add3A_145 = arith.addi %mul3A_143, %add3A_144 : i32
      %get3A_146 = arith.index_cast %add3A_145 : i32 to index
      %get3A_147 = tpu.vector_load %arg5[%get3A_146] {strides = array<i32>} : memref<25616xi32, #tpu.memory_space<vmem>>, vector<16xi32>,
      %add3A_148 = arith.constant 96 : i32
      %add3A_149 = vector.broadcast %add3A_148 : i32 to vector<16xi32>
      %add3A_150 = arith.addi %iota3A, %add3A_149 : vector<16xi32>
      %mul3A_151 = arith.constant 128 : i32
      %mul3A_152 = vector.broadcast %mul3A_151 : i32 to vector<16xi32>
      %mul3A_153 = arith.muli %add3A_150, %mul3A_152 : vector<16xi32>
      %add3A_154 = vector.broadcast %add3A_58 : i32 to vector<16xi32>
      %add3A_155 = arith.addi %mul3A_153, %add3A_154 : vector<16xi32>
      tpu.vector_store_idx %arg6[%add3A_155], %get3A_147 : memref<25600xi32, #tpu.memory_space<vmem>>[vector<16xi32>], vector<16xi32>,
      %mul3A_156 = arith.constant 200 : i32
      %mul3A_157 = arith.muli %add3A_58, %mul3A_156 : i32
      %add3A_158 = arith.constant 112 : i32
      %add3A_159 = arith.addi %mul3A_157, %add3A_158 : i32
      %get3A_160 = arith.index_cast %add3A_159 : i32 to index
      %get3A_161 = tpu.vector_load %arg5[%get3A_160] {strides = array<i32>} : memref<25616xi32, #tpu.memory_space<vmem>>, vector<16xi32>,
      %add3A_162 = arith.constant 112 : i32
      %add3A_163 = vector.broadcast %add3A_162 : i32 to vector<16xi32>
      %add3A_164 = arith.addi %iota3A, %add3A_163 : vector<16xi32>
      %mul3A_165 = arith.constant 128 : i32
      %mul3A_166 = vector.broadcast %mul3A_165 : i32 to vector<16xi32>
      %mul3A_167 = arith.muli %add3A_164, %mul3A_166 : vector<16xi32>
      %add3A_168 = vector.broadcast %add3A_58 : i32 to vector<16xi32>
      %add3A_169 = arith.addi %mul3A_167, %add3A_168 : vector<16xi32>
      tpu.vector_store_idx %arg6[%add3A_169], %get3A_161 : memref<25600xi32, #tpu.memory_space<vmem>>[vector<16xi32>], vector<16xi32>,
      %mul3A_170 = arith.constant 200 : i32
      %mul3A_171 = arith.muli %add3A_58, %mul3A_170 : i32
      %add3A_172 = arith.constant 128 : i32
      %add3A_173 = arith.addi %mul3A_171, %add3A_172 : i32
      %get3A_174 = arith.index_cast %add3A_173 : i32 to index
      %get3A_175 = tpu.vector_load %arg5[%get3A_174] {strides = array<i32>} : memref<25616xi32, #tpu.memory_space<vmem>>, vector<16xi32>,
      %add3A_176 = arith.constant 128 : i32
      %add3A_177 = vector.broadcast %add3A_176 : i32 to vector<16xi32>
      %add3A_178 = arith.addi %iota3A, %add3A_177 : vector<16xi32>
      %mul3A_179 = arith.constant 128 : i32
      %mul3A_180 = vector.broadcast %mul3A_179 : i32 to vector<16xi32>
      %mul3A_181 = arith.muli %add3A_178, %mul3A_180 : vector<16xi32>
      %add3A_182 = vector.broadcast %add3A_58 : i32 to vector<16xi32>
      %add3A_183 = arith.addi %mul3A_181, %add3A_182 : vector<16xi32>
      tpu.vector_store_idx %arg6[%add3A_183], %get3A_175 : memref<25600xi32, #tpu.memory_space<vmem>>[vector<16xi32>], vector<16xi32>,
      %mul3A_184 = arith.constant 200 : i32
      %mul3A_185 = arith.muli %add3A_58, %mul3A_184 : i32
      %add3A_186 = arith.constant 144 : i32
      %add3A_187 = arith.addi %mul3A_185, %add3A_186 : i32
      %get3A_188 = arith.index_cast %add3A_187 : i32 to index
      %get3A_189 = tpu.vector_load %arg5[%get3A_188] {strides = array<i32>} : memref<25616xi32, #tpu.memory_space<vmem>>, vector<16xi32>,
      %add3A_190 = arith.constant 144 : i32
      %add3A_191 = vector.broadcast %add3A_190 : i32 to vector<16xi32>
      %add3A_192 = arith.addi %iota3A, %add3A_191 : vector<16xi32>
      %mul3A_193 = arith.constant 128 : i32
      %mul3A_194 = vector.broadcast %mul3A_193 : i32 to vector<16xi32>
      %mul3A_195 = arith.muli %add3A_192, %mul3A_194 : vector<16xi32>
      %add3A_196 = vector.broadcast %add3A_58 : i32 to vector<16xi32>
      %add3A_197 = arith.addi %mul3A_195, %add3A_196 : vector<16xi32>
      tpu.vector_store_idx %arg6[%add3A_197], %get3A_189 : memref<25600xi32, #tpu.memory_space<vmem>>[vector<16xi32>], vector<16xi32>,
      %mul3A_198 = arith.constant 200 : i32
      %mul3A_199 = arith.muli %add3A_58, %mul3A_198 : i32
      %add3A_200 = arith.constant 160 : i32
      %add3A_201 = arith.addi %mul3A_199, %add3A_200 : i32
      %get3A_202 = arith.index_cast %add3A_201 : i32 to index
      %get3A_203 = tpu.vector_load %arg5[%get3A_202] {strides = array<i32>} : memref<25616xi32, #tpu.memory_space<vmem>>, vector<16xi32>,
      %add3A_204 = arith.constant 160 : i32
      %add3A_205 = vector.broadcast %add3A_204 : i32 to vector<16xi32>
      %add3A_206 = arith.addi %iota3A, %add3A_205 : vector<16xi32>
      %mul3A_207 = arith.constant 128 : i32
      %mul3A_208 = vector.broadcast %mul3A_207 : i32 to vector<16xi32>
      %mul3A_209 = arith.muli %add3A_206, %mul3A_208 : vector<16xi32>
      %add3A_210 = vector.broadcast %add3A_58 : i32 to vector<16xi32>
      %add3A_211 = arith.addi %mul3A_209, %add3A_210 : vector<16xi32>
      tpu.vector_store_idx %arg6[%add3A_211], %get3A_203 : memref<25600xi32, #tpu.memory_space<vmem>>[vector<16xi32>], vector<16xi32>,
      %mul3A_212 = arith.constant 200 : i32
      %mul3A_213 = arith.muli %add3A_58, %mul3A_212 : i32
      %add3A_214 = arith.constant 176 : i32
      %add3A_215 = arith.addi %mul3A_213, %add3A_214 : i32
      %get3A_216 = arith.index_cast %add3A_215 : i32 to index
      %get3A_217 = tpu.vector_load %arg5[%get3A_216] {strides = array<i32>} : memref<25616xi32, #tpu.memory_space<vmem>>, vector<16xi32>,
      %add3A_218 = arith.constant 176 : i32
      %add3A_219 = vector.broadcast %add3A_218 : i32 to vector<16xi32>
      %add3A_220 = arith.addi %iota3A, %add3A_219 : vector<16xi32>
      %mul3A_221 = arith.constant 128 : i32
      %mul3A_222 = vector.broadcast %mul3A_221 : i32 to vector<16xi32>
      %mul3A_223 = arith.muli %add3A_220, %mul3A_222 : vector<16xi32>
      %add3A_224 = vector.broadcast %add3A_58 : i32 to vector<16xi32>
      %add3A_225 = arith.addi %mul3A_223, %add3A_224 : vector<16xi32>
      tpu.vector_store_idx %arg6[%add3A_225], %get3A_217 : memref<25600xi32, #tpu.memory_space<vmem>>[vector<16xi32>], vector<16xi32>,
      %mul3A_226 = arith.constant 200 : i32
      %mul3A_227 = arith.muli %add3A_58, %mul3A_226 : i32
      %add3A_228 = arith.constant 192 : i32
      %add3A_229 = arith.addi %mul3A_227, %add3A_228 : i32
      %get3A_230 = arith.index_cast %add3A_229 : i32 to index
      %get3A_231 = tpu.vector_load %arg5[%get3A_230] {strides = array<i32>} : memref<25616xi32, #tpu.memory_space<vmem>>, vector<16xi32>,
      %add3A_232 = arith.constant 192 : i32
      %add3A_233 = vector.broadcast %add3A_232 : i32 to vector<16xi32>
      %add3A_234 = arith.addi %iota3A, %add3A_233 : vector<16xi32>
      %mul3A_235 = arith.constant 128 : i32
      %mul3A_236 = vector.broadcast %mul3A_235 : i32 to vector<16xi32>
      %mul3A_237 = arith.muli %add3A_234, %mul3A_236 : vector<16xi32>
      %add3A_238 = vector.broadcast %add3A_58 : i32 to vector<16xi32>
      %add3A_239 = arith.addi %mul3A_237, %add3A_238 : vector<16xi32>
      %lt3A = arith.constant 8 : i32
      %lt3A_240 = vector.broadcast %lt3A : i32 to vector<16xi32>
      %lt3A_241 = arith.cmpi slt, %iota3A, %lt3A_240 : vector<16xi32>
      tpu.vector_store_idx %arg6[%add3A_239], %get3A_231 masked %lt3A_241 : memref<25600xi32, #tpu.memory_space<vmem>>[vector<16xi32>], vector<16xi32>, vector<16xi1>
    }
    %scan3A_8 = arith.constant 128 : i32
    %dma_start3A = arith.constant 0 : i32
    %dma_start3A_9 = arith.constant 0 : i32
    %dma_start3A_10 = arith.constant 0 : i32
    %dma_start3A_11 = tpu.memref_slice %arg7[%dma_start3A, %dma_start3A_9, %dma_start3A_10] : memref<2x128x128xf32, #tpu.memory_space<vmem>> -> memref<1x128x128xf32, #tpu.memory_space<vmem>>
    %dma_start3A_12 = tpu.memref_squeeze %dma_start3A_11 : memref<1x128x128xf32, #tpu.memory_space<vmem>> -> memref<128x128xf32, #tpu.memory_space<vmem>>
    %dma_start3A_13 = arith.constant 0 : i32
    %dma_start3A_14 = tpu.memref_slice %arg6[%dma_start3A_13] : memref<25600xi32, #tpu.memory_space<vmem>> -> memref<128xi32, #tpu.memory_space<vmem>>
    %dma_start3A_15 = arith.constant 0 : i32
    %dma_start3A_16 = arith.constant 0 : i32
    %dma_start3A_17 = tpu.memref_slice %arg3[%dma_start3A_15, %dma_start3A_16] : memref<1000000x128xf32, #tpu.memory_space<hbm>> -> memref<1000000x128xf32, #tpu.memory_space<hbm>>
    tpu.enqueue_indirect_dma source(%dma_start3A_17 : memref<1000000x128xf32, #tpu.memory_space<hbm>>) target(%dma_start3A_12 : memref<128x128xf32, #tpu.memory_space<vmem>>) offsets(%dma_start3A_14 : memref<128xi32, #tpu.memory_space<vmem>>) semaphore(%arg9 : memref<!tpu.dma_semaphore, #tpu.memory_space<semaphore_mem>>)
    %scan3A_18 = arith.constant 0 : i32
    %scan3A_19 = arith.constant 100 : i32
    %scan3A_20 = arith.addi %scan3A_18, %scan3A_19 : i32
    %scan3A_21 = arith.constant 1 : i32
    scf.for %scan3A_54 = %scan3A_18 to %scan3A_20 step %scan3A_21  : i32 {
      %mul3A_55 = arith.constant 2 : i32
      %mul3A_56 = arith.muli %scan3A_54, %mul3A_55 : i32
      %add3A_57 = arith.constant 0 : i32
      %add3A_58 = arith.addi %add3A_57, %mul3A_56 : i32
      %add3A_59 = arith.constant 0 : i32
      %add3A_60 = arith.addi %add3A_58, %add3A_59 : i32
      %dma_wait3A_61 = arith.constant 0 : i32
      %dma_wait3A_62 = arith.constant 0 : i32
      %dma_wait3A_63 = arith.constant 0 : i32
      %dma_wait3A_64 = tpu.memref_slice %arg7[%dma_wait3A_61, %dma_wait3A_62, %dma_wait3A_63] : memref<2x128x128xf32, #tpu.memory_space<vmem>> -> memref<1x128x128xf32, #tpu.memory_space<vmem>>
      %dma_wait3A_65 = tpu.memref_squeeze %dma_wait3A_64 : memref<1x128x128xf32, #tpu.memory_space<vmem>> -> memref<128x128xf32, #tpu.memory_space<vmem>>
      %dma_wait3A_66 = arith.constant 0 : i32
      %dma_wait3A_67 = tpu.memref_slice %arg6[%dma_wait3A_66] : memref<25600xi32, #tpu.memory_space<vmem>> -> memref<128xi32, #tpu.memory_space<vmem>>
      %dma_wait3A_68 = arith.constant 0 : i32
      %dma_wait3A_69 = arith.constant 0 : i32
      %dma_wait3A_70 = tpu.memref_slice %arg3[%dma_wait3A_68, %dma_wait3A_69] : memref<1000000x128xf32, #tpu.memory_space<hbm>> -> memref<1000000x128xf32, #tpu.memory_space<hbm>>
      tpu.wait_indirect_dma semaphore(%arg9 : memref<!tpu.dma_semaphore, #tpu.memory_space<semaphore_mem>>) src(%dma_wait3A_70 : memref<1000000x128xf32, #tpu.memory_space<hbm>>) dst(%dma_wait3A_65 : memref<128x128xf32, #tpu.memory_space<vmem>>)
      %add3A_71 = arith.constant 1 : i32
      %add3A_72 = arith.addi %add3A_60, %add3A_71 : i32
      %lt3A = arith.constant 200 : i32
      %lt3A_73 = arith.cmpi slt, %add3A_72, %lt3A : i32
      %convert_element_type3A = arith.extui %lt3A_73 : i1 to i32
      %cond3A = arith.constant 0 : i32
      %cond3A_74 = arith.cmpi ne, %convert_element_type3A, %cond3A : i32
      scf.if %cond3A_74 {
        %add3A_143 = arith.constant 1 : i32
        %add3A_144 = arith.addi %add3A_60, %add3A_143 : i32
        %mul3A_145 = arith.constant 128 : i32
        %mul3A_146 = arith.muli %add3A_144, %mul3A_145 : i32
        %dma_start3A_147 = arith.constant 1 : i32
        %dma_start3A_148 = arith.constant 0 : i32
        %dma_start3A_149 = arith.constant 0 : i32
        %dma_start3A_150 = tpu.memref_slice %arg7[%dma_start3A_147, %dma_start3A_148, %dma_start3A_149] : memref<2x128x128xf32, #tpu.memory_space<vmem>> -> memref<1x128x128xf32, #tpu.memory_space<vmem>>
        %dma_start3A_151 = tpu.memref_squeeze %dma_start3A_150 : memref<1x128x128xf32, #tpu.memory_space<vmem>> -> memref<128x128xf32, #tpu.memory_space<vmem>>
        %dma_start3A_152 = tpu.memref_slice %arg6[%mul3A_146] : memref<25600xi32, #tpu.memory_space<vmem>> -> memref<128xi32, #tpu.memory_space<vmem>>
        %dma_start3A_153 = arith.constant 0 : i32
        %dma_start3A_154 = arith.constant 0 : i32
        %dma_start3A_155 = tpu.memref_slice %arg3[%dma_start3A_153, %dma_start3A_154] : memref<1000000x128xf32, #tpu.memory_space<hbm>> -> memref<1000000x128xf32, #tpu.memory_space<hbm>>
        tpu.enqueue_indirect_dma source(%dma_start3A_155 : memref<1000000x128xf32, #tpu.memory_space<hbm>>) target(%dma_start3A_151 : memref<128x128xf32, #tpu.memory_space<vmem>>) offsets(%dma_start3A_152 : memref<128xi32, #tpu.memory_space<vmem>>) semaphore(%arg9 : memref<!tpu.dma_semaphore, #tpu.memory_space<semaphore_mem>>)
      } else {
      }
      %ge3A = arith.constant 2 : i32
      %ge3A_75 = arith.cmpi sge, %add3A_60, %ge3A : i32
      %convert_element_type3A_76 = arith.extui %ge3A_75 : i1 to i32
      %cond3A_77 = arith.constant 0 : i32
      %cond3A_78 = arith.cmpi ne, %convert_element_type3A_76, %cond3A_77 : i32
      scf.if %cond3A_78 {
        %dma_wait3A_143 = arith.constant 0 : i32
        %dma_wait3A_144 = arith.constant 0 : i32
        %dma_wait3A_145 = arith.constant 0 : i32
        %dma_wait3A_146 = arith.constant 0 : i32
        %dma_wait3A_147 = tpu.memref_slice %arg8[%dma_wait3A_143, %dma_wait3A_145, %dma_wait3A_146] : memref<2x64x128xf32, #tpu.memory_space<vmem>> -> memref<1x64x128xf32, #tpu.memory_space<vmem>>
        %dma_wait3A_148 = tpu.memref_squeeze %dma_wait3A_147 : memref<1x64x128xf32, #tpu.memory_space<vmem>> -> memref<64x128xf32, #tpu.memory_space<vmem>>
        %dma_wait3A_149 = arith.constant 0 : i32
        %dma_wait3A_150 = tpu.memref_slice %arg4[%dma_wait3A_144, %dma_wait3A_149, %mul3A_2] : memref<200x64x4096xf32, #tpu.memory_space<hbm>> -> memref<1x64x128xf32, #tpu.memory_space<hbm>>
        %dma_wait3A_151 = tpu.memref_squeeze %dma_wait3A_150 : memref<1x64x128xf32, #tpu.memory_space<hbm>> -> memref<64x128xf32, #tpu.memory_space<hbm>>
        %dma_wait3A_152 = arith.constant 0 : i32
        %dma_wait3A_153 = tpu.memref_slice %arg4[%dma_wait3A_144, %dma_wait3A_152, %mul3A_2] : memref<200x64x4096xf32, #tpu.memory_space<hbm>> -> memref<1x64x128xf32, #tpu.memory_space<hbm>>
        %dma_wait3A_154 = tpu.memref_squeeze %dma_wait3A_153 : memref<1x64x128xf32, #tpu.memory_space<hbm>> -> memref<64x128xf32, #tpu.memory_space<hbm>>
        %dma_wait3A_155 = arith.constant 0 : i32
        %dma_wait3A_156 = arith.constant 0 : i32
        %dma_wait3A_157 = tpu.memref_slice %arg8[%dma_wait3A_143, %dma_wait3A_155, %dma_wait3A_156] : memref<2x64x128xf32, #tpu.memory_space<vmem>> -> memref<1x64x128xf32, #tpu.memory_space<vmem>>
        %dma_wait3A_158 = tpu.memref_squeeze %dma_wait3A_157 : memref<1x64x128xf32, #tpu.memory_space<vmem>> -> memref<64x128xf32, #tpu.memory_space<vmem>>
        tpu.wait_dma2 semaphore(%arg10 : memref<!tpu.dma_semaphore, #tpu.memory_space<semaphore_mem>>) src(%dma_wait3A_158 : memref<64x128xf32, #tpu.memory_space<vmem>>) dst(%dma_wait3A_154 : memref<64x128xf32, #tpu.memory_space<hbm>>)
      } else {
      }
      %scan3A_79 = arith.constant 0 : i32
      %scan3A_80 = arith.constant 32 : i32
      %scan3A_81 = arith.addi %scan3A_79, %scan3A_80 : i32
      %scan3A_82 = arith.constant 4 : i32
      scf.for %scan3A_143 = %scan3A_79 to %scan3A_81 step %scan3A_82  : i32 {
        %mul3A_144 = arith.constant 1 : i32
        %mul3A_145 = arith.muli %scan3A_143, %mul3A_144 : i32
        %add3A_146 = arith.constant 0 : i32
        %add3A_147 = arith.addi %add3A_146, %mul3A_145 : i32
        %jit3A = arith.constant 8 : i32
        %div3A = arith.divsi %add3A_147, %jit3A : i32
        %sign3A = arith.constant 0 : i32
        %sign3A_148 = arith.cmpi sgt, %add3A_147, %sign3A : i32
        %sign3A_149 = arith.extui %sign3A_148 : i1 to i32
        %sign3A_150 = arith.constant 0 : i32
        %sign3A_151 = arith.cmpi slt, %add3A_147, %sign3A_150 : i32
        %sign3A_152 = arith.extui %sign3A_151 : i1 to i32
        %sign3A_153 = arith.subi %sign3A_149, %sign3A_152 : i32
        %sign3A_154 = arith.constant 0 : i32
        %sign3A_155 = arith.cmpi sgt, %jit3A, %sign3A_154 : i32
        %sign3A_156 = arith.extui %sign3A_155 : i1 to i32
        %sign3A_157 = arith.constant 0 : i32
        %sign3A_158 = arith.cmpi slt, %jit3A, %sign3A_157 : i32
        %sign3A_159 = arith.extui %sign3A_158 : i1 to i32
        %sign3A_160 = arith.subi %sign3A_156, %sign3A_159 : i32
        %ne3A = arith.cmpi ne, %sign3A_153, %sign3A_160 : i32
        %rem3A = arith.remsi %add3A_147, %jit3A : i32
        %ne3A_161 = arith.constant 0 : i32
        %ne3A_162 = arith.cmpi ne, %rem3A, %ne3A_161 : i32
        %and3A = arith.andi %ne3A, %ne3A_162 : i1
        %sub3A = arith.constant 1 : i32
        %sub3A_163 = arith.subi %div3A, %sub3A : i32
        %select_n3A = arith.select %and3A, %sub3A_163, %div3A : i32
        %mul3A_164 = arith.constant 16 : i32
        %mul3A_165 = arith.muli %select_n3A, %mul3A_164 : i32
        %jit3A_166 = arith.constant 8 : i32
        %eq3A = arith.constant 0 : i32
        %eq3A_167 = arith.cmpi eq, %jit3A_166, %eq3A : i32
        %jit3A_168 = arith.constant 1 : i32
        %select_n3A_169 = arith.select %eq3A_167, %jit3A_168, %jit3A_166 : i32
        %rem3A_170 = arith.remsi %add3A_147, %select_n3A_169 : i32
        %ne3A_171 = arith.constant 0 : i32
        %ne3A_172 = arith.cmpi ne, %rem3A_170, %ne3A_171 : i32
        %lt3A_173 = arith.constant 0 : i32
        %lt3A_174 = arith.cmpi slt, %rem3A_170, %lt3A_173 : i32
        %lt3A_175 = arith.constant 0 : i32
        %lt3A_176 = arith.cmpi slt, %select_n3A_169, %lt3A_175 : i32
        %ne3A_177 = arith.xori %lt3A_174, %lt3A_176 : i1
        %and3A_178 = arith.andi %ne3A_177, %ne3A_172 : i1
        %add3A_179 = arith.addi %rem3A_170, %select_n3A_169 : i32
        %select_n3A_180 = arith.select %and3A_178, %add3A_179, %rem3A_170 : i32
        %mul3A_181 = arith.constant 16 : i32
        %mul3A_182 = arith.muli %select_n3A_180, %mul3A_181 : i32
        %add3A_183 = vector.broadcast %mul3A_182 : i32 to vector<16xi32>
        %add3A_184 = arith.addi %add3A_183, %iota3A : vector<16xi32>
        %add3A_185 = arith.constant 0 : i32
        %add3A_186 = vector.broadcast %add3A_185 : i32 to vector<16xi32>
        %add3A_187 = arith.addi %iota3A, %add3A_186 : vector<16xi32>
        %and3A_188 = arith.constant 15 : i32
        %and3A_189 = vector.broadcast %and3A_188 : i32 to vector<16xi32>
        %and3A_190 = arith.andi %add3A_187, %and3A_189 : vector<16xi32>
        %add3A_191 = vector.broadcast %mul3A_165 : i32 to vector<16xi32>
        %add3A_192 = arith.addi %add3A_191, %and3A_190 : vector<16xi32>
        %gather3A = arith.constant 0 : i32
        %gather3A_193 = arith.constant 0 : i32
        %gather3A_194 = arith.constant 0 : i32
        %gather3A_195 = tpu.memref_slice %arg7[%gather3A, %gather3A_193, %gather3A_194] : memref<2x128x128xf32, #tpu.memory_space<vmem>> -> memref<1x128x128xf32, #tpu.memory_space<vmem>>
        %gather3A_196 = tpu.memref_squeeze %gather3A_195 : memref<1x128x128xf32, #tpu.memory_space<vmem>> -> memref<128x128xf32, #tpu.memory_space<vmem>>
        %gather3A_197 = tpu.vector_load_idx %gather3A_196[%add3A_184, %add3A_192] : memref<128x128xf32, #tpu.memory_space<vmem>>[vector<16xi32>, vector<16xi32>], vector<16xf32>,
        %scatter3A = arith.constant 0 : i32
        %scatter3A_198 = arith.constant 0 : i32
        %scatter3A_199 = arith.constant 0 : i32
        %scatter3A_200 = tpu.memref_slice %arg8[%scatter3A, %scatter3A_198, %scatter3A_199] : memref<2x64x128xf32, #tpu.memory_space<vmem>> -> memref<1x64x128xf32, #tpu.memory_space<vmem>>
        %scatter3A_201 = tpu.memref_squeeze %scatter3A_200 : memref<1x64x128xf32, #tpu.memory_space<vmem>> -> memref<64x128xf32, #tpu.memory_space<vmem>>
        tpu.vector_store_idx %scatter3A_201[%add3A_192, %add3A_184], %gather3A_197 : memref<64x128xf32, #tpu.memory_space<vmem>>[vector<16xi32>, vector<16xi32>], vector<16xf32>,
        %add3A_202 = arith.constant 1 : i32
        %add3A_203 = vector.broadcast %add3A_202 : i32 to vector<16xi32>
        %add3A_204 = arith.addi %iota3A, %add3A_203 : vector<16xi32>
        %and3A_205 = arith.constant 15 : i32
        %and3A_206 = vector.broadcast %and3A_205 : i32 to vector<16xi32>
        %and3A_207 = arith.andi %add3A_204, %and3A_206 : vector<16xi32>
        %add3A_208 = vector.broadcast %mul3A_165 : i32 to vector<16xi32>
        %add3A_209 = arith.addi %add3A_208, %and3A_207 : vector<16xi32>
        %gather3A_210 = arith.constant 0 : i32
        %gather3A_211 = arith.constant 0 : i32
        %gather3A_212 = arith.constant 0 : i32
        %gather3A_213 = tpu.memref_slice %arg7[%gather3A_210, %gather3A_211, %gather3A_212] : memref<2x128x128xf32, #tpu.memory_space<vmem>> -> memref<1x128x128xf32, #tpu.memory_space<vmem>>
        %gather3A_214 = tpu.memref_squeeze %gather3A_213 : memref<1x128x128xf32, #tpu.memory_space<vmem>> -> memref<128x128xf32, #tpu.memory_space<vmem>>
        %gather3A_215 = tpu.vector_load_idx %gather3A_214[%add3A_184, %add3A_209] : memref<128x128xf32, #tpu.memory_space<vmem>>[vector<16xi32>, vector<16xi32>], vector<16xf32>,
        %scatter3A_216 = arith.constant 0 : i32
        %scatter3A_217 = arith.constant 0 : i32
        %scatter3A_218 = arith.constant 0 : i32
        %scatter3A_219 = tpu.memref_slice %arg8[%scatter3A_216, %scatter3A_217, %scatter3A_218] : memref<2x64x128xf32, #tpu.memory_space<vmem>> -> memref<1x64x128xf32, #tpu.memory_space<vmem>>
        %scatter3A_220 = tpu.memref_squeeze %scatter3A_219 : memref<1x64x128xf32, #tpu.memory_space<vmem>> -> memref<64x128xf32, #tpu.memory_space<vmem>>
        tpu.vector_store_idx %scatter3A_220[%add3A_209, %add3A_184], %gather3A_215 : memref<64x128xf32, #tpu.memory_space<vmem>>[vector<16xi32>, vector<16xi32>], vector<16xf32>,
        %add3A_221 = arith.constant 2 : i32
        %add3A_222 = vector.broadcast %add3A_221 : i32 to vector<16xi32>
        %add3A_223 = arith.addi %iota3A, %add3A_222 : vector<16xi32>
        %and3A_224 = arith.constant 15 : i32
        %and3A_225 = vector.broadcast %and3A_224 : i32 to vector<16xi32>
        %and3A_226 = arith.andi %add3A_223, %and3A_225 : vector<16xi32>
        %add3A_227 = vector.broadcast %mul3A_165 : i32 to vector<16xi32>
        %add3A_228 = arith.addi %add3A_227, %and3A_226 : vector<16xi32>
        %gather3A_229 = arith.constant 0 : i32
        %gather3A_230 = arith.constant 0 : i32
        %gather3A_231 = arith.constant 0 : i32
        %gather3A_232 = tpu.memref_slice %arg7[%gather3A_229, %gather3A_230, %gather3A_231] : memref<2x128x128xf32, #tpu.memory_space<vmem>> -> memref<1x128x128xf32, #tpu.memory_space<vmem>>
        %gather3A_233 = tpu.memref_squeeze %gather3A_232 : memref<1x128x128xf32, #tpu.memory_space<vmem>> -> memref<128x128xf32, #tpu.memory_space<vmem>>
        %gather3A_234 = tpu.vector_load_idx %gather3A_233[%add3A_184, %add3A_228] : memref<128x128xf32, #tpu.memory_space<vmem>>[vector<16xi32>, vector<16xi32>], vector<16xf32>,
        %scatter3A_235 = arith.constant 0 : i32
        %scatter3A_236 = arith.constant 0 : i32
        %scatter3A_237 = arith.constant 0 : i32
        %scatter3A_238 = tpu.memref_slice %arg8[%scatter3A_235, %scatter3A_236, %scatter3A_237] : memref<2x64x128xf32, #tpu.memory_space<vmem>> -> memref<1x64x128xf32, #tpu.memory_space<vmem>>
        %scatter3A_239 = tpu.memref_squeeze %scatter3A_238 : memref<1x64x128xf32, #tpu.memory_space<vmem>> -> memref<64x128xf32, #tpu.memory_space<vmem>>
        tpu.vector_store_idx %scatter3A_239[%add3A_228, %add3A_184], %gather3A_234 : memref<64x128xf32, #tpu.memory_space<vmem>>[vector<16xi32>, vector<16xi32>], vector<16xf32>,
        %add3A_240 = arith.constant 3 : i32
        %add3A_241 = vector.broadcast %add3A_240 : i32 to vector<16xi32>
        %add3A_242 = arith.addi %iota3A, %add3A_241 : vector<16xi32>
        %and3A_243 = arith.constant 15 : i32
        %and3A_244 = vector.broadcast %and3A_243 : i32 to vector<16xi32>
        %and3A_245 = arith.andi %add3A_242, %and3A_244 : vector<16xi32>
        %add3A_246 = vector.broadcast %mul3A_165 : i32 to vector<16xi32>
        %add3A_247 = arith.addi %add3A_246, %and3A_245 : vector<16xi32>
        %gather3A_248 = arith.constant 0 : i32
        %gather3A_249 = arith.constant 0 : i32
        %gather3A_250 = arith.constant 0 : i32
        %gather3A_251 = tpu.memref_slice %arg7[%gather3A_248, %gather3A_249, %gather3A_250] : memref<2x128x128xf32, #tpu.memory_space<vmem>> -> memref<1x128x128xf32, #tpu.memory_space<vmem>>
        %gather3A_252 = tpu.memref_squeeze %gather3A_251 : memref<1x128x128xf32, #tpu.memory_space<vmem>> -> memref<128x128xf32, #tpu.memory_space<vmem>>
        %gather3A_253 = tpu.vector_load_idx %gather3A_252[%add3A_184, %add3A_247] : memref<128x128xf32, #tpu.memory_space<vmem>>[vector<16xi32>, vector<16xi32>], vector<16xf32>,
        %scatter3A_254 = arith.constant 0 : i32
        %scatter3A_255 = arith.constant 0 : i32
        %scatter3A_256 = arith.constant 0 : i32
        %scatter3A_257 = tpu.memref_slice %arg8[%scatter3A_254, %scatter3A_255, %scatter3A_256] : memref<2x64x128xf32, #tpu.memory_space<vmem>> -> memref<1x64x128xf32, #tpu.memory_space<vmem>>
        %scatter3A_258 = tpu.memref_squeeze %scatter3A_257 : memref<1x64x128xf32, #tpu.memory_space<vmem>> -> memref<64x128xf32, #tpu.memory_space<vmem>>
        tpu.vector_store_idx %scatter3A_258[%add3A_247, %add3A_184], %gather3A_253 : memref<64x128xf32, #tpu.memory_space<vmem>>[vector<16xi32>, vector<16xi32>], vector<16xf32>,
        %add3A_259 = arith.constant 4 : i32
        %add3A_260 = vector.broadcast %add3A_259 : i32 to vector<16xi32>
        %add3A_261 = arith.addi %iota3A, %add3A_260 : vector<16xi32>
        %and3A_262 = arith.constant 15 : i32
        %and3A_263 = vector.broadcast %and3A_262 : i32 to vector<16xi32>
        %and3A_264 = arith.andi %add3A_261, %and3A_263 : vector<16xi32>
        %add3A_265 = vector.broadcast %mul3A_165 : i32 to vector<16xi32>
        %add3A_266 = arith.addi %add3A_265, %and3A_264 : vector<16xi32>
        %gather3A_267 = arith.constant 0 : i32
        %gather3A_268 = arith.constant 0 : i32
        %gather3A_269 = arith.constant 0 : i32
        %gather3A_270 = tpu.memref_slice %arg7[%gather3A_267, %gather3A_268, %gather3A_269] : memref<2x128x128xf32, #tpu.memory_space<vmem>> -> memref<1x128x128xf32, #tpu.memory_space<vmem>>
        %gather3A_271 = tpu.memref_squeeze %gather3A_270 : memref<1x128x128xf32, #tpu.memory_space<vmem>> -> memref<128x128xf32, #tpu.memory_space<vmem>>
        %gather3A_272 = tpu.vector_load_idx %gather3A_271[%add3A_184, %add3A_266] : memref<128x128xf32, #tpu.memory_space<vmem>>[vector<16xi32>, vector<16xi32>], vector<16xf32>,
        %scatter3A_273 = arith.constant 0 : i32
        %scatter3A_274 = arith.constant 0 : i32
        %scatter3A_275 = arith.constant 0 : i32
        %scatter3A_276 = tpu.memref_slice %arg8[%scatter3A_273, %scatter3A_274, %scatter3A_275] : memref<2x64x128xf32, #tpu.memory_space<vmem>> -> memref<1x64x128xf32, #tpu.memory_space<vmem>>
        %scatter3A_277 = tpu.memref_squeeze %scatter3A_276 : memref<1x64x128xf32, #tpu.memory_space<vmem>> -> memref<64x128xf32, #tpu.memory_space<vmem>>
        tpu.vector_store_idx %scatter3A_277[%add3A_266, %add3A_184], %gather3A_272 : memref<64x128xf32, #tpu.memory_space<vmem>>[vector<16xi32>, vector<16xi32>], vector<16xf32>,
        %add3A_278 = arith.constant 5 : i32
        %add3A_279 = vector.broadcast %add3A_278 : i32 to vector<16xi32>
        %add3A_280 = arith.addi %iota3A, %add3A_279 : vector<16xi32>
        %and3A_281 = arith.constant 15 : i32
        %and3A_282 = vector.broadcast %and3A_281 : i32 to vector<16xi32>
        %and3A_283 = arith.andi %add3A_280, %and3A_282 : vector<16xi32>
        %add3A_284 = vector.broadcast %mul3A_165 : i32 to vector<16xi32>
        %add3A_285 = arith.addi %add3A_284, %and3A_283 : vector<16xi32>
        %gather3A_286 = arith.constant 0 : i32
        %gather3A_287 = arith.constant 0 : i32
        %gather3A_288 = arith.constant 0 : i32
        %gather3A_289 = tpu.memref_slice %arg7[%gather3A_286, %gather3A_287, %gather3A_288] : memref<2x128x128xf32, #tpu.memory_space<vmem>> -> memref<1x128x128xf32, #tpu.memory_space<vmem>>
        %gather3A_290 = tpu.memref_squeeze %gather3A_289 : memref<1x128x128xf32, #tpu.memory_space<vmem>> -> memref<128x128xf32, #tpu.memory_space<vmem>>
        %gather3A_291 = tpu.vector_load_idx %gather3A_290[%add3A_184, %add3A_285] : memref<128x128xf32, #tpu.memory_space<vmem>>[vector<16xi32>, vector<16xi32>], vector<16xf32>,
        %scatter3A_292 = arith.constant 0 : i32
        %scatter3A_293 = arith.constant 0 : i32
        %scatter3A_294 = arith.constant 0 : i32
        %scatter3A_295 = tpu.memref_slice %arg8[%scatter3A_292, %scatter3A_293, %scatter3A_294] : memref<2x64x128xf32, #tpu.memory_space<vmem>> -> memref<1x64x128xf32, #tpu.memory_space<vmem>>
        %scatter3A_296 = tpu.memref_squeeze %scatter3A_295 : memref<1x64x128xf32, #tpu.memory_space<vmem>> -> memref<64x128xf32, #tpu.memory_space<vmem>>
        tpu.vector_store_idx %scatter3A_296[%add3A_285, %add3A_184], %gather3A_291 : memref<64x128xf32, #tpu.memory_space<vmem>>[vector<16xi32>, vector<16xi32>], vector<16xf32>,
        %add3A_297 = arith.constant 6 : i32
        %add3A_298 = vector.broadcast %add3A_297 : i32 to vector<16xi32>
        %add3A_299 = arith.addi %iota3A, %add3A_298 : vector<16xi32>
        %and3A_300 = arith.constant 15 : i32
        %and3A_301 = vector.broadcast %and3A_300 : i32 to vector<16xi32>
        %and3A_302 = arith.andi %add3A_299, %and3A_301 : vector<16xi32>
        %add3A_303 = vector.broadcast %mul3A_165 : i32 to vector<16xi32>
        %add3A_304 = arith.addi %add3A_303, %and3A_302 : vector<16xi32>
        %gather3A_305 = arith.constant 0 : i32
        %gather3A_306 = arith.constant 0 : i32
        %gather3A_307 = arith.constant 0 : i32
        %gather3A_308 = tpu.memref_slice %arg7[%gather3A_305, %gather3A_306, %gather3A_307] : memref<2x128x128xf32, #tpu.memory_space<vmem>> -> memref<1x128x128xf32, #tpu.memory_space<vmem>>
        %gather3A_309 = tpu.memref_squeeze %gather3A_308 : memref<1x128x128xf32, #tpu.memory_space<vmem>> -> memref<128x128xf32, #tpu.memory_space<vmem>>
        %gather3A_310 = tpu.vector_load_idx %gather3A_309[%add3A_184, %add3A_304] : memref<128x128xf32, #tpu.memory_space<vmem>>[vector<16xi32>, vector<16xi32>], vector<16xf32>,
        %scatter3A_311 = arith.constant 0 : i32
        %scatter3A_312 = arith.constant 0 : i32
        %scatter3A_313 = arith.constant 0 : i32
        %scatter3A_314 = tpu.memref_slice %arg8[%scatter3A_311, %scatter3A_312, %scatter3A_313] : memref<2x64x128xf32, #tpu.memory_space<vmem>> -> memref<1x64x128xf32, #tpu.memory_space<vmem>>
        %scatter3A_315 = tpu.memref_squeeze %scatter3A_314 : memref<1x64x128xf32, #tpu.memory_space<vmem>> -> memref<64x128xf32, #tpu.memory_space<vmem>>
        tpu.vector_store_idx %scatter3A_315[%add3A_304, %add3A_184], %gather3A_310 : memref<64x128xf32, #tpu.memory_space<vmem>>[vector<16xi32>, vector<16xi32>], vector<16xf32>,
        %add3A_316 = arith.constant 7 : i32
        %add3A_317 = vector.broadcast %add3A_316 : i32 to vector<16xi32>
        %add3A_318 = arith.addi %iota3A, %add3A_317 : vector<16xi32>
        %and3A_319 = arith.constant 15 : i32
        %and3A_320 = vector.broadcast %and3A_319 : i32 to vector<16xi32>
        %and3A_321 = arith.andi %add3A_318, %and3A_320 : vector<16xi32>
        %add3A_322 = vector.broadcast %mul3A_165 : i32 to vector<16xi32>
        %add3A_323 = arith.addi %add3A_322, %and3A_321 : vector<16xi32>
        %gather3A_324 = arith.constant 0 : i32
        %gather3A_325 = arith.constant 0 : i32
        %gather3A_326 = arith.constant 0 : i32
        %gather3A_327 = tpu.memref_slice %arg7[%gather3A_324, %gather3A_325, %gather3A_326] : memref<2x128x128xf32, #tpu.memory_space<vmem>> -> memref<1x128x128xf32, #tpu.memory_space<vmem>>
        %gather3A_328 = tpu.memref_squeeze %gather3A_327 : memref<1x128x128xf32, #tpu.memory_space<vmem>> -> memref<128x128xf32, #tpu.memory_space<vmem>>
        %gather3A_329 = tpu.vector_load_idx %gather3A_328[%add3A_184, %add3A_323] : memref<128x128xf32, #tpu.memory_space<vmem>>[vector<16xi32>, vector<16xi32>], vector<16xf32>,
        %scatter3A_330 = arith.constant 0 : i32
        %scatter3A_331 = arith.constant 0 : i32
        %scatter3A_332 = arith.constant 0 : i32
        %scatter3A_333 = tpu.memref_slice %arg8[%scatter3A_330, %scatter3A_331, %scatter3A_332] : memref<2x64x128xf32, #tpu.memory_space<vmem>> -> memref<1x64x128xf32, #tpu.memory_space<vmem>>
        %scatter3A_334 = tpu.memref_squeeze %scatter3A_333 : memref<1x64x128xf32, #tpu.memory_space<vmem>> -> memref<64x128xf32, #tpu.memory_space<vmem>>
        tpu.vector_store_idx %scatter3A_334[%add3A_323, %add3A_184], %gather3A_329 : memref<64x128xf32, #tpu.memory_space<vmem>>[vector<16xi32>, vector<16xi32>], vector<16xf32>,
        %add3A_335 = arith.constant 8 : i32
        %add3A_336 = vector.broadcast %add3A_335 : i32 to vector<16xi32>
        %add3A_337 = arith.addi %iota3A, %add3A_336 : vector<16xi32>
        %and3A_338 = arith.constant 15 : i32
        %and3A_339 = vector.broadcast %and3A_338 : i32 to vector<16xi32>
        %and3A_340 = arith.andi %add3A_337, %and3A_339 : vector<16xi32>
        %add3A_341 = vector.broadcast %mul3A_165 : i32 to vector<16xi32>
        %add3A_342 = arith.addi %add3A_341, %and3A_340 : vector<16xi32>
        %gather3A_343 = arith.constant 0 : i32
        %gather3A_344 = arith.constant 0 : i32
        %gather3A_345 = arith.constant 0 : i32
        %gather3A_346 = tpu.memref_slice %arg7[%gather3A_343, %gather3A_344, %gather3A_345] : memref<2x128x128xf32, #tpu.memory_space<vmem>> -> memref<1x128x128xf32, #tpu.memory_space<vmem>>
        %gather3A_347 = tpu.memref_squeeze %gather3A_346 : memref<1x128x128xf32, #tpu.memory_space<vmem>> -> memref<128x128xf32, #tpu.memory_space<vmem>>
        %gather3A_348 = tpu.vector_load_idx %gather3A_347[%add3A_184, %add3A_342] : memref<128x128xf32, #tpu.memory_space<vmem>>[vector<16xi32>, vector<16xi32>], vector<16xf32>,
        %scatter3A_349 = arith.constant 0 : i32
        %scatter3A_350 = arith.constant 0 : i32
        %scatter3A_351 = arith.constant 0 : i32
        %scatter3A_352 = tpu.memref_slice %arg8[%scatter3A_349, %scatter3A_350, %scatter3A_351] : memref<2x64x128xf32, #tpu.memory_space<vmem>> -> memref<1x64x128xf32, #tpu.memory_space<vmem>>
        %scatter3A_353 = tpu.memref_squeeze %scatter3A_352 : memref<1x64x128xf32, #tpu.memory_space<vmem>> -> memref<64x128xf32, #tpu.memory_space<vmem>>
        tpu.vector_store_idx %scatter3A_353[%add3A_342, %add3A_184], %gather3A_348 : memref<64x128xf32, #tpu.memory_space<vmem>>[vector<16xi32>, vector<16xi32>], vector<16xf32>,
        %add3A_354 = arith.constant 9 : i32
        %add3A_355 = vector.broadcast %add3A_354 : i32 to vector<16xi32>
        %add3A_356 = arith.addi %iota3A, %add3A_355 : vector<16xi32>
        %and3A_357 = arith.constant 15 : i32
        %and3A_358 = vector.broadcast %and3A_357 : i32 to vector<16xi32>
        %and3A_359 = arith.andi %add3A_356, %and3A_358 : vector<16xi32>
        %add3A_360 = vector.broadcast %mul3A_165 : i32 to vector<16xi32>
        %add3A_361 = arith.addi %add3A_360, %and3A_359 : vector<16xi32>
        %gather3A_362 = arith.constant 0 : i32
        %gather3A_363 = arith.constant 0 : i32
        %gather3A_364 = arith.constant 0 : i32
        %gather3A_365 = tpu.memref_slice %arg7[%gather3A_362, %gather3A_363, %gather3A_364] : memref<2x128x128xf32, #tpu.memory_space<vmem>> -> memref<1x128x128xf32, #tpu.memory_space<vmem>>
        %gather3A_366 = tpu.memref_squeeze %gather3A_365 : memref<1x128x128xf32, #tpu.memory_space<vmem>> -> memref<128x128xf32, #tpu.memory_space<vmem>>
        %gather3A_367 = tpu.vector_load_idx %gather3A_366[%add3A_184, %add3A_361] : memref<128x128xf32, #tpu.memory_space<vmem>>[vector<16xi32>, vector<16xi32>], vector<16xf32>,
        %scatter3A_368 = arith.constant 0 : i32
        %scatter3A_369 = arith.constant 0 : i32
        %scatter3A_370 = arith.constant 0 : i32
        %scatter3A_371 = tpu.memref_slice %arg8[%scatter3A_368, %scatter3A_369, %scatter3A_370] : memref<2x64x128xf32, #tpu.memory_space<vmem>> -> memref<1x64x128xf32, #tpu.memory_space<vmem>>
        %scatter3A_372 = tpu.memref_squeeze %scatter3A_371 : memref<1x64x128xf32, #tpu.memory_space<vmem>> -> memref<64x128xf32, #tpu.memory_space<vmem>>
        tpu.vector_store_idx %scatter3A_372[%add3A_361, %add3A_184], %gather3A_367 : memref<64x128xf32, #tpu.memory_space<vmem>>[vector<16xi32>, vector<16xi32>], vector<16xf32>,
        %add3A_373 = arith.constant 10 : i32
        %add3A_374 = vector.broadcast %add3A_373 : i32 to vector<16xi32>
        %add3A_375 = arith.addi %iota3A, %add3A_374 : vector<16xi32>
        %and3A_376 = arith.constant 15 : i32
        %and3A_377 = vector.broadcast %and3A_376 : i32 to vector<16xi32>
        %and3A_378 = arith.andi %add3A_375, %and3A_377 : vector<16xi32>
        %add3A_379 = vector.broadcast %mul3A_165 : i32 to vector<16xi32>
        %add3A_380 = arith.addi %add3A_379, %and3A_378 : vector<16xi32>
        %gather3A_381 = arith.constant 0 : i32
        %gather3A_382 = arith.constant 0 : i32
        %gather3A_383 = arith.constant 0 : i32
        %gather3A_384 = tpu.memref_slice %arg7[%gather3A_381, %gather3A_382, %gather3A_383] : memref<2x128x128xf32, #tpu.memory_space<vmem>> -> memref<1x128x128xf32, #tpu.memory_space<vmem>>
        %gather3A_385 = tpu.memref_squeeze %gather3A_384 : memref<1x128x128xf32, #tpu.memory_space<vmem>> -> memref<128x128xf32, #tpu.memory_space<vmem>>
        %gather3A_386 = tpu.vector_load_idx %gather3A_385[%add3A_184, %add3A_380] : memref<128x128xf32, #tpu.memory_space<vmem>>[vector<16xi32>, vector<16xi32>], vector<16xf32>,
        %scatter3A_387 = arith.constant 0 : i32
        %scatter3A_388 = arith.constant 0 : i32
        %scatter3A_389 = arith.constant 0 : i32
        %scatter3A_390 = tpu.memref_slice %arg8[%scatter3A_387, %scatter3A_388, %scatter3A_389] : memref<2x64x128xf32, #tpu.memory_space<vmem>> -> memref<1x64x128xf32, #tpu.memory_space<vmem>>
        %scatter3A_391 = tpu.memref_squeeze %scatter3A_390 : memref<1x64x128xf32, #tpu.memory_space<vmem>> -> memref<64x128xf32, #tpu.memory_space<vmem>>
        tpu.vector_store_idx %scatter3A_391[%add3A_380, %add3A_184], %gather3A_386 : memref<64x128xf32, #tpu.memory_space<vmem>>[vector<16xi32>, vector<16xi32>], vector<16xf32>,
        %add3A_392 = arith.constant 11 : i32
        %add3A_393 = vector.broadcast %add3A_392 : i32 to vector<16xi32>
        %add3A_394 = arith.addi %iota3A, %add3A_393 : vector<16xi32>
        %and3A_395 = arith.constant 15 : i32
        %and3A_396 = vector.broadcast %and3A_395 : i32 to vector<16xi32>
        %and3A_397 = arith.andi %add3A_394, %and3A_396 : vector<16xi32>
        %add3A_398 = vector.broadcast %mul3A_165 : i32 to vector<16xi32>
        %add3A_399 = arith.addi %add3A_398, %and3A_397 : vector<16xi32>
        %gather3A_400 = arith.constant 0 : i32
        %gather3A_401 = arith.constant 0 : i32
        %gather3A_402 = arith.constant 0 : i32
        %gather3A_403 = tpu.memref_slice %arg7[%gather3A_400, %gather3A_401, %gather3A_402] : memref<2x128x128xf32, #tpu.memory_space<vmem>> -> memref<1x128x128xf32, #tpu.memory_space<vmem>>
        %gather3A_404 = tpu.memref_squeeze %gather3A_403 : memref<1x128x128xf32, #tpu.memory_space<vmem>> -> memref<128x128xf32, #tpu.memory_space<vmem>>
        %gather3A_405 = tpu.vector_load_idx %gather3A_404[%add3A_184, %add3A_399] : memref<128x128xf32, #tpu.memory_space<vmem>>[vector<16xi32>, vector<16xi32>], vector<16xf32>,
        %scatter3A_406 = arith.constant 0 : i32
        %scatter3A_407 = arith.constant 0 : i32
        %scatter3A_408 = arith.constant 0 : i32
        %scatter3A_409 = tpu.memref_slice %arg8[%scatter3A_406, %scatter3A_407, %scatter3A_408] : memref<2x64x128xf32, #tpu.memory_space<vmem>> -> memref<1x64x128xf32, #tpu.memory_space<vmem>>
        %scatter3A_410 = tpu.memref_squeeze %scatter3A_409 : memref<1x64x128xf32, #tpu.memory_space<vmem>> -> memref<64x128xf32, #tpu.memory_space<vmem>>
        tpu.vector_store_idx %scatter3A_410[%add3A_399, %add3A_184], %gather3A_405 : memref<64x128xf32, #tpu.memory_space<vmem>>[vector<16xi32>, vector<16xi32>], vector<16xf32>,
        %add3A_411 = arith.constant 12 : i32
        %add3A_412 = vector.broadcast %add3A_411 : i32 to vector<16xi32>
        %add3A_413 = arith.addi %iota3A, %add3A_412 : vector<16xi32>
        %and3A_414 = arith.constant 15 : i32
        %and3A_415 = vector.broadcast %and3A_414 : i32 to vector<16xi32>
        %and3A_416 = arith.andi %add3A_413, %and3A_415 : vector<16xi32>
        %add3A_417 = vector.broadcast %mul3A_165 : i32 to vector<16xi32>
        %add3A_418 = arith.addi %add3A_417, %and3A_416 : vector<16xi32>
        %gather3A_419 = arith.constant 0 : i32
        %gather3A_420 = arith.constant 0 : i32
        %gather3A_421 = arith.constant 0 : i32
        %gather3A_422 = tpu.memref_slice %arg7[%gather3A_419, %gather3A_420, %gather3A_421] : memref<2x128x128xf32, #tpu.memory_space<vmem>> -> memref<1x128x128xf32, #tpu.memory_space<vmem>>
        %gather3A_423 = tpu.memref_squeeze %gather3A_422 : memref<1x128x128xf32, #tpu.memory_space<vmem>> -> memref<128x128xf32, #tpu.memory_space<vmem>>
        %gather3A_424 = tpu.vector_load_idx %gather3A_423[%add3A_184, %add3A_418] : memref<128x128xf32, #tpu.memory_space<vmem>>[vector<16xi32>, vector<16xi32>], vector<16xf32>,
        %scatter3A_425 = arith.constant 0 : i32
        %scatter3A_426 = arith.constant 0 : i32
        %scatter3A_427 = arith.constant 0 : i32
        %scatter3A_428 = tpu.memref_slice %arg8[%scatter3A_425, %scatter3A_426, %scatter3A_427] : memref<2x64x128xf32, #tpu.memory_space<vmem>> -> memref<1x64x128xf32, #tpu.memory_space<vmem>>
        %scatter3A_429 = tpu.memref_squeeze %scatter3A_428 : memref<1x64x128xf32, #tpu.memory_space<vmem>> -> memref<64x128xf32, #tpu.memory_space<vmem>>
        tpu.vector_store_idx %scatter3A_429[%add3A_418, %add3A_184], %gather3A_424 : memref<64x128xf32, #tpu.memory_space<vmem>>[vector<16xi32>, vector<16xi32>], vector<16xf32>,
        %add3A_430 = arith.constant 13 : i32
        %add3A_431 = vector.broadcast %add3A_430 : i32 to vector<16xi32>
        %add3A_432 = arith.addi %iota3A, %add3A_431 : vector<16xi32>
        %and3A_433 = arith.constant 15 : i32
        %and3A_434 = vector.broadcast %and3A_433 : i32 to vector<16xi32>
        %and3A_435 = arith.andi %add3A_432, %and3A_434 : vector<16xi32>
        %add3A_436 = vector.broadcast %mul3A_165 : i32 to vector<16xi32>
        %add3A_437 = arith.addi %add3A_436, %and3A_435 : vector<16xi32>
        %gather3A_438 = arith.constant 0 : i32
        %gather3A_439 = arith.constant 0 : i32
        %gather3A_440 = arith.constant 0 : i32
        %gather3A_441 = tpu.memref_slice %arg7[%gather3A_438, %gather3A_439, %gather3A_440] : memref<2x128x128xf32, #tpu.memory_space<vmem>> -> memref<1x128x128xf32, #tpu.memory_space<vmem>>
        %gather3A_442 = tpu.memref_squeeze %gather3A_441 : memref<1x128x128xf32, #tpu.memory_space<vmem>> -> memref<128x128xf32, #tpu.memory_space<vmem>>
        %gather3A_443 = tpu.vector_load_idx %gather3A_442[%add3A_184, %add3A_437] : memref<128x128xf32, #tpu.memory_space<vmem>>[vector<16xi32>, vector<16xi32>], vector<16xf32>,
        %scatter3A_444 = arith.constant 0 : i32
        %scatter3A_445 = arith.constant 0 : i32
        %scatter3A_446 = arith.constant 0 : i32
        %scatter3A_447 = tpu.memref_slice %arg8[%scatter3A_444, %scatter3A_445, %scatter3A_446] : memref<2x64x128xf32, #tpu.memory_space<vmem>> -> memref<1x64x128xf32, #tpu.memory_space<vmem>>
        %scatter3A_448 = tpu.memref_squeeze %scatter3A_447 : memref<1x64x128xf32, #tpu.memory_space<vmem>> -> memref<64x128xf32, #tpu.memory_space<vmem>>
        tpu.vector_store_idx %scatter3A_448[%add3A_437, %add3A_184], %gather3A_443 : memref<64x128xf32, #tpu.memory_space<vmem>>[vector<16xi32>, vector<16xi32>], vector<16xf32>,
        %add3A_449 = arith.constant 14 : i32
        %add3A_450 = vector.broadcast %add3A_449 : i32 to vector<16xi32>
        %add3A_451 = arith.addi %iota3A, %add3A_450 : vector<16xi32>
        %and3A_452 = arith.constant 15 : i32
        %and3A_453 = vector.broadcast %and3A_452 : i32 to vector<16xi32>
        %and3A_454 = arith.andi %add3A_451, %and3A_453 : vector<16xi32>
        %add3A_455 = vector.broadcast %mul3A_165 : i32 to vector<16xi32>
        %add3A_456 = arith.addi %add3A_455, %and3A_454 : vector<16xi32>
        %gather3A_457 = arith.constant 0 : i32
        %gather3A_458 = arith.constant 0 : i32
        %gather3A_459 = arith.constant 0 : i32
        %gather3A_460 = tpu.memref_slice %arg7[%gather3A_457, %gather3A_458, %gather3A_459] : memref<2x128x128xf32, #tpu.memory_space<vmem>> -> memref<1x128x128xf32, #tpu.memory_space<vmem>>
        %gather3A_461 = tpu.memref_squeeze %gather3A_460 : memref<1x128x128xf32, #tpu.memory_space<vmem>> -> memref<128x128xf32, #tpu.memory_space<vmem>>
        %gather3A_462 = tpu.vector_load_idx %gather3A_461[%add3A_184, %add3A_456] : memref<128x128xf32, #tpu.memory_space<vmem>>[vector<16xi32>, vector<16xi32>], vector<16xf32>,
        %scatter3A_463 = arith.constant 0 : i32
        %scatter3A_464 = arith.constant 0 : i32
        %scatter3A_465 = arith.constant 0 : i32
        %scatter3A_466 = tpu.memref_slice %arg8[%scatter3A_463, %scatter3A_464, %scatter3A_465] : memref<2x64x128xf32, #tpu.memory_space<vmem>> -> memref<1x64x128xf32, #tpu.memory_space<vmem>>
        %scatter3A_467 = tpu.memref_squeeze %scatter3A_466 : memref<1x64x128xf32, #tpu.memory_space<vmem>> -> memref<64x128xf32, #tpu.memory_space<vmem>>
        tpu.vector_store_idx %scatter3A_467[%add3A_456, %add3A_184], %gather3A_462 : memref<64x128xf32, #tpu.memory_space<vmem>>[vector<16xi32>, vector<16xi32>], vector<16xf32>,
        %add3A_468 = arith.constant 15 : i32
        %add3A_469 = vector.broadcast %add3A_468 : i32 to vector<16xi32>
        %add3A_470 = arith.addi %iota3A, %add3A_469 : vector<16xi32>
        %and3A_471 = arith.constant 15 : i32
        %and3A_472 = vector.broadcast %and3A_471 : i32 to vector<16xi32>
        %and3A_473 = arith.andi %add3A_470, %and3A_472 : vector<16xi32>
        %add3A_474 = vector.broadcast %mul3A_165 : i32 to vector<16xi32>
        %add3A_475 = arith.addi %add3A_474, %and3A_473 : vector<16xi32>
        %gather3A_476 = arith.constant 0 : i32
        %gather3A_477 = arith.constant 0 : i32
        %gather3A_478 = arith.constant 0 : i32
        %gather3A_479 = tpu.memref_slice %arg7[%gather3A_476, %gather3A_477, %gather3A_478] : memref<2x128x128xf32, #tpu.memory_space<vmem>> -> memref<1x128x128xf32, #tpu.memory_space<vmem>>
        %gather3A_480 = tpu.memref_squeeze %gather3A_479 : memref<1x128x128xf32, #tpu.memory_space<vmem>> -> memref<128x128xf32, #tpu.memory_space<vmem>>
        %gather3A_481 = tpu.vector_load_idx %gather3A_480[%add3A_184, %add3A_475] : memref<128x128xf32, #tpu.memory_space<vmem>>[vector<16xi32>, vector<16xi32>], vector<16xf32>,
        %scatter3A_482 = arith.constant 0 : i32
        %scatter3A_483 = arith.constant 0 : i32
        %scatter3A_484 = arith.constant 0 : i32
        %scatter3A_485 = tpu.memref_slice %arg8[%scatter3A_482, %scatter3A_483, %scatter3A_484] : memref<2x64x128xf32, #tpu.memory_space<vmem>> -> memref<1x64x128xf32, #tpu.memory_space<vmem>>
        %scatter3A_486 = tpu.memref_squeeze %scatter3A_485 : memref<1x64x128xf32, #tpu.memory_space<vmem>> -> memref<64x128xf32, #tpu.memory_space<vmem>>
        tpu.vector_store_idx %scatter3A_486[%add3A_475, %add3A_184], %gather3A_481 : memref<64x128xf32, #tpu.memory_space<vmem>>[vector<16xi32>, vector<16xi32>], vector<16xf32>,
        %scan3A_487 = arith.constant 1 : i32
        %scan3A_488 = arith.addi %scan3A_143, %scan3A_487 : i32
        %mul3A_489 = arith.constant 1 : i32
        %mul3A_490 = arith.muli %scan3A_488, %mul3A_489 : i32
        %add3A_491 = arith.constant 0 : i32
        %add3A_492 = arith.addi %add3A_491, %mul3A_490 : i32
        %jit3A_493 = arith.constant 8 : i32
        %div3A_494 = arith.divsi %add3A_492, %jit3A_493 : i32
        %sign3A_495 = arith.constant 0 : i32
        %sign3A_496 = arith.cmpi sgt, %add3A_492, %sign3A_495 : i32
        %sign3A_497 = arith.extui %sign3A_496 : i1 to i32
        %sign3A_498 = arith.constant 0 : i32
        %sign3A_499 = arith.cmpi slt, %add3A_492, %sign3A_498 : i32
        %sign3A_500 = arith.extui %sign3A_499 : i1 to i32
        %sign3A_501 = arith.subi %sign3A_497, %sign3A_500 : i32
        %sign3A_502 = arith.constant 0 : i32
        %sign3A_503 = arith.cmpi sgt, %jit3A_493, %sign3A_502 : i32
        %sign3A_504 = arith.extui %sign3A_503 : i1 to i32
        %sign3A_505 = arith.constant 0 : i32
        %sign3A_506 = arith.cmpi slt, %jit3A_493, %sign3A_505 : i32
        %sign3A_507 = arith.extui %sign3A_506 : i1 to i32
        %sign3A_508 = arith.subi %sign3A_504, %sign3A_507 : i32
        %ne3A_509 = arith.cmpi ne, %sign3A_501, %sign3A_508 : i32
        %rem3A_510 = arith.remsi %add3A_492, %jit3A_493 : i32
        %ne3A_511 = arith.constant 0 : i32
        %ne3A_512 = arith.cmpi ne, %rem3A_510, %ne3A_511 : i32
        %and3A_513 = arith.andi %ne3A_509, %ne3A_512 : i1
        %sub3A_514 = arith.constant 1 : i32
        %sub3A_515 = arith.subi %div3A_494, %sub3A_514 : i32
        %select_n3A_516 = arith.select %and3A_513, %sub3A_515, %div3A_494 : i32
        %mul3A_517 = arith.constant 16 : i32
        %mul3A_518 = arith.muli %select_n3A_516, %mul3A_517 : i32
        %jit3A_519 = arith.constant 8 : i32
        %eq3A_520 = arith.constant 0 : i32
        %eq3A_521 = arith.cmpi eq, %jit3A_519, %eq3A_520 : i32
        %jit3A_522 = arith.constant 1 : i32
        %select_n3A_523 = arith.select %eq3A_521, %jit3A_522, %jit3A_519 : i32
        %rem3A_524 = arith.remsi %add3A_492, %select_n3A_523 : i32
        %ne3A_525 = arith.constant 0 : i32
        %ne3A_526 = arith.cmpi ne, %rem3A_524, %ne3A_525 : i32
        %lt3A_527 = arith.constant 0 : i32
        %lt3A_528 = arith.cmpi slt, %rem3A_524, %lt3A_527 : i32
        %lt3A_529 = arith.constant 0 : i32
        %lt3A_530 = arith.cmpi slt, %select_n3A_523, %lt3A_529 : i32
        %ne3A_531 = arith.xori %lt3A_528, %lt3A_530 : i1
        %and3A_532 = arith.andi %ne3A_531, %ne3A_526 : i1
        %add3A_533 = arith.addi %rem3A_524, %select_n3A_523 : i32
        %select_n3A_534 = arith.select %and3A_532, %add3A_533, %rem3A_524 : i32
        %mul3A_535 = arith.constant 16 : i32
        %mul3A_536 = arith.muli %select_n3A_534, %mul3A_535 : i32
        %add3A_537 = vector.broadcast %mul3A_536 : i32 to vector<16xi32>
        %add3A_538 = arith.addi %add3A_537, %iota3A : vector<16xi32>
        %add3A_539 = arith.constant 0 : i32
        %add3A_540 = vector.broadcast %add3A_539 : i32 to vector<16xi32>
        %add3A_541 = arith.addi %iota3A, %add3A_540 : vector<16xi32>
        %and3A_542 = arith.constant 15 : i32
        %and3A_543 = vector.broadcast %and3A_542 : i32 to vector<16xi32>
        %and3A_544 = arith.andi %add3A_541, %and3A_543 : vector<16xi32>
        %add3A_545 = vector.broadcast %mul3A_518 : i32 to vector<16xi32>
        %add3A_546 = arith.addi %add3A_545, %and3A_544 : vector<16xi32>
        %gather3A_547 = arith.constant 0 : i32
        %gather3A_548 = arith.constant 0 : i32
        %gather3A_549 = arith.constant 0 : i32
        %gather3A_550 = tpu.memref_slice %arg7[%gather3A_547, %gather3A_548, %gather3A_549] : memref<2x128x128xf32, #tpu.memory_space<vmem>> -> memref<1x128x128xf32, #tpu.memory_space<vmem>>
        %gather3A_551 = tpu.memref_squeeze %gather3A_550 : memref<1x128x128xf32, #tpu.memory_space<vmem>> -> memref<128x128xf32, #tpu.memory_space<vmem>>
        %gather3A_552 = tpu.vector_load_idx %gather3A_551[%add3A_538, %add3A_546] : memref<128x128xf32, #tpu.memory_space<vmem>>[vector<16xi32>, vector<16xi32>], vector<16xf32>,
        %scatter3A_553 = arith.constant 0 : i32
        %scatter3A_554 = arith.constant 0 : i32
        %scatter3A_555 = arith.constant 0 : i32
        %scatter3A_556 = tpu.memref_slice %arg8[%scatter3A_553, %scatter3A_554, %scatter3A_555] : memref<2x64x128xf32, #tpu.memory_space<vmem>> -> memref<1x64x128xf32, #tpu.memory_space<vmem>>
        %scatter3A_557 = tpu.memref_squeeze %scatter3A_556 : memref<1x64x128xf32, #tpu.memory_space<vmem>> -> memref<64x128xf32, #tpu.memory_space<vmem>>
        tpu.vector_store_idx %scatter3A_557[%add3A_546, %add3A_538], %gather3A_552 : memref<64x128xf32, #tpu.memory_space<vmem>>[vector<16xi32>, vector<16xi32>], vector<16xf32>,
        %add3A_558 = arith.constant 1 : i32
        %add3A_559 = vector.broadcast %add3A_558 : i32 to vector<16xi32>
        %add3A_560 = arith.addi %iota3A, %add3A_559 : vector<16xi32>
        %and3A_561 = arith.constant 15 : i32
        %and3A_562 = vector.broadcast %and3A_561 : i32 to vector<16xi32>
        %and3A_563 = arith.andi %add3A_560, %and3A_562 : vector<16xi32>
        %add3A_564 = vector.broadcast %mul3A_518 : i32 to vector<16xi32>
        %add3A_565 = arith.addi %add3A_564, %and3A_563 : vector<16xi32>
        %gather3A_566 = arith.constant 0 : i32
        %gather3A_567 = arith.constant 0 : i32
        %gather3A_568 = arith.constant 0 : i32
        %gather3A_569 = tpu.memref_slice %arg7[%gather3A_566, %gather3A_567, %gather3A_568] : memref<2x128x128xf32, #tpu.memory_space<vmem>> -> memref<1x128x128xf32, #tpu.memory_space<vmem>>
        %gather3A_570 = tpu.memref_squeeze %gather3A_569 : memref<1x128x128xf32, #tpu.memory_space<vmem>> -> memref<128x128xf32, #tpu.memory_space<vmem>>
        %gather3A_571 = tpu.vector_load_idx %gather3A_570[%add3A_538, %add3A_565] : memref<128x128xf32, #tpu.memory_space<vmem>>[vector<16xi32>, vector<16xi32>], vector<16xf32>,
        %scatter3A_572 = arith.constant 0 : i32
        %scatter3A_573 = arith.constant 0 : i32
        %scatter3A_574 = arith.constant 0 : i32
        %scatter3A_575 = tpu.memref_slice %arg8[%scatter3A_572, %scatter3A_573, %scatter3A_574] : memref<2x64x128xf32, #tpu.memory_space<vmem>> -> memref<1x64x128xf32, #tpu.memory_space<vmem>>
        %scatter3A_576 = tpu.memref_squeeze %scatter3A_575 : memref<1x64x128xf32, #tpu.memory_space<vmem>> -> memref<64x128xf32, #tpu.memory_space<vmem>>
        tpu.vector_store_idx %scatter3A_576[%add3A_565, %add3A_538], %gather3A_571 : memref<64x128xf32, #tpu.memory_space<vmem>>[vector<16xi32>, vector<16xi32>], vector<16xf32>,
        %add3A_577 = arith.constant 2 : i32
        %add3A_578 = vector.broadcast %add3A_577 : i32 to vector<16xi32>
        %add3A_579 = arith.addi %iota3A, %add3A_578 : vector<16xi32>
        %and3A_580 = arith.constant 15 : i32
        %and3A_581 = vector.broadcast %and3A_580 : i32 to vector<16xi32>
        %and3A_582 = arith.andi %add3A_579, %and3A_581 : vector<16xi32>
        %add3A_583 = vector.broadcast %mul3A_518 : i32 to vector<16xi32>
        %add3A_584 = arith.addi %add3A_583, %and3A_582 : vector<16xi32>
        %gather3A_585 = arith.constant 0 : i32
        %gather3A_586 = arith.constant 0 : i32
        %gather3A_587 = arith.constant 0 : i32
        %gather3A_588 = tpu.memref_slice %arg7[%gather3A_585, %gather3A_586, %gather3A_587] : memref<2x128x128xf32, #tpu.memory_space<vmem>> -> memref<1x128x128xf32, #tpu.memory_space<vmem>>
        %gather3A_589 = tpu.memref_squeeze %gather3A_588 : memref<1x128x128xf32, #tpu.memory_space<vmem>> -> memref<128x128xf32, #tpu.memory_space<vmem>>
        %gather3A_590 = tpu.vector_load_idx %gather3A_589[%add3A_538, %add3A_584] : memref<128x128xf32, #tpu.memory_space<vmem>>[vector<16xi32>, vector<16xi32>], vector<16xf32>,
        %scatter3A_591 = arith.constant 0 : i32
        %scatter3A_592 = arith.constant 0 : i32
        %scatter3A_593 = arith.constant 0 : i32
        %scatter3A_594 = tpu.memref_slice %arg8[%scatter3A_591, %scatter3A_592, %scatter3A_593] : memref<2x64x128xf32, #tpu.memory_space<vmem>> -> memref<1x64x128xf32, #tpu.memory_space<vmem>>
        %scatter3A_595 = tpu.memref_squeeze %scatter3A_594 : memref<1x64x128xf32, #tpu.memory_space<vmem>> -> memref<64x128xf32, #tpu.memory_space<vmem>>
        tpu.vector_store_idx %scatter3A_595[%add3A_584, %add3A_538], %gather3A_590 : memref<64x128xf32, #tpu.memory_space<vmem>>[vector<16xi32>, vector<16xi32>], vector<16xf32>,
        %add3A_596 = arith.constant 3 : i32
        %add3A_597 = vector.broadcast %add3A_596 : i32 to vector<16xi32>
        %add3A_598 = arith.addi %iota3A, %add3A_597 : vector<16xi32>
        %and3A_599 = arith.constant 15 : i32
        %and3A_600 = vector.broadcast %and3A_599 : i32 to vector<16xi32>
        %and3A_601 = arith.andi %add3A_598, %and3A_600 : vector<16xi32>
        %add3A_602 = vector.broadcast %mul3A_518 : i32 to vector<16xi32>
        %add3A_603 = arith.addi %add3A_602, %and3A_601 : vector<16xi32>
        %gather3A_604 = arith.constant 0 : i32
        %gather3A_605 = arith.constant 0 : i32
        %gather3A_606 = arith.constant 0 : i32
        %gather3A_607 = tpu.memref_slice %arg7[%gather3A_604, %gather3A_605, %gather3A_606] : memref<2x128x128xf32, #tpu.memory_space<vmem>> -> memref<1x128x128xf32, #tpu.memory_space<vmem>>
        %gather3A_608 = tpu.memref_squeeze %gather3A_607 : memref<1x128x128xf32, #tpu.memory_space<vmem>> -> memref<128x128xf32, #tpu.memory_space<vmem>>
        %gather3A_609 = tpu.vector_load_idx %gather3A_608[%add3A_538, %add3A_603] : memref<128x128xf32, #tpu.memory_space<vmem>>[vector<16xi32>, vector<16xi32>], vector<16xf32>,
        %scatter3A_610 = arith.constant 0 : i32
        %scatter3A_611 = arith.constant 0 : i32
        %scatter3A_612 = arith.constant 0 : i32
        %scatter3A_613 = tpu.memref_slice %arg8[%scatter3A_610, %scatter3A_611, %scatter3A_612] : memref<2x64x128xf32, #tpu.memory_space<vmem>> -> memref<1x64x128xf32, #tpu.memory_space<vmem>>
        %scatter3A_614 = tpu.memref_squeeze %scatter3A_613 : memref<1x64x128xf32, #tpu.memory_space<vmem>> -> memref<64x128xf32, #tpu.memory_space<vmem>>
        tpu.vector_store_idx %scatter3A_614[%add3A_603, %add3A_538], %gather3A_609 : memref<64x128xf32, #tpu.memory_space<vmem>>[vector<16xi32>, vector<16xi32>], vector<16xf32>,
        %add3A_615 = arith.constant 4 : i32
        %add3A_616 = vector.broadcast %add3A_615 : i32 to vector<16xi32>
        %add3A_617 = arith.addi %iota3A, %add3A_616 : vector<16xi32>
        %and3A_618 = arith.constant 15 : i32
        %and3A_619 = vector.broadcast %and3A_618 : i32 to vector<16xi32>
        %and3A_620 = arith.andi %add3A_617, %and3A_619 : vector<16xi32>
        %add3A_621 = vector.broadcast %mul3A_518 : i32 to vector<16xi32>
        %add3A_622 = arith.addi %add3A_621, %and3A_620 : vector<16xi32>
        %gather3A_623 = arith.constant 0 : i32
        %gather3A_624 = arith.constant 0 : i32
        %gather3A_625 = arith.constant 0 : i32
        %gather3A_626 = tpu.memref_slice %arg7[%gather3A_623, %gather3A_624, %gather3A_625] : memref<2x128x128xf32, #tpu.memory_space<vmem>> -> memref<1x128x128xf32, #tpu.memory_space<vmem>>
        %gather3A_627 = tpu.memref_squeeze %gather3A_626 : memref<1x128x128xf32, #tpu.memory_space<vmem>> -> memref<128x128xf32, #tpu.memory_space<vmem>>
        %gather3A_628 = tpu.vector_load_idx %gather3A_627[%add3A_538, %add3A_622] : memref<128x128xf32, #tpu.memory_space<vmem>>[vector<16xi32>, vector<16xi32>], vector<16xf32>,
        %scatter3A_629 = arith.constant 0 : i32
        %scatter3A_630 = arith.constant 0 : i32
        %scatter3A_631 = arith.constant 0 : i32
        %scatter3A_632 = tpu.memref_slice %arg8[%scatter3A_629, %scatter3A_630, %scatter3A_631] : memref<2x64x128xf32, #tpu.memory_space<vmem>> -> memref<1x64x128xf32, #tpu.memory_space<vmem>>
        %scatter3A_633 = tpu.memref_squeeze %scatter3A_632 : memref<1x64x128xf32, #tpu.memory_space<vmem>> -> memref<64x128xf32, #tpu.memory_space<vmem>>
        tpu.vector_store_idx %scatter3A_633[%add3A_622, %add3A_538], %gather3A_628 : memref<64x128xf32, #tpu.memory_space<vmem>>[vector<16xi32>, vector<16xi32>], vector<16xf32>,
        %add3A_634 = arith.constant 5 : i32
        %add3A_635 = vector.broadcast %add3A_634 : i32 to vector<16xi32>
        %add3A_636 = arith.addi %iota3A, %add3A_635 : vector<16xi32>
        %and3A_637 = arith.constant 15 : i32
        %and3A_638 = vector.broadcast %and3A_637 : i32 to vector<16xi32>
        %and3A_639 = arith.andi %add3A_636, %and3A_638 : vector<16xi32>
        %add3A_640 = vector.broadcast %mul3A_518 : i32 to vector<16xi32>
        %add3A_641 = arith.addi %add3A_640, %and3A_639 : vector<16xi32>
        %gather3A_642 = arith.constant 0 : i32
        %gather3A_643 = arith.constant 0 : i32
        %gather3A_644 = arith.constant 0 : i32
        %gather3A_645 = tpu.memref_slice %arg7[%gather3A_642, %gather3A_643, %gather3A_644] : memref<2x128x128xf32, #tpu.memory_space<vmem>> -> memref<1x128x128xf32, #tpu.memory_space<vmem>>
        %gather3A_646 = tpu.memref_squeeze %gather3A_645 : memref<1x128x128xf32, #tpu.memory_space<vmem>> -> memref<128x128xf32, #tpu.memory_space<vmem>>
        %gather3A_647 = tpu.vector_load_idx %gather3A_646[%add3A_538, %add3A_641] : memref<128x128xf32, #tpu.memory_space<vmem>>[vector<16xi32>, vector<16xi32>], vector<16xf32>,
        %scatter3A_648 = arith.constant 0 : i32
        %scatter3A_649 = arith.constant 0 : i32
        %scatter3A_650 = arith.constant 0 : i32
        %scatter3A_651 = tpu.memref_slice %arg8[%scatter3A_648, %scatter3A_649, %scatter3A_650] : memref<2x64x128xf32, #tpu.memory_space<vmem>> -> memref<1x64x128xf32, #tpu.memory_space<vmem>>
        %scatter3A_652 = tpu.memref_squeeze %scatter3A_651 : memref<1x64x128xf32, #tpu.memory_space<vmem>> -> memref<64x128xf32, #tpu.memory_space<vmem>>
        tpu.vector_store_idx %scatter3A_652[%add3A_641, %add3A_538], %gather3A_647 : memref<64x128xf32, #tpu.memory_space<vmem>>[vector<16xi32>, vector<16xi32>], vector<16xf32>,
        %add3A_653 = arith.constant 6 : i32
        %add3A_654 = vector.broadcast %add3A_653 : i32 to vector<16xi32>
        %add3A_655 = arith.addi %iota3A, %add3A_654 : vector<16xi32>
        %and3A_656 = arith.constant 15 : i32
        %and3A_657 = vector.broadcast %and3A_656 : i32 to vector<16xi32>
        %and3A_658 = arith.andi %add3A_655, %and3A_657 : vector<16xi32>
        %add3A_659 = vector.broadcast %mul3A_518 : i32 to vector<16xi32>
        %add3A_660 = arith.addi %add3A_659, %and3A_658 : vector<16xi32>
        %gather3A_661 = arith.constant 0 : i32
        %gather3A_662 = arith.constant 0 : i32
        %gather3A_663 = arith.constant 0 : i32
        %gather3A_664 = tpu.memref_slice %arg7[%gather3A_661, %gather3A_662, %gather3A_663] : memref<2x128x128xf32, #tpu.memory_space<vmem>> -> memref<1x128x128xf32, #tpu.memory_space<vmem>>
        %gather3A_665 = tpu.memref_squeeze %gather3A_664 : memref<1x128x128xf32, #tpu.memory_space<vmem>> -> memref<128x128xf32, #tpu.memory_space<vmem>>
        %gather3A_666 = tpu.vector_load_idx %gather3A_665[%add3A_538, %add3A_660] : memref<128x128xf32, #tpu.memory_space<vmem>>[vector<16xi32>, vector<16xi32>], vector<16xf32>,
        %scatter3A_667 = arith.constant 0 : i32
        %scatter3A_668 = arith.constant 0 : i32
        %scatter3A_669 = arith.constant 0 : i32
        %scatter3A_670 = tpu.memref_slice %arg8[%scatter3A_667, %scatter3A_668, %scatter3A_669] : memref<2x64x128xf32, #tpu.memory_space<vmem>> -> memref<1x64x128xf32, #tpu.memory_space<vmem>>
        %scatter3A_671 = tpu.memref_squeeze %scatter3A_670 : memref<1x64x128xf32, #tpu.memory_space<vmem>> -> memref<64x128xf32, #tpu.memory_space<vmem>>
        tpu.vector_store_idx %scatter3A_671[%add3A_660, %add3A_538], %gather3A_666 : memref<64x128xf32, #tpu.memory_space<vmem>>[vector<16xi32>, vector<16xi32>], vector<16xf32>,
        %add3A_672 = arith.constant 7 : i32
        %add3A_673 = vector.broadcast %add3A_672 : i32 to vector<16xi32>
        %add3A_674 = arith.addi %iota3A, %add3A_673 : vector<16xi32>
        %and3A_675 = arith.constant 15 : i32
        %and3A_676 = vector.broadcast %and3A_675 : i32 to vector<16xi32>
        %and3A_677 = arith.andi %add3A_674, %and3A_676 : vector<16xi32>
        %add3A_678 = vector.broadcast %mul3A_518 : i32 to vector<16xi32>
        %add3A_679 = arith.addi %add3A_678, %and3A_677 : vector<16xi32>
        %gather3A_680 = arith.constant 0 : i32
        %gather3A_681 = arith.constant 0 : i32
        %gather3A_682 = arith.constant 0 : i32
        %gather3A_683 = tpu.memref_slice %arg7[%gather3A_680, %gather3A_681, %gather3A_682] : memref<2x128x128xf32, #tpu.memory_space<vmem>> -> memref<1x128x128xf32, #tpu.memory_space<vmem>>
        %gather3A_684 = tpu.memref_squeeze %gather3A_683 : memref<1x128x128xf32, #tpu.memory_space<vmem>> -> memref<128x128xf32, #tpu.memory_space<vmem>>
        %gather3A_685 = tpu.vector_load_idx %gather3A_684[%add3A_538, %add3A_679] : memref<128x128xf32, #tpu.memory_space<vmem>>[vector<16xi32>, vector<16xi32>], vector<16xf32>,
        %scatter3A_686 = arith.constant 0 : i32
        %scatter3A_687 = arith.constant 0 : i32
        %scatter3A_688 = arith.constant 0 : i32
        %scatter3A_689 = tpu.memref_slice %arg8[%scatter3A_686, %scatter3A_687, %scatter3A_688] : memref<2x64x128xf32, #tpu.memory_space<vmem>> -> memref<1x64x128xf32, #tpu.memory_space<vmem>>
        %scatter3A_690 = tpu.memref_squeeze %scatter3A_689 : memref<1x64x128xf32, #tpu.memory_space<vmem>> -> memref<64x128xf32, #tpu.memory_space<vmem>>
        tpu.vector_store_idx %scatter3A_690[%add3A_679, %add3A_538], %gather3A_685 : memref<64x128xf32, #tpu.memory_space<vmem>>[vector<16xi32>, vector<16xi32>], vector<16xf32>,
        %add3A_691 = arith.constant 8 : i32
        %add3A_692 = vector.broadcast %add3A_691 : i32 to vector<16xi32>
        %add3A_693 = arith.addi %iota3A, %add3A_692 : vector<16xi32>
        %and3A_694 = arith.constant 15 : i32
        %and3A_695 = vector.broadcast %and3A_694 : i32 to vector<16xi32>
        %and3A_696 = arith.andi %add3A_693, %and3A_695 : vector<16xi32>
        %add3A_697 = vector.broadcast %mul3A_518 : i32 to vector<16xi32>
        %add3A_698 = arith.addi %add3A_697, %and3A_696 : vector<16xi32>
        %gather3A_699 = arith.constant 0 : i32
        %gather3A_700 = arith.constant 0 : i32
        %gather3A_701 = arith.constant 0 : i32
        %gather3A_702 = tpu.memref_slice %arg7[%gather3A_699, %gather3A_700, %gather3A_701] : memref<2x128x128xf32, #tpu.memory_space<vmem>> -> memref<1x128x128xf32, #tpu.memory_space<vmem>>
        %gather3A_703 = tpu.memref_squeeze %gather3A_702 : memref<1x128x128xf32, #tpu.memory_space<vmem>> -> memref<128x128xf32, #tpu.memory_space<vmem>>
        %gather3A_704 = tpu.vector_load_idx %gather3A_703[%add3A_538, %add3A_698] : memref<128x128xf32, #tpu.memory_space<vmem>>[vector<16xi32>, vector<16xi32>], vector<16xf32>,
        %scatter3A_705 = arith.constant 0 : i32
        %scatter3A_706 = arith.constant 0 : i32
        %scatter3A_707 = arith.constant 0 : i32
        %scatter3A_708 = tpu.memref_slice %arg8[%scatter3A_705, %scatter3A_706, %scatter3A_707] : memref<2x64x128xf32, #tpu.memory_space<vmem>> -> memref<1x64x128xf32, #tpu.memory_space<vmem>>
        %scatter3A_709 = tpu.memref_squeeze %scatter3A_708 : memref<1x64x128xf32, #tpu.memory_space<vmem>> -> memref<64x128xf32, #tpu.memory_space<vmem>>
        tpu.vector_store_idx %scatter3A_709[%add3A_698, %add3A_538], %gather3A_704 : memref<64x128xf32, #tpu.memory_space<vmem>>[vector<16xi32>, vector<16xi32>], vector<16xf32>,
        %add3A_710 = arith.constant 9 : i32
        %add3A_711 = vector.broadcast %add3A_710 : i32 to vector<16xi32>
        %add3A_712 = arith.addi %iota3A, %add3A_711 : vector<16xi32>
        %and3A_713 = arith.constant 15 : i32
        %and3A_714 = vector.broadcast %and3A_713 : i32 to vector<16xi32>
        %and3A_715 = arith.andi %add3A_712, %and3A_714 : vector<16xi32>
        %add3A_716 = vector.broadcast %mul3A_518 : i32 to vector<16xi32>
        %add3A_717 = arith.addi %add3A_716, %and3A_715 : vector<16xi32>
        %gather3A_718 = arith.constant 0 : i32
        %gather3A_719 = arith.constant 0 : i32
        %gather3A_720 = arith.constant 0 : i32
        %gather3A_721 = tpu.memref_slice %arg7[%gather3A_718, %gather3A_719, %gather3A_720] : memref<2x128x128xf32, #tpu.memory_space<vmem>> -> memref<1x128x128xf32, #tpu.memory_space<vmem>>
        %gather3A_722 = tpu.memref_squeeze %gather3A_721 : memref<1x128x128xf32, #tpu.memory_space<vmem>> -> memref<128x128xf32, #tpu.memory_space<vmem>>
        %gather3A_723 = tpu.vector_load_idx %gather3A_722[%add3A_538, %add3A_717] : memref<128x128xf32, #tpu.memory_space<vmem>>[vector<16xi32>, vector<16xi32>], vector<16xf32>,
        %scatter3A_724 = arith.constant 0 : i32
        %scatter3A_725 = arith.constant 0 : i32
        %scatter3A_726 = arith.constant 0 : i32
        %scatter3A_727 = tpu.memref_slice %arg8[%scatter3A_724, %scatter3A_725, %scatter3A_726] : memref<2x64x128xf32, #tpu.memory_space<vmem>> -> memref<1x64x128xf32, #tpu.memory_space<vmem>>
        %scatter3A_728 = tpu.memref_squeeze %scatter3A_727 : memref<1x64x128xf32, #tpu.memory_space<vmem>> -> memref<64x128xf32, #tpu.memory_space<vmem>>
        tpu.vector_store_idx %scatter3A_728[%add3A_717, %add3A_538], %gather3A_723 : memref<64x128xf32, #tpu.memory_space<vmem>>[vector<16xi32>, vector<16xi32>], vector<16xf32>,
        %add3A_729 = arith.constant 10 : i32
        %add3A_730 = vector.broadcast %add3A_729 : i32 to vector<16xi32>
        %add3A_731 = arith.addi %iota3A, %add3A_730 : vector<16xi32>
        %and3A_732 = arith.constant 15 : i32
        %and3A_733 = vector.broadcast %and3A_732 : i32 to vector<16xi32>
        %and3A_734 = arith.andi %add3A_731, %and3A_733 : vector<16xi32>
        %add3A_735 = vector.broadcast %mul3A_518 : i32 to vector<16xi32>
        %add3A_736 = arith.addi %add3A_735, %and3A_734 : vector<16xi32>
        %gather3A_737 = arith.constant 0 : i32
        %gather3A_738 = arith.constant 0 : i32
        %gather3A_739 = arith.constant 0 : i32
        %gather3A_740 = tpu.memref_slice %arg7[%gather3A_737, %gather3A_738, %gather3A_739] : memref<2x128x128xf32, #tpu.memory_space<vmem>> -> memref<1x128x128xf32, #tpu.memory_space<vmem>>
        %gather3A_741 = tpu.memref_squeeze %gather3A_740 : memref<1x128x128xf32, #tpu.memory_space<vmem>> -> memref<128x128xf32, #tpu.memory_space<vmem>>
        %gather3A_742 = tpu.vector_load_idx %gather3A_741[%add3A_538, %add3A_736] : memref<128x128xf32, #tpu.memory_space<vmem>>[vector<16xi32>, vector<16xi32>], vector<16xf32>,
        %scatter3A_743 = arith.constant 0 : i32
        %scatter3A_744 = arith.constant 0 : i32
        %scatter3A_745 = arith.constant 0 : i32
        %scatter3A_746 = tpu.memref_slice %arg8[%scatter3A_743, %scatter3A_744, %scatter3A_745] : memref<2x64x128xf32, #tpu.memory_space<vmem>> -> memref<1x64x128xf32, #tpu.memory_space<vmem>>
        %scatter3A_747 = tpu.memref_squeeze %scatter3A_746 : memref<1x64x128xf32, #tpu.memory_space<vmem>> -> memref<64x128xf32, #tpu.memory_space<vmem>>
        tpu.vector_store_idx %scatter3A_747[%add3A_736, %add3A_538], %gather3A_742 : memref<64x128xf32, #tpu.memory_space<vmem>>[vector<16xi32>, vector<16xi32>], vector<16xf32>,
        %add3A_748 = arith.constant 11 : i32
        %add3A_749 = vector.broadcast %add3A_748 : i32 to vector<16xi32>
        %add3A_750 = arith.addi %iota3A, %add3A_749 : vector<16xi32>
        %and3A_751 = arith.constant 15 : i32
        %and3A_752 = vector.broadcast %and3A_751 : i32 to vector<16xi32>
        %and3A_753 = arith.andi %add3A_750, %and3A_752 : vector<16xi32>
        %add3A_754 = vector.broadcast %mul3A_518 : i32 to vector<16xi32>
        %add3A_755 = arith.addi %add3A_754, %and3A_753 : vector<16xi32>
        %gather3A_756 = arith.constant 0 : i32
        %gather3A_757 = arith.constant 0 : i32
        %gather3A_758 = arith.constant 0 : i32
        %gather3A_759 = tpu.memref_slice %arg7[%gather3A_756, %gather3A_757, %gather3A_758] : memref<2x128x128xf32, #tpu.memory_space<vmem>> -> memref<1x128x128xf32, #tpu.memory_space<vmem>>
        %gather3A_760 = tpu.memref_squeeze %gather3A_759 : memref<1x128x128xf32, #tpu.memory_space<vmem>> -> memref<128x128xf32, #tpu.memory_space<vmem>>
        %gather3A_761 = tpu.vector_load_idx %gather3A_760[%add3A_538, %add3A_755] : memref<128x128xf32, #tpu.memory_space<vmem>>[vector<16xi32>, vector<16xi32>], vector<16xf32>,
        %scatter3A_762 = arith.constant 0 : i32
        %scatter3A_763 = arith.constant 0 : i32
        %scatter3A_764 = arith.constant 0 : i32
        %scatter3A_765 = tpu.memref_slice %arg8[%scatter3A_762, %scatter3A_763, %scatter3A_764] : memref<2x64x128xf32, #tpu.memory_space<vmem>> -> memref<1x64x128xf32, #tpu.memory_space<vmem>>
        %scatter3A_766 = tpu.memref_squeeze %scatter3A_765 : memref<1x64x128xf32, #tpu.memory_space<vmem>> -> memref<64x128xf32, #tpu.memory_space<vmem>>
        tpu.vector_store_idx %scatter3A_766[%add3A_755, %add3A_538], %gather3A_761 : memref<64x128xf32, #tpu.memory_space<vmem>>[vector<16xi32>, vector<16xi32>], vector<16xf32>,
        %add3A_767 = arith.constant 12 : i32
        %add3A_768 = vector.broadcast %add3A_767 : i32 to vector<16xi32>
        %add3A_769 = arith.addi %iota3A, %add3A_768 : vector<16xi32>
        %and3A_770 = arith.constant 15 : i32
        %and3A_771 = vector.broadcast %and3A_770 : i32 to vector<16xi32>
        %and3A_772 = arith.andi %add3A_769, %and3A_771 : vector<16xi32>
        %add3A_773 = vector.broadcast %mul3A_518 : i32 to vector<16xi32>
        %add3A_774 = arith.addi %add3A_773, %and3A_772 : vector<16xi32>
        %gather3A_775 = arith.constant 0 : i32
        %gather3A_776 = arith.constant 0 : i32
        %gather3A_777 = arith.constant 0 : i32
        %gather3A_778 = tpu.memref_slice %arg7[%gather3A_775, %gather3A_776, %gather3A_777] : memref<2x128x128xf32, #tpu.memory_space<vmem>> -> memref<1x128x128xf32, #tpu.memory_space<vmem>>
        %gather3A_779 = tpu.memref_squeeze %gather3A_778 : memref<1x128x128xf32, #tpu.memory_space<vmem>> -> memref<128x128xf32, #tpu.memory_space<vmem>>
        %gather3A_780 = tpu.vector_load_idx %gather3A_779[%add3A_538, %add3A_774] : memref<128x128xf32, #tpu.memory_space<vmem>>[vector<16xi32>, vector<16xi32>], vector<16xf32>,
        %scatter3A_781 = arith.constant 0 : i32
        %scatter3A_782 = arith.constant 0 : i32
        %scatter3A_783 = arith.constant 0 : i32
        %scatter3A_784 = tpu.memref_slice %arg8[%scatter3A_781, %scatter3A_782, %scatter3A_783] : memref<2x64x128xf32, #tpu.memory_space<vmem>> -> memref<1x64x128xf32, #tpu.memory_space<vmem>>
        %scatter3A_785 = tpu.memref_squeeze %scatter3A_784 : memref<1x64x128xf32, #tpu.memory_space<vmem>> -> memref<64x128xf32, #tpu.memory_space<vmem>>
        tpu.vector_store_idx %scatter3A_785[%add3A_774, %add3A_538], %gather3A_780 : memref<64x128xf32, #tpu.memory_space<vmem>>[vector<16xi32>, vector<16xi32>], vector<16xf32>,
        %add3A_786 = arith.constant 13 : i32
        %add3A_787 = vector.broadcast %add3A_786 : i32 to vector<16xi32>
        %add3A_788 = arith.addi %iota3A, %add3A_787 : vector<16xi32>
        %and3A_789 = arith.constant 15 : i32
        %and3A_790 = vector.broadcast %and3A_789 : i32 to vector<16xi32>
        %and3A_791 = arith.andi %add3A_788, %and3A_790 : vector<16xi32>
        %add3A_792 = vector.broadcast %mul3A_518 : i32 to vector<16xi32>
        %add3A_793 = arith.addi %add3A_792, %and3A_791 : vector<16xi32>
        %gather3A_794 = arith.constant 0 : i32
        %gather3A_795 = arith.constant 0 : i32
        %gather3A_796 = arith.constant 0 : i32
        %gather3A_797 = tpu.memref_slice %arg7[%gather3A_794, %gather3A_795, %gather3A_796] : memref<2x128x128xf32, #tpu.memory_space<vmem>> -> memref<1x128x128xf32, #tpu.memory_space<vmem>>
        %gather3A_798 = tpu.memref_squeeze %gather3A_797 : memref<1x128x128xf32, #tpu.memory_space<vmem>> -> memref<128x128xf32, #tpu.memory_space<vmem>>
        %gather3A_799 = tpu.vector_load_idx %gather3A_798[%add3A_538, %add3A_793] : memref<128x128xf32, #tpu.memory_space<vmem>>[vector<16xi32>, vector<16xi32>], vector<16xf32>,
        %scatter3A_800 = arith.constant 0 : i32
        %scatter3A_801 = arith.constant 0 : i32
        %scatter3A_802 = arith.constant 0 : i32
        %scatter3A_803 = tpu.memref_slice %arg8[%scatter3A_800, %scatter3A_801, %scatter3A_802] : memref<2x64x128xf32, #tpu.memory_space<vmem>> -> memref<1x64x128xf32, #tpu.memory_space<vmem>>
        %scatter3A_804 = tpu.memref_squeeze %scatter3A_803 : memref<1x64x128xf32, #tpu.memory_space<vmem>> -> memref<64x128xf32, #tpu.memory_space<vmem>>
        tpu.vector_store_idx %scatter3A_804[%add3A_793, %add3A_538], %gather3A_799 : memref<64x128xf32, #tpu.memory_space<vmem>>[vector<16xi32>, vector<16xi32>], vector<16xf32>,
        %add3A_805 = arith.constant 14 : i32
        %add3A_806 = vector.broadcast %add3A_805 : i32 to vector<16xi32>
        %add3A_807 = arith.addi %iota3A, %add3A_806 : vector<16xi32>
        %and3A_808 = arith.constant 15 : i32
        %and3A_809 = vector.broadcast %and3A_808 : i32 to vector<16xi32>
        %and3A_810 = arith.andi %add3A_807, %and3A_809 : vector<16xi32>
        %add3A_811 = vector.broadcast %mul3A_518 : i32 to vector<16xi32>
        %add3A_812 = arith.addi %add3A_811, %and3A_810 : vector<16xi32>
        %gather3A_813 = arith.constant 0 : i32
        %gather3A_814 = arith.constant 0 : i32
        %gather3A_815 = arith.constant 0 : i32
        %gather3A_816 = tpu.memref_slice %arg7[%gather3A_813, %gather3A_814, %gather3A_815] : memref<2x128x128xf32, #tpu.memory_space<vmem>> -> memref<1x128x128xf32, #tpu.memory_space<vmem>>
        %gather3A_817 = tpu.memref_squeeze %gather3A_816 : memref<1x128x128xf32, #tpu.memory_space<vmem>> -> memref<128x128xf32, #tpu.memory_space<vmem>>
        %gather3A_818 = tpu.vector_load_idx %gather3A_817[%add3A_538, %add3A_812] : memref<128x128xf32, #tpu.memory_space<vmem>>[vector<16xi32>, vector<16xi32>], vector<16xf32>,
        %scatter3A_819 = arith.constant 0 : i32
        %scatter3A_820 = arith.constant 0 : i32
        %scatter3A_821 = arith.constant 0 : i32
        %scatter3A_822 = tpu.memref_slice %arg8[%scatter3A_819, %scatter3A_820, %scatter3A_821] : memref<2x64x128xf32, #tpu.memory_space<vmem>> -> memref<1x64x128xf32, #tpu.memory_space<vmem>>
        %scatter3A_823 = tpu.memref_squeeze %scatter3A_822 : memref<1x64x128xf32, #tpu.memory_space<vmem>> -> memref<64x128xf32, #tpu.memory_space<vmem>>
        tpu.vector_store_idx %scatter3A_823[%add3A_812, %add3A_538], %gather3A_818 : memref<64x128xf32, #tpu.memory_space<vmem>>[vector<16xi32>, vector<16xi32>], vector<16xf32>,
        %add3A_824 = arith.constant 15 : i32
        %add3A_825 = vector.broadcast %add3A_824 : i32 to vector<16xi32>
        %add3A_826 = arith.addi %iota3A, %add3A_825 : vector<16xi32>
        %and3A_827 = arith.constant 15 : i32
        %and3A_828 = vector.broadcast %and3A_827 : i32 to vector<16xi32>
        %and3A_829 = arith.andi %add3A_826, %and3A_828 : vector<16xi32>
        %add3A_830 = vector.broadcast %mul3A_518 : i32 to vector<16xi32>
        %add3A_831 = arith.addi %add3A_830, %and3A_829 : vector<16xi32>
        %gather3A_832 = arith.constant 0 : i32
        %gather3A_833 = arith.constant 0 : i32
        %gather3A_834 = arith.constant 0 : i32
        %gather3A_835 = tpu.memref_slice %arg7[%gather3A_832, %gather3A_833, %gather3A_834] : memref<2x128x128xf32, #tpu.memory_space<vmem>> -> memref<1x128x128xf32, #tpu.memory_space<vmem>>
        %gather3A_836 = tpu.memref_squeeze %gather3A_835 : memref<1x128x128xf32, #tpu.memory_space<vmem>> -> memref<128x128xf32, #tpu.memory_space<vmem>>
        %gather3A_837 = tpu.vector_load_idx %gather3A_836[%add3A_538, %add3A_831] : memref<128x128xf32, #tpu.memory_space<vmem>>[vector<16xi32>, vector<16xi32>], vector<16xf32>,
        %scatter3A_838 = arith.constant 0 : i32
        %scatter3A_839 = arith.constant 0 : i32
        %scatter3A_840 = arith.constant 0 : i32
        %scatter3A_841 = tpu.memref_slice %arg8[%scatter3A_838, %scatter3A_839, %scatter3A_840] : memref<2x64x128xf32, #tpu.memory_space<vmem>> -> memref<1x64x128xf32, #tpu.memory_space<vmem>>
        %scatter3A_842 = tpu.memref_squeeze %scatter3A_841 : memref<1x64x128xf32, #tpu.memory_space<vmem>> -> memref<64x128xf32, #tpu.memory_space<vmem>>
        tpu.vector_store_idx %scatter3A_842[%add3A_831, %add3A_538], %gather3A_837 : memref<64x128xf32, #tpu.memory_space<vmem>>[vector<16xi32>, vector<16xi32>], vector<16xf32>,
        %scan3A_843 = arith.constant 2 : i32
        %scan3A_844 = arith.addi %scan3A_143, %scan3A_843 : i32
        %mul3A_845 = arith.constant 1 : i32
        %mul3A_846 = arith.muli %scan3A_844, %mul3A_845 : i32
        %add3A_847 = arith.constant 0 : i32
        %add3A_848 = arith.addi %add3A_847, %mul3A_846 : i32
        %jit3A_849 = arith.constant 8 : i32
        %div3A_850 = arith.divsi %add3A_848, %jit3A_849 : i32
        %sign3A_851 = arith.constant 0 : i32
        %sign3A_852 = arith.cmpi sgt, %add3A_848, %sign3A_851 : i32
        %sign3A_853 = arith.extui %sign3A_852 : i1 to i32
        %sign3A_854 = arith.constant 0 : i32
        %sign3A_855 = arith.cmpi slt, %add3A_848, %sign3A_854 : i32
        %sign3A_856 = arith.extui %sign3A_855 : i1 to i32
        %sign3A_857 = arith.subi %sign3A_853, %sign3A_856 : i32
        %sign3A_858 = arith.constant 0 : i32
        %sign3A_859 = arith.cmpi sgt, %jit3A_849, %sign3A_858 : i32
        %sign3A_860 = arith.extui %sign3A_859 : i1 to i32
        %sign3A_861 = arith.constant 0 : i32
        %sign3A_862 = arith.cmpi slt, %jit3A_849, %sign3A_861 : i32
        %sign3A_863 = arith.extui %sign3A_862 : i1 to i32
        %sign3A_864 = arith.subi %sign3A_860, %sign3A_863 : i32
        %ne3A_865 = arith.cmpi ne, %sign3A_857, %sign3A_864 : i32
        %rem3A_866 = arith.remsi %add3A_848, %jit3A_849 : i32
        %ne3A_867 = arith.constant 0 : i32
        %ne3A_868 = arith.cmpi ne, %rem3A_866, %ne3A_867 : i32
        %and3A_869 = arith.andi %ne3A_865, %ne3A_868 : i1
        %sub3A_870 = arith.constant 1 : i32
        %sub3A_871 = arith.subi %div3A_850, %sub3A_870 : i32
        %select_n3A_872 = arith.select %and3A_869, %sub3A_871, %div3A_850 : i32
        %mul3A_873 = arith.constant 16 : i32
        %mul3A_874 = arith.muli %select_n3A_872, %mul3A_873 : i32
        %jit3A_875 = arith.constant 8 : i32
        %eq3A_876 = arith.constant 0 : i32
        %eq3A_877 = arith.cmpi eq, %jit3A_875, %eq3A_876 : i32
        %jit3A_878 = arith.constant 1 : i32
        %select_n3A_879 = arith.select %eq3A_877, %jit3A_878, %jit3A_875 : i32
        %rem3A_880 = arith.remsi %add3A_848, %select_n3A_879 : i32
        %ne3A_881 = arith.constant 0 : i32
        %ne3A_882 = arith.cmpi ne, %rem3A_880, %ne3A_881 : i32
        %lt3A_883 = arith.constant 0 : i32
        %lt3A_884 = arith.cmpi slt, %rem3A_880, %lt3A_883 : i32
        %lt3A_885 = arith.constant 0 : i32
        %lt3A_886 = arith.cmpi slt, %select_n3A_879, %lt3A_885 : i32
        %ne3A_887 = arith.xori %lt3A_884, %lt3A_886 : i1
        %and3A_888 = arith.andi %ne3A_887, %ne3A_882 : i1
        %add3A_889 = arith.addi %rem3A_880, %select_n3A_879 : i32
        %select_n3A_890 = arith.select %and3A_888, %add3A_889, %rem3A_880 : i32
        %mul3A_891 = arith.constant 16 : i32
        %mul3A_892 = arith.muli %select_n3A_890, %mul3A_891 : i32
        %add3A_893 = vector.broadcast %mul3A_892 : i32 to vector<16xi32>
        %add3A_894 = arith.addi %add3A_893, %iota3A : vector<16xi32>
        %add3A_895 = arith.constant 0 : i32
        %add3A_896 = vector.broadcast %add3A_895 : i32 to vector<16xi32>
        %add3A_897 = arith.addi %iota3A, %add3A_896 : vector<16xi32>
        %and3A_898 = arith.constant 15 : i32
        %and3A_899 = vector.broadcast %and3A_898 : i32 to vector<16xi32>
        %and3A_900 = arith.andi %add3A_897, %and3A_899 : vector<16xi32>
        %add3A_901 = vector.broadcast %mul3A_874 : i32 to vector<16xi32>
        %add3A_902 = arith.addi %add3A_901, %and3A_900 : vector<16xi32>
        %gather3A_903 = arith.constant 0 : i32
        %gather3A_904 = arith.constant 0 : i32
        %gather3A_905 = arith.constant 0 : i32
        %gather3A_906 = tpu.memref_slice %arg7[%gather3A_903, %gather3A_904, %gather3A_905] : memref<2x128x128xf32, #tpu.memory_space<vmem>> -> memref<1x128x128xf32, #tpu.memory_space<vmem>>
        %gather3A_907 = tpu.memref_squeeze %gather3A_906 : memref<1x128x128xf32, #tpu.memory_space<vmem>> -> memref<128x128xf32, #tpu.memory_space<vmem>>
        %gather3A_908 = tpu.vector_load_idx %gather3A_907[%add3A_894, %add3A_902] : memref<128x128xf32, #tpu.memory_space<vmem>>[vector<16xi32>, vector<16xi32>], vector<16xf32>,
        %scatter3A_909 = arith.constant 0 : i32
        %scatter3A_910 = arith.constant 0 : i32
        %scatter3A_911 = arith.constant 0 : i32
        %scatter3A_912 = tpu.memref_slice %arg8[%scatter3A_909, %scatter3A_910, %scatter3A_911] : memref<2x64x128xf32, #tpu.memory_space<vmem>> -> memref<1x64x128xf32, #tpu.memory_space<vmem>>
        %scatter3A_913 = tpu.memref_squeeze %scatter3A_912 : memref<1x64x128xf32, #tpu.memory_space<vmem>> -> memref<64x128xf32, #tpu.memory_space<vmem>>
        tpu.vector_store_idx %scatter3A_913[%add3A_902, %add3A_894], %gather3A_908 : memref<64x128xf32, #tpu.memory_space<vmem>>[vector<16xi32>, vector<16xi32>], vector<16xf32>,
        %add3A_914 = arith.constant 1 : i32
        %add3A_915 = vector.broadcast %add3A_914 : i32 to vector<16xi32>
        %add3A_916 = arith.addi %iota3A, %add3A_915 : vector<16xi32>
        %and3A_917 = arith.constant 15 : i32
        %and3A_918 = vector.broadcast %and3A_917 : i32 to vector<16xi32>
        %and3A_919 = arith.andi %add3A_916, %and3A_918 : vector<16xi32>
        %add3A_920 = vector.broadcast %mul3A_874 : i32 to vector<16xi32>
        %add3A_921 = arith.addi %add3A_920, %and3A_919 : vector<16xi32>
        %gather3A_922 = arith.constant 0 : i32
        %gather3A_923 = arith.constant 0 : i32
        %gather3A_924 = arith.constant 0 : i32
        %gather3A_925 = tpu.memref_slice %arg7[%gather3A_922, %gather3A_923, %gather3A_924] : memref<2x128x128xf32, #tpu.memory_space<vmem>> -> memref<1x128x128xf32, #tpu.memory_space<vmem>>
        %gather3A_926 = tpu.memref_squeeze %gather3A_925 : memref<1x128x128xf32, #tpu.memory_space<vmem>> -> memref<128x128xf32, #tpu.memory_space<vmem>>
        %gather3A_927 = tpu.vector_load_idx %gather3A_926[%add3A_894, %add3A_921] : memref<128x128xf32, #tpu.memory_space<vmem>>[vector<16xi32>, vector<16xi32>], vector<16xf32>,
        %scatter3A_928 = arith.constant 0 : i32
        %scatter3A_929 = arith.constant 0 : i32
        %scatter3A_930 = arith.constant 0 : i32
        %scatter3A_931 = tpu.memref_slice %arg8[%scatter3A_928, %scatter3A_929, %scatter3A_930] : memref<2x64x128xf32, #tpu.memory_space<vmem>> -> memref<1x64x128xf32, #tpu.memory_space<vmem>>
        %scatter3A_932 = tpu.memref_squeeze %scatter3A_931 : memref<1x64x128xf32, #tpu.memory_space<vmem>> -> memref<64x128xf32, #tpu.memory_space<vmem>>
        tpu.vector_store_idx %scatter3A_932[%add3A_921, %add3A_894], %gather3A_927 : memref<64x128xf32, #tpu.memory_space<vmem>>[vector<16xi32>, vector<16xi32>], vector<16xf32>,
        %add3A_933 = arith.constant 2 : i32
        %add3A_934 = vector.broadcast %add3A_933 : i32 to vector<16xi32>
        %add3A_935 = arith.addi %iota3A, %add3A_934 : vector<16xi32>
        %and3A_936 = arith.constant 15 : i32
        %and3A_937 = vector.broadcast %and3A_936 : i32 to vector<16xi32>
        %and3A_938 = arith.andi %add3A_935, %and3A_937 : vector<16xi32>
        %add3A_939 = vector.broadcast %mul3A_874 : i32 to vector<16xi32>
        %add3A_940 = arith.addi %add3A_939, %and3A_938 : vector<16xi32>
        %gather3A_941 = arith.constant 0 : i32
        %gather3A_942 = arith.constant 0 : i32
        %gather3A_943 = arith.constant 0 : i32
        %gather3A_944 = tpu.memref_slice %arg7[%gather3A_941, %gather3A_942, %gather3A_943] : memref<2x128x128xf32, #tpu.memory_space<vmem>> -> memref<1x128x128xf32, #tpu.memory_space<vmem>>
        %gather3A_945 = tpu.memref_squeeze %gather3A_944 : memref<1x128x128xf32, #tpu.memory_space<vmem>> -> memref<128x128xf32, #tpu.memory_space<vmem>>
        %gather3A_946 = tpu.vector_load_idx %gather3A_945[%add3A_894, %add3A_940] : memref<128x128xf32, #tpu.memory_space<vmem>>[vector<16xi32>, vector<16xi32>], vector<16xf32>,
        %scatter3A_947 = arith.constant 0 : i32
        %scatter3A_948 = arith.constant 0 : i32
        %scatter3A_949 = arith.constant 0 : i32
        %scatter3A_950 = tpu.memref_slice %arg8[%scatter3A_947, %scatter3A_948, %scatter3A_949] : memref<2x64x128xf32, #tpu.memory_space<vmem>> -> memref<1x64x128xf32, #tpu.memory_space<vmem>>
        %scatter3A_951 = tpu.memref_squeeze %scatter3A_950 : memref<1x64x128xf32, #tpu.memory_space<vmem>> -> memref<64x128xf32, #tpu.memory_space<vmem>>
        tpu.vector_store_idx %scatter3A_951[%add3A_940, %add3A_894], %gather3A_946 : memref<64x128xf32, #tpu.memory_space<vmem>>[vector<16xi32>, vector<16xi32>], vector<16xf32>,
        %add3A_952 = arith.constant 3 : i32
        %add3A_953 = vector.broadcast %add3A_952 : i32 to vector<16xi32>
        %add3A_954 = arith.addi %iota3A, %add3A_953 : vector<16xi32>
        %and3A_955 = arith.constant 15 : i32
        %and3A_956 = vector.broadcast %and3A_955 : i32 to vector<16xi32>
        %and3A_957 = arith.andi %add3A_954, %and3A_956 : vector<16xi32>
        %add3A_958 = vector.broadcast %mul3A_874 : i32 to vector<16xi32>
        %add3A_959 = arith.addi %add3A_958, %and3A_957 : vector<16xi32>
        %gather3A_960 = arith.constant 0 : i32
        %gather3A_961 = arith.constant 0 : i32
        %gather3A_962 = arith.constant 0 : i32
        %gather3A_963 = tpu.memref_slice %arg7[%gather3A_960, %gather3A_961, %gather3A_962] : memref<2x128x128xf32, #tpu.memory_space<vmem>> -> memref<1x128x128xf32, #tpu.memory_space<vmem>>
        %gather3A_964 = tpu.memref_squeeze %gather3A_963 : memref<1x128x128xf32, #tpu.memory_space<vmem>> -> memref<128x128xf32, #tpu.memory_space<vmem>>
        %gather3A_965 = tpu.vector_load_idx %gather3A_964[%add3A_894, %add3A_959] : memref<128x128xf32, #tpu.memory_space<vmem>>[vector<16xi32>, vector<16xi32>], vector<16xf32>,
        %scatter3A_966 = arith.constant 0 : i32
        %scatter3A_967 = arith.constant 0 : i32
        %scatter3A_968 = arith.constant 0 : i32
        %scatter3A_969 = tpu.memref_slice %arg8[%scatter3A_966, %scatter3A_967, %scatter3A_968] : memref<2x64x128xf32, #tpu.memory_space<vmem>> -> memref<1x64x128xf32, #tpu.memory_space<vmem>>
        %scatter3A_970 = tpu.memref_squeeze %scatter3A_969 : memref<1x64x128xf32, #tpu.memory_space<vmem>> -> memref<64x128xf32, #tpu.memory_space<vmem>>
        tpu.vector_store_idx %scatter3A_970[%add3A_959, %add3A_894], %gather3A_965 : memref<64x128xf32, #tpu.memory_space<vmem>>[vector<16xi32>, vector<16xi32>], vector<16xf32>,
        %add3A_971 = arith.constant 4 : i32
        %add3A_972 = vector.broadcast %add3A_971 : i32 to vector<16xi32>
        %add3A_973 = arith.addi %iota3A, %add3A_972 : vector<16xi32>
        %and3A_974 = arith.constant 15 : i32
        %and3A_975 = vector.broadcast %and3A_974 : i32 to vector<16xi32>
        %and3A_976 = arith.andi %add3A_973, %and3A_975 : vector<16xi32>
        %add3A_977 = vector.broadcast %mul3A_874 : i32 to vector<16xi32>
        %add3A_978 = arith.addi %add3A_977, %and3A_976 : vector<16xi32>
        %gather3A_979 = arith.constant 0 : i32
        %gather3A_980 = arith.constant 0 : i32
        %gather3A_981 = arith.constant 0 : i32
        %gather3A_982 = tpu.memref_slice %arg7[%gather3A_979, %gather3A_980, %gather3A_981] : memref<2x128x128xf32, #tpu.memory_space<vmem>> -> memref<1x128x128xf32, #tpu.memory_space<vmem>>
        %gather3A_983 = tpu.memref_squeeze %gather3A_982 : memref<1x128x128xf32, #tpu.memory_space<vmem>> -> memref<128x128xf32, #tpu.memory_space<vmem>>
        %gather3A_984 = tpu.vector_load_idx %gather3A_983[%add3A_894, %add3A_978] : memref<128x128xf32, #tpu.memory_space<vmem>>[vector<16xi32>, vector<16xi32>], vector<16xf32>,
        %scatter3A_985 = arith.constant 0 : i32
        %scatter3A_986 = arith.constant 0 : i32
        %scatter3A_987 = arith.constant 0 : i32
        %scatter3A_988 = tpu.memref_slice %arg8[%scatter3A_985, %scatter3A_986, %scatter3A_987] : memref<2x64x128xf32, #tpu.memory_space<vmem>> -> memref<1x64x128xf32, #tpu.memory_space<vmem>>
        %scatter3A_989 = tpu.memref_squeeze %scatter3A_988 : memref<1x64x128xf32, #tpu.memory_space<vmem>> -> memref<64x128xf32, #tpu.memory_space<vmem>>
        tpu.vector_store_idx %scatter3A_989[%add3A_978, %add3A_894], %gather3A_984 : memref<64x128xf32, #tpu.memory_space<vmem>>[vector<16xi32>, vector<16xi32>], vector<16xf32>,
        %add3A_990 = arith.constant 5 : i32
        %add3A_991 = vector.broadcast %add3A_990 : i32 to vector<16xi32>
        %add3A_992 = arith.addi %iota3A, %add3A_991 : vector<16xi32>
        %and3A_993 = arith.constant 15 : i32
        %and3A_994 = vector.broadcast %and3A_993 : i32 to vector<16xi32>
        %and3A_995 = arith.andi %add3A_992, %and3A_994 : vector<16xi32>
        %add3A_996 = vector.broadcast %mul3A_874 : i32 to vector<16xi32>
        %add3A_997 = arith.addi %add3A_996, %and3A_995 : vector<16xi32>
        %gather3A_998 = arith.constant 0 : i32
        %gather3A_999 = arith.constant 0 : i32
        %gather3A_1000 = arith.constant 0 : i32
        %gather3A_1001 = tpu.memref_slice %arg7[%gather3A_998, %gather3A_999, %gather3A_1000] : memref<2x128x128xf32, #tpu.memory_space<vmem>> -> memref<1x128x128xf32, #tpu.memory_space<vmem>>
        %gather3A_1002 = tpu.memref_squeeze %gather3A_1001 : memref<1x128x128xf32, #tpu.memory_space<vmem>> -> memref<128x128xf32, #tpu.memory_space<vmem>>
        %gather3A_1003 = tpu.vector_load_idx %gather3A_1002[%add3A_894, %add3A_997] : memref<128x128xf32, #tpu.memory_space<vmem>>[vector<16xi32>, vector<16xi32>], vector<16xf32>,
        %scatter3A_1004 = arith.constant 0 : i32
        %scatter3A_1005 = arith.constant 0 : i32
        %scatter3A_1006 = arith.constant 0 : i32
        %scatter3A_1007 = tpu.memref_slice %arg8[%scatter3A_1004, %scatter3A_1005, %scatter3A_1006] : memref<2x64x128xf32, #tpu.memory_space<vmem>> -> memref<1x64x128xf32, #tpu.memory_space<vmem>>
        %scatter3A_1008 = tpu.memref_squeeze %scatter3A_1007 : memref<1x64x128xf32, #tpu.memory_space<vmem>> -> memref<64x128xf32, #tpu.memory_space<vmem>>
        tpu.vector_store_idx %scatter3A_1008[%add3A_997, %add3A_894], %gather3A_1003 : memref<64x128xf32, #tpu.memory_space<vmem>>[vector<16xi32>, vector<16xi32>], vector<16xf32>,
        %add3A_1009 = arith.constant 6 : i32
        %add3A_1010 = vector.broadcast %add3A_1009 : i32 to vector<16xi32>
        %add3A_1011 = arith.addi %iota3A, %add3A_1010 : vector<16xi32>
        %and3A_1012 = arith.constant 15 : i32
        %and3A_1013 = vector.broadcast %and3A_1012 : i32 to vector<16xi32>
        %and3A_1014 = arith.andi %add3A_1011, %and3A_1013 : vector<16xi32>
        %add3A_1015 = vector.broadcast %mul3A_874 : i32 to vector<16xi32>
        %add3A_1016 = arith.addi %add3A_1015, %and3A_1014 : vector<16xi32>
        %gather3A_1017 = arith.constant 0 : i32
        %gather3A_1018 = arith.constant 0 : i32
        %gather3A_1019 = arith.constant 0 : i32
        %gather3A_1020 = tpu.memref_slice %arg7[%gather3A_1017, %gather3A_1018, %gather3A_1019] : memref<2x128x128xf32, #tpu.memory_space<vmem>> -> memref<1x128x128xf32, #tpu.memory_space<vmem>>
        %gather3A_1021 = tpu.memref_squeeze %gather3A_1020 : memref<1x128x128xf32, #tpu.memory_space<vmem>> -> memref<128x128xf32, #tpu.memory_space<vmem>>
        %gather3A_1022 = tpu.vector_load_idx %gather3A_1021[%add3A_894, %add3A_1016] : memref<128x128xf32, #tpu.memory_space<vmem>>[vector<16xi32>, vector<16xi32>], vector<16xf32>,
        %scatter3A_1023 = arith.constant 0 : i32
        %scatter3A_1024 = arith.constant 0 : i32
        %scatter3A_1025 = arith.constant 0 : i32
        %scatter3A_1026 = tpu.memref_slice %arg8[%scatter3A_1023, %scatter3A_1024, %scatter3A_1025] : memref<2x64x128xf32, #tpu.memory_space<vmem>> -> memref<1x64x128xf32, #tpu.memory_space<vmem>>
        %scatter3A_1027 = tpu.memref_squeeze %scatter3A_1026 : memref<1x64x128xf32, #tpu.memory_space<vmem>> -> memref<64x128xf32, #tpu.memory_space<vmem>>
        tpu.vector_store_idx %scatter3A_1027[%add3A_1016, %add3A_894], %gather3A_1022 : memref<64x128xf32, #tpu.memory_space<vmem>>[vector<16xi32>, vector<16xi32>], vector<16xf32>,
        %add3A_1028 = arith.constant 7 : i32
        %add3A_1029 = vector.broadcast %add3A_1028 : i32 to vector<16xi32>
        %add3A_1030 = arith.addi %iota3A, %add3A_1029 : vector<16xi32>
        %and3A_1031 = arith.constant 15 : i32
        %and3A_1032 = vector.broadcast %and3A_1031 : i32 to vector<16xi32>
        %and3A_1033 = arith.andi %add3A_1030, %and3A_1032 : vector<16xi32>
        %add3A_1034 = vector.broadcast %mul3A_874 : i32 to vector<16xi32>
        %add3A_1035 = arith.addi %add3A_1034, %and3A_1033 : vector<16xi32>
        %gather3A_1036 = arith.constant 0 : i32
        %gather3A_1037 = arith.constant 0 : i32
        %gather3A_1038 = arith.constant 0 : i32
        %gather3A_1039 = tpu.memref_slice %arg7[%gather3A_1036, %gather3A_1037, %gather3A_1038] : memref<2x128x128xf32, #tpu.memory_space<vmem>> -> memref<1x128x128xf32, #tpu.memory_space<vmem>>
        %gather3A_1040 = tpu.memref_squeeze %gather3A_1039 : memref<1x128x128xf32, #tpu.memory_space<vmem>> -> memref<128x128xf32, #tpu.memory_space<vmem>>
        %gather3A_1041 = tpu.vector_load_idx %gather3A_1040[%add3A_894, %add3A_1035] : memref<128x128xf32, #tpu.memory_space<vmem>>[vector<16xi32>, vector<16xi32>], vector<16xf32>,
        %scatter3A_1042 = arith.constant 0 : i32
        %scatter3A_1043 = arith.constant 0 : i32
        %scatter3A_1044 = arith.constant 0 : i32
        %scatter3A_1045 = tpu.memref_slice %arg8[%scatter3A_1042, %scatter3A_1043, %scatter3A_1044] : memref<2x64x128xf32, #tpu.memory_space<vmem>> -> memref<1x64x128xf32, #tpu.memory_space<vmem>>
        %scatter3A_1046 = tpu.memref_squeeze %scatter3A_1045 : memref<1x64x128xf32, #tpu.memory_space<vmem>> -> memref<64x128xf32, #tpu.memory_space<vmem>>
        tpu.vector_store_idx %scatter3A_1046[%add3A_1035, %add3A_894], %gather3A_1041 : memref<64x128xf32, #tpu.memory_space<vmem>>[vector<16xi32>, vector<16xi32>], vector<16xf32>,
        %add3A_1047 = arith.constant 8 : i32
        %add3A_1048 = vector.broadcast %add3A_1047 : i32 to vector<16xi32>
        %add3A_1049 = arith.addi %iota3A, %add3A_1048 : vector<16xi32>
        %and3A_1050 = arith.constant 15 : i32
        %and3A_1051 = vector.broadcast %and3A_1050 : i32 to vector<16xi32>
        %and3A_1052 = arith.andi %add3A_1049, %and3A_1051 : vector<16xi32>
        %add3A_1053 = vector.broadcast %mul3A_874 : i32 to vector<16xi32>
        %add3A_1054 = arith.addi %add3A_1053, %and3A_1052 : vector<16xi32>
        %gather3A_1055 = arith.constant 0 : i32
        %gather3A_1056 = arith.constant 0 : i32
        %gather3A_1057 = arith.constant 0 : i32
        %gather3A_1058 = tpu.memref_slice %arg7[%gather3A_1055, %gather3A_1056, %gather3A_1057] : memref<2x128x128xf32, #tpu.memory_space<vmem>> -> memref<1x128x128xf32, #tpu.memory_space<vmem>>
        %gather3A_1059 = tpu.memref_squeeze %gather3A_1058 : memref<1x128x128xf32, #tpu.memory_space<vmem>> -> memref<128x128xf32, #tpu.memory_space<vmem>>
        %gather3A_1060 = tpu.vector_load_idx %gather3A_1059[%add3A_894, %add3A_1054] : memref<128x128xf32, #tpu.memory_space<vmem>>[vector<16xi32>, vector<16xi32>], vector<16xf32>,
        %scatter3A_1061 = arith.constant 0 : i32
        %scatter3A_1062 = arith.constant 0 : i32
        %scatter3A_1063 = arith.constant 0 : i32
        %scatter3A_1064 = tpu.memref_slice %arg8[%scatter3A_1061, %scatter3A_1062, %scatter3A_1063] : memref<2x64x128xf32, #tpu.memory_space<vmem>> -> memref<1x64x128xf32, #tpu.memory_space<vmem>>
        %scatter3A_1065 = tpu.memref_squeeze %scatter3A_1064 : memref<1x64x128xf32, #tpu.memory_space<vmem>> -> memref<64x128xf32, #tpu.memory_space<vmem>>
        tpu.vector_store_idx %scatter3A_1065[%add3A_1054, %add3A_894], %gather3A_1060 : memref<64x128xf32, #tpu.memory_space<vmem>>[vector<16xi32>, vector<16xi32>], vector<16xf32>,
        %add3A_1066 = arith.constant 9 : i32
        %add3A_1067 = vector.broadcast %add3A_1066 : i32 to vector<16xi32>
        %add3A_1068 = arith.addi %iota3A, %add3A_1067 : vector<16xi32>
        %and3A_1069 = arith.constant 15 : i32
        %and3A_1070 = vector.broadcast %and3A_1069 : i32 to vector<16xi32>
        %and3A_1071 = arith.andi %add3A_1068, %and3A_1070 : vector<16xi32>
        %add3A_1072 = vector.broadcast %mul3A_874 : i32 to vector<16xi32>
        %add3A_1073 = arith.addi %add3A_1072, %and3A_1071 : vector<16xi32>
        %gather3A_1074 = arith.constant 0 : i32
        %gather3A_1075 = arith.constant 0 : i32
        %gather3A_1076 = arith.constant 0 : i32
        %gather3A_1077 = tpu.memref_slice %arg7[%gather3A_1074, %gather3A_1075, %gather3A_1076] : memref<2x128x128xf32, #tpu.memory_space<vmem>> -> memref<1x128x128xf32, #tpu.memory_space<vmem>>
        %gather3A_1078 = tpu.memref_squeeze %gather3A_1077 : memref<1x128x128xf32, #tpu.memory_space<vmem>> -> memref<128x128xf32, #tpu.memory_space<vmem>>
        %gather3A_1079 = tpu.vector_load_idx %gather3A_1078[%add3A_894, %add3A_1073] : memref<128x128xf32, #tpu.memory_space<vmem>>[vector<16xi32>, vector<16xi32>], vector<16xf32>,
        %scatter3A_1080 = arith.constant 0 : i32
        %scatter3A_1081 = arith.constant 0 : i32
        %scatter3A_1082 = arith.constant 0 : i32
        %scatter3A_1083 = tpu.memref_slice %arg8[%scatter3A_1080, %scatter3A_1081, %scatter3A_1082] : memref<2x64x128xf32, #tpu.memory_space<vmem>> -> memref<1x64x128xf32, #tpu.memory_space<vmem>>
        %scatter3A_1084 = tpu.memref_squeeze %scatter3A_1083 : memref<1x64x128xf32, #tpu.memory_space<vmem>> -> memref<64x128xf32, #tpu.memory_space<vmem>>
        tpu.vector_store_idx %scatter3A_1084[%add3A_1073, %add3A_894], %gather3A_1079 : memref<64x128xf32, #tpu.memory_space<vmem>>[vector<16xi32>, vector<16xi32>], vector<16xf32>,
        %add3A_1085 = arith.constant 10 : i32
        %add3A_1086 = vector.broadcast %add3A_1085 : i32 to vector<16xi32>
        %add3A_1087 = arith.addi %iota3A, %add3A_1086 : vector<16xi32>
        %and3A_1088 = arith.constant 15 : i32
        %and3A_1089 = vector.broadcast %and3A_1088 : i32 to vector<16xi32>
        %and3A_1090 = arith.andi %add3A_1087, %and3A_1089 : vector<16xi32>
        %add3A_1091 = vector.broadcast %mul3A_874 : i32 to vector<16xi32>
        %add3A_1092 = arith.addi %add3A_1091, %and3A_1090 : vector<16xi32>
        %gather3A_1093 = arith.constant 0 : i32
        %gather3A_1094 = arith.constant 0 : i32
        %gather3A_1095 = arith.constant 0 : i32
        %gather3A_1096 = tpu.memref_slice %arg7[%gather3A_1093, %gather3A_1094, %gather3A_1095] : memref<2x128x128xf32, #tpu.memory_space<vmem>> -> memref<1x128x128xf32, #tpu.memory_space<vmem>>
        %gather3A_1097 = tpu.memref_squeeze %gather3A_1096 : memref<1x128x128xf32, #tpu.memory_space<vmem>> -> memref<128x128xf32, #tpu.memory_space<vmem>>
        %gather3A_1098 = tpu.vector_load_idx %gather3A_1097[%add3A_894, %add3A_1092] : memref<128x128xf32, #tpu.memory_space<vmem>>[vector<16xi32>, vector<16xi32>], vector<16xf32>,
        %scatter3A_1099 = arith.constant 0 : i32
        %scatter3A_1100 = arith.constant 0 : i32
        %scatter3A_1101 = arith.constant 0 : i32
        %scatter3A_1102 = tpu.memref_slice %arg8[%scatter3A_1099, %scatter3A_1100, %scatter3A_1101] : memref<2x64x128xf32, #tpu.memory_space<vmem>> -> memref<1x64x128xf32, #tpu.memory_space<vmem>>
        %scatter3A_1103 = tpu.memref_squeeze %scatter3A_1102 : memref<1x64x128xf32, #tpu.memory_space<vmem>> -> memref<64x128xf32, #tpu.memory_space<vmem>>
        tpu.vector_store_idx %scatter3A_1103[%add3A_1092, %add3A_894], %gather3A_1098 : memref<64x128xf32, #tpu.memory_space<vmem>>[vector<16xi32>, vector<16xi32>], vector<16xf32>,
        %add3A_1104 = arith.constant 11 : i32
        %add3A_1105 = vector.broadcast %add3A_1104 : i32 to vector<16xi32>
        %add3A_1106 = arith.addi %iota3A, %add3A_1105 : vector<16xi32>
        %and3A_1107 = arith.constant 15 : i32
        %and3A_1108 = vector.broadcast %and3A_1107 : i32 to vector<16xi32>
        %and3A_1109 = arith.andi %add3A_1106, %and3A_1108 : vector<16xi32>
        %add3A_1110 = vector.broadcast %mul3A_874 : i32 to vector<16xi32>
        %add3A_1111 = arith.addi %add3A_1110, %and3A_1109 : vector<16xi32>
        %gather3A_1112 = arith.constant 0 : i32
        %gather3A_1113 = arith.constant 0 : i32
        %gather3A_1114 = arith.constant 0 : i32
        %gather3A_1115 = tpu.memref_slice %arg7[%gather3A_1112, %gather3A_1113, %gather3A_1114] : memref<2x128x128xf32, #tpu.memory_space<vmem>> -> memref<1x128x128xf32, #tpu.memory_space<vmem>>
        %gather3A_1116 = tpu.memref_squeeze %gather3A_1115 : memref<1x128x128xf32, #tpu.memory_space<vmem>> -> memref<128x128xf32, #tpu.memory_space<vmem>>
        %gather3A_1117 = tpu.vector_load_idx %gather3A_1116[%add3A_894, %add3A_1111] : memref<128x128xf32, #tpu.memory_space<vmem>>[vector<16xi32>, vector<16xi32>], vector<16xf32>,
        %scatter3A_1118 = arith.constant 0 : i32
        %scatter3A_1119 = arith.constant 0 : i32
        %scatter3A_1120 = arith.constant 0 : i32
        %scatter3A_1121 = tpu.memref_slice %arg8[%scatter3A_1118, %scatter3A_1119, %scatter3A_1120] : memref<2x64x128xf32, #tpu.memory_space<vmem>> -> memref<1x64x128xf32, #tpu.memory_space<vmem>>
        %scatter3A_1122 = tpu.memref_squeeze %scatter3A_1121 : memref<1x64x128xf32, #tpu.memory_space<vmem>> -> memref<64x128xf32, #tpu.memory_space<vmem>>
        tpu.vector_store_idx %scatter3A_1122[%add3A_1111, %add3A_894], %gather3A_1117 : memref<64x128xf32, #tpu.memory_space<vmem>>[vector<16xi32>, vector<16xi32>], vector<16xf32>,
        %add3A_1123 = arith.constant 12 : i32
        %add3A_1124 = vector.broadcast %add3A_1123 : i32 to vector<16xi32>
        %add3A_1125 = arith.addi %iota3A, %add3A_1124 : vector<16xi32>
        %and3A_1126 = arith.constant 15 : i32
        %and3A_1127 = vector.broadcast %and3A_1126 : i32 to vector<16xi32>
        %and3A_1128 = arith.andi %add3A_1125, %and3A_1127 : vector<16xi32>
        %add3A_1129 = vector.broadcast %mul3A_874 : i32 to vector<16xi32>
        %add3A_1130 = arith.addi %add3A_1129, %and3A_1128 : vector<16xi32>
        %gather3A_1131 = arith.constant 0 : i32
        %gather3A_1132 = arith.constant 0 : i32
        %gather3A_1133 = arith.constant 0 : i32
        %gather3A_1134 = tpu.memref_slice %arg7[%gather3A_1131, %gather3A_1132, %gather3A_1133] : memref<2x128x128xf32, #tpu.memory_space<vmem>> -> memref<1x128x128xf32, #tpu.memory_space<vmem>>
        %gather3A_1135 = tpu.memref_squeeze %gather3A_1134 : memref<1x128x128xf32, #tpu.memory_space<vmem>> -> memref<128x128xf32, #tpu.memory_space<vmem>>
        %gather3A_1136 = tpu.vector_load_idx %gather3A_1135[%add3A_894, %add3A_1130] : memref<128x128xf32, #tpu.memory_space<vmem>>[vector<16xi32>, vector<16xi32>], vector<16xf32>,
        %scatter3A_1137 = arith.constant 0 : i32
        %scatter3A_1138 = arith.constant 0 : i32
        %scatter3A_1139 = arith.constant 0 : i32
        %scatter3A_1140 = tpu.memref_slice %arg8[%scatter3A_1137, %scatter3A_1138, %scatter3A_1139] : memref<2x64x128xf32, #tpu.memory_space<vmem>> -> memref<1x64x128xf32, #tpu.memory_space<vmem>>
        %scatter3A_1141 = tpu.memref_squeeze %scatter3A_1140 : memref<1x64x128xf32, #tpu.memory_space<vmem>> -> memref<64x128xf32, #tpu.memory_space<vmem>>
        tpu.vector_store_idx %scatter3A_1141[%add3A_1130, %add3A_894], %gather3A_1136 : memref<64x128xf32, #tpu.memory_space<vmem>>[vector<16xi32>, vector<16xi32>], vector<16xf32>,
        %add3A_1142 = arith.constant 13 : i32
        %add3A_1143 = vector.broadcast %add3A_1142 : i32 to vector<16xi32>
        %add3A_1144 = arith.addi %iota3A, %add3A_1143 : vector<16xi32>
        %and3A_1145 = arith.constant 15 : i32
        %and3A_1146 = vector.broadcast %and3A_1145 : i32 to vector<16xi32>
        %and3A_1147 = arith.andi %add3A_1144, %and3A_1146 : vector<16xi32>
        %add3A_1148 = vector.broadcast %mul3A_874 : i32 to vector<16xi32>
        %add3A_1149 = arith.addi %add3A_1148, %and3A_1147 : vector<16xi32>
        %gather3A_1150 = arith.constant 0 : i32
        %gather3A_1151 = arith.constant 0 : i32
        %gather3A_1152 = arith.constant 0 : i32
        %gather3A_1153 = tpu.memref_slice %arg7[%gather3A_1150, %gather3A_1151, %gather3A_1152] : memref<2x128x128xf32, #tpu.memory_space<vmem>> -> memref<1x128x128xf32, #tpu.memory_space<vmem>>
        %gather3A_1154 = tpu.memref_squeeze %gather3A_1153 : memref<1x128x128xf32, #tpu.memory_space<vmem>> -> memref<128x128xf32, #tpu.memory_space<vmem>>
        %gather3A_1155 = tpu.vector_load_idx %gather3A_1154[%add3A_894, %add3A_1149] : memref<128x128xf32, #tpu.memory_space<vmem>>[vector<16xi32>, vector<16xi32>], vector<16xf32>,
        %scatter3A_1156 = arith.constant 0 : i32
        %scatter3A_1157 = arith.constant 0 : i32
        %scatter3A_1158 = arith.constant 0 : i32
        %scatter3A_1159 = tpu.memref_slice %arg8[%scatter3A_1156, %scatter3A_1157, %scatter3A_1158] : memref<2x64x128xf32, #tpu.memory_space<vmem>> -> memref<1x64x128xf32, #tpu.memory_space<vmem>>
        %scatter3A_1160 = tpu.memref_squeeze %scatter3A_1159 : memref<1x64x128xf32, #tpu.memory_space<vmem>> -> memref<64x128xf32, #tpu.memory_space<vmem>>
        tpu.vector_store_idx %scatter3A_1160[%add3A_1149, %add3A_894], %gather3A_1155 : memref<64x128xf32, #tpu.memory_space<vmem>>[vector<16xi32>, vector<16xi32>], vector<16xf32>,
        %add3A_1161 = arith.constant 14 : i32
        %add3A_1162 = vector.broadcast %add3A_1161 : i32 to vector<16xi32>
        %add3A_1163 = arith.addi %iota3A, %add3A_1162 : vector<16xi32>
        %and3A_1164 = arith.constant 15 : i32
        %and3A_1165 = vector.broadcast %and3A_1164 : i32 to vector<16xi32>
        %and3A_1166 = arith.andi %add3A_1163, %and3A_1165 : vector<16xi32>
        %add3A_1167 = vector.broadcast %mul3A_874 : i32 to vector<16xi32>
        %add3A_1168 = arith.addi %add3A_1167, %and3A_1166 : vector<16xi32>
        %gather3A_1169 = arith.constant 0 : i32
        %gather3A_1170 = arith.constant 0 : i32
        %gather3A_1171 = arith.constant 0 : i32
        %gather3A_1172 = tpu.memref_slice %arg7[%gather3A_1169, %gather3A_1170, %gather3A_1171] : memref<2x128x128xf32, #tpu.memory_space<vmem>> -> memref<1x128x128xf32, #tpu.memory_space<vmem>>
        %gather3A_1173 = tpu.memref_squeeze %gather3A_1172 : memref<1x128x128xf32, #tpu.memory_space<vmem>> -> memref<128x128xf32, #tpu.memory_space<vmem>>
        %gather3A_1174 = tpu.vector_load_idx %gather3A_1173[%add3A_894, %add3A_1168] : memref<128x128xf32, #tpu.memory_space<vmem>>[vector<16xi32>, vector<16xi32>], vector<16xf32>,
        %scatter3A_1175 = arith.constant 0 : i32
        %scatter3A_1176 = arith.constant 0 : i32
        %scatter3A_1177 = arith.constant 0 : i32
        %scatter3A_1178 = tpu.memref_slice %arg8[%scatter3A_1175, %scatter3A_1176, %scatter3A_1177] : memref<2x64x128xf32, #tpu.memory_space<vmem>> -> memref<1x64x128xf32, #tpu.memory_space<vmem>>
        %scatter3A_1179 = tpu.memref_squeeze %scatter3A_1178 : memref<1x64x128xf32, #tpu.memory_space<vmem>> -> memref<64x128xf32, #tpu.memory_space<vmem>>
        tpu.vector_store_idx %scatter3A_1179[%add3A_1168, %add3A_894], %gather3A_1174 : memref<64x128xf32, #tpu.memory_space<vmem>>[vector<16xi32>, vector<16xi32>], vector<16xf32>,
        %add3A_1180 = arith.constant 15 : i32
        %add3A_1181 = vector.broadcast %add3A_1180 : i32 to vector<16xi32>
        %add3A_1182 = arith.addi %iota3A, %add3A_1181 : vector<16xi32>
        %and3A_1183 = arith.constant 15 : i32
        %and3A_1184 = vector.broadcast %and3A_1183 : i32 to vector<16xi32>
        %and3A_1185 = arith.andi %add3A_1182, %and3A_1184 : vector<16xi32>
        %add3A_1186 = vector.broadcast %mul3A_874 : i32 to vector<16xi32>
        %add3A_1187 = arith.addi %add3A_1186, %and3A_1185 : vector<16xi32>
        %gather3A_1188 = arith.constant 0 : i32
        %gather3A_1189 = arith.constant 0 : i32
        %gather3A_1190 = arith.constant 0 : i32
        %gather3A_1191 = tpu.memref_slice %arg7[%gather3A_1188, %gather3A_1189, %gather3A_1190] : memref<2x128x128xf32, #tpu.memory_space<vmem>> -> memref<1x128x128xf32, #tpu.memory_space<vmem>>
        %gather3A_1192 = tpu.memref_squeeze %gather3A_1191 : memref<1x128x128xf32, #tpu.memory_space<vmem>> -> memref<128x128xf32, #tpu.memory_space<vmem>>
        %gather3A_1193 = tpu.vector_load_idx %gather3A_1192[%add3A_894, %add3A_1187] : memref<128x128xf32, #tpu.memory_space<vmem>>[vector<16xi32>, vector<16xi32>], vector<16xf32>,
        %scatter3A_1194 = arith.constant 0 : i32
        %scatter3A_1195 = arith.constant 0 : i32
        %scatter3A_1196 = arith.constant 0 : i32
        %scatter3A_1197 = tpu.memref_slice %arg8[%scatter3A_1194, %scatter3A_1195, %scatter3A_1196] : memref<2x64x128xf32, #tpu.memory_space<vmem>> -> memref<1x64x128xf32, #tpu.memory_space<vmem>>
        %scatter3A_1198 = tpu.memref_squeeze %scatter3A_1197 : memref<1x64x128xf32, #tpu.memory_space<vmem>> -> memref<64x128xf32, #tpu.memory_space<vmem>>
        tpu.vector_store_idx %scatter3A_1198[%add3A_1187, %add3A_894], %gather3A_1193 : memref<64x128xf32, #tpu.memory_space<vmem>>[vector<16xi32>, vector<16xi32>], vector<16xf32>,
        %scan3A_1199 = arith.constant 3 : i32
        %scan3A_1200 = arith.addi %scan3A_143, %scan3A_1199 : i32
        %mul3A_1201 = arith.constant 1 : i32
        %mul3A_1202 = arith.muli %scan3A_1200, %mul3A_1201 : i32
        %add3A_1203 = arith.constant 0 : i32
        %add3A_1204 = arith.addi %add3A_1203, %mul3A_1202 : i32
        %jit3A_1205 = arith.constant 8 : i32
        %div3A_1206 = arith.divsi %add3A_1204, %jit3A_1205 : i32
        %sign3A_1207 = arith.constant 0 : i32
        %sign3A_1208 = arith.cmpi sgt, %add3A_1204, %sign3A_1207 : i32
        %sign3A_1209 = arith.extui %sign3A_1208 : i1 to i32
        %sign3A_1210 = arith.constant 0 : i32
        %sign3A_1211 = arith.cmpi slt, %add3A_1204, %sign3A_1210 : i32
        %sign3A_1212 = arith.extui %sign3A_1211 : i1 to i32
        %sign3A_1213 = arith.subi %sign3A_1209, %sign3A_1212 : i32
        %sign3A_1214 = arith.constant 0 : i32
        %sign3A_1215 = arith.cmpi sgt, %jit3A_1205, %sign3A_1214 : i32
        %sign3A_1216 = arith.extui %sign3A_1215 : i1 to i32
        %sign3A_1217 = arith.constant 0 : i32
        %sign3A_1218 = arith.cmpi slt, %jit3A_1205, %sign3A_1217 : i32
        %sign3A_1219 = arith.extui %sign3A_1218 : i1 to i32
        %sign3A_1220 = arith.subi %sign3A_1216, %sign3A_1219 : i32
        %ne3A_1221 = arith.cmpi ne, %sign3A_1213, %sign3A_1220 : i32
        %rem3A_1222 = arith.remsi %add3A_1204, %jit3A_1205 : i32
        %ne3A_1223 = arith.constant 0 : i32
        %ne3A_1224 = arith.cmpi ne, %rem3A_1222, %ne3A_1223 : i32
        %and3A_1225 = arith.andi %ne3A_1221, %ne3A_1224 : i1
        %sub3A_1226 = arith.constant 1 : i32
        %sub3A_1227 = arith.subi %div3A_1206, %sub3A_1226 : i32
        %select_n3A_1228 = arith.select %and3A_1225, %sub3A_1227, %div3A_1206 : i32
        %mul3A_1229 = arith.constant 16 : i32
        %mul3A_1230 = arith.muli %select_n3A_1228, %mul3A_1229 : i32
        %jit3A_1231 = arith.constant 8 : i32
        %eq3A_1232 = arith.constant 0 : i32
        %eq3A_1233 = arith.cmpi eq, %jit3A_1231, %eq3A_1232 : i32
        %jit3A_1234 = arith.constant 1 : i32
        %select_n3A_1235 = arith.select %eq3A_1233, %jit3A_1234, %jit3A_1231 : i32
        %rem3A_1236 = arith.remsi %add3A_1204, %select_n3A_1235 : i32
        %ne3A_1237 = arith.constant 0 : i32
        %ne3A_1238 = arith.cmpi ne, %rem3A_1236, %ne3A_1237 : i32
        %lt3A_1239 = arith.constant 0 : i32
        %lt3A_1240 = arith.cmpi slt, %rem3A_1236, %lt3A_1239 : i32
        %lt3A_1241 = arith.constant 0 : i32
        %lt3A_1242 = arith.cmpi slt, %select_n3A_1235, %lt3A_1241 : i32
        %ne3A_1243 = arith.xori %lt3A_1240, %lt3A_1242 : i1
        %and3A_1244 = arith.andi %ne3A_1243, %ne3A_1238 : i1
        %add3A_1245 = arith.addi %rem3A_1236, %select_n3A_1235 : i32
        %select_n3A_1246 = arith.select %and3A_1244, %add3A_1245, %rem3A_1236 : i32
        %mul3A_1247 = arith.constant 16 : i32
        %mul3A_1248 = arith.muli %select_n3A_1246, %mul3A_1247 : i32
        %add3A_1249 = vector.broadcast %mul3A_1248 : i32 to vector<16xi32>
        %add3A_1250 = arith.addi %add3A_1249, %iota3A : vector<16xi32>
        %add3A_1251 = arith.constant 0 : i32
        %add3A_1252 = vector.broadcast %add3A_1251 : i32 to vector<16xi32>
        %add3A_1253 = arith.addi %iota3A, %add3A_1252 : vector<16xi32>
        %and3A_1254 = arith.constant 15 : i32
        %and3A_1255 = vector.broadcast %and3A_1254 : i32 to vector<16xi32>
        %and3A_1256 = arith.andi %add3A_1253, %and3A_1255 : vector<16xi32>
        %add3A_1257 = vector.broadcast %mul3A_1230 : i32 to vector<16xi32>
        %add3A_1258 = arith.addi %add3A_1257, %and3A_1256 : vector<16xi32>
        %gather3A_1259 = arith.constant 0 : i32
        %gather3A_1260 = arith.constant 0 : i32
        %gather3A_1261 = arith.constant 0 : i32
        %gather3A_1262 = tpu.memref_slice %arg7[%gather3A_1259, %gather3A_1260, %gather3A_1261] : memref<2x128x128xf32, #tpu.memory_space<vmem>> -> memref<1x128x128xf32, #tpu.memory_space<vmem>>
        %gather3A_1263 = tpu.memref_squeeze %gather3A_1262 : memref<1x128x128xf32, #tpu.memory_space<vmem>> -> memref<128x128xf32, #tpu.memory_space<vmem>>
        %gather3A_1264 = tpu.vector_load_idx %gather3A_1263[%add3A_1250, %add3A_1258] : memref<128x128xf32, #tpu.memory_space<vmem>>[vector<16xi32>, vector<16xi32>], vector<16xf32>,
        %scatter3A_1265 = arith.constant 0 : i32
        %scatter3A_1266 = arith.constant 0 : i32
        %scatter3A_1267 = arith.constant 0 : i32
        %scatter3A_1268 = tpu.memref_slice %arg8[%scatter3A_1265, %scatter3A_1266, %scatter3A_1267] : memref<2x64x128xf32, #tpu.memory_space<vmem>> -> memref<1x64x128xf32, #tpu.memory_space<vmem>>
        %scatter3A_1269 = tpu.memref_squeeze %scatter3A_1268 : memref<1x64x128xf32, #tpu.memory_space<vmem>> -> memref<64x128xf32, #tpu.memory_space<vmem>>
        tpu.vector_store_idx %scatter3A_1269[%add3A_1258, %add3A_1250], %gather3A_1264 : memref<64x128xf32, #tpu.memory_space<vmem>>[vector<16xi32>, vector<16xi32>], vector<16xf32>,
        %add3A_1270 = arith.constant 1 : i32
        %add3A_1271 = vector.broadcast %add3A_1270 : i32 to vector<16xi32>
        %add3A_1272 = arith.addi %iota3A, %add3A_1271 : vector<16xi32>
        %and3A_1273 = arith.constant 15 : i32
        %and3A_1274 = vector.broadcast %and3A_1273 : i32 to vector<16xi32>
        %and3A_1275 = arith.andi %add3A_1272, %and3A_1274 : vector<16xi32>
        %add3A_1276 = vector.broadcast %mul3A_1230 : i32 to vector<16xi32>
        %add3A_1277 = arith.addi %add3A_1276, %and3A_1275 : vector<16xi32>
        %gather3A_1278 = arith.constant 0 : i32
        %gather3A_1279 = arith.constant 0 : i32
        %gather3A_1280 = arith.constant 0 : i32
        %gather3A_1281 = tpu.memref_slice %arg7[%gather3A_1278, %gather3A_1279, %gather3A_1280] : memref<2x128x128xf32, #tpu.memory_space<vmem>> -> memref<1x128x128xf32, #tpu.memory_space<vmem>>
        %gather3A_1282 = tpu.memref_squeeze %gather3A_1281 : memref<1x128x128xf32, #tpu.memory_space<vmem>> -> memref<128x128xf32, #tpu.memory_space<vmem>>
        %gather3A_1283 = tpu.vector_load_idx %gather3A_1282[%add3A_1250, %add3A_1277] : memref<128x128xf32, #tpu.memory_space<vmem>>[vector<16xi32>, vector<16xi32>], vector<16xf32>,
        %scatter3A_1284 = arith.constant 0 : i32
        %scatter3A_1285 = arith.constant 0 : i32
        %scatter3A_1286 = arith.constant 0 : i32
        %scatter3A_1287 = tpu.memref_slice %arg8[%scatter3A_1284, %scatter3A_1285, %scatter3A_1286] : memref<2x64x128xf32, #tpu.memory_space<vmem>> -> memref<1x64x128xf32, #tpu.memory_space<vmem>>
        %scatter3A_1288 = tpu.memref_squeeze %scatter3A_1287 : memref<1x64x128xf32, #tpu.memory_space<vmem>> -> memref<64x128xf32, #tpu.memory_space<vmem>>
        tpu.vector_store_idx %scatter3A_1288[%add3A_1277, %add3A_1250], %gather3A_1283 : memref<64x128xf32, #tpu.memory_space<vmem>>[vector<16xi32>, vector<16xi32>], vector<16xf32>,
        %add3A_1289 = arith.constant 2 : i32
        %add3A_1290 = vector.broadcast %add3A_1289 : i32 to vector<16xi32>
        %add3A_1291 = arith.addi %iota3A, %add3A_1290 : vector<16xi32>
        %and3A_1292 = arith.constant 15 : i32
        %and3A_1293 = vector.broadcast %and3A_1292 : i32 to vector<16xi32>
        %and3A_1294 = arith.andi %add3A_1291, %and3A_1293 : vector<16xi32>
        %add3A_1295 = vector.broadcast %mul3A_1230 : i32 to vector<16xi32>
        %add3A_1296 = arith.addi %add3A_1295, %and3A_1294 : vector<16xi32>
        %gather3A_1297 = arith.constant 0 : i32
        %gather3A_1298 = arith.constant 0 : i32
        %gather3A_1299 = arith.constant 0 : i32
        %gather3A_1300 = tpu.memref_slice %arg7[%gather3A_1297, %gather3A_1298, %gather3A_1299] : memref<2x128x128xf32, #tpu.memory_space<vmem>> -> memref<1x128x128xf32, #tpu.memory_space<vmem>>
        %gather3A_1301 = tpu.memref_squeeze %gather3A_1300 : memref<1x128x128xf32, #tpu.memory_space<vmem>> -> memref<128x128xf32, #tpu.memory_space<vmem>>
        %gather3A_1302 = tpu.vector_load_idx %gather3A_1301[%add3A_1250, %add3A_1296] : memref<128x128xf32, #tpu.memory_space<vmem>>[vector<16xi32>, vector<16xi32>], vector<16xf32>,
        %scatter3A_1303 = arith.constant 0 : i32
        %scatter3A_1304 = arith.constant 0 : i32
        %scatter3A_1305 = arith.constant 0 : i32
        %scatter3A_1306 = tpu.memref_slice %arg8[%scatter3A_1303, %scatter3A_1304, %scatter3A_1305] : memref<2x64x128xf32, #tpu.memory_space<vmem>> -> memref<1x64x128xf32, #tpu.memory_space<vmem>>
        %scatter3A_1307 = tpu.memref_squeeze %scatter3A_1306 : memref<1x64x128xf32, #tpu.memory_space<vmem>> -> memref<64x128xf32, #tpu.memory_space<vmem>>
        tpu.vector_store_idx %scatter3A_1307[%add3A_1296, %add3A_1250], %gather3A_1302 : memref<64x128xf32, #tpu.memory_space<vmem>>[vector<16xi32>, vector<16xi32>], vector<16xf32>,
        %add3A_1308 = arith.constant 3 : i32
        %add3A_1309 = vector.broadcast %add3A_1308 : i32 to vector<16xi32>
        %add3A_1310 = arith.addi %iota3A, %add3A_1309 : vector<16xi32>
        %and3A_1311 = arith.constant 15 : i32
        %and3A_1312 = vector.broadcast %and3A_1311 : i32 to vector<16xi32>
        %and3A_1313 = arith.andi %add3A_1310, %and3A_1312 : vector<16xi32>
        %add3A_1314 = vector.broadcast %mul3A_1230 : i32 to vector<16xi32>
        %add3A_1315 = arith.addi %add3A_1314, %and3A_1313 : vector<16xi32>
        %gather3A_1316 = arith.constant 0 : i32
        %gather3A_1317 = arith.constant 0 : i32
        %gather3A_1318 = arith.constant 0 : i32
        %gather3A_1319 = tpu.memref_slice %arg7[%gather3A_1316, %gather3A_1317, %gather3A_1318] : memref<2x128x128xf32, #tpu.memory_space<vmem>> -> memref<1x128x128xf32, #tpu.memory_space<vmem>>
        %gather3A_1320 = tpu.memref_squeeze %gather3A_1319 : memref<1x128x128xf32, #tpu.memory_space<vmem>> -> memref<128x128xf32, #tpu.memory_space<vmem>>
        %gather3A_1321 = tpu.vector_load_idx %gather3A_1320[%add3A_1250, %add3A_1315] : memref<128x128xf32, #tpu.memory_space<vmem>>[vector<16xi32>, vector<16xi32>], vector<16xf32>,
        %scatter3A_1322 = arith.constant 0 : i32
        %scatter3A_1323 = arith.constant 0 : i32
        %scatter3A_1324 = arith.constant 0 : i32
        %scatter3A_1325 = tpu.memref_slice %arg8[%scatter3A_1322, %scatter3A_1323, %scatter3A_1324] : memref<2x64x128xf32, #tpu.memory_space<vmem>> -> memref<1x64x128xf32, #tpu.memory_space<vmem>>
        %scatter3A_1326 = tpu.memref_squeeze %scatter3A_1325 : memref<1x64x128xf32, #tpu.memory_space<vmem>> -> memref<64x128xf32, #tpu.memory_space<vmem>>
        tpu.vector_store_idx %scatter3A_1326[%add3A_1315, %add3A_1250], %gather3A_1321 : memref<64x128xf32, #tpu.memory_space<vmem>>[vector<16xi32>, vector<16xi32>], vector<16xf32>,
        %add3A_1327 = arith.constant 4 : i32
        %add3A_1328 = vector.broadcast %add3A_1327 : i32 to vector<16xi32>
        %add3A_1329 = arith.addi %iota3A, %add3A_1328 : vector<16xi32>
        %and3A_1330 = arith.constant 15 : i32
        %and3A_1331 = vector.broadcast %and3A_1330 : i32 to vector<16xi32>
        %and3A_1332 = arith.andi %add3A_1329, %and3A_1331 : vector<16xi32>
        %add3A_1333 = vector.broadcast %mul3A_1230 : i32 to vector<16xi32>
        %add3A_1334 = arith.addi %add3A_1333, %and3A_1332 : vector<16xi32>
        %gather3A_1335 = arith.constant 0 : i32
        %gather3A_1336 = arith.constant 0 : i32
        %gather3A_1337 = arith.constant 0 : i32
        %gather3A_1338 = tpu.memref_slice %arg7[%gather3A_1335, %gather3A_1336, %gather3A_1337] : memref<2x128x128xf32, #tpu.memory_space<vmem>> -> memref<1x128x128xf32, #tpu.memory_space<vmem>>
        %gather3A_1339 = tpu.memref_squeeze %gather3A_1338 : memref<1x128x128xf32, #tpu.memory_space<vmem>> -> memref<128x128xf32, #tpu.memory_space<vmem>>
        %gather3A_1340 = tpu.vector_load_idx %gather3A_1339[%add3A_1250, %add3A_1334] : memref<128x128xf32, #tpu.memory_space<vmem>>[vector<16xi32>, vector<16xi32>], vector<16xf32>,
        %scatter3A_1341 = arith.constant 0 : i32
        %scatter3A_1342 = arith.constant 0 : i32
        %scatter3A_1343 = arith.constant 0 : i32
        %scatter3A_1344 = tpu.memref_slice %arg8[%scatter3A_1341, %scatter3A_1342, %scatter3A_1343] : memref<2x64x128xf32, #tpu.memory_space<vmem>> -> memref<1x64x128xf32, #tpu.memory_space<vmem>>
        %scatter3A_1345 = tpu.memref_squeeze %scatter3A_1344 : memref<1x64x128xf32, #tpu.memory_space<vmem>> -> memref<64x128xf32, #tpu.memory_space<vmem>>
        tpu.vector_store_idx %scatter3A_1345[%add3A_1334, %add3A_1250], %gather3A_1340 : memref<64x128xf32, #tpu.memory_space<vmem>>[vector<16xi32>, vector<16xi32>], vector<16xf32>,
        %add3A_1346 = arith.constant 5 : i32
        %add3A_1347 = vector.broadcast %add3A_1346 : i32 to vector<16xi32>
        %add3A_1348 = arith.addi %iota3A, %add3A_1347 : vector<16xi32>
        %and3A_1349 = arith.constant 15 : i32
        %and3A_1350 = vector.broadcast %and3A_1349 : i32 to vector<16xi32>
        %and3A_1351 = arith.andi %add3A_1348, %and3A_1350 : vector<16xi32>
        %add3A_1352 = vector.broadcast %mul3A_1230 : i32 to vector<16xi32>
        %add3A_1353 = arith.addi %add3A_1352, %and3A_1351 : vector<16xi32>
        %gather3A_1354 = arith.constant 0 : i32
        %gather3A_1355 = arith.constant 0 : i32
        %gather3A_1356 = arith.constant 0 : i32
        %gather3A_1357 = tpu.memref_slice %arg7[%gather3A_1354, %gather3A_1355, %gather3A_1356] : memref<2x128x128xf32, #tpu.memory_space<vmem>> -> memref<1x128x128xf32, #tpu.memory_space<vmem>>
        %gather3A_1358 = tpu.memref_squeeze %gather3A_1357 : memref<1x128x128xf32, #tpu.memory_space<vmem>> -> memref<128x128xf32, #tpu.memory_space<vmem>>
        %gather3A_1359 = tpu.vector_load_idx %gather3A_1358[%add3A_1250, %add3A_1353] : memref<128x128xf32, #tpu.memory_space<vmem>>[vector<16xi32>, vector<16xi32>], vector<16xf32>,
        %scatter3A_1360 = arith.constant 0 : i32
        %scatter3A_1361 = arith.constant 0 : i32
        %scatter3A_1362 = arith.constant 0 : i32
        %scatter3A_1363 = tpu.memref_slice %arg8[%scatter3A_1360, %scatter3A_1361, %scatter3A_1362] : memref<2x64x128xf32, #tpu.memory_space<vmem>> -> memref<1x64x128xf32, #tpu.memory_space<vmem>>
        %scatter3A_1364 = tpu.memref_squeeze %scatter3A_1363 : memref<1x64x128xf32, #tpu.memory_space<vmem>> -> memref<64x128xf32, #tpu.memory_space<vmem>>
        tpu.vector_store_idx %scatter3A_1364[%add3A_1353, %add3A_1250], %gather3A_1359 : memref<64x128xf32, #tpu.memory_space<vmem>>[vector<16xi32>, vector<16xi32>], vector<16xf32>,
        %add3A_1365 = arith.constant 6 : i32
        %add3A_1366 = vector.broadcast %add3A_1365 : i32 to vector<16xi32>
        %add3A_1367 = arith.addi %iota3A, %add3A_1366 : vector<16xi32>
        %and3A_1368 = arith.constant 15 : i32
        %and3A_1369 = vector.broadcast %and3A_1368 : i32 to vector<16xi32>
        %and3A_1370 = arith.andi %add3A_1367, %and3A_1369 : vector<16xi32>
        %add3A_1371 = vector.broadcast %mul3A_1230 : i32 to vector<16xi32>
        %add3A_1372 = arith.addi %add3A_1371, %and3A_1370 : vector<16xi32>
        %gather3A_1373 = arith.constant 0 : i32
        %gather3A_1374 = arith.constant 0 : i32
        %gather3A_1375 = arith.constant 0 : i32
        %gather3A_1376 = tpu.memref_slice %arg7[%gather3A_1373, %gather3A_1374, %gather3A_1375] : memref<2x128x128xf32, #tpu.memory_space<vmem>> -> memref<1x128x128xf32, #tpu.memory_space<vmem>>
        %gather3A_1377 = tpu.memref_squeeze %gather3A_1376 : memref<1x128x128xf32, #tpu.memory_space<vmem>> -> memref<128x128xf32, #tpu.memory_space<vmem>>
        %gather3A_1378 = tpu.vector_load_idx %gather3A_1377[%add3A_1250, %add3A_1372] : memref<128x128xf32, #tpu.memory_space<vmem>>[vector<16xi32>, vector<16xi32>], vector<16xf32>,
        %scatter3A_1379 = arith.constant 0 : i32
        %scatter3A_1380 = arith.constant 0 : i32
        %scatter3A_1381 = arith.constant 0 : i32
        %scatter3A_1382 = tpu.memref_slice %arg8[%scatter3A_1379, %scatter3A_1380, %scatter3A_1381] : memref<2x64x128xf32, #tpu.memory_space<vmem>> -> memref<1x64x128xf32, #tpu.memory_space<vmem>>
        %scatter3A_1383 = tpu.memref_squeeze %scatter3A_1382 : memref<1x64x128xf32, #tpu.memory_space<vmem>> -> memref<64x128xf32, #tpu.memory_space<vmem>>
        tpu.vector_store_idx %scatter3A_1383[%add3A_1372, %add3A_1250], %gather3A_1378 : memref<64x128xf32, #tpu.memory_space<vmem>>[vector<16xi32>, vector<16xi32>], vector<16xf32>,
        %add3A_1384 = arith.constant 7 : i32
        %add3A_1385 = vector.broadcast %add3A_1384 : i32 to vector<16xi32>
        %add3A_1386 = arith.addi %iota3A, %add3A_1385 : vector<16xi32>
        %and3A_1387 = arith.constant 15 : i32
        %and3A_1388 = vector.broadcast %and3A_1387 : i32 to vector<16xi32>
        %and3A_1389 = arith.andi %add3A_1386, %and3A_1388 : vector<16xi32>
        %add3A_1390 = vector.broadcast %mul3A_1230 : i32 to vector<16xi32>
        %add3A_1391 = arith.addi %add3A_1390, %and3A_1389 : vector<16xi32>
        %gather3A_1392 = arith.constant 0 : i32
        %gather3A_1393 = arith.constant 0 : i32
        %gather3A_1394 = arith.constant 0 : i32
        %gather3A_1395 = tpu.memref_slice %arg7[%gather3A_1392, %gather3A_1393, %gather3A_1394] : memref<2x128x128xf32, #tpu.memory_space<vmem>> -> memref<1x128x128xf32, #tpu.memory_space<vmem>>
        %gather3A_1396 = tpu.memref_squeeze %gather3A_1395 : memref<1x128x128xf32, #tpu.memory_space<vmem>> -> memref<128x128xf32, #tpu.memory_space<vmem>>
        %gather3A_1397 = tpu.vector_load_idx %gather3A_1396[%add3A_1250, %add3A_1391] : memref<128x128xf32, #tpu.memory_space<vmem>>[vector<16xi32>, vector<16xi32>], vector<16xf32>,
        %scatter3A_1398 = arith.constant 0 : i32
        %scatter3A_1399 = arith.constant 0 : i32
        %scatter3A_1400 = arith.constant 0 : i32
        %scatter3A_1401 = tpu.memref_slice %arg8[%scatter3A_1398, %scatter3A_1399, %scatter3A_1400] : memref<2x64x128xf32, #tpu.memory_space<vmem>> -> memref<1x64x128xf32, #tpu.memory_space<vmem>>
        %scatter3A_1402 = tpu.memref_squeeze %scatter3A_1401 : memref<1x64x128xf32, #tpu.memory_space<vmem>> -> memref<64x128xf32, #tpu.memory_space<vmem>>
        tpu.vector_store_idx %scatter3A_1402[%add3A_1391, %add3A_1250], %gather3A_1397 : memref<64x128xf32, #tpu.memory_space<vmem>>[vector<16xi32>, vector<16xi32>], vector<16xf32>,
        %add3A_1403 = arith.constant 8 : i32
        %add3A_1404 = vector.broadcast %add3A_1403 : i32 to vector<16xi32>
        %add3A_1405 = arith.addi %iota3A, %add3A_1404 : vector<16xi32>
        %and3A_1406 = arith.constant 15 : i32
        %and3A_1407 = vector.broadcast %and3A_1406 : i32 to vector<16xi32>
        %and3A_1408 = arith.andi %add3A_1405, %and3A_1407 : vector<16xi32>
        %add3A_1409 = vector.broadcast %mul3A_1230 : i32 to vector<16xi32>
        %add3A_1410 = arith.addi %add3A_1409, %and3A_1408 : vector<16xi32>
        %gather3A_1411 = arith.constant 0 : i32
        %gather3A_1412 = arith.constant 0 : i32
        %gather3A_1413 = arith.constant 0 : i32
        %gather3A_1414 = tpu.memref_slice %arg7[%gather3A_1411, %gather3A_1412, %gather3A_1413] : memref<2x128x128xf32, #tpu.memory_space<vmem>> -> memref<1x128x128xf32, #tpu.memory_space<vmem>>
        %gather3A_1415 = tpu.memref_squeeze %gather3A_1414 : memref<1x128x128xf32, #tpu.memory_space<vmem>> -> memref<128x128xf32, #tpu.memory_space<vmem>>
        %gather3A_1416 = tpu.vector_load_idx %gather3A_1415[%add3A_1250, %add3A_1410] : memref<128x128xf32, #tpu.memory_space<vmem>>[vector<16xi32>, vector<16xi32>], vector<16xf32>,
        %scatter3A_1417 = arith.constant 0 : i32
        %scatter3A_1418 = arith.constant 0 : i32
        %scatter3A_1419 = arith.constant 0 : i32
        %scatter3A_1420 = tpu.memref_slice %arg8[%scatter3A_1417, %scatter3A_1418, %scatter3A_1419] : memref<2x64x128xf32, #tpu.memory_space<vmem>> -> memref<1x64x128xf32, #tpu.memory_space<vmem>>
        %scatter3A_1421 = tpu.memref_squeeze %scatter3A_1420 : memref<1x64x128xf32, #tpu.memory_space<vmem>> -> memref<64x128xf32, #tpu.memory_space<vmem>>
        tpu.vector_store_idx %scatter3A_1421[%add3A_1410, %add3A_1250], %gather3A_1416 : memref<64x128xf32, #tpu.memory_space<vmem>>[vector<16xi32>, vector<16xi32>], vector<16xf32>,
        %add3A_1422 = arith.constant 9 : i32
        %add3A_1423 = vector.broadcast %add3A_1422 : i32 to vector<16xi32>
        %add3A_1424 = arith.addi %iota3A, %add3A_1423 : vector<16xi32>
        %and3A_1425 = arith.constant 15 : i32
        %and3A_1426 = vector.broadcast %and3A_1425 : i32 to vector<16xi32>
        %and3A_1427 = arith.andi %add3A_1424, %and3A_1426 : vector<16xi32>
        %add3A_1428 = vector.broadcast %mul3A_1230 : i32 to vector<16xi32>
        %add3A_1429 = arith.addi %add3A_1428, %and3A_1427 : vector<16xi32>
        %gather3A_1430 = arith.constant 0 : i32
        %gather3A_1431 = arith.constant 0 : i32
        %gather3A_1432 = arith.constant 0 : i32
        %gather3A_1433 = tpu.memref_slice %arg7[%gather3A_1430, %gather3A_1431, %gather3A_1432] : memref<2x128x128xf32, #tpu.memory_space<vmem>> -> memref<1x128x128xf32, #tpu.memory_space<vmem>>
        %gather3A_1434 = tpu.memref_squeeze %gather3A_1433 : memref<1x128x128xf32, #tpu.memory_space<vmem>> -> memref<128x128xf32, #tpu.memory_space<vmem>>
        %gather3A_1435 = tpu.vector_load_idx %gather3A_1434[%add3A_1250, %add3A_1429] : memref<128x128xf32, #tpu.memory_space<vmem>>[vector<16xi32>, vector<16xi32>], vector<16xf32>,
        %scatter3A_1436 = arith.constant 0 : i32
        %scatter3A_1437 = arith.constant 0 : i32
        %scatter3A_1438 = arith.constant 0 : i32
        %scatter3A_1439 = tpu.memref_slice %arg8[%scatter3A_1436, %scatter3A_1437, %scatter3A_1438] : memref<2x64x128xf32, #tpu.memory_space<vmem>> -> memref<1x64x128xf32, #tpu.memory_space<vmem>>
        %scatter3A_1440 = tpu.memref_squeeze %scatter3A_1439 : memref<1x64x128xf32, #tpu.memory_space<vmem>> -> memref<64x128xf32, #tpu.memory_space<vmem>>
        tpu.vector_store_idx %scatter3A_1440[%add3A_1429, %add3A_1250], %gather3A_1435 : memref<64x128xf32, #tpu.memory_space<vmem>>[vector<16xi32>, vector<16xi32>], vector<16xf32>,
        %add3A_1441 = arith.constant 10 : i32
        %add3A_1442 = vector.broadcast %add3A_1441 : i32 to vector<16xi32>
        %add3A_1443 = arith.addi %iota3A, %add3A_1442 : vector<16xi32>
        %and3A_1444 = arith.constant 15 : i32
        %and3A_1445 = vector.broadcast %and3A_1444 : i32 to vector<16xi32>
        %and3A_1446 = arith.andi %add3A_1443, %and3A_1445 : vector<16xi32>
        %add3A_1447 = vector.broadcast %mul3A_1230 : i32 to vector<16xi32>
        %add3A_1448 = arith.addi %add3A_1447, %and3A_1446 : vector<16xi32>
        %gather3A_1449 = arith.constant 0 : i32
        %gather3A_1450 = arith.constant 0 : i32
        %gather3A_1451 = arith.constant 0 : i32
        %gather3A_1452 = tpu.memref_slice %arg7[%gather3A_1449, %gather3A_1450, %gather3A_1451] : memref<2x128x128xf32, #tpu.memory_space<vmem>> -> memref<1x128x128xf32, #tpu.memory_space<vmem>>
        %gather3A_1453 = tpu.memref_squeeze %gather3A_1452 : memref<1x128x128xf32, #tpu.memory_space<vmem>> -> memref<128x128xf32, #tpu.memory_space<vmem>>
        %gather3A_1454 = tpu.vector_load_idx %gather3A_1453[%add3A_1250, %add3A_1448] : memref<128x128xf32, #tpu.memory_space<vmem>>[vector<16xi32>, vector<16xi32>], vector<16xf32>,
        %scatter3A_1455 = arith.constant 0 : i32
        %scatter3A_1456 = arith.constant 0 : i32
        %scatter3A_1457 = arith.constant 0 : i32
        %scatter3A_1458 = tpu.memref_slice %arg8[%scatter3A_1455, %scatter3A_1456, %scatter3A_1457] : memref<2x64x128xf32, #tpu.memory_space<vmem>> -> memref<1x64x128xf32, #tpu.memory_space<vmem>>
        %scatter3A_1459 = tpu.memref_squeeze %scatter3A_1458 : memref<1x64x128xf32, #tpu.memory_space<vmem>> -> memref<64x128xf32, #tpu.memory_space<vmem>>
        tpu.vector_store_idx %scatter3A_1459[%add3A_1448, %add3A_1250], %gather3A_1454 : memref<64x128xf32, #tpu.memory_space<vmem>>[vector<16xi32>, vector<16xi32>], vector<16xf32>,
        %add3A_1460 = arith.constant 11 : i32
        %add3A_1461 = vector.broadcast %add3A_1460 : i32 to vector<16xi32>
        %add3A_1462 = arith.addi %iota3A, %add3A_1461 : vector<16xi32>
        %and3A_1463 = arith.constant 15 : i32
        %and3A_1464 = vector.broadcast %and3A_1463 : i32 to vector<16xi32>
        %and3A_1465 = arith.andi %add3A_1462, %and3A_1464 : vector<16xi32>
        %add3A_1466 = vector.broadcast %mul3A_1230 : i32 to vector<16xi32>
        %add3A_1467 = arith.addi %add3A_1466, %and3A_1465 : vector<16xi32>
        %gather3A_1468 = arith.constant 0 : i32
        %gather3A_1469 = arith.constant 0 : i32
        %gather3A_1470 = arith.constant 0 : i32
        %gather3A_1471 = tpu.memref_slice %arg7[%gather3A_1468, %gather3A_1469, %gather3A_1470] : memref<2x128x128xf32, #tpu.memory_space<vmem>> -> memref<1x128x128xf32, #tpu.memory_space<vmem>>
        %gather3A_1472 = tpu.memref_squeeze %gather3A_1471 : memref<1x128x128xf32, #tpu.memory_space<vmem>> -> memref<128x128xf32, #tpu.memory_space<vmem>>
        %gather3A_1473 = tpu.vector_load_idx %gather3A_1472[%add3A_1250, %add3A_1467] : memref<128x128xf32, #tpu.memory_space<vmem>>[vector<16xi32>, vector<16xi32>], vector<16xf32>,
        %scatter3A_1474 = arith.constant 0 : i32
        %scatter3A_1475 = arith.constant 0 : i32
        %scatter3A_1476 = arith.constant 0 : i32
        %scatter3A_1477 = tpu.memref_slice %arg8[%scatter3A_1474, %scatter3A_1475, %scatter3A_1476] : memref<2x64x128xf32, #tpu.memory_space<vmem>> -> memref<1x64x128xf32, #tpu.memory_space<vmem>>
        %scatter3A_1478 = tpu.memref_squeeze %scatter3A_1477 : memref<1x64x128xf32, #tpu.memory_space<vmem>> -> memref<64x128xf32, #tpu.memory_space<vmem>>
        tpu.vector_store_idx %scatter3A_1478[%add3A_1467, %add3A_1250], %gather3A_1473 : memref<64x128xf32, #tpu.memory_space<vmem>>[vector<16xi32>, vector<16xi32>], vector<16xf32>,
        %add3A_1479 = arith.constant 12 : i32
        %add3A_1480 = vector.broadcast %add3A_1479 : i32 to vector<16xi32>
        %add3A_1481 = arith.addi %iota3A, %add3A_1480 : vector<16xi32>
        %and3A_1482 = arith.constant 15 : i32
        %and3A_1483 = vector.broadcast %and3A_1482 : i32 to vector<16xi32>
        %and3A_1484 = arith.andi %add3A_1481, %and3A_1483 : vector<16xi32>
        %add3A_1485 = vector.broadcast %mul3A_1230 : i32 to vector<16xi32>
        %add3A_1486 = arith.addi %add3A_1485, %and3A_1484 : vector<16xi32>
        %gather3A_1487 = arith.constant 0 : i32
        %gather3A_1488 = arith.constant 0 : i32
        %gather3A_1489 = arith.constant 0 : i32
        %gather3A_1490 = tpu.memref_slice %arg7[%gather3A_1487, %gather3A_1488, %gather3A_1489] : memref<2x128x128xf32, #tpu.memory_space<vmem>> -> memref<1x128x128xf32, #tpu.memory_space<vmem>>
        %gather3A_1491 = tpu.memref_squeeze %gather3A_1490 : memref<1x128x128xf32, #tpu.memory_space<vmem>> -> memref<128x128xf32, #tpu.memory_space<vmem>>
        %gather3A_1492 = tpu.vector_load_idx %gather3A_1491[%add3A_1250, %add3A_1486] : memref<128x128xf32, #tpu.memory_space<vmem>>[vector<16xi32>, vector<16xi32>], vector<16xf32>,
        %scatter3A_1493 = arith.constant 0 : i32
        %scatter3A_1494 = arith.constant 0 : i32
        %scatter3A_1495 = arith.constant 0 : i32
        %scatter3A_1496 = tpu.memref_slice %arg8[%scatter3A_1493, %scatter3A_1494, %scatter3A_1495] : memref<2x64x128xf32, #tpu.memory_space<vmem>> -> memref<1x64x128xf32, #tpu.memory_space<vmem>>
        %scatter3A_1497 = tpu.memref_squeeze %scatter3A_1496 : memref<1x64x128xf32, #tpu.memory_space<vmem>> -> memref<64x128xf32, #tpu.memory_space<vmem>>
        tpu.vector_store_idx %scatter3A_1497[%add3A_1486, %add3A_1250], %gather3A_1492 : memref<64x128xf32, #tpu.memory_space<vmem>>[vector<16xi32>, vector<16xi32>], vector<16xf32>,
        %add3A_1498 = arith.constant 13 : i32
        %add3A_1499 = vector.broadcast %add3A_1498 : i32 to vector<16xi32>
        %add3A_1500 = arith.addi %iota3A, %add3A_1499 : vector<16xi32>
        %and3A_1501 = arith.constant 15 : i32
        %and3A_1502 = vector.broadcast %and3A_1501 : i32 to vector<16xi32>
        %and3A_1503 = arith.andi %add3A_1500, %and3A_1502 : vector<16xi32>
        %add3A_1504 = vector.broadcast %mul3A_1230 : i32 to vector<16xi32>
        %add3A_1505 = arith.addi %add3A_1504, %and3A_1503 : vector<16xi32>
        %gather3A_1506 = arith.constant 0 : i32
        %gather3A_1507 = arith.constant 0 : i32
        %gather3A_1508 = arith.constant 0 : i32
        %gather3A_1509 = tpu.memref_slice %arg7[%gather3A_1506, %gather3A_1507, %gather3A_1508] : memref<2x128x128xf32, #tpu.memory_space<vmem>> -> memref<1x128x128xf32, #tpu.memory_space<vmem>>
        %gather3A_1510 = tpu.memref_squeeze %gather3A_1509 : memref<1x128x128xf32, #tpu.memory_space<vmem>> -> memref<128x128xf32, #tpu.memory_space<vmem>>
        %gather3A_1511 = tpu.vector_load_idx %gather3A_1510[%add3A_1250, %add3A_1505] : memref<128x128xf32, #tpu.memory_space<vmem>>[vector<16xi32>, vector<16xi32>], vector<16xf32>,
        %scatter3A_1512 = arith.constant 0 : i32
        %scatter3A_1513 = arith.constant 0 : i32
        %scatter3A_1514 = arith.constant 0 : i32
        %scatter3A_1515 = tpu.memref_slice %arg8[%scatter3A_1512, %scatter3A_1513, %scatter3A_1514] : memref<2x64x128xf32, #tpu.memory_space<vmem>> -> memref<1x64x128xf32, #tpu.memory_space<vmem>>
        %scatter3A_1516 = tpu.memref_squeeze %scatter3A_1515 : memref<1x64x128xf32, #tpu.memory_space<vmem>> -> memref<64x128xf32, #tpu.memory_space<vmem>>
        tpu.vector_store_idx %scatter3A_1516[%add3A_1505, %add3A_1250], %gather3A_1511 : memref<64x128xf32, #tpu.memory_space<vmem>>[vector<16xi32>, vector<16xi32>], vector<16xf32>,
        %add3A_1517 = arith.constant 14 : i32
        %add3A_1518 = vector.broadcast %add3A_1517 : i32 to vector<16xi32>
        %add3A_1519 = arith.addi %iota3A, %add3A_1518 : vector<16xi32>
        %and3A_1520 = arith.constant 15 : i32
        %and3A_1521 = vector.broadcast %and3A_1520 : i32 to vector<16xi32>
        %and3A_1522 = arith.andi %add3A_1519, %and3A_1521 : vector<16xi32>
        %add3A_1523 = vector.broadcast %mul3A_1230 : i32 to vector<16xi32>
        %add3A_1524 = arith.addi %add3A_1523, %and3A_1522 : vector<16xi32>
        %gather3A_1525 = arith.constant 0 : i32
        %gather3A_1526 = arith.constant 0 : i32
        %gather3A_1527 = arith.constant 0 : i32
        %gather3A_1528 = tpu.memref_slice %arg7[%gather3A_1525, %gather3A_1526, %gather3A_1527] : memref<2x128x128xf32, #tpu.memory_space<vmem>> -> memref<1x128x128xf32, #tpu.memory_space<vmem>>
        %gather3A_1529 = tpu.memref_squeeze %gather3A_1528 : memref<1x128x128xf32, #tpu.memory_space<vmem>> -> memref<128x128xf32, #tpu.memory_space<vmem>>
        %gather3A_1530 = tpu.vector_load_idx %gather3A_1529[%add3A_1250, %add3A_1524] : memref<128x128xf32, #tpu.memory_space<vmem>>[vector<16xi32>, vector<16xi32>], vector<16xf32>,
        %scatter3A_1531 = arith.constant 0 : i32
        %scatter3A_1532 = arith.constant 0 : i32
        %scatter3A_1533 = arith.constant 0 : i32
        %scatter3A_1534 = tpu.memref_slice %arg8[%scatter3A_1531, %scatter3A_1532, %scatter3A_1533] : memref<2x64x128xf32, #tpu.memory_space<vmem>> -> memref<1x64x128xf32, #tpu.memory_space<vmem>>
        %scatter3A_1535 = tpu.memref_squeeze %scatter3A_1534 : memref<1x64x128xf32, #tpu.memory_space<vmem>> -> memref<64x128xf32, #tpu.memory_space<vmem>>
        tpu.vector_store_idx %scatter3A_1535[%add3A_1524, %add3A_1250], %gather3A_1530 : memref<64x128xf32, #tpu.memory_space<vmem>>[vector<16xi32>, vector<16xi32>], vector<16xf32>,
        %add3A_1536 = arith.constant 15 : i32
        %add3A_1537 = vector.broadcast %add3A_1536 : i32 to vector<16xi32>
        %add3A_1538 = arith.addi %iota3A, %add3A_1537 : vector<16xi32>
        %and3A_1539 = arith.constant 15 : i32
        %and3A_1540 = vector.broadcast %and3A_1539 : i32 to vector<16xi32>
        %and3A_1541 = arith.andi %add3A_1538, %and3A_1540 : vector<16xi32>
        %add3A_1542 = vector.broadcast %mul3A_1230 : i32 to vector<16xi32>
        %add3A_1543 = arith.addi %add3A_1542, %and3A_1541 : vector<16xi32>
        %gather3A_1544 = arith.constant 0 : i32
        %gather3A_1545 = arith.constant 0 : i32
        %gather3A_1546 = arith.constant 0 : i32
        %gather3A_1547 = tpu.memref_slice %arg7[%gather3A_1544, %gather3A_1545, %gather3A_1546] : memref<2x128x128xf32, #tpu.memory_space<vmem>> -> memref<1x128x128xf32, #tpu.memory_space<vmem>>
        %gather3A_1548 = tpu.memref_squeeze %gather3A_1547 : memref<1x128x128xf32, #tpu.memory_space<vmem>> -> memref<128x128xf32, #tpu.memory_space<vmem>>
        %gather3A_1549 = tpu.vector_load_idx %gather3A_1548[%add3A_1250, %add3A_1543] : memref<128x128xf32, #tpu.memory_space<vmem>>[vector<16xi32>, vector<16xi32>], vector<16xf32>,
        %scatter3A_1550 = arith.constant 0 : i32
        %scatter3A_1551 = arith.constant 0 : i32
        %scatter3A_1552 = arith.constant 0 : i32
        %scatter3A_1553 = tpu.memref_slice %arg8[%scatter3A_1550, %scatter3A_1551, %scatter3A_1552] : memref<2x64x128xf32, #tpu.memory_space<vmem>> -> memref<1x64x128xf32, #tpu.memory_space<vmem>>
        %scatter3A_1554 = tpu.memref_squeeze %scatter3A_1553 : memref<1x64x128xf32, #tpu.memory_space<vmem>> -> memref<64x128xf32, #tpu.memory_space<vmem>>
        tpu.vector_store_idx %scatter3A_1554[%add3A_1543, %add3A_1250], %gather3A_1549 : memref<64x128xf32, #tpu.memory_space<vmem>>[vector<16xi32>, vector<16xi32>], vector<16xf32>,
      }
      %scan3A_83 = arith.constant 32 : i32
      %dma_start3A_84 = arith.constant 0 : i32
      %dma_start3A_85 = arith.constant 0 : i32
      %dma_start3A_86 = arith.constant 0 : i32
      %dma_start3A_87 = tpu.memref_slice %arg8[%dma_start3A_84, %dma_start3A_85, %dma_start3A_86] : memref<2x64x128xf32, #tpu.memory_space<vmem>> -> memref<1x64x128xf32, #tpu.memory_space<vmem>>
      %dma_start3A_88 = tpu.memref_squeeze %dma_start3A_87 : memref<1x64x128xf32, #tpu.memory_space<vmem>> -> memref<64x128xf32, #tpu.memory_space<vmem>>
      %dma_start3A_89 = arith.constant 0 : i32
      %dma_start3A_90 = tpu.memref_slice %arg4[%add3A_60, %dma_start3A_89, %mul3A_2] : memref<200x64x4096xf32, #tpu.memory_space<hbm>> -> memref<1x64x128xf32, #tpu.memory_space<hbm>>
      %dma_start3A_91 = tpu.memref_squeeze %dma_start3A_90 : memref<1x64x128xf32, #tpu.memory_space<hbm>> -> memref<64x128xf32, #tpu.memory_space<hbm>>
      %dma_start3A_92 = arith.constant 0 : i32
      %dma_start3A_93 = tpu.memref_slice %arg4[%add3A_60, %dma_start3A_92, %mul3A_2] : memref<200x64x4096xf32, #tpu.memory_space<hbm>> -> memref<1x64x128xf32, #tpu.memory_space<hbm>>
      %dma_start3A_94 = tpu.memref_squeeze %dma_start3A_93 : memref<1x64x128xf32, #tpu.memory_space<hbm>> -> memref<64x128xf32, #tpu.memory_space<hbm>>
      %dma_start3A_95 = arith.constant 0 : i32
      %dma_start3A_96 = arith.constant 0 : i32
      %dma_start3A_97 = tpu.memref_slice %arg8[%dma_start3A_84, %dma_start3A_95, %dma_start3A_96] : memref<2x64x128xf32, #tpu.memory_space<vmem>> -> memref<1x64x128xf32, #tpu.memory_space<vmem>>
      %dma_start3A_98 = tpu.memref_squeeze %dma_start3A_97 : memref<1x64x128xf32, #tpu.memory_space<vmem>> -> memref<64x128xf32, #tpu.memory_space<vmem>>
      tpu.enqueue_dma source(%dma_start3A_98 : memref<64x128xf32, #tpu.memory_space<vmem>>) target(%dma_start3A_94 : memref<64x128xf32, #tpu.memory_space<hbm>>) target_semaphore(%arg10 : memref<!tpu.dma_semaphore, #tpu.memory_space<semaphore_mem>>)
      %add3A_99 = arith.constant 1 : i32
      %add3A_100 = arith.addi %add3A_58, %add3A_99 : i32
      %dma_wait3A_101 = arith.constant 1 : i32
      %dma_wait3A_102 = arith.constant 0 : i32
      %dma_wait3A_103 = arith.constant 0 : i32
      %dma_wait3A_104 = tpu.memref_slice %arg7[%dma_wait3A_101, %dma_wait3A_102, %dma_wait3A_103] : memref<2x128x128xf32, #tpu.memory_space<vmem>> -> memref<1x128x128xf32, #tpu.memory_space<vmem>>
      %dma_wait3A_105 = tpu.memref_squeeze %dma_wait3A_104 : memref<1x128x128xf32, #tpu.memory_space<vmem>> -> memref<128x128xf32, #tpu.memory_space<vmem>>
      %dma_wait3A_106 = arith.constant 0 : i32
      %dma_wait3A_107 = tpu.memref_slice %arg6[%dma_wait3A_106] : memref<25600xi32, #tpu.memory_space<vmem>> -> memref<128xi32, #tpu.memory_space<vmem>>
      %dma_wait3A_108 = arith.constant 0 : i32
      %dma_wait3A_109 = arith.constant 0 : i32
      %dma_wait3A_110 = tpu.memref_slice %arg3[%dma_wait3A_108, %dma_wait3A_109] : memref<1000000x128xf32, #tpu.memory_space<hbm>> -> memref<1000000x128xf32, #tpu.memory_space<hbm>>
      tpu.wait_indirect_dma semaphore(%arg9 : memref<!tpu.dma_semaphore, #tpu.memory_space<semaphore_mem>>) src(%dma_wait3A_110 : memref<1000000x128xf32, #tpu.memory_space<hbm>>) dst(%dma_wait3A_105 : memref<128x128xf32, #tpu.memory_space<vmem>>)
      %add3A_111 = arith.constant 1 : i32
      %add3A_112 = arith.addi %add3A_100, %add3A_111 : i32
      %lt3A_113 = arith.constant 200 : i32
      %lt3A_114 = arith.cmpi slt, %add3A_112, %lt3A_113 : i32
      %convert_element_type3A_115 = arith.extui %lt3A_114 : i1 to i32
      %cond3A_116 = arith.constant 0 : i32
      %cond3A_117 = arith.cmpi ne, %convert_element_type3A_115, %cond3A_116 : i32
      scf.if %cond3A_117 {
        %add3A_143 = arith.constant 1 : i32
        %add3A_144 = arith.addi %add3A_100, %add3A_143 : i32
        %mul3A_145 = arith.constant 128 : i32
        %mul3A_146 = arith.muli %add3A_144, %mul3A_145 : i32
        %dma_start3A_147 = arith.constant 0 : i32
        %dma_start3A_148 = arith.constant 0 : i32
        %dma_start3A_149 = arith.constant 0 : i32
        %dma_start3A_150 = tpu.memref_slice %arg7[%dma_start3A_147, %dma_start3A_148, %dma_start3A_149] : memref<2x128x128xf32, #tpu.memory_space<vmem>> -> memref<1x128x128xf32, #tpu.memory_space<vmem>>
        %dma_start3A_151 = tpu.memref_squeeze %dma_start3A_150 : memref<1x128x128xf32, #tpu.memory_space<vmem>> -> memref<128x128xf32, #tpu.memory_space<vmem>>
        %dma_start3A_152 = tpu.memref_slice %arg6[%mul3A_146] : memref<25600xi32, #tpu.memory_space<vmem>> -> memref<128xi32, #tpu.memory_space<vmem>>
        %dma_start3A_153 = arith.constant 0 : i32
        %dma_start3A_154 = arith.constant 0 : i32
        %dma_start3A_155 = tpu.memref_slice %arg3[%dma_start3A_153, %dma_start3A_154] : memref<1000000x128xf32, #tpu.memory_space<hbm>> -> memref<1000000x128xf32, #tpu.memory_space<hbm>>
        tpu.enqueue_indirect_dma source(%dma_start3A_155 : memref<1000000x128xf32, #tpu.memory_space<hbm>>) target(%dma_start3A_151 : memref<128x128xf32, #tpu.memory_space<vmem>>) offsets(%dma_start3A_152 : memref<128xi32, #tpu.memory_space<vmem>>) semaphore(%arg9 : memref<!tpu.dma_semaphore, #tpu.memory_space<semaphore_mem>>)
      } else {
      }
      %ge3A_118 = arith.constant 2 : i32
      %ge3A_119 = arith.cmpi sge, %add3A_100, %ge3A_118 : i32
      %convert_element_type3A_120 = arith.extui %ge3A_119 : i1 to i32
      %cond3A_121 = arith.constant 0 : i32
      %cond3A_122 = arith.cmpi ne, %convert_element_type3A_120, %cond3A_121 : i32
      scf.if %cond3A_122 {
        %dma_wait3A_143 = arith.constant 1 : i32
        %dma_wait3A_144 = arith.constant 0 : i32
        %dma_wait3A_145 = arith.constant 0 : i32
        %dma_wait3A_146 = arith.constant 0 : i32
        %dma_wait3A_147 = tpu.memref_slice %arg8[%dma_wait3A_143, %dma_wait3A_145, %dma_wait3A_146] : memref<2x64x128xf32, #tpu.memory_space<vmem>> -> memref<1x64x128xf32, #tpu.memory_space<vmem>>
        %dma_wait3A_148 = tpu.memref_squeeze %dma_wait3A_147 : memref<1x64x128xf32, #tpu.memory_space<vmem>> -> memref<64x128xf32, #tpu.memory_space<vmem>>
        %dma_wait3A_149 = arith.constant 0 : i32
        %dma_wait3A_150 = tpu.memref_slice %arg4[%dma_wait3A_144, %dma_wait3A_149, %mul3A_2] : memref<200x64x4096xf32, #tpu.memory_space<hbm>> -> memref<1x64x128xf32, #tpu.memory_space<hbm>>
        %dma_wait3A_151 = tpu.memref_squeeze %dma_wait3A_150 : memref<1x64x128xf32, #tpu.memory_space<hbm>> -> memref<64x128xf32, #tpu.memory_space<hbm>>
        %dma_wait3A_152 = arith.constant 0 : i32
        %dma_wait3A_153 = tpu.memref_slice %arg4[%dma_wait3A_144, %dma_wait3A_152, %mul3A_2] : memref<200x64x4096xf32, #tpu.memory_space<hbm>> -> memref<1x64x128xf32, #tpu.memory_space<hbm>>
        %dma_wait3A_154 = tpu.memref_squeeze %dma_wait3A_153 : memref<1x64x128xf32, #tpu.memory_space<hbm>> -> memref<64x128xf32, #tpu.memory_space<hbm>>
        %dma_wait3A_155 = arith.constant 0 : i32
        %dma_wait3A_156 = arith.constant 0 : i32
        %dma_wait3A_157 = tpu.memref_slice %arg8[%dma_wait3A_143, %dma_wait3A_155, %dma_wait3A_156] : memref<2x64x128xf32, #tpu.memory_space<vmem>> -> memref<1x64x128xf32, #tpu.memory_space<vmem>>
        %dma_wait3A_158 = tpu.memref_squeeze %dma_wait3A_157 : memref<1x64x128xf32, #tpu.memory_space<vmem>> -> memref<64x128xf32, #tpu.memory_space<vmem>>
        tpu.wait_dma2 semaphore(%arg10 : memref<!tpu.dma_semaphore, #tpu.memory_space<semaphore_mem>>) src(%dma_wait3A_158 : memref<64x128xf32, #tpu.memory_space<vmem>>) dst(%dma_wait3A_154 : memref<64x128xf32, #tpu.memory_space<hbm>>)
      } else {
      }
      %scan3A_123 = arith.constant 0 : i32
      %scan3A_124 = arith.constant 32 : i32
      %scan3A_125 = arith.addi %scan3A_123, %scan3A_124 : i32
      %scan3A_126 = arith.constant 4 : i32
      scf.for %scan3A_143 = %scan3A_123 to %scan3A_125 step %scan3A_126  : i32 {
        %mul3A_144 = arith.constant 1 : i32
        %mul3A_145 = arith.muli %scan3A_143, %mul3A_144 : i32
        %add3A_146 = arith.constant 0 : i32
        %add3A_147 = arith.addi %add3A_146, %mul3A_145 : i32
        %jit3A = arith.constant 8 : i32
        %div3A = arith.divsi %add3A_147, %jit3A : i32
        %sign3A = arith.constant 0 : i32
        %sign3A_148 = arith.cmpi sgt, %add3A_147, %sign3A : i32
        %sign3A_149 = arith.extui %sign3A_148 : i1 to i32
        %sign3A_150 = arith.constant 0 : i32
        %sign3A_151 = arith.cmpi slt, %add3A_147, %sign3A_150 : i32
        %sign3A_152 = arith.extui %sign3A_151 : i1 to i32
        %sign3A_153 = arith.subi %sign3A_149, %sign3A_152 : i32
        %sign3A_154 = arith.constant 0 : i32
        %sign3A_155 = arith.cmpi sgt, %jit3A, %sign3A_154 : i32
        %sign3A_156 = arith.extui %sign3A_155 : i1 to i32
        %sign3A_157 = arith.constant 0 : i32
        %sign3A_158 = arith.cmpi slt, %jit3A, %sign3A_157 : i32
        %sign3A_159 = arith.extui %sign3A_158 : i1 to i32
        %sign3A_160 = arith.subi %sign3A_156, %sign3A_159 : i32
        %ne3A = arith.cmpi ne, %sign3A_153, %sign3A_160 : i32
        %rem3A = arith.remsi %add3A_147, %jit3A : i32
        %ne3A_161 = arith.constant 0 : i32
        %ne3A_162 = arith.cmpi ne, %rem3A, %ne3A_161 : i32
        %and3A = arith.andi %ne3A, %ne3A_162 : i1
        %sub3A = arith.constant 1 : i32
        %sub3A_163 = arith.subi %div3A, %sub3A : i32
        %select_n3A = arith.select %and3A, %sub3A_163, %div3A : i32
        %mul3A_164 = arith.constant 16 : i32
        %mul3A_165 = arith.muli %select_n3A, %mul3A_164 : i32
        %jit3A_166 = arith.constant 8 : i32
        %eq3A = arith.constant 0 : i32
        %eq3A_167 = arith.cmpi eq, %jit3A_166, %eq3A : i32
        %jit3A_168 = arith.constant 1 : i32
        %select_n3A_169 = arith.select %eq3A_167, %jit3A_168, %jit3A_166 : i32
        %rem3A_170 = arith.remsi %add3A_147, %select_n3A_169 : i32
        %ne3A_171 = arith.constant 0 : i32
        %ne3A_172 = arith.cmpi ne, %rem3A_170, %ne3A_171 : i32
        %lt3A_173 = arith.constant 0 : i32
        %lt3A_174 = arith.cmpi slt, %rem3A_170, %lt3A_173 : i32
        %lt3A_175 = arith.constant 0 : i32
        %lt3A_176 = arith.cmpi slt, %select_n3A_169, %lt3A_175 : i32
        %ne3A_177 = arith.xori %lt3A_174, %lt3A_176 : i1
        %and3A_178 = arith.andi %ne3A_177, %ne3A_172 : i1
        %add3A_179 = arith.addi %rem3A_170, %select_n3A_169 : i32
        %select_n3A_180 = arith.select %and3A_178, %add3A_179, %rem3A_170 : i32
        %mul3A_181 = arith.constant 16 : i32
        %mul3A_182 = arith.muli %select_n3A_180, %mul3A_181 : i32
        %add3A_183 = vector.broadcast %mul3A_182 : i32 to vector<16xi32>
        %add3A_184 = arith.addi %add3A_183, %iota3A : vector<16xi32>
        %add3A_185 = arith.constant 0 : i32
        %add3A_186 = vector.broadcast %add3A_185 : i32 to vector<16xi32>
        %add3A_187 = arith.addi %iota3A, %add3A_186 : vector<16xi32>
        %and3A_188 = arith.constant 15 : i32
        %and3A_189 = vector.broadcast %and3A_188 : i32 to vector<16xi32>
        %and3A_190 = arith.andi %add3A_187, %and3A_189 : vector<16xi32>
        %add3A_191 = vector.broadcast %mul3A_165 : i32 to vector<16xi32>
        %add3A_192 = arith.addi %add3A_191, %and3A_190 : vector<16xi32>
        %gather3A = arith.constant 1 : i32
        %gather3A_193 = arith.constant 0 : i32
        %gather3A_194 = arith.constant 0 : i32
        %gather3A_195 = tpu.memref_slice %arg7[%gather3A, %gather3A_193, %gather3A_194] : memref<2x128x128xf32, #tpu.memory_space<vmem>> -> memref<1x128x128xf32, #tpu.memory_space<vmem>>
        %gather3A_196 = tpu.memref_squeeze %gather3A_195 : memref<1x128x128xf32, #tpu.memory_space<vmem>> -> memref<128x128xf32, #tpu.memory_space<vmem>>
        %gather3A_197 = tpu.vector_load_idx %gather3A_196[%add3A_184, %add3A_192] : memref<128x128xf32, #tpu.memory_space<vmem>>[vector<16xi32>, vector<16xi32>], vector<16xf32>,
        %scatter3A = arith.constant 1 : i32
        %scatter3A_198 = arith.constant 0 : i32
        %scatter3A_199 = arith.constant 0 : i32
        %scatter3A_200 = tpu.memref_slice %arg8[%scatter3A, %scatter3A_198, %scatter3A_199] : memref<2x64x128xf32, #tpu.memory_space<vmem>> -> memref<1x64x128xf32, #tpu.memory_space<vmem>>
        %scatter3A_201 = tpu.memref_squeeze %scatter3A_200 : memref<1x64x128xf32, #tpu.memory_space<vmem>> -> memref<64x128xf32, #tpu.memory_space<vmem>>
        tpu.vector_store_idx %scatter3A_201[%add3A_192, %add3A_184], %gather3A_197 : memref<64x128xf32, #tpu.memory_space<vmem>>[vector<16xi32>, vector<16xi32>], vector<16xf32>,
        %add3A_202 = arith.constant 1 : i32
        %add3A_203 = vector.broadcast %add3A_202 : i32 to vector<16xi32>
        %add3A_204 = arith.addi %iota3A, %add3A_203 : vector<16xi32>
        %and3A_205 = arith.constant 15 : i32
        %and3A_206 = vector.broadcast %and3A_205 : i32 to vector<16xi32>
        %and3A_207 = arith.andi %add3A_204, %and3A_206 : vector<16xi32>
        %add3A_208 = vector.broadcast %mul3A_165 : i32 to vector<16xi32>
        %add3A_209 = arith.addi %add3A_208, %and3A_207 : vector<16xi32>
        %gather3A_210 = arith.constant 1 : i32
        %gather3A_211 = arith.constant 0 : i32
        %gather3A_212 = arith.constant 0 : i32
        %gather3A_213 = tpu.memref_slice %arg7[%gather3A_210, %gather3A_211, %gather3A_212] : memref<2x128x128xf32, #tpu.memory_space<vmem>> -> memref<1x128x128xf32, #tpu.memory_space<vmem>>
        %gather3A_214 = tpu.memref_squeeze %gather3A_213 : memref<1x128x128xf32, #tpu.memory_space<vmem>> -> memref<128x128xf32, #tpu.memory_space<vmem>>
        %gather3A_215 = tpu.vector_load_idx %gather3A_214[%add3A_184, %add3A_209] : memref<128x128xf32, #tpu.memory_space<vmem>>[vector<16xi32>, vector<16xi32>], vector<16xf32>,
        %scatter3A_216 = arith.constant 1 : i32
        %scatter3A_217 = arith.constant 0 : i32
        %scatter3A_218 = arith.constant 0 : i32
        %scatter3A_219 = tpu.memref_slice %arg8[%scatter3A_216, %scatter3A_217, %scatter3A_218] : memref<2x64x128xf32, #tpu.memory_space<vmem>> -> memref<1x64x128xf32, #tpu.memory_space<vmem>>
        %scatter3A_220 = tpu.memref_squeeze %scatter3A_219 : memref<1x64x128xf32, #tpu.memory_space<vmem>> -> memref<64x128xf32, #tpu.memory_space<vmem>>
        tpu.vector_store_idx %scatter3A_220[%add3A_209, %add3A_184], %gather3A_215 : memref<64x128xf32, #tpu.memory_space<vmem>>[vector<16xi32>, vector<16xi32>], vector<16xf32>,
        %add3A_221 = arith.constant 2 : i32
        %add3A_222 = vector.broadcast %add3A_221 : i32 to vector<16xi32>
        %add3A_223 = arith.addi %iota3A, %add3A_222 : vector<16xi32>
        %and3A_224 = arith.constant 15 : i32
        %and3A_225 = vector.broadcast %and3A_224 : i32 to vector<16xi32>
        %and3A_226 = arith.andi %add3A_223, %and3A_225 : vector<16xi32>
        %add3A_227 = vector.broadcast %mul3A_165 : i32 to vector<16xi32>
        %add3A_228 = arith.addi %add3A_227, %and3A_226 : vector<16xi32>
        %gather3A_229 = arith.constant 1 : i32
        %gather3A_230 = arith.constant 0 : i32
        %gather3A_231 = arith.constant 0 : i32
        %gather3A_232 = tpu.memref_slice %arg7[%gather3A_229, %gather3A_230, %gather3A_231] : memref<2x128x128xf32, #tpu.memory_space<vmem>> -> memref<1x128x128xf32, #tpu.memory_space<vmem>>
        %gather3A_233 = tpu.memref_squeeze %gather3A_232 : memref<1x128x128xf32, #tpu.memory_space<vmem>> -> memref<128x128xf32, #tpu.memory_space<vmem>>
        %gather3A_234 = tpu.vector_load_idx %gather3A_233[%add3A_184, %add3A_228] : memref<128x128xf32, #tpu.memory_space<vmem>>[vector<16xi32>, vector<16xi32>], vector<16xf32>,
        %scatter3A_235 = arith.constant 1 : i32
        %scatter3A_236 = arith.constant 0 : i32
        %scatter3A_237 = arith.constant 0 : i32
        %scatter3A_238 = tpu.memref_slice %arg8[%scatter3A_235, %scatter3A_236, %scatter3A_237] : memref<2x64x128xf32, #tpu.memory_space<vmem>> -> memref<1x64x128xf32, #tpu.memory_space<vmem>>
        %scatter3A_239 = tpu.memref_squeeze %scatter3A_238 : memref<1x64x128xf32, #tpu.memory_space<vmem>> -> memref<64x128xf32, #tpu.memory_space<vmem>>
        tpu.vector_store_idx %scatter3A_239[%add3A_228, %add3A_184], %gather3A_234 : memref<64x128xf32, #tpu.memory_space<vmem>>[vector<16xi32>, vector<16xi32>], vector<16xf32>,
        %add3A_240 = arith.constant 3 : i32
        %add3A_241 = vector.broadcast %add3A_240 : i32 to vector<16xi32>
        %add3A_242 = arith.addi %iota3A, %add3A_241 : vector<16xi32>
        %and3A_243 = arith.constant 15 : i32
        %and3A_244 = vector.broadcast %and3A_243 : i32 to vector<16xi32>
        %and3A_245 = arith.andi %add3A_242, %and3A_244 : vector<16xi32>
        %add3A_246 = vector.broadcast %mul3A_165 : i32 to vector<16xi32>
        %add3A_247 = arith.addi %add3A_246, %and3A_245 : vector<16xi32>
        %gather3A_248 = arith.constant 1 : i32
        %gather3A_249 = arith.constant 0 : i32
        %gather3A_250 = arith.constant 0 : i32
        %gather3A_251 = tpu.memref_slice %arg7[%gather3A_248, %gather3A_249, %gather3A_250] : memref<2x128x128xf32, #tpu.memory_space<vmem>> -> memref<1x128x128xf32, #tpu.memory_space<vmem>>
        %gather3A_252 = tpu.memref_squeeze %gather3A_251 : memref<1x128x128xf32, #tpu.memory_space<vmem>> -> memref<128x128xf32, #tpu.memory_space<vmem>>
        %gather3A_253 = tpu.vector_load_idx %gather3A_252[%add3A_184, %add3A_247] : memref<128x128xf32, #tpu.memory_space<vmem>>[vector<16xi32>, vector<16xi32>], vector<16xf32>,
        %scatter3A_254 = arith.constant 1 : i32
        %scatter3A_255 = arith.constant 0 : i32
        %scatter3A_256 = arith.constant 0 : i32
        %scatter3A_257 = tpu.memref_slice %arg8[%scatter3A_254, %scatter3A_255, %scatter3A_256] : memref<2x64x128xf32, #tpu.memory_space<vmem>> -> memref<1x64x128xf32, #tpu.memory_space<vmem>>
        %scatter3A_258 = tpu.memref_squeeze %scatter3A_257 : memref<1x64x128xf32, #tpu.memory_space<vmem>> -> memref<64x128xf32, #tpu.memory_space<vmem>>
        tpu.vector_store_idx %scatter3A_258[%add3A_247, %add3A_184], %gather3A_253 : memref<64x128xf32, #tpu.memory_space<vmem>>[vector<16xi32>, vector<16xi32>], vector<16xf32>,
        %add3A_259 = arith.constant 4 : i32
        %add3A_260 = vector.broadcast %add3A_259 : i32 to vector<16xi32>
        %add3A_261 = arith.addi %iota3A, %add3A_260 : vector<16xi32>
        %and3A_262 = arith.constant 15 : i32
        %and3A_263 = vector.broadcast %and3A_262 : i32 to vector<16xi32>
        %and3A_264 = arith.andi %add3A_261, %and3A_263 : vector<16xi32>
        %add3A_265 = vector.broadcast %mul3A_165 : i32 to vector<16xi32>
        %add3A_266 = arith.addi %add3A_265, %and3A_264 : vector<16xi32>
        %gather3A_267 = arith.constant 1 : i32
        %gather3A_268 = arith.constant 0 : i32
        %gather3A_269 = arith.constant 0 : i32
        %gather3A_270 = tpu.memref_slice %arg7[%gather3A_267, %gather3A_268, %gather3A_269] : memref<2x128x128xf32, #tpu.memory_space<vmem>> -> memref<1x128x128xf32, #tpu.memory_space<vmem>>
        %gather3A_271 = tpu.memref_squeeze %gather3A_270 : memref<1x128x128xf32, #tpu.memory_space<vmem>> -> memref<128x128xf32, #tpu.memory_space<vmem>>
        %gather3A_272 = tpu.vector_load_idx %gather3A_271[%add3A_184, %add3A_266] : memref<128x128xf32, #tpu.memory_space<vmem>>[vector<16xi32>, vector<16xi32>], vector<16xf32>,
        %scatter3A_273 = arith.constant 1 : i32
        %scatter3A_274 = arith.constant 0 : i32
        %scatter3A_275 = arith.constant 0 : i32
        %scatter3A_276 = tpu.memref_slice %arg8[%scatter3A_273, %scatter3A_274, %scatter3A_275] : memref<2x64x128xf32, #tpu.memory_space<vmem>> -> memref<1x64x128xf32, #tpu.memory_space<vmem>>
        %scatter3A_277 = tpu.memref_squeeze %scatter3A_276 : memref<1x64x128xf32, #tpu.memory_space<vmem>> -> memref<64x128xf32, #tpu.memory_space<vmem>>
        tpu.vector_store_idx %scatter3A_277[%add3A_266, %add3A_184], %gather3A_272 : memref<64x128xf32, #tpu.memory_space<vmem>>[vector<16xi32>, vector<16xi32>], vector<16xf32>,
        %add3A_278 = arith.constant 5 : i32
        %add3A_279 = vector.broadcast %add3A_278 : i32 to vector<16xi32>
        %add3A_280 = arith.addi %iota3A, %add3A_279 : vector<16xi32>
        %and3A_281 = arith.constant 15 : i32
        %and3A_282 = vector.broadcast %and3A_281 : i32 to vector<16xi32>
        %and3A_283 = arith.andi %add3A_280, %and3A_282 : vector<16xi32>
        %add3A_284 = vector.broadcast %mul3A_165 : i32 to vector<16xi32>
        %add3A_285 = arith.addi %add3A_284, %and3A_283 : vector<16xi32>
        %gather3A_286 = arith.constant 1 : i32
        %gather3A_287 = arith.constant 0 : i32
        %gather3A_288 = arith.constant 0 : i32
        %gather3A_289 = tpu.memref_slice %arg7[%gather3A_286, %gather3A_287, %gather3A_288] : memref<2x128x128xf32, #tpu.memory_space<vmem>> -> memref<1x128x128xf32, #tpu.memory_space<vmem>>
        %gather3A_290 = tpu.memref_squeeze %gather3A_289 : memref<1x128x128xf32, #tpu.memory_space<vmem>> -> memref<128x128xf32, #tpu.memory_space<vmem>>
        %gather3A_291 = tpu.vector_load_idx %gather3A_290[%add3A_184, %add3A_285] : memref<128x128xf32, #tpu.memory_space<vmem>>[vector<16xi32>, vector<16xi32>], vector<16xf32>,
        %scatter3A_292 = arith.constant 1 : i32
        %scatter3A_293 = arith.constant 0 : i32
        %scatter3A_294 = arith.constant 0 : i32
        %scatter3A_295 = tpu.memref_slice %arg8[%scatter3A_292, %scatter3A_293, %scatter3A_294] : memref<2x64x128xf32, #tpu.memory_space<vmem>> -> memref<1x64x128xf32, #tpu.memory_space<vmem>>
        %scatter3A_296 = tpu.memref_squeeze %scatter3A_295 : memref<1x64x128xf32, #tpu.memory_space<vmem>> -> memref<64x128xf32, #tpu.memory_space<vmem>>
        tpu.vector_store_idx %scatter3A_296[%add3A_285, %add3A_184], %gather3A_291 : memref<64x128xf32, #tpu.memory_space<vmem>>[vector<16xi32>, vector<16xi32>], vector<16xf32>,
        %add3A_297 = arith.constant 6 : i32
        %add3A_298 = vector.broadcast %add3A_297 : i32 to vector<16xi32>
        %add3A_299 = arith.addi %iota3A, %add3A_298 : vector<16xi32>
        %and3A_300 = arith.constant 15 : i32
        %and3A_301 = vector.broadcast %and3A_300 : i32 to vector<16xi32>
        %and3A_302 = arith.andi %add3A_299, %and3A_301 : vector<16xi32>
        %add3A_303 = vector.broadcast %mul3A_165 : i32 to vector<16xi32>
        %add3A_304 = arith.addi %add3A_303, %and3A_302 : vector<16xi32>
        %gather3A_305 = arith.constant 1 : i32
        %gather3A_306 = arith.constant 0 : i32
        %gather3A_307 = arith.constant 0 : i32
        %gather3A_308 = tpu.memref_slice %arg7[%gather3A_305, %gather3A_306, %gather3A_307] : memref<2x128x128xf32, #tpu.memory_space<vmem>> -> memref<1x128x128xf32, #tpu.memory_space<vmem>>
        %gather3A_309 = tpu.memref_squeeze %gather3A_308 : memref<1x128x128xf32, #tpu.memory_space<vmem>> -> memref<128x128xf32, #tpu.memory_space<vmem>>
        %gather3A_310 = tpu.vector_load_idx %gather3A_309[%add3A_184, %add3A_304] : memref<128x128xf32, #tpu.memory_space<vmem>>[vector<16xi32>, vector<16xi32>], vector<16xf32>,
        %scatter3A_311 = arith.constant 1 : i32
        %scatter3A_312 = arith.constant 0 : i32
        %scatter3A_313 = arith.constant 0 : i32
        %scatter3A_314 = tpu.memref_slice %arg8[%scatter3A_311, %scatter3A_312, %scatter3A_313] : memref<2x64x128xf32, #tpu.memory_space<vmem>> -> memref<1x64x128xf32, #tpu.memory_space<vmem>>
        %scatter3A_315 = tpu.memref_squeeze %scatter3A_314 : memref<1x64x128xf32, #tpu.memory_space<vmem>> -> memref<64x128xf32, #tpu.memory_space<vmem>>
        tpu.vector_store_idx %scatter3A_315[%add3A_304, %add3A_184], %gather3A_310 : memref<64x128xf32, #tpu.memory_space<vmem>>[vector<16xi32>, vector<16xi32>], vector<16xf32>,
        %add3A_316 = arith.constant 7 : i32
        %add3A_317 = vector.broadcast %add3A_316 : i32 to vector<16xi32>
        %add3A_318 = arith.addi %iota3A, %add3A_317 : vector<16xi32>
        %and3A_319 = arith.constant 15 : i32
        %and3A_320 = vector.broadcast %and3A_319 : i32 to vector<16xi32>
        %and3A_321 = arith.andi %add3A_318, %and3A_320 : vector<16xi32>
        %add3A_322 = vector.broadcast %mul3A_165 : i32 to vector<16xi32>
        %add3A_323 = arith.addi %add3A_322, %and3A_321 : vector<16xi32>
        %gather3A_324 = arith.constant 1 : i32
        %gather3A_325 = arith.constant 0 : i32
        %gather3A_326 = arith.constant 0 : i32
        %gather3A_327 = tpu.memref_slice %arg7[%gather3A_324, %gather3A_325, %gather3A_326] : memref<2x128x128xf32, #tpu.memory_space<vmem>> -> memref<1x128x128xf32, #tpu.memory_space<vmem>>
        %gather3A_328 = tpu.memref_squeeze %gather3A_327 : memref<1x128x128xf32, #tpu.memory_space<vmem>> -> memref<128x128xf32, #tpu.memory_space<vmem>>
        %gather3A_329 = tpu.vector_load_idx %gather3A_328[%add3A_184, %add3A_323] : memref<128x128xf32, #tpu.memory_space<vmem>>[vector<16xi32>, vector<16xi32>], vector<16xf32>,
        %scatter3A_330 = arith.constant 1 : i32
        %scatter3A_331 = arith.constant 0 : i32
        %scatter3A_332 = arith.constant 0 : i32
        %scatter3A_333 = tpu.memref_slice %arg8[%scatter3A_330, %scatter3A_331, %scatter3A_332] : memref<2x64x128xf32, #tpu.memory_space<vmem>> -> memref<1x64x128xf32, #tpu.memory_space<vmem>>
        %scatter3A_334 = tpu.memref_squeeze %scatter3A_333 : memref<1x64x128xf32, #tpu.memory_space<vmem>> -> memref<64x128xf32, #tpu.memory_space<vmem>>
        tpu.vector_store_idx %scatter3A_334[%add3A_323, %add3A_184], %gather3A_329 : memref<64x128xf32, #tpu.memory_space<vmem>>[vector<16xi32>, vector<16xi32>], vector<16xf32>,
        %add3A_335 = arith.constant 8 : i32
        %add3A_336 = vector.broadcast %add3A_335 : i32 to vector<16xi32>
        %add3A_337 = arith.addi %iota3A, %add3A_336 : vector<16xi32>
        %and3A_338 = arith.constant 15 : i32
        %and3A_339 = vector.broadcast %and3A_338 : i32 to vector<16xi32>
        %and3A_340 = arith.andi %add3A_337, %and3A_339 : vector<16xi32>
        %add3A_341 = vector.broadcast %mul3A_165 : i32 to vector<16xi32>
        %add3A_342 = arith.addi %add3A_341, %and3A_340 : vector<16xi32>
        %gather3A_343 = arith.constant 1 : i32
        %gather3A_344 = arith.constant 0 : i32
        %gather3A_345 = arith.constant 0 : i32
        %gather3A_346 = tpu.memref_slice %arg7[%gather3A_343, %gather3A_344, %gather3A_345] : memref<2x128x128xf32, #tpu.memory_space<vmem>> -> memref<1x128x128xf32, #tpu.memory_space<vmem>>
        %gather3A_347 = tpu.memref_squeeze %gather3A_346 : memref<1x128x128xf32, #tpu.memory_space<vmem>> -> memref<128x128xf32, #tpu.memory_space<vmem>>
        %gather3A_348 = tpu.vector_load_idx %gather3A_347[%add3A_184, %add3A_342] : memref<128x128xf32, #tpu.memory_space<vmem>>[vector<16xi32>, vector<16xi32>], vector<16xf32>,
        %scatter3A_349 = arith.constant 1 : i32
        %scatter3A_350 = arith.constant 0 : i32
        %scatter3A_351 = arith.constant 0 : i32
        %scatter3A_352 = tpu.memref_slice %arg8[%scatter3A_349, %scatter3A_350, %scatter3A_351] : memref<2x64x128xf32, #tpu.memory_space<vmem>> -> memref<1x64x128xf32, #tpu.memory_space<vmem>>
        %scatter3A_353 = tpu.memref_squeeze %scatter3A_352 : memref<1x64x128xf32, #tpu.memory_space<vmem>> -> memref<64x128xf32, #tpu.memory_space<vmem>>
        tpu.vector_store_idx %scatter3A_353[%add3A_342, %add3A_184], %gather3A_348 : memref<64x128xf32, #tpu.memory_space<vmem>>[vector<16xi32>, vector<16xi32>], vector<16xf32>,
        %add3A_354 = arith.constant 9 : i32
        %add3A_355 = vector.broadcast %add3A_354 : i32 to vector<16xi32>
        %add3A_356 = arith.addi %iota3A, %add3A_355 : vector<16xi32>
        %and3A_357 = arith.constant 15 : i32
        %and3A_358 = vector.broadcast %and3A_357 : i32 to vector<16xi32>
        %and3A_359 = arith.andi %add3A_356, %and3A_358 : vector<16xi32>
        %add3A_360 = vector.broadcast %mul3A_165 : i32 to vector<16xi32>
        %add3A_361 = arith.addi %add3A_360, %and3A_359 : vector<16xi32>
        %gather3A_362 = arith.constant 1 : i32
        %gather3A_363 = arith.constant 0 : i32
        %gather3A_364 = arith.constant 0 : i32
        %gather3A_365 = tpu.memref_slice %arg7[%gather3A_362, %gather3A_363, %gather3A_364] : memref<2x128x128xf32, #tpu.memory_space<vmem>> -> memref<1x128x128xf32, #tpu.memory_space<vmem>>
        %gather3A_366 = tpu.memref_squeeze %gather3A_365 : memref<1x128x128xf32, #tpu.memory_space<vmem>> -> memref<128x128xf32, #tpu.memory_space<vmem>>
        %gather3A_367 = tpu.vector_load_idx %gather3A_366[%add3A_184, %add3A_361] : memref<128x128xf32, #tpu.memory_space<vmem>>[vector<16xi32>, vector<16xi32>], vector<16xf32>,
        %scatter3A_368 = arith.constant 1 : i32
        %scatter3A_369 = arith.constant 0 : i32
        %scatter3A_370 = arith.constant 0 : i32
        %scatter3A_371 = tpu.memref_slice %arg8[%scatter3A_368, %scatter3A_369, %scatter3A_370] : memref<2x64x128xf32, #tpu.memory_space<vmem>> -> memref<1x64x128xf32, #tpu.memory_space<vmem>>
        %scatter3A_372 = tpu.memref_squeeze %scatter3A_371 : memref<1x64x128xf32, #tpu.memory_space<vmem>> -> memref<64x128xf32, #tpu.memory_space<vmem>>
        tpu.vector_store_idx %scatter3A_372[%add3A_361, %add3A_184], %gather3A_367 : memref<64x128xf32, #tpu.memory_space<vmem>>[vector<16xi32>, vector<16xi32>], vector<16xf32>,
        %add3A_373 = arith.constant 10 : i32
        %add3A_374 = vector.broadcast %add3A_373 : i32 to vector<16xi32>
        %add3A_375 = arith.addi %iota3A, %add3A_374 : vector<16xi32>
        %and3A_376 = arith.constant 15 : i32
        %and3A_377 = vector.broadcast %and3A_376 : i32 to vector<16xi32>
        %and3A_378 = arith.andi %add3A_375, %and3A_377 : vector<16xi32>
        %add3A_379 = vector.broadcast %mul3A_165 : i32 to vector<16xi32>
        %add3A_380 = arith.addi %add3A_379, %and3A_378 : vector<16xi32>
        %gather3A_381 = arith.constant 1 : i32
        %gather3A_382 = arith.constant 0 : i32
        %gather3A_383 = arith.constant 0 : i32
        %gather3A_384 = tpu.memref_slice %arg7[%gather3A_381, %gather3A_382, %gather3A_383] : memref<2x128x128xf32, #tpu.memory_space<vmem>> -> memref<1x128x128xf32, #tpu.memory_space<vmem>>
        %gather3A_385 = tpu.memref_squeeze %gather3A_384 : memref<1x128x128xf32, #tpu.memory_space<vmem>> -> memref<128x128xf32, #tpu.memory_space<vmem>>
        %gather3A_386 = tpu.vector_load_idx %gather3A_385[%add3A_184, %add3A_380] : memref<128x128xf32, #tpu.memory_space<vmem>>[vector<16xi32>, vector<16xi32>], vector<16xf32>,
        %scatter3A_387 = arith.constant 1 : i32
        %scatter3A_388 = arith.constant 0 : i32
        %scatter3A_389 = arith.constant 0 : i32
        %scatter3A_390 = tpu.memref_slice %arg8[%scatter3A_387, %scatter3A_388, %scatter3A_389] : memref<2x64x128xf32, #tpu.memory_space<vmem>> -> memref<1x64x128xf32, #tpu.memory_space<vmem>>
        %scatter3A_391 = tpu.memref_squeeze %scatter3A_390 : memref<1x64x128xf32, #tpu.memory_space<vmem>> -> memref<64x128xf32, #tpu.memory_space<vmem>>
        tpu.vector_store_idx %scatter3A_391[%add3A_380, %add3A_184], %gather3A_386 : memref<64x128xf32, #tpu.memory_space<vmem>>[vector<16xi32>, vector<16xi32>], vector<16xf32>,
        %add3A_392 = arith.constant 11 : i32
        %add3A_393 = vector.broadcast %add3A_392 : i32 to vector<16xi32>
        %add3A_394 = arith.addi %iota3A, %add3A_393 : vector<16xi32>
        %and3A_395 = arith.constant 15 : i32
        %and3A_396 = vector.broadcast %and3A_395 : i32 to vector<16xi32>
        %and3A_397 = arith.andi %add3A_394, %and3A_396 : vector<16xi32>
        %add3A_398 = vector.broadcast %mul3A_165 : i32 to vector<16xi32>
        %add3A_399 = arith.addi %add3A_398, %and3A_397 : vector<16xi32>
        %gather3A_400 = arith.constant 1 : i32
        %gather3A_401 = arith.constant 0 : i32
        %gather3A_402 = arith.constant 0 : i32
        %gather3A_403 = tpu.memref_slice %arg7[%gather3A_400, %gather3A_401, %gather3A_402] : memref<2x128x128xf32, #tpu.memory_space<vmem>> -> memref<1x128x128xf32, #tpu.memory_space<vmem>>
        %gather3A_404 = tpu.memref_squeeze %gather3A_403 : memref<1x128x128xf32, #tpu.memory_space<vmem>> -> memref<128x128xf32, #tpu.memory_space<vmem>>
        %gather3A_405 = tpu.vector_load_idx %gather3A_404[%add3A_184, %add3A_399] : memref<128x128xf32, #tpu.memory_space<vmem>>[vector<16xi32>, vector<16xi32>], vector<16xf32>,
        %scatter3A_406 = arith.constant 1 : i32
        %scatter3A_407 = arith.constant 0 : i32
        %scatter3A_408 = arith.constant 0 : i32
        %scatter3A_409 = tpu.memref_slice %arg8[%scatter3A_406, %scatter3A_407, %scatter3A_408] : memref<2x64x128xf32, #tpu.memory_space<vmem>> -> memref<1x64x128xf32, #tpu.memory_space<vmem>>
        %scatter3A_410 = tpu.memref_squeeze %scatter3A_409 : memref<1x64x128xf32, #tpu.memory_space<vmem>> -> memref<64x128xf32, #tpu.memory_space<vmem>>
        tpu.vector_store_idx %scatter3A_410[%add3A_399, %add3A_184], %gather3A_405 : memref<64x128xf32, #tpu.memory_space<vmem>>[vector<16xi32>, vector<16xi32>], vector<16xf32>,
        %add3A_411 = arith.constant 12 : i32
        %add3A_412 = vector.broadcast %add3A_411 : i32 to vector<16xi32>
        %add3A_413 = arith.addi %iota3A, %add3A_412 : vector<16xi32>
        %and3A_414 = arith.constant 15 : i32
        %and3A_415 = vector.broadcast %and3A_414 : i32 to vector<16xi32>
        %and3A_416 = arith.andi %add3A_413, %and3A_415 : vector<16xi32>
        %add3A_417 = vector.broadcast %mul3A_165 : i32 to vector<16xi32>
        %add3A_418 = arith.addi %add3A_417, %and3A_416 : vector<16xi32>
        %gather3A_419 = arith.constant 1 : i32
        %gather3A_420 = arith.constant 0 : i32
        %gather3A_421 = arith.constant 0 : i32
        %gather3A_422 = tpu.memref_slice %arg7[%gather3A_419, %gather3A_420, %gather3A_421] : memref<2x128x128xf32, #tpu.memory_space<vmem>> -> memref<1x128x128xf32, #tpu.memory_space<vmem>>
        %gather3A_423 = tpu.memref_squeeze %gather3A_422 : memref<1x128x128xf32, #tpu.memory_space<vmem>> -> memref<128x128xf32, #tpu.memory_space<vmem>>
        %gather3A_424 = tpu.vector_load_idx %gather3A_423[%add3A_184, %add3A_418] : memref<128x128xf32, #tpu.memory_space<vmem>>[vector<16xi32>, vector<16xi32>], vector<16xf32>,
        %scatter3A_425 = arith.constant 1 : i32
        %scatter3A_426 = arith.constant 0 : i32
        %scatter3A_427 = arith.constant 0 : i32
        %scatter3A_428 = tpu.memref_slice %arg8[%scatter3A_425, %scatter3A_426, %scatter3A_427] : memref<2x64x128xf32, #tpu.memory_space<vmem>> -> memref<1x64x128xf32, #tpu.memory_space<vmem>>
        %scatter3A_429 = tpu.memref_squeeze %scatter3A_428 : memref<1x64x128xf32, #tpu.memory_space<vmem>> -> memref<64x128xf32, #tpu.memory_space<vmem>>
        tpu.vector_store_idx %scatter3A_429[%add3A_418, %add3A_184], %gather3A_424 : memref<64x128xf32, #tpu.memory_space<vmem>>[vector<16xi32>, vector<16xi32>], vector<16xf32>,
        %add3A_430 = arith.constant 13 : i32
        %add3A_431 = vector.broadcast %add3A_430 : i32 to vector<16xi32>
        %add3A_432 = arith.addi %iota3A, %add3A_431 : vector<16xi32>
        %and3A_433 = arith.constant 15 : i32
        %and3A_434 = vector.broadcast %and3A_433 : i32 to vector<16xi32>
        %and3A_435 = arith.andi %add3A_432, %and3A_434 : vector<16xi32>
        %add3A_436 = vector.broadcast %mul3A_165 : i32 to vector<16xi32>
        %add3A_437 = arith.addi %add3A_436, %and3A_435 : vector<16xi32>
        %gather3A_438 = arith.constant 1 : i32
        %gather3A_439 = arith.constant 0 : i32
        %gather3A_440 = arith.constant 0 : i32
        %gather3A_441 = tpu.memref_slice %arg7[%gather3A_438, %gather3A_439, %gather3A_440] : memref<2x128x128xf32, #tpu.memory_space<vmem>> -> memref<1x128x128xf32, #tpu.memory_space<vmem>>
        %gather3A_442 = tpu.memref_squeeze %gather3A_441 : memref<1x128x128xf32, #tpu.memory_space<vmem>> -> memref<128x128xf32, #tpu.memory_space<vmem>>
        %gather3A_443 = tpu.vector_load_idx %gather3A_442[%add3A_184, %add3A_437] : memref<128x128xf32, #tpu.memory_space<vmem>>[vector<16xi32>, vector<16xi32>], vector<16xf32>,
        %scatter3A_444 = arith.constant 1 : i32
        %scatter3A_445 = arith.constant 0 : i32
        %scatter3A_446 = arith.constant 0 : i32
        %scatter3A_447 = tpu.memref_slice %arg8[%scatter3A_444, %scatter3A_445, %scatter3A_446] : memref<2x64x128xf32, #tpu.memory_space<vmem>> -> memref<1x64x128xf32, #tpu.memory_space<vmem>>
        %scatter3A_448 = tpu.memref_squeeze %scatter3A_447 : memref<1x64x128xf32, #tpu.memory_space<vmem>> -> memref<64x128xf32, #tpu.memory_space<vmem>>
        tpu.vector_store_idx %scatter3A_448[%add3A_437, %add3A_184], %gather3A_443 : memref<64x128xf32, #tpu.memory_space<vmem>>[vector<16xi32>, vector<16xi32>], vector<16xf32>,
        %add3A_449 = arith.constant 14 : i32
        %add3A_450 = vector.broadcast %add3A_449 : i32 to vector<16xi32>
        %add3A_451 = arith.addi %iota3A, %add3A_450 : vector<16xi32>
        %and3A_452 = arith.constant 15 : i32
        %and3A_453 = vector.broadcast %and3A_452 : i32 to vector<16xi32>
        %and3A_454 = arith.andi %add3A_451, %and3A_453 : vector<16xi32>
        %add3A_455 = vector.broadcast %mul3A_165 : i32 to vector<16xi32>
        %add3A_456 = arith.addi %add3A_455, %and3A_454 : vector<16xi32>
        %gather3A_457 = arith.constant 1 : i32
        %gather3A_458 = arith.constant 0 : i32
        %gather3A_459 = arith.constant 0 : i32
        %gather3A_460 = tpu.memref_slice %arg7[%gather3A_457, %gather3A_458, %gather3A_459] : memref<2x128x128xf32, #tpu.memory_space<vmem>> -> memref<1x128x128xf32, #tpu.memory_space<vmem>>
        %gather3A_461 = tpu.memref_squeeze %gather3A_460 : memref<1x128x128xf32, #tpu.memory_space<vmem>> -> memref<128x128xf32, #tpu.memory_space<vmem>>
        %gather3A_462 = tpu.vector_load_idx %gather3A_461[%add3A_184, %add3A_456] : memref<128x128xf32, #tpu.memory_space<vmem>>[vector<16xi32>, vector<16xi32>], vector<16xf32>,
        %scatter3A_463 = arith.constant 1 : i32
        %scatter3A_464 = arith.constant 0 : i32
        %scatter3A_465 = arith.constant 0 : i32
        %scatter3A_466 = tpu.memref_slice %arg8[%scatter3A_463, %scatter3A_464, %scatter3A_465] : memref<2x64x128xf32, #tpu.memory_space<vmem>> -> memref<1x64x128xf32, #tpu.memory_space<vmem>>
        %scatter3A_467 = tpu.memref_squeeze %scatter3A_466 : memref<1x64x128xf32, #tpu.memory_space<vmem>> -> memref<64x128xf32, #tpu.memory_space<vmem>>
        tpu.vector_store_idx %scatter3A_467[%add3A_456, %add3A_184], %gather3A_462 : memref<64x128xf32, #tpu.memory_space<vmem>>[vector<16xi32>, vector<16xi32>], vector<16xf32>,
        %add3A_468 = arith.constant 15 : i32
        %add3A_469 = vector.broadcast %add3A_468 : i32 to vector<16xi32>
        %add3A_470 = arith.addi %iota3A, %add3A_469 : vector<16xi32>
        %and3A_471 = arith.constant 15 : i32
        %and3A_472 = vector.broadcast %and3A_471 : i32 to vector<16xi32>
        %and3A_473 = arith.andi %add3A_470, %and3A_472 : vector<16xi32>
        %add3A_474 = vector.broadcast %mul3A_165 : i32 to vector<16xi32>
        %add3A_475 = arith.addi %add3A_474, %and3A_473 : vector<16xi32>
        %gather3A_476 = arith.constant 1 : i32
        %gather3A_477 = arith.constant 0 : i32
        %gather3A_478 = arith.constant 0 : i32
        %gather3A_479 = tpu.memref_slice %arg7[%gather3A_476, %gather3A_477, %gather3A_478] : memref<2x128x128xf32, #tpu.memory_space<vmem>> -> memref<1x128x128xf32, #tpu.memory_space<vmem>>
        %gather3A_480 = tpu.memref_squeeze %gather3A_479 : memref<1x128x128xf32, #tpu.memory_space<vmem>> -> memref<128x128xf32, #tpu.memory_space<vmem>>
        %gather3A_481 = tpu.vector_load_idx %gather3A_480[%add3A_184, %add3A_475] : memref<128x128xf32, #tpu.memory_space<vmem>>[vector<16xi32>, vector<16xi32>], vector<16xf32>,
        %scatter3A_482 = arith.constant 1 : i32
        %scatter3A_483 = arith.constant 0 : i32
        %scatter3A_484 = arith.constant 0 : i32
        %scatter3A_485 = tpu.memref_slice %arg8[%scatter3A_482, %scatter3A_483, %scatter3A_484] : memref<2x64x128xf32, #tpu.memory_space<vmem>> -> memref<1x64x128xf32, #tpu.memory_space<vmem>>
        %scatter3A_486 = tpu.memref_squeeze %scatter3A_485 : memref<1x64x128xf32, #tpu.memory_space<vmem>> -> memref<64x128xf32, #tpu.memory_space<vmem>>
        tpu.vector_store_idx %scatter3A_486[%add3A_475, %add3A_184], %gather3A_481 : memref<64x128xf32, #tpu.memory_space<vmem>>[vector<16xi32>, vector<16xi32>], vector<16xf32>,
        %scan3A_487 = arith.constant 1 : i32
        %scan3A_488 = arith.addi %scan3A_143, %scan3A_487 : i32
        %mul3A_489 = arith.constant 1 : i32
        %mul3A_490 = arith.muli %scan3A_488, %mul3A_489 : i32
        %add3A_491 = arith.constant 0 : i32
        %add3A_492 = arith.addi %add3A_491, %mul3A_490 : i32
        %jit3A_493 = arith.constant 8 : i32
        %div3A_494 = arith.divsi %add3A_492, %jit3A_493 : i32
        %sign3A_495 = arith.constant 0 : i32
        %sign3A_496 = arith.cmpi sgt, %add3A_492, %sign3A_495 : i32
        %sign3A_497 = arith.extui %sign3A_496 : i1 to i32
        %sign3A_498 = arith.constant 0 : i32
        %sign3A_499 = arith.cmpi slt, %add3A_492, %sign3A_498 : i32
        %sign3A_500 = arith.extui %sign3A_499 : i1 to i32
        %sign3A_501 = arith.subi %sign3A_497, %sign3A_500 : i32
        %sign3A_502 = arith.constant 0 : i32
        %sign3A_503 = arith.cmpi sgt, %jit3A_493, %sign3A_502 : i32
        %sign3A_504 = arith.extui %sign3A_503 : i1 to i32
        %sign3A_505 = arith.constant 0 : i32
        %sign3A_506 = arith.cmpi slt, %jit3A_493, %sign3A_505 : i32
        %sign3A_507 = arith.extui %sign3A_506 : i1 to i32
        %sign3A_508 = arith.subi %sign3A_504, %sign3A_507 : i32
        %ne3A_509 = arith.cmpi ne, %sign3A_501, %sign3A_508 : i32
        %rem3A_510 = arith.remsi %add3A_492, %jit3A_493 : i32
        %ne3A_511 = arith.constant 0 : i32
        %ne3A_512 = arith.cmpi ne, %rem3A_510, %ne3A_511 : i32
        %and3A_513 = arith.andi %ne3A_509, %ne3A_512 : i1
        %sub3A_514 = arith.constant 1 : i32
        %sub3A_515 = arith.subi %div3A_494, %sub3A_514 : i32
        %select_n3A_516 = arith.select %and3A_513, %sub3A_515, %div3A_494 : i32
        %mul3A_517 = arith.constant 16 : i32
        %mul3A_518 = arith.muli %select_n3A_516, %mul3A_517 : i32
        %jit3A_519 = arith.constant 8 : i32
        %eq3A_520 = arith.constant 0 : i32
        %eq3A_521 = arith.cmpi eq, %jit3A_519, %eq3A_520 : i32
        %jit3A_522 = arith.constant 1 : i32
        %select_n3A_523 = arith.select %eq3A_521, %jit3A_522, %jit3A_519 : i32
        %rem3A_524 = arith.remsi %add3A_492, %select_n3A_523 : i32
        %ne3A_525 = arith.constant 0 : i32
        %ne3A_526 = arith.cmpi ne, %rem3A_524, %ne3A_525 : i32
        %lt3A_527 = arith.constant 0 : i32
        %lt3A_528 = arith.cmpi slt, %rem3A_524, %lt3A_527 : i32
        %lt3A_529 = arith.constant 0 : i32
        %lt3A_530 = arith.cmpi slt, %select_n3A_523, %lt3A_529 : i32
        %ne3A_531 = arith.xori %lt3A_528, %lt3A_530 : i1
        %and3A_532 = arith.andi %ne3A_531, %ne3A_526 : i1
        %add3A_533 = arith.addi %rem3A_524, %select_n3A_523 : i32
        %select_n3A_534 = arith.select %and3A_532, %add3A_533, %rem3A_524 : i32
        %mul3A_535 = arith.constant 16 : i32
        %mul3A_536 = arith.muli %select_n3A_534, %mul3A_535 : i32
        %add3A_537 = vector.broadcast %mul3A_536 : i32 to vector<16xi32>
        %add3A_538 = arith.addi %add3A_537, %iota3A : vector<16xi32>
        %add3A_539 = arith.constant 0 : i32
        %add3A_540 = vector.broadcast %add3A_539 : i32 to vector<16xi32>
        %add3A_541 = arith.addi %iota3A, %add3A_540 : vector<16xi32>
        %and3A_542 = arith.constant 15 : i32
        %and3A_543 = vector.broadcast %and3A_542 : i32 to vector<16xi32>
        %and3A_544 = arith.andi %add3A_541, %and3A_543 : vector<16xi32>
        %add3A_545 = vector.broadcast %mul3A_518 : i32 to vector<16xi32>
        %add3A_546 = arith.addi %add3A_545, %and3A_544 : vector<16xi32>
        %gather3A_547 = arith.constant 1 : i32
        %gather3A_548 = arith.constant 0 : i32
        %gather3A_549 = arith.constant 0 : i32
        %gather3A_550 = tpu.memref_slice %arg7[%gather3A_547, %gather3A_548, %gather3A_549] : memref<2x128x128xf32, #tpu.memory_space<vmem>> -> memref<1x128x128xf32, #tpu.memory_space<vmem>>
        %gather3A_551 = tpu.memref_squeeze %gather3A_550 : memref<1x128x128xf32, #tpu.memory_space<vmem>> -> memref<128x128xf32, #tpu.memory_space<vmem>>
        %gather3A_552 = tpu.vector_load_idx %gather3A_551[%add3A_538, %add3A_546] : memref<128x128xf32, #tpu.memory_space<vmem>>[vector<16xi32>, vector<16xi32>], vector<16xf32>,
        %scatter3A_553 = arith.constant 1 : i32
        %scatter3A_554 = arith.constant 0 : i32
        %scatter3A_555 = arith.constant 0 : i32
        %scatter3A_556 = tpu.memref_slice %arg8[%scatter3A_553, %scatter3A_554, %scatter3A_555] : memref<2x64x128xf32, #tpu.memory_space<vmem>> -> memref<1x64x128xf32, #tpu.memory_space<vmem>>
        %scatter3A_557 = tpu.memref_squeeze %scatter3A_556 : memref<1x64x128xf32, #tpu.memory_space<vmem>> -> memref<64x128xf32, #tpu.memory_space<vmem>>
        tpu.vector_store_idx %scatter3A_557[%add3A_546, %add3A_538], %gather3A_552 : memref<64x128xf32, #tpu.memory_space<vmem>>[vector<16xi32>, vector<16xi32>], vector<16xf32>,
        %add3A_558 = arith.constant 1 : i32
        %add3A_559 = vector.broadcast %add3A_558 : i32 to vector<16xi32>
        %add3A_560 = arith.addi %iota3A, %add3A_559 : vector<16xi32>
        %and3A_561 = arith.constant 15 : i32
        %and3A_562 = vector.broadcast %and3A_561 : i32 to vector<16xi32>
        %and3A_563 = arith.andi %add3A_560, %and3A_562 : vector<16xi32>
        %add3A_564 = vector.broadcast %mul3A_518 : i32 to vector<16xi32>
        %add3A_565 = arith.addi %add3A_564, %and3A_563 : vector<16xi32>
        %gather3A_566 = arith.constant 1 : i32
        %gather3A_567 = arith.constant 0 : i32
        %gather3A_568 = arith.constant 0 : i32
        %gather3A_569 = tpu.memref_slice %arg7[%gather3A_566, %gather3A_567, %gather3A_568] : memref<2x128x128xf32, #tpu.memory_space<vmem>> -> memref<1x128x128xf32, #tpu.memory_space<vmem>>
        %gather3A_570 = tpu.memref_squeeze %gather3A_569 : memref<1x128x128xf32, #tpu.memory_space<vmem>> -> memref<128x128xf32, #tpu.memory_space<vmem>>
        %gather3A_571 = tpu.vector_load_idx %gather3A_570[%add3A_538, %add3A_565] : memref<128x128xf32, #tpu.memory_space<vmem>>[vector<16xi32>, vector<16xi32>], vector<16xf32>,
        %scatter3A_572 = arith.constant 1 : i32
        %scatter3A_573 = arith.constant 0 : i32
        %scatter3A_574 = arith.constant 0 : i32
        %scatter3A_575 = tpu.memref_slice %arg8[%scatter3A_572, %scatter3A_573, %scatter3A_574] : memref<2x64x128xf32, #tpu.memory_space<vmem>> -> memref<1x64x128xf32, #tpu.memory_space<vmem>>
        %scatter3A_576 = tpu.memref_squeeze %scatter3A_575 : memref<1x64x128xf32, #tpu.memory_space<vmem>> -> memref<64x128xf32, #tpu.memory_space<vmem>>
        tpu.vector_store_idx %scatter3A_576[%add3A_565, %add3A_538], %gather3A_571 : memref<64x128xf32, #tpu.memory_space<vmem>>[vector<16xi32>, vector<16xi32>], vector<16xf32>,
        %add3A_577 = arith.constant 2 : i32
        %add3A_578 = vector.broadcast %add3A_577 : i32 to vector<16xi32>
        %add3A_579 = arith.addi %iota3A, %add3A_578 : vector<16xi32>
        %and3A_580 = arith.constant 15 : i32
        %and3A_581 = vector.broadcast %and3A_580 : i32 to vector<16xi32>
        %and3A_582 = arith.andi %add3A_579, %and3A_581 : vector<16xi32>
        %add3A_583 = vector.broadcast %mul3A_518 : i32 to vector<16xi32>
        %add3A_584 = arith.addi %add3A_583, %and3A_582 : vector<16xi32>
        %gather3A_585 = arith.constant 1 : i32
        %gather3A_586 = arith.constant 0 : i32
        %gather3A_587 = arith.constant 0 : i32
        %gather3A_588 = tpu.memref_slice %arg7[%gather3A_585, %gather3A_586, %gather3A_587] : memref<2x128x128xf32, #tpu.memory_space<vmem>> -> memref<1x128x128xf32, #tpu.memory_space<vmem>>
        %gather3A_589 = tpu.memref_squeeze %gather3A_588 : memref<1x128x128xf32, #tpu.memory_space<vmem>> -> memref<128x128xf32, #tpu.memory_space<vmem>>
        %gather3A_590 = tpu.vector_load_idx %gather3A_589[%add3A_538, %add3A_584] : memref<128x128xf32, #tpu.memory_space<vmem>>[vector<16xi32>, vector<16xi32>], vector<16xf32>,
        %scatter3A_591 = arith.constant 1 : i32
        %scatter3A_592 = arith.constant 0 : i32
        %scatter3A_593 = arith.constant 0 : i32
        %scatter3A_594 = tpu.memref_slice %arg8[%scatter3A_591, %scatter3A_592, %scatter3A_593] : memref<2x64x128xf32, #tpu.memory_space<vmem>> -> memref<1x64x128xf32, #tpu.memory_space<vmem>>
        %scatter3A_595 = tpu.memref_squeeze %scatter3A_594 : memref<1x64x128xf32, #tpu.memory_space<vmem>> -> memref<64x128xf32, #tpu.memory_space<vmem>>
        tpu.vector_store_idx %scatter3A_595[%add3A_584, %add3A_538], %gather3A_590 : memref<64x128xf32, #tpu.memory_space<vmem>>[vector<16xi32>, vector<16xi32>], vector<16xf32>,
        %add3A_596 = arith.constant 3 : i32
        %add3A_597 = vector.broadcast %add3A_596 : i32 to vector<16xi32>
        %add3A_598 = arith.addi %iota3A, %add3A_597 : vector<16xi32>
        %and3A_599 = arith.constant 15 : i32
        %and3A_600 = vector.broadcast %and3A_599 : i32 to vector<16xi32>
        %and3A_601 = arith.andi %add3A_598, %and3A_600 : vector<16xi32>
        %add3A_602 = vector.broadcast %mul3A_518 : i32 to vector<16xi32>
        %add3A_603 = arith.addi %add3A_602, %and3A_601 : vector<16xi32>
        %gather3A_604 = arith.constant 1 : i32
        %gather3A_605 = arith.constant 0 : i32
        %gather3A_606 = arith.constant 0 : i32
        %gather3A_607 = tpu.memref_slice %arg7[%gather3A_604, %gather3A_605, %gather3A_606] : memref<2x128x128xf32, #tpu.memory_space<vmem>> -> memref<1x128x128xf32, #tpu.memory_space<vmem>>
        %gather3A_608 = tpu.memref_squeeze %gather3A_607 : memref<1x128x128xf32, #tpu.memory_space<vmem>> -> memref<128x128xf32, #tpu.memory_space<vmem>>
        %gather3A_609 = tpu.vector_load_idx %gather3A_608[%add3A_538, %add3A_603] : memref<128x128xf32, #tpu.memory_space<vmem>>[vector<16xi32>, vector<16xi32>], vector<16xf32>,
        %scatter3A_610 = arith.constant 1 : i32
        %scatter3A_611 = arith.constant 0 : i32
        %scatter3A_612 = arith.constant 0 : i32
        %scatter3A_613 = tpu.memref_slice %arg8[%scatter3A_610, %scatter3A_611, %scatter3A_612] : memref<2x64x128xf32, #tpu.memory_space<vmem>> -> memref<1x64x128xf32, #tpu.memory_space<vmem>>
        %scatter3A_614 = tpu.memref_squeeze %scatter3A_613 : memref<1x64x128xf32, #tpu.memory_space<vmem>> -> memref<64x128xf32, #tpu.memory_space<vmem>>
        tpu.vector_store_idx %scatter3A_614[%add3A_603, %add3A_538], %gather3A_609 : memref<64x128xf32, #tpu.memory_space<vmem>>[vector<16xi32>, vector<16xi32>], vector<16xf32>,
        %add3A_615 = arith.constant 4 : i32
        %add3A_616 = vector.broadcast %add3A_615 : i32 to vector<16xi32>
        %add3A_617 = arith.addi %iota3A, %add3A_616 : vector<16xi32>
        %and3A_618 = arith.constant 15 : i32
        %and3A_619 = vector.broadcast %and3A_618 : i32 to vector<16xi32>
        %and3A_620 = arith.andi %add3A_617, %and3A_619 : vector<16xi32>
        %add3A_621 = vector.broadcast %mul3A_518 : i32 to vector<16xi32>
        %add3A_622 = arith.addi %add3A_621, %and3A_620 : vector<16xi32>
        %gather3A_623 = arith.constant 1 : i32
        %gather3A_624 = arith.constant 0 : i32
        %gather3A_625 = arith.constant 0 : i32
        %gather3A_626 = tpu.memref_slice %arg7[%gather3A_623, %gather3A_624, %gather3A_625] : memref<2x128x128xf32, #tpu.memory_space<vmem>> -> memref<1x128x128xf32, #tpu.memory_space<vmem>>
        %gather3A_627 = tpu.memref_squeeze %gather3A_626 : memref<1x128x128xf32, #tpu.memory_space<vmem>> -> memref<128x128xf32, #tpu.memory_space<vmem>>
        %gather3A_628 = tpu.vector_load_idx %gather3A_627[%add3A_538, %add3A_622] : memref<128x128xf32, #tpu.memory_space<vmem>>[vector<16xi32>, vector<16xi32>], vector<16xf32>,
        %scatter3A_629 = arith.constant 1 : i32
        %scatter3A_630 = arith.constant 0 : i32
        %scatter3A_631 = arith.constant 0 : i32
        %scatter3A_632 = tpu.memref_slice %arg8[%scatter3A_629, %scatter3A_630, %scatter3A_631] : memref<2x64x128xf32, #tpu.memory_space<vmem>> -> memref<1x64x128xf32, #tpu.memory_space<vmem>>
        %scatter3A_633 = tpu.memref_squeeze %scatter3A_632 : memref<1x64x128xf32, #tpu.memory_space<vmem>> -> memref<64x128xf32, #tpu.memory_space<vmem>>
        tpu.vector_store_idx %scatter3A_633[%add3A_622, %add3A_538], %gather3A_628 : memref<64x128xf32, #tpu.memory_space<vmem>>[vector<16xi32>, vector<16xi32>], vector<16xf32>,
        %add3A_634 = arith.constant 5 : i32
        %add3A_635 = vector.broadcast %add3A_634 : i32 to vector<16xi32>
        %add3A_636 = arith.addi %iota3A, %add3A_635 : vector<16xi32>
        %and3A_637 = arith.constant 15 : i32
        %and3A_638 = vector.broadcast %and3A_637 : i32 to vector<16xi32>
        %and3A_639 = arith.andi %add3A_636, %and3A_638 : vector<16xi32>
        %add3A_640 = vector.broadcast %mul3A_518 : i32 to vector<16xi32>
        %add3A_641 = arith.addi %add3A_640, %and3A_639 : vector<16xi32>
        %gather3A_642 = arith.constant 1 : i32
        %gather3A_643 = arith.constant 0 : i32
        %gather3A_644 = arith.constant 0 : i32
        %gather3A_645 = tpu.memref_slice %arg7[%gather3A_642, %gather3A_643, %gather3A_644] : memref<2x128x128xf32, #tpu.memory_space<vmem>> -> memref<1x128x128xf32, #tpu.memory_space<vmem>>
        %gather3A_646 = tpu.memref_squeeze %gather3A_645 : memref<1x128x128xf32, #tpu.memory_space<vmem>> -> memref<128x128xf32, #tpu.memory_space<vmem>>
        %gather3A_647 = tpu.vector_load_idx %gather3A_646[%add3A_538, %add3A_641] : memref<128x128xf32, #tpu.memory_space<vmem>>[vector<16xi32>, vector<16xi32>], vector<16xf32>,
        %scatter3A_648 = arith.constant 1 : i32
        %scatter3A_649 = arith.constant 0 : i32
        %scatter3A_650 = arith.constant 0 : i32
        %scatter3A_651 = tpu.memref_slice %arg8[%scatter3A_648, %scatter3A_649, %scatter3A_650] : memref<2x64x128xf32, #tpu.memory_space<vmem>> -> memref<1x64x128xf32, #tpu.memory_space<vmem>>
        %scatter3A_652 = tpu.memref_squeeze %scatter3A_651 : memref<1x64x128xf32, #tpu.memory_space<vmem>> -> memref<64x128xf32, #tpu.memory_space<vmem>>
        tpu.vector_store_idx %scatter3A_652[%add3A_641, %add3A_538], %gather3A_647 : memref<64x128xf32, #tpu.memory_space<vmem>>[vector<16xi32>, vector<16xi32>], vector<16xf32>,
        %add3A_653 = arith.constant 6 : i32
        %add3A_654 = vector.broadcast %add3A_653 : i32 to vector<16xi32>
        %add3A_655 = arith.addi %iota3A, %add3A_654 : vector<16xi32>
        %and3A_656 = arith.constant 15 : i32
        %and3A_657 = vector.broadcast %and3A_656 : i32 to vector<16xi32>
        %and3A_658 = arith.andi %add3A_655, %and3A_657 : vector<16xi32>
        %add3A_659 = vector.broadcast %mul3A_518 : i32 to vector<16xi32>
        %add3A_660 = arith.addi %add3A_659, %and3A_658 : vector<16xi32>
        %gather3A_661 = arith.constant 1 : i32
        %gather3A_662 = arith.constant 0 : i32
        %gather3A_663 = arith.constant 0 : i32
        %gather3A_664 = tpu.memref_slice %arg7[%gather3A_661, %gather3A_662, %gather3A_663] : memref<2x128x128xf32, #tpu.memory_space<vmem>> -> memref<1x128x128xf32, #tpu.memory_space<vmem>>
        %gather3A_665 = tpu.memref_squeeze %gather3A_664 : memref<1x128x128xf32, #tpu.memory_space<vmem>> -> memref<128x128xf32, #tpu.memory_space<vmem>>
        %gather3A_666 = tpu.vector_load_idx %gather3A_665[%add3A_538, %add3A_660] : memref<128x128xf32, #tpu.memory_space<vmem>>[vector<16xi32>, vector<16xi32>], vector<16xf32>,
        %scatter3A_667 = arith.constant 1 : i32
        %scatter3A_668 = arith.constant 0 : i32
        %scatter3A_669 = arith.constant 0 : i32
        %scatter3A_670 = tpu.memref_slice %arg8[%scatter3A_667, %scatter3A_668, %scatter3A_669] : memref<2x64x128xf32, #tpu.memory_space<vmem>> -> memref<1x64x128xf32, #tpu.memory_space<vmem>>
        %scatter3A_671 = tpu.memref_squeeze %scatter3A_670 : memref<1x64x128xf32, #tpu.memory_space<vmem>> -> memref<64x128xf32, #tpu.memory_space<vmem>>
        tpu.vector_store_idx %scatter3A_671[%add3A_660, %add3A_538], %gather3A_666 : memref<64x128xf32, #tpu.memory_space<vmem>>[vector<16xi32>, vector<16xi32>], vector<16xf32>,
        %add3A_672 = arith.constant 7 : i32
        %add3A_673 = vector.broadcast %add3A_672 : i32 to vector<16xi32>
        %add3A_674 = arith.addi %iota3A, %add3A_673 : vector<16xi32>
        %and3A_675 = arith.constant 15 : i32
        %and3A_676 = vector.broadcast %and3A_675 : i32 to vector<16xi32>
        %and3A_677 = arith.andi %add3A_674, %and3A_676 : vector<16xi32>
        %add3A_678 = vector.broadcast %mul3A_518 : i32 to vector<16xi32>
        %add3A_679 = arith.addi %add3A_678, %and3A_677 : vector<16xi32>
        %gather3A_680 = arith.constant 1 : i32
        %gather3A_681 = arith.constant 0 : i32
        %gather3A_682 = arith.constant 0 : i32
        %gather3A_683 = tpu.memref_slice %arg7[%gather3A_680, %gather3A_681, %gather3A_682] : memref<2x128x128xf32, #tpu.memory_space<vmem>> -> memref<1x128x128xf32, #tpu.memory_space<vmem>>
        %gather3A_684 = tpu.memref_squeeze %gather3A_683 : memref<1x128x128xf32, #tpu.memory_space<vmem>> -> memref<128x128xf32, #tpu.memory_space<vmem>>
        %gather3A_685 = tpu.vector_load_idx %gather3A_684[%add3A_538, %add3A_679] : memref<128x128xf32, #tpu.memory_space<vmem>>[vector<16xi32>, vector<16xi32>], vector<16xf32>,
        %scatter3A_686 = arith.constant 1 : i32
        %scatter3A_687 = arith.constant 0 : i32
        %scatter3A_688 = arith.constant 0 : i32
        %scatter3A_689 = tpu.memref_slice %arg8[%scatter3A_686, %scatter3A_687, %scatter3A_688] : memref<2x64x128xf32, #tpu.memory_space<vmem>> -> memref<1x64x128xf32, #tpu.memory_space<vmem>>
        %scatter3A_690 = tpu.memref_squeeze %scatter3A_689 : memref<1x64x128xf32, #tpu.memory_space<vmem>> -> memref<64x128xf32, #tpu.memory_space<vmem>>
        tpu.vector_store_idx %scatter3A_690[%add3A_679, %add3A_538], %gather3A_685 : memref<64x128xf32, #tpu.memory_space<vmem>>[vector<16xi32>, vector<16xi32>], vector<16xf32>,
        %add3A_691 = arith.constant 8 : i32
        %add3A_692 = vector.broadcast %add3A_691 : i32 to vector<16xi32>
        %add3A_693 = arith.addi %iota3A, %add3A_692 : vector<16xi32>
        %and3A_694 = arith.constant 15 : i32
        %and3A_695 = vector.broadcast %and3A_694 : i32 to vector<16xi32>
        %and3A_696 = arith.andi %add3A_693, %and3A_695 : vector<16xi32>
        %add3A_697 = vector.broadcast %mul3A_518 : i32 to vector<16xi32>
        %add3A_698 = arith.addi %add3A_697, %and3A_696 : vector<16xi32>
        %gather3A_699 = arith.constant 1 : i32
        %gather3A_700 = arith.constant 0 : i32
        %gather3A_701 = arith.constant 0 : i32
        %gather3A_702 = tpu.memref_slice %arg7[%gather3A_699, %gather3A_700, %gather3A_701] : memref<2x128x128xf32, #tpu.memory_space<vmem>> -> memref<1x128x128xf32, #tpu.memory_space<vmem>>
        %gather3A_703 = tpu.memref_squeeze %gather3A_702 : memref<1x128x128xf32, #tpu.memory_space<vmem>> -> memref<128x128xf32, #tpu.memory_space<vmem>>
        %gather3A_704 = tpu.vector_load_idx %gather3A_703[%add3A_538, %add3A_698] : memref<128x128xf32, #tpu.memory_space<vmem>>[vector<16xi32>, vector<16xi32>], vector<16xf32>,
        %scatter3A_705 = arith.constant 1 : i32
        %scatter3A_706 = arith.constant 0 : i32
        %scatter3A_707 = arith.constant 0 : i32
        %scatter3A_708 = tpu.memref_slice %arg8[%scatter3A_705, %scatter3A_706, %scatter3A_707] : memref<2x64x128xf32, #tpu.memory_space<vmem>> -> memref<1x64x128xf32, #tpu.memory_space<vmem>>
        %scatter3A_709 = tpu.memref_squeeze %scatter3A_708 : memref<1x64x128xf32, #tpu.memory_space<vmem>> -> memref<64x128xf32, #tpu.memory_space<vmem>>
        tpu.vector_store_idx %scatter3A_709[%add3A_698, %add3A_538], %gather3A_704 : memref<64x128xf32, #tpu.memory_space<vmem>>[vector<16xi32>, vector<16xi32>], vector<16xf32>,
        %add3A_710 = arith.constant 9 : i32
        %add3A_711 = vector.broadcast %add3A_710 : i32 to vector<16xi32>
        %add3A_712 = arith.addi %iota3A, %add3A_711 : vector<16xi32>
        %and3A_713 = arith.constant 15 : i32
        %and3A_714 = vector.broadcast %and3A_713 : i32 to vector<16xi32>
        %and3A_715 = arith.andi %add3A_712, %and3A_714 : vector<16xi32>
        %add3A_716 = vector.broadcast %mul3A_518 : i32 to vector<16xi32>
        %add3A_717 = arith.addi %add3A_716, %and3A_715 : vector<16xi32>
        %gather3A_718 = arith.constant 1 : i32
        %gather3A_719 = arith.constant 0 : i32
        %gather3A_720 = arith.constant 0 : i32
        %gather3A_721 = tpu.memref_slice %arg7[%gather3A_718, %gather3A_719, %gather3A_720] : memref<2x128x128xf32, #tpu.memory_space<vmem>> -> memref<1x128x128xf32, #tpu.memory_space<vmem>>
        %gather3A_722 = tpu.memref_squeeze %gather3A_721 : memref<1x128x128xf32, #tpu.memory_space<vmem>> -> memref<128x128xf32, #tpu.memory_space<vmem>>
        %gather3A_723 = tpu.vector_load_idx %gather3A_722[%add3A_538, %add3A_717] : memref<128x128xf32, #tpu.memory_space<vmem>>[vector<16xi32>, vector<16xi32>], vector<16xf32>,
        %scatter3A_724 = arith.constant 1 : i32
        %scatter3A_725 = arith.constant 0 : i32
        %scatter3A_726 = arith.constant 0 : i32
        %scatter3A_727 = tpu.memref_slice %arg8[%scatter3A_724, %scatter3A_725, %scatter3A_726] : memref<2x64x128xf32, #tpu.memory_space<vmem>> -> memref<1x64x128xf32, #tpu.memory_space<vmem>>
        %scatter3A_728 = tpu.memref_squeeze %scatter3A_727 : memref<1x64x128xf32, #tpu.memory_space<vmem>> -> memref<64x128xf32, #tpu.memory_space<vmem>>
        tpu.vector_store_idx %scatter3A_728[%add3A_717, %add3A_538], %gather3A_723 : memref<64x128xf32, #tpu.memory_space<vmem>>[vector<16xi32>, vector<16xi32>], vector<16xf32>,
        %add3A_729 = arith.constant 10 : i32
        %add3A_730 = vector.broadcast %add3A_729 : i32 to vector<16xi32>
        %add3A_731 = arith.addi %iota3A, %add3A_730 : vector<16xi32>
        %and3A_732 = arith.constant 15 : i32
        %and3A_733 = vector.broadcast %and3A_732 : i32 to vector<16xi32>
        %and3A_734 = arith.andi %add3A_731, %and3A_733 : vector<16xi32>
        %add3A_735 = vector.broadcast %mul3A_518 : i32 to vector<16xi32>
        %add3A_736 = arith.addi %add3A_735, %and3A_734 : vector<16xi32>
        %gather3A_737 = arith.constant 1 : i32
        %gather3A_738 = arith.constant 0 : i32
        %gather3A_739 = arith.constant 0 : i32
        %gather3A_740 = tpu.memref_slice %arg7[%gather3A_737, %gather3A_738, %gather3A_739] : memref<2x128x128xf32, #tpu.memory_space<vmem>> -> memref<1x128x128xf32, #tpu.memory_space<vmem>>
        %gather3A_741 = tpu.memref_squeeze %gather3A_740 : memref<1x128x128xf32, #tpu.memory_space<vmem>> -> memref<128x128xf32, #tpu.memory_space<vmem>>
        %gather3A_742 = tpu.vector_load_idx %gather3A_741[%add3A_538, %add3A_736] : memref<128x128xf32, #tpu.memory_space<vmem>>[vector<16xi32>, vector<16xi32>], vector<16xf32>,
        %scatter3A_743 = arith.constant 1 : i32
        %scatter3A_744 = arith.constant 0 : i32
        %scatter3A_745 = arith.constant 0 : i32
        %scatter3A_746 = tpu.memref_slice %arg8[%scatter3A_743, %scatter3A_744, %scatter3A_745] : memref<2x64x128xf32, #tpu.memory_space<vmem>> -> memref<1x64x128xf32, #tpu.memory_space<vmem>>
        %scatter3A_747 = tpu.memref_squeeze %scatter3A_746 : memref<1x64x128xf32, #tpu.memory_space<vmem>> -> memref<64x128xf32, #tpu.memory_space<vmem>>
        tpu.vector_store_idx %scatter3A_747[%add3A_736, %add3A_538], %gather3A_742 : memref<64x128xf32, #tpu.memory_space<vmem>>[vector<16xi32>, vector<16xi32>], vector<16xf32>,
        %add3A_748 = arith.constant 11 : i32
        %add3A_749 = vector.broadcast %add3A_748 : i32 to vector<16xi32>
        %add3A_750 = arith.addi %iota3A, %add3A_749 : vector<16xi32>
        %and3A_751 = arith.constant 15 : i32
        %and3A_752 = vector.broadcast %and3A_751 : i32 to vector<16xi32>
        %and3A_753 = arith.andi %add3A_750, %and3A_752 : vector<16xi32>
        %add3A_754 = vector.broadcast %mul3A_518 : i32 to vector<16xi32>
        %add3A_755 = arith.addi %add3A_754, %and3A_753 : vector<16xi32>
        %gather3A_756 = arith.constant 1 : i32
        %gather3A_757 = arith.constant 0 : i32
        %gather3A_758 = arith.constant 0 : i32
        %gather3A_759 = tpu.memref_slice %arg7[%gather3A_756, %gather3A_757, %gather3A_758] : memref<2x128x128xf32, #tpu.memory_space<vmem>> -> memref<1x128x128xf32, #tpu.memory_space<vmem>>
        %gather3A_760 = tpu.memref_squeeze %gather3A_759 : memref<1x128x128xf32, #tpu.memory_space<vmem>> -> memref<128x128xf32, #tpu.memory_space<vmem>>
        %gather3A_761 = tpu.vector_load_idx %gather3A_760[%add3A_538, %add3A_755] : memref<128x128xf32, #tpu.memory_space<vmem>>[vector<16xi32>, vector<16xi32>], vector<16xf32>,
        %scatter3A_762 = arith.constant 1 : i32
        %scatter3A_763 = arith.constant 0 : i32
        %scatter3A_764 = arith.constant 0 : i32
        %scatter3A_765 = tpu.memref_slice %arg8[%scatter3A_762, %scatter3A_763, %scatter3A_764] : memref<2x64x128xf32, #tpu.memory_space<vmem>> -> memref<1x64x128xf32, #tpu.memory_space<vmem>>
        %scatter3A_766 = tpu.memref_squeeze %scatter3A_765 : memref<1x64x128xf32, #tpu.memory_space<vmem>> -> memref<64x128xf32, #tpu.memory_space<vmem>>
        tpu.vector_store_idx %scatter3A_766[%add3A_755, %add3A_538], %gather3A_761 : memref<64x128xf32, #tpu.memory_space<vmem>>[vector<16xi32>, vector<16xi32>], vector<16xf32>,
        %add3A_767 = arith.constant 12 : i32
        %add3A_768 = vector.broadcast %add3A_767 : i32 to vector<16xi32>
        %add3A_769 = arith.addi %iota3A, %add3A_768 : vector<16xi32>
        %and3A_770 = arith.constant 15 : i32
        %and3A_771 = vector.broadcast %and3A_770 : i32 to vector<16xi32>
        %and3A_772 = arith.andi %add3A_769, %and3A_771 : vector<16xi32>
        %add3A_773 = vector.broadcast %mul3A_518 : i32 to vector<16xi32>
        %add3A_774 = arith.addi %add3A_773, %and3A_772 : vector<16xi32>
        %gather3A_775 = arith.constant 1 : i32
        %gather3A_776 = arith.constant 0 : i32
        %gather3A_777 = arith.constant 0 : i32
        %gather3A_778 = tpu.memref_slice %arg7[%gather3A_775, %gather3A_776, %gather3A_777] : memref<2x128x128xf32, #tpu.memory_space<vmem>> -> memref<1x128x128xf32, #tpu.memory_space<vmem>>
        %gather3A_779 = tpu.memref_squeeze %gather3A_778 : memref<1x128x128xf32, #tpu.memory_space<vmem>> -> memref<128x128xf32, #tpu.memory_space<vmem>>
        %gather3A_780 = tpu.vector_load_idx %gather3A_779[%add3A_538, %add3A_774] : memref<128x128xf32, #tpu.memory_space<vmem>>[vector<16xi32>, vector<16xi32>], vector<16xf32>,
        %scatter3A_781 = arith.constant 1 : i32
        %scatter3A_782 = arith.constant 0 : i32
        %scatter3A_783 = arith.constant 0 : i32
        %scatter3A_784 = tpu.memref_slice %arg8[%scatter3A_781, %scatter3A_782, %scatter3A_783] : memref<2x64x128xf32, #tpu.memory_space<vmem>> -> memref<1x64x128xf32, #tpu.memory_space<vmem>>
        %scatter3A_785 = tpu.memref_squeeze %scatter3A_784 : memref<1x64x128xf32, #tpu.memory_space<vmem>> -> memref<64x128xf32, #tpu.memory_space<vmem>>
        tpu.vector_store_idx %scatter3A_785[%add3A_774, %add3A_538], %gather3A_780 : memref<64x128xf32, #tpu.memory_space<vmem>>[vector<16xi32>, vector<16xi32>], vector<16xf32>,
        %add3A_786 = arith.constant 13 : i32
        %add3A_787 = vector.broadcast %add3A_786 : i32 to vector<16xi32>
        %add3A_788 = arith.addi %iota3A, %add3A_787 : vector<16xi32>
        %and3A_789 = arith.constant 15 : i32
        %and3A_790 = vector.broadcast %and3A_789 : i32 to vector<16xi32>
        %and3A_791 = arith.andi %add3A_788, %and3A_790 : vector<16xi32>
        %add3A_792 = vector.broadcast %mul3A_518 : i32 to vector<16xi32>
        %add3A_793 = arith.addi %add3A_792, %and3A_791 : vector<16xi32>
        %gather3A_794 = arith.constant 1 : i32
        %gather3A_795 = arith.constant 0 : i32
        %gather3A_796 = arith.constant 0 : i32
        %gather3A_797 = tpu.memref_slice %arg7[%gather3A_794, %gather3A_795, %gather3A_796] : memref<2x128x128xf32, #tpu.memory_space<vmem>> -> memref<1x128x128xf32, #tpu.memory_space<vmem>>
        %gather3A_798 = tpu.memref_squeeze %gather3A_797 : memref<1x128x128xf32, #tpu.memory_space<vmem>> -> memref<128x128xf32, #tpu.memory_space<vmem>>
        %gather3A_799 = tpu.vector_load_idx %gather3A_798[%add3A_538, %add3A_793] : memref<128x128xf32, #tpu.memory_space<vmem>>[vector<16xi32>, vector<16xi32>], vector<16xf32>,
        %scatter3A_800 = arith.constant 1 : i32
        %scatter3A_801 = arith.constant 0 : i32
        %scatter3A_802 = arith.constant 0 : i32
        %scatter3A_803 = tpu.memref_slice %arg8[%scatter3A_800, %scatter3A_801, %scatter3A_802] : memref<2x64x128xf32, #tpu.memory_space<vmem>> -> memref<1x64x128xf32, #tpu.memory_space<vmem>>
        %scatter3A_804 = tpu.memref_squeeze %scatter3A_803 : memref<1x64x128xf32, #tpu.memory_space<vmem>> -> memref<64x128xf32, #tpu.memory_space<vmem>>
        tpu.vector_store_idx %scatter3A_804[%add3A_793, %add3A_538], %gather3A_799 : memref<64x128xf32, #tpu.memory_space<vmem>>[vector<16xi32>, vector<16xi32>], vector<16xf32>,
        %add3A_805 = arith.constant 14 : i32
        %add3A_806 = vector.broadcast %add3A_805 : i32 to vector<16xi32>
        %add3A_807 = arith.addi %iota3A, %add3A_806 : vector<16xi32>
        %and3A_808 = arith.constant 15 : i32
        %and3A_809 = vector.broadcast %and3A_808 : i32 to vector<16xi32>
        %and3A_810 = arith.andi %add3A_807, %and3A_809 : vector<16xi32>
        %add3A_811 = vector.broadcast %mul3A_518 : i32 to vector<16xi32>
        %add3A_812 = arith.addi %add3A_811, %and3A_810 : vector<16xi32>
        %gather3A_813 = arith.constant 1 : i32
        %gather3A_814 = arith.constant 0 : i32
        %gather3A_815 = arith.constant 0 : i32
        %gather3A_816 = tpu.memref_slice %arg7[%gather3A_813, %gather3A_814, %gather3A_815] : memref<2x128x128xf32, #tpu.memory_space<vmem>> -> memref<1x128x128xf32, #tpu.memory_space<vmem>>
        %gather3A_817 = tpu.memref_squeeze %gather3A_816 : memref<1x128x128xf32, #tpu.memory_space<vmem>> -> memref<128x128xf32, #tpu.memory_space<vmem>>
        %gather3A_818 = tpu.vector_load_idx %gather3A_817[%add3A_538, %add3A_812] : memref<128x128xf32, #tpu.memory_space<vmem>>[vector<16xi32>, vector<16xi32>], vector<16xf32>,
        %scatter3A_819 = arith.constant 1 : i32
        %scatter3A_820 = arith.constant 0 : i32
        %scatter3A_821 = arith.constant 0 : i32
        %scatter3A_822 = tpu.memref_slice %arg8[%scatter3A_819, %scatter3A_820, %scatter3A_821] : memref<2x64x128xf32, #tpu.memory_space<vmem>> -> memref<1x64x128xf32, #tpu.memory_space<vmem>>
        %scatter3A_823 = tpu.memref_squeeze %scatter3A_822 : memref<1x64x128xf32, #tpu.memory_space<vmem>> -> memref<64x128xf32, #tpu.memory_space<vmem>>
        tpu.vector_store_idx %scatter3A_823[%add3A_812, %add3A_538], %gather3A_818 : memref<64x128xf32, #tpu.memory_space<vmem>>[vector<16xi32>, vector<16xi32>], vector<16xf32>,
        %add3A_824 = arith.constant 15 : i32
        %add3A_825 = vector.broadcast %add3A_824 : i32 to vector<16xi32>
        %add3A_826 = arith.addi %iota3A, %add3A_825 : vector<16xi32>
        %and3A_827 = arith.constant 15 : i32
        %and3A_828 = vector.broadcast %and3A_827 : i32 to vector<16xi32>
        %and3A_829 = arith.andi %add3A_826, %and3A_828 : vector<16xi32>
        %add3A_830 = vector.broadcast %mul3A_518 : i32 to vector<16xi32>
        %add3A_831 = arith.addi %add3A_830, %and3A_829 : vector<16xi32>
        %gather3A_832 = arith.constant 1 : i32
        %gather3A_833 = arith.constant 0 : i32
        %gather3A_834 = arith.constant 0 : i32
        %gather3A_835 = tpu.memref_slice %arg7[%gather3A_832, %gather3A_833, %gather3A_834] : memref<2x128x128xf32, #tpu.memory_space<vmem>> -> memref<1x128x128xf32, #tpu.memory_space<vmem>>
        %gather3A_836 = tpu.memref_squeeze %gather3A_835 : memref<1x128x128xf32, #tpu.memory_space<vmem>> -> memref<128x128xf32, #tpu.memory_space<vmem>>
        %gather3A_837 = tpu.vector_load_idx %gather3A_836[%add3A_538, %add3A_831] : memref<128x128xf32, #tpu.memory_space<vmem>>[vector<16xi32>, vector<16xi32>], vector<16xf32>,
        %scatter3A_838 = arith.constant 1 : i32
        %scatter3A_839 = arith.constant 0 : i32
        %scatter3A_840 = arith.constant 0 : i32
        %scatter3A_841 = tpu.memref_slice %arg8[%scatter3A_838, %scatter3A_839, %scatter3A_840] : memref<2x64x128xf32, #tpu.memory_space<vmem>> -> memref<1x64x128xf32, #tpu.memory_space<vmem>>
        %scatter3A_842 = tpu.memref_squeeze %scatter3A_841 : memref<1x64x128xf32, #tpu.memory_space<vmem>> -> memref<64x128xf32, #tpu.memory_space<vmem>>
        tpu.vector_store_idx %scatter3A_842[%add3A_831, %add3A_538], %gather3A_837 : memref<64x128xf32, #tpu.memory_space<vmem>>[vector<16xi32>, vector<16xi32>], vector<16xf32>,
        %scan3A_843 = arith.constant 2 : i32
        %scan3A_844 = arith.addi %scan3A_143, %scan3A_843 : i32
        %mul3A_845 = arith.constant 1 : i32
        %mul3A_846 = arith.muli %scan3A_844, %mul3A_845 : i32
        %add3A_847 = arith.constant 0 : i32
        %add3A_848 = arith.addi %add3A_847, %mul3A_846 : i32
        %jit3A_849 = arith.constant 8 : i32
        %div3A_850 = arith.divsi %add3A_848, %jit3A_849 : i32
        %sign3A_851 = arith.constant 0 : i32
        %sign3A_852 = arith.cmpi sgt, %add3A_848, %sign3A_851 : i32
        %sign3A_853 = arith.extui %sign3A_852 : i1 to i32
        %sign3A_854 = arith.constant 0 : i32
        %sign3A_855 = arith.cmpi slt, %add3A_848, %sign3A_854 : i32
        %sign3A_856 = arith.extui %sign3A_855 : i1 to i32
        %sign3A_857 = arith.subi %sign3A_853, %sign3A_856 : i32
        %sign3A_858 = arith.constant 0 : i32
        %sign3A_859 = arith.cmpi sgt, %jit3A_849, %sign3A_858 : i32
        %sign3A_860 = arith.extui %sign3A_859 : i1 to i32
        %sign3A_861 = arith.constant 0 : i32
        %sign3A_862 = arith.cmpi slt, %jit3A_849, %sign3A_861 : i32
        %sign3A_863 = arith.extui %sign3A_862 : i1 to i32
        %sign3A_864 = arith.subi %sign3A_860, %sign3A_863 : i32
        %ne3A_865 = arith.cmpi ne, %sign3A_857, %sign3A_864 : i32
        %rem3A_866 = arith.remsi %add3A_848, %jit3A_849 : i32
        %ne3A_867 = arith.constant 0 : i32
        %ne3A_868 = arith.cmpi ne, %rem3A_866, %ne3A_867 : i32
        %and3A_869 = arith.andi %ne3A_865, %ne3A_868 : i1
        %sub3A_870 = arith.constant 1 : i32
        %sub3A_871 = arith.subi %div3A_850, %sub3A_870 : i32
        %select_n3A_872 = arith.select %and3A_869, %sub3A_871, %div3A_850 : i32
        %mul3A_873 = arith.constant 16 : i32
        %mul3A_874 = arith.muli %select_n3A_872, %mul3A_873 : i32
        %jit3A_875 = arith.constant 8 : i32
        %eq3A_876 = arith.constant 0 : i32
        %eq3A_877 = arith.cmpi eq, %jit3A_875, %eq3A_876 : i32
        %jit3A_878 = arith.constant 1 : i32
        %select_n3A_879 = arith.select %eq3A_877, %jit3A_878, %jit3A_875 : i32
        %rem3A_880 = arith.remsi %add3A_848, %select_n3A_879 : i32
        %ne3A_881 = arith.constant 0 : i32
        %ne3A_882 = arith.cmpi ne, %rem3A_880, %ne3A_881 : i32
        %lt3A_883 = arith.constant 0 : i32
        %lt3A_884 = arith.cmpi slt, %rem3A_880, %lt3A_883 : i32
        %lt3A_885 = arith.constant 0 : i32
        %lt3A_886 = arith.cmpi slt, %select_n3A_879, %lt3A_885 : i32
        %ne3A_887 = arith.xori %lt3A_884, %lt3A_886 : i1
        %and3A_888 = arith.andi %ne3A_887, %ne3A_882 : i1
        %add3A_889 = arith.addi %rem3A_880, %select_n3A_879 : i32
        %select_n3A_890 = arith.select %and3A_888, %add3A_889, %rem3A_880 : i32
        %mul3A_891 = arith.constant 16 : i32
        %mul3A_892 = arith.muli %select_n3A_890, %mul3A_891 : i32
        %add3A_893 = vector.broadcast %mul3A_892 : i32 to vector<16xi32>
        %add3A_894 = arith.addi %add3A_893, %iota3A : vector<16xi32>
        %add3A_895 = arith.constant 0 : i32
        %add3A_896 = vector.broadcast %add3A_895 : i32 to vector<16xi32>
        %add3A_897 = arith.addi %iota3A, %add3A_896 : vector<16xi32>
        %and3A_898 = arith.constant 15 : i32
        %and3A_899 = vector.broadcast %and3A_898 : i32 to vector<16xi32>
        %and3A_900 = arith.andi %add3A_897, %and3A_899 : vector<16xi32>
        %add3A_901 = vector.broadcast %mul3A_874 : i32 to vector<16xi32>
        %add3A_902 = arith.addi %add3A_901, %and3A_900 : vector<16xi32>
        %gather3A_903 = arith.constant 1 : i32
        %gather3A_904 = arith.constant 0 : i32
        %gather3A_905 = arith.constant 0 : i32
        %gather3A_906 = tpu.memref_slice %arg7[%gather3A_903, %gather3A_904, %gather3A_905] : memref<2x128x128xf32, #tpu.memory_space<vmem>> -> memref<1x128x128xf32, #tpu.memory_space<vmem>>
        %gather3A_907 = tpu.memref_squeeze %gather3A_906 : memref<1x128x128xf32, #tpu.memory_space<vmem>> -> memref<128x128xf32, #tpu.memory_space<vmem>>
        %gather3A_908 = tpu.vector_load_idx %gather3A_907[%add3A_894, %add3A_902] : memref<128x128xf32, #tpu.memory_space<vmem>>[vector<16xi32>, vector<16xi32>], vector<16xf32>,
        %scatter3A_909 = arith.constant 1 : i32
        %scatter3A_910 = arith.constant 0 : i32
        %scatter3A_911 = arith.constant 0 : i32
        %scatter3A_912 = tpu.memref_slice %arg8[%scatter3A_909, %scatter3A_910, %scatter3A_911] : memref<2x64x128xf32, #tpu.memory_space<vmem>> -> memref<1x64x128xf32, #tpu.memory_space<vmem>>
        %scatter3A_913 = tpu.memref_squeeze %scatter3A_912 : memref<1x64x128xf32, #tpu.memory_space<vmem>> -> memref<64x128xf32, #tpu.memory_space<vmem>>
        tpu.vector_store_idx %scatter3A_913[%add3A_902, %add3A_894], %gather3A_908 : memref<64x128xf32, #tpu.memory_space<vmem>>[vector<16xi32>, vector<16xi32>], vector<16xf32>,
        %add3A_914 = arith.constant 1 : i32
        %add3A_915 = vector.broadcast %add3A_914 : i32 to vector<16xi32>
        %add3A_916 = arith.addi %iota3A, %add3A_915 : vector<16xi32>
        %and3A_917 = arith.constant 15 : i32
        %and3A_918 = vector.broadcast %and3A_917 : i32 to vector<16xi32>
        %and3A_919 = arith.andi %add3A_916, %and3A_918 : vector<16xi32>
        %add3A_920 = vector.broadcast %mul3A_874 : i32 to vector<16xi32>
        %add3A_921 = arith.addi %add3A_920, %and3A_919 : vector<16xi32>
        %gather3A_922 = arith.constant 1 : i32
        %gather3A_923 = arith.constant 0 : i32
        %gather3A_924 = arith.constant 0 : i32
        %gather3A_925 = tpu.memref_slice %arg7[%gather3A_922, %gather3A_923, %gather3A_924] : memref<2x128x128xf32, #tpu.memory_space<vmem>> -> memref<1x128x128xf32, #tpu.memory_space<vmem>>
        %gather3A_926 = tpu.memref_squeeze %gather3A_925 : memref<1x128x128xf32, #tpu.memory_space<vmem>> -> memref<128x128xf32, #tpu.memory_space<vmem>>
        %gather3A_927 = tpu.vector_load_idx %gather3A_926[%add3A_894, %add3A_921] : memref<128x128xf32, #tpu.memory_space<vmem>>[vector<16xi32>, vector<16xi32>], vector<16xf32>,
        %scatter3A_928 = arith.constant 1 : i32
        %scatter3A_929 = arith.constant 0 : i32
        %scatter3A_930 = arith.constant 0 : i32
        %scatter3A_931 = tpu.memref_slice %arg8[%scatter3A_928, %scatter3A_929, %scatter3A_930] : memref<2x64x128xf32, #tpu.memory_space<vmem>> -> memref<1x64x128xf32, #tpu.memory_space<vmem>>
        %scatter3A_932 = tpu.memref_squeeze %scatter3A_931 : memref<1x64x128xf32, #tpu.memory_space<vmem>> -> memref<64x128xf32, #tpu.memory_space<vmem>>
        tpu.vector_store_idx %scatter3A_932[%add3A_921, %add3A_894], %gather3A_927 : memref<64x128xf32, #tpu.memory_space<vmem>>[vector<16xi32>, vector<16xi32>], vector<16xf32>,
        %add3A_933 = arith.constant 2 : i32
        %add3A_934 = vector.broadcast %add3A_933 : i32 to vector<16xi32>
        %add3A_935 = arith.addi %iota3A, %add3A_934 : vector<16xi32>
        %and3A_936 = arith.constant 15 : i32
        %and3A_937 = vector.broadcast %and3A_936 : i32 to vector<16xi32>
        %and3A_938 = arith.andi %add3A_935, %and3A_937 : vector<16xi32>
        %add3A_939 = vector.broadcast %mul3A_874 : i32 to vector<16xi32>
        %add3A_940 = arith.addi %add3A_939, %and3A_938 : vector<16xi32>
        %gather3A_941 = arith.constant 1 : i32
        %gather3A_942 = arith.constant 0 : i32
        %gather3A_943 = arith.constant 0 : i32
        %gather3A_944 = tpu.memref_slice %arg7[%gather3A_941, %gather3A_942, %gather3A_943] : memref<2x128x128xf32, #tpu.memory_space<vmem>> -> memref<1x128x128xf32, #tpu.memory_space<vmem>>
        %gather3A_945 = tpu.memref_squeeze %gather3A_944 : memref<1x128x128xf32, #tpu.memory_space<vmem>> -> memref<128x128xf32, #tpu.memory_space<vmem>>
        %gather3A_946 = tpu.vector_load_idx %gather3A_945[%add3A_894, %add3A_940] : memref<128x128xf32, #tpu.memory_space<vmem>>[vector<16xi32>, vector<16xi32>], vector<16xf32>,
        %scatter3A_947 = arith.constant 1 : i32
        %scatter3A_948 = arith.constant 0 : i32
        %scatter3A_949 = arith.constant 0 : i32
        %scatter3A_950 = tpu.memref_slice %arg8[%scatter3A_947, %scatter3A_948, %scatter3A_949] : memref<2x64x128xf32, #tpu.memory_space<vmem>> -> memref<1x64x128xf32, #tpu.memory_space<vmem>>
        %scatter3A_951 = tpu.memref_squeeze %scatter3A_950 : memref<1x64x128xf32, #tpu.memory_space<vmem>> -> memref<64x128xf32, #tpu.memory_space<vmem>>
        tpu.vector_store_idx %scatter3A_951[%add3A_940, %add3A_894], %gather3A_946 : memref<64x128xf32, #tpu.memory_space<vmem>>[vector<16xi32>, vector<16xi32>], vector<16xf32>,
        %add3A_952 = arith.constant 3 : i32
        %add3A_953 = vector.broadcast %add3A_952 : i32 to vector<16xi32>
        %add3A_954 = arith.addi %iota3A, %add3A_953 : vector<16xi32>
        %and3A_955 = arith.constant 15 : i32
        %and3A_956 = vector.broadcast %and3A_955 : i32 to vector<16xi32>
        %and3A_957 = arith.andi %add3A_954, %and3A_956 : vector<16xi32>
        %add3A_958 = vector.broadcast %mul3A_874 : i32 to vector<16xi32>
        %add3A_959 = arith.addi %add3A_958, %and3A_957 : vector<16xi32>
        %gather3A_960 = arith.constant 1 : i32
        %gather3A_961 = arith.constant 0 : i32
        %gather3A_962 = arith.constant 0 : i32
        %gather3A_963 = tpu.memref_slice %arg7[%gather3A_960, %gather3A_961, %gather3A_962] : memref<2x128x128xf32, #tpu.memory_space<vmem>> -> memref<1x128x128xf32, #tpu.memory_space<vmem>>
        %gather3A_964 = tpu.memref_squeeze %gather3A_963 : memref<1x128x128xf32, #tpu.memory_space<vmem>> -> memref<128x128xf32, #tpu.memory_space<vmem>>
        %gather3A_965 = tpu.vector_load_idx %gather3A_964[%add3A_894, %add3A_959] : memref<128x128xf32, #tpu.memory_space<vmem>>[vector<16xi32>, vector<16xi32>], vector<16xf32>,
        %scatter3A_966 = arith.constant 1 : i32
        %scatter3A_967 = arith.constant 0 : i32
        %scatter3A_968 = arith.constant 0 : i32
        %scatter3A_969 = tpu.memref_slice %arg8[%scatter3A_966, %scatter3A_967, %scatter3A_968] : memref<2x64x128xf32, #tpu.memory_space<vmem>> -> memref<1x64x128xf32, #tpu.memory_space<vmem>>
        %scatter3A_970 = tpu.memref_squeeze %scatter3A_969 : memref<1x64x128xf32, #tpu.memory_space<vmem>> -> memref<64x128xf32, #tpu.memory_space<vmem>>
        tpu.vector_store_idx %scatter3A_970[%add3A_959, %add3A_894], %gather3A_965 : memref<64x128xf32, #tpu.memory_space<vmem>>[vector<16xi32>, vector<16xi32>], vector<16xf32>,
        %add3A_971 = arith.constant 4 : i32
        %add3A_972 = vector.broadcast %add3A_971 : i32 to vector<16xi32>
        %add3A_973 = arith.addi %iota3A, %add3A_972 : vector<16xi32>
        %and3A_974 = arith.constant 15 : i32
        %and3A_975 = vector.broadcast %and3A_974 : i32 to vector<16xi32>
        %and3A_976 = arith.andi %add3A_973, %and3A_975 : vector<16xi32>
        %add3A_977 = vector.broadcast %mul3A_874 : i32 to vector<16xi32>
        %add3A_978 = arith.addi %add3A_977, %and3A_976 : vector<16xi32>
        %gather3A_979 = arith.constant 1 : i32
        %gather3A_980 = arith.constant 0 : i32
        %gather3A_981 = arith.constant 0 : i32
        %gather3A_982 = tpu.memref_slice %arg7[%gather3A_979, %gather3A_980, %gather3A_981] : memref<2x128x128xf32, #tpu.memory_space<vmem>> -> memref<1x128x128xf32, #tpu.memory_space<vmem>>
        %gather3A_983 = tpu.memref_squeeze %gather3A_982 : memref<1x128x128xf32, #tpu.memory_space<vmem>> -> memref<128x128xf32, #tpu.memory_space<vmem>>
        %gather3A_984 = tpu.vector_load_idx %gather3A_983[%add3A_894, %add3A_978] : memref<128x128xf32, #tpu.memory_space<vmem>>[vector<16xi32>, vector<16xi32>], vector<16xf32>,
        %scatter3A_985 = arith.constant 1 : i32
        %scatter3A_986 = arith.constant 0 : i32
        %scatter3A_987 = arith.constant 0 : i32
        %scatter3A_988 = tpu.memref_slice %arg8[%scatter3A_985, %scatter3A_986, %scatter3A_987] : memref<2x64x128xf32, #tpu.memory_space<vmem>> -> memref<1x64x128xf32, #tpu.memory_space<vmem>>
        %scatter3A_989 = tpu.memref_squeeze %scatter3A_988 : memref<1x64x128xf32, #tpu.memory_space<vmem>> -> memref<64x128xf32, #tpu.memory_space<vmem>>
        tpu.vector_store_idx %scatter3A_989[%add3A_978, %add3A_894], %gather3A_984 : memref<64x128xf32, #tpu.memory_space<vmem>>[vector<16xi32>, vector<16xi32>], vector<16xf32>,
        %add3A_990 = arith.constant 5 : i32
        %add3A_991 = vector.broadcast %add3A_990 : i32 to vector<16xi32>
        %add3A_992 = arith.addi %iota3A, %add3A_991 : vector<16xi32>
        %and3A_993 = arith.constant 15 : i32
        %and3A_994 = vector.broadcast %and3A_993 : i32 to vector<16xi32>
        %and3A_995 = arith.andi %add3A_992, %and3A_994 : vector<16xi32>
        %add3A_996 = vector.broadcast %mul3A_874 : i32 to vector<16xi32>
        %add3A_997 = arith.addi %add3A_996, %and3A_995 : vector<16xi32>
        %gather3A_998 = arith.constant 1 : i32
        %gather3A_999 = arith.constant 0 : i32
        %gather3A_1000 = arith.constant 0 : i32
        %gather3A_1001 = tpu.memref_slice %arg7[%gather3A_998, %gather3A_999, %gather3A_1000] : memref<2x128x128xf32, #tpu.memory_space<vmem>> -> memref<1x128x128xf32, #tpu.memory_space<vmem>>
        %gather3A_1002 = tpu.memref_squeeze %gather3A_1001 : memref<1x128x128xf32, #tpu.memory_space<vmem>> -> memref<128x128xf32, #tpu.memory_space<vmem>>
        %gather3A_1003 = tpu.vector_load_idx %gather3A_1002[%add3A_894, %add3A_997] : memref<128x128xf32, #tpu.memory_space<vmem>>[vector<16xi32>, vector<16xi32>], vector<16xf32>,
        %scatter3A_1004 = arith.constant 1 : i32
        %scatter3A_1005 = arith.constant 0 : i32
        %scatter3A_1006 = arith.constant 0 : i32
        %scatter3A_1007 = tpu.memref_slice %arg8[%scatter3A_1004, %scatter3A_1005, %scatter3A_1006] : memref<2x64x128xf32, #tpu.memory_space<vmem>> -> memref<1x64x128xf32, #tpu.memory_space<vmem>>
        %scatter3A_1008 = tpu.memref_squeeze %scatter3A_1007 : memref<1x64x128xf32, #tpu.memory_space<vmem>> -> memref<64x128xf32, #tpu.memory_space<vmem>>
        tpu.vector_store_idx %scatter3A_1008[%add3A_997, %add3A_894], %gather3A_1003 : memref<64x128xf32, #tpu.memory_space<vmem>>[vector<16xi32>, vector<16xi32>], vector<16xf32>,
        %add3A_1009 = arith.constant 6 : i32
        %add3A_1010 = vector.broadcast %add3A_1009 : i32 to vector<16xi32>
        %add3A_1011 = arith.addi %iota3A, %add3A_1010 : vector<16xi32>
        %and3A_1012 = arith.constant 15 : i32
        %and3A_1013 = vector.broadcast %and3A_1012 : i32 to vector<16xi32>
        %and3A_1014 = arith.andi %add3A_1011, %and3A_1013 : vector<16xi32>
        %add3A_1015 = vector.broadcast %mul3A_874 : i32 to vector<16xi32>
        %add3A_1016 = arith.addi %add3A_1015, %and3A_1014 : vector<16xi32>
        %gather3A_1017 = arith.constant 1 : i32
        %gather3A_1018 = arith.constant 0 : i32
        %gather3A_1019 = arith.constant 0 : i32
        %gather3A_1020 = tpu.memref_slice %arg7[%gather3A_1017, %gather3A_1018, %gather3A_1019] : memref<2x128x128xf32, #tpu.memory_space<vmem>> -> memref<1x128x128xf32, #tpu.memory_space<vmem>>
        %gather3A_1021 = tpu.memref_squeeze %gather3A_1020 : memref<1x128x128xf32, #tpu.memory_space<vmem>> -> memref<128x128xf32, #tpu.memory_space<vmem>>
        %gather3A_1022 = tpu.vector_load_idx %gather3A_1021[%add3A_894, %add3A_1016] : memref<128x128xf32, #tpu.memory_space<vmem>>[vector<16xi32>, vector<16xi32>], vector<16xf32>,
        %scatter3A_1023 = arith.constant 1 : i32
        %scatter3A_1024 = arith.constant 0 : i32
        %scatter3A_1025 = arith.constant 0 : i32
        %scatter3A_1026 = tpu.memref_slice %arg8[%scatter3A_1023, %scatter3A_1024, %scatter3A_1025] : memref<2x64x128xf32, #tpu.memory_space<vmem>> -> memref<1x64x128xf32, #tpu.memory_space<vmem>>
        %scatter3A_1027 = tpu.memref_squeeze %scatter3A_1026 : memref<1x64x128xf32, #tpu.memory_space<vmem>> -> memref<64x128xf32, #tpu.memory_space<vmem>>
        tpu.vector_store_idx %scatter3A_1027[%add3A_1016, %add3A_894], %gather3A_1022 : memref<64x128xf32, #tpu.memory_space<vmem>>[vector<16xi32>, vector<16xi32>], vector<16xf32>,
        %add3A_1028 = arith.constant 7 : i32
        %add3A_1029 = vector.broadcast %add3A_1028 : i32 to vector<16xi32>
        %add3A_1030 = arith.addi %iota3A, %add3A_1029 : vector<16xi32>
        %and3A_1031 = arith.constant 15 : i32
        %and3A_1032 = vector.broadcast %and3A_1031 : i32 to vector<16xi32>
        %and3A_1033 = arith.andi %add3A_1030, %and3A_1032 : vector<16xi32>
        %add3A_1034 = vector.broadcast %mul3A_874 : i32 to vector<16xi32>
        %add3A_1035 = arith.addi %add3A_1034, %and3A_1033 : vector<16xi32>
        %gather3A_1036 = arith.constant 1 : i32
        %gather3A_1037 = arith.constant 0 : i32
        %gather3A_1038 = arith.constant 0 : i32
        %gather3A_1039 = tpu.memref_slice %arg7[%gather3A_1036, %gather3A_1037, %gather3A_1038] : memref<2x128x128xf32, #tpu.memory_space<vmem>> -> memref<1x128x128xf32, #tpu.memory_space<vmem>>
        %gather3A_1040 = tpu.memref_squeeze %gather3A_1039 : memref<1x128x128xf32, #tpu.memory_space<vmem>> -> memref<128x128xf32, #tpu.memory_space<vmem>>
        %gather3A_1041 = tpu.vector_load_idx %gather3A_1040[%add3A_894, %add3A_1035] : memref<128x128xf32, #tpu.memory_space<vmem>>[vector<16xi32>, vector<16xi32>], vector<16xf32>,
        %scatter3A_1042 = arith.constant 1 : i32
        %scatter3A_1043 = arith.constant 0 : i32
        %scatter3A_1044 = arith.constant 0 : i32
        %scatter3A_1045 = tpu.memref_slice %arg8[%scatter3A_1042, %scatter3A_1043, %scatter3A_1044] : memref<2x64x128xf32, #tpu.memory_space<vmem>> -> memref<1x64x128xf32, #tpu.memory_space<vmem>>
        %scatter3A_1046 = tpu.memref_squeeze %scatter3A_1045 : memref<1x64x128xf32, #tpu.memory_space<vmem>> -> memref<64x128xf32, #tpu.memory_space<vmem>>
        tpu.vector_store_idx %scatter3A_1046[%add3A_1035, %add3A_894], %gather3A_1041 : memref<64x128xf32, #tpu.memory_space<vmem>>[vector<16xi32>, vector<16xi32>], vector<16xf32>,
        %add3A_1047 = arith.constant 8 : i32
        %add3A_1048 = vector.broadcast %add3A_1047 : i32 to vector<16xi32>
        %add3A_1049 = arith.addi %iota3A, %add3A_1048 : vector<16xi32>
        %and3A_1050 = arith.constant 15 : i32
        %and3A_1051 = vector.broadcast %and3A_1050 : i32 to vector<16xi32>
        %and3A_1052 = arith.andi %add3A_1049, %and3A_1051 : vector<16xi32>
        %add3A_1053 = vector.broadcast %mul3A_874 : i32 to vector<16xi32>
        %add3A_1054 = arith.addi %add3A_1053, %and3A_1052 : vector<16xi32>
        %gather3A_1055 = arith.constant 1 : i32
        %gather3A_1056 = arith.constant 0 : i32
        %gather3A_1057 = arith.constant 0 : i32
        %gather3A_1058 = tpu.memref_slice %arg7[%gather3A_1055, %gather3A_1056, %gather3A_1057] : memref<2x128x128xf32, #tpu.memory_space<vmem>> -> memref<1x128x128xf32, #tpu.memory_space<vmem>>
        %gather3A_1059 = tpu.memref_squeeze %gather3A_1058 : memref<1x128x128xf32, #tpu.memory_space<vmem>> -> memref<128x128xf32, #tpu.memory_space<vmem>>
        %gather3A_1060 = tpu.vector_load_idx %gather3A_1059[%add3A_894, %add3A_1054] : memref<128x128xf32, #tpu.memory_space<vmem>>[vector<16xi32>, vector<16xi32>], vector<16xf32>,
        %scatter3A_1061 = arith.constant 1 : i32
        %scatter3A_1062 = arith.constant 0 : i32
        %scatter3A_1063 = arith.constant 0 : i32
        %scatter3A_1064 = tpu.memref_slice %arg8[%scatter3A_1061, %scatter3A_1062, %scatter3A_1063] : memref<2x64x128xf32, #tpu.memory_space<vmem>> -> memref<1x64x128xf32, #tpu.memory_space<vmem>>
        %scatter3A_1065 = tpu.memref_squeeze %scatter3A_1064 : memref<1x64x128xf32, #tpu.memory_space<vmem>> -> memref<64x128xf32, #tpu.memory_space<vmem>>
        tpu.vector_store_idx %scatter3A_1065[%add3A_1054, %add3A_894], %gather3A_1060 : memref<64x128xf32, #tpu.memory_space<vmem>>[vector<16xi32>, vector<16xi32>], vector<16xf32>,
        %add3A_1066 = arith.constant 9 : i32
        %add3A_1067 = vector.broadcast %add3A_1066 : i32 to vector<16xi32>
        %add3A_1068 = arith.addi %iota3A, %add3A_1067 : vector<16xi32>
        %and3A_1069 = arith.constant 15 : i32
        %and3A_1070 = vector.broadcast %and3A_1069 : i32 to vector<16xi32>
        %and3A_1071 = arith.andi %add3A_1068, %and3A_1070 : vector<16xi32>
        %add3A_1072 = vector.broadcast %mul3A_874 : i32 to vector<16xi32>
        %add3A_1073 = arith.addi %add3A_1072, %and3A_1071 : vector<16xi32>
        %gather3A_1074 = arith.constant 1 : i32
        %gather3A_1075 = arith.constant 0 : i32
        %gather3A_1076 = arith.constant 0 : i32
        %gather3A_1077 = tpu.memref_slice %arg7[%gather3A_1074, %gather3A_1075, %gather3A_1076] : memref<2x128x128xf32, #tpu.memory_space<vmem>> -> memref<1x128x128xf32, #tpu.memory_space<vmem>>
        %gather3A_1078 = tpu.memref_squeeze %gather3A_1077 : memref<1x128x128xf32, #tpu.memory_space<vmem>> -> memref<128x128xf32, #tpu.memory_space<vmem>>
        %gather3A_1079 = tpu.vector_load_idx %gather3A_1078[%add3A_894, %add3A_1073] : memref<128x128xf32, #tpu.memory_space<vmem>>[vector<16xi32>, vector<16xi32>], vector<16xf32>,
        %scatter3A_1080 = arith.constant 1 : i32
        %scatter3A_1081 = arith.constant 0 : i32
        %scatter3A_1082 = arith.constant 0 : i32
        %scatter3A_1083 = tpu.memref_slice %arg8[%scatter3A_1080, %scatter3A_1081, %scatter3A_1082] : memref<2x64x128xf32, #tpu.memory_space<vmem>> -> memref<1x64x128xf32, #tpu.memory_space<vmem>>
        %scatter3A_1084 = tpu.memref_squeeze %scatter3A_1083 : memref<1x64x128xf32, #tpu.memory_space<vmem>> -> memref<64x128xf32, #tpu.memory_space<vmem>>
        tpu.vector_store_idx %scatter3A_1084[%add3A_1073, %add3A_894], %gather3A_1079 : memref<64x128xf32, #tpu.memory_space<vmem>>[vector<16xi32>, vector<16xi32>], vector<16xf32>,
        %add3A_1085 = arith.constant 10 : i32
        %add3A_1086 = vector.broadcast %add3A_1085 : i32 to vector<16xi32>
        %add3A_1087 = arith.addi %iota3A, %add3A_1086 : vector<16xi32>
        %and3A_1088 = arith.constant 15 : i32
        %and3A_1089 = vector.broadcast %and3A_1088 : i32 to vector<16xi32>
        %and3A_1090 = arith.andi %add3A_1087, %and3A_1089 : vector<16xi32>
        %add3A_1091 = vector.broadcast %mul3A_874 : i32 to vector<16xi32>
        %add3A_1092 = arith.addi %add3A_1091, %and3A_1090 : vector<16xi32>
        %gather3A_1093 = arith.constant 1 : i32
        %gather3A_1094 = arith.constant 0 : i32
        %gather3A_1095 = arith.constant 0 : i32
        %gather3A_1096 = tpu.memref_slice %arg7[%gather3A_1093, %gather3A_1094, %gather3A_1095] : memref<2x128x128xf32, #tpu.memory_space<vmem>> -> memref<1x128x128xf32, #tpu.memory_space<vmem>>
        %gather3A_1097 = tpu.memref_squeeze %gather3A_1096 : memref<1x128x128xf32, #tpu.memory_space<vmem>> -> memref<128x128xf32, #tpu.memory_space<vmem>>
        %gather3A_1098 = tpu.vector_load_idx %gather3A_1097[%add3A_894, %add3A_1092] : memref<128x128xf32, #tpu.memory_space<vmem>>[vector<16xi32>, vector<16xi32>], vector<16xf32>,
        %scatter3A_1099 = arith.constant 1 : i32
        %scatter3A_1100 = arith.constant 0 : i32
        %scatter3A_1101 = arith.constant 0 : i32
        %scatter3A_1102 = tpu.memref_slice %arg8[%scatter3A_1099, %scatter3A_1100, %scatter3A_1101] : memref<2x64x128xf32, #tpu.memory_space<vmem>> -> memref<1x64x128xf32, #tpu.memory_space<vmem>>
        %scatter3A_1103 = tpu.memref_squeeze %scatter3A_1102 : memref<1x64x128xf32, #tpu.memory_space<vmem>> -> memref<64x128xf32, #tpu.memory_space<vmem>>
        tpu.vector_store_idx %scatter3A_1103[%add3A_1092, %add3A_894], %gather3A_1098 : memref<64x128xf32, #tpu.memory_space<vmem>>[vector<16xi32>, vector<16xi32>], vector<16xf32>,
        %add3A_1104 = arith.constant 11 : i32
        %add3A_1105 = vector.broadcast %add3A_1104 : i32 to vector<16xi32>
        %add3A_1106 = arith.addi %iota3A, %add3A_1105 : vector<16xi32>
        %and3A_1107 = arith.constant 15 : i32
        %and3A_1108 = vector.broadcast %and3A_1107 : i32 to vector<16xi32>
        %and3A_1109 = arith.andi %add3A_1106, %and3A_1108 : vector<16xi32>
        %add3A_1110 = vector.broadcast %mul3A_874 : i32 to vector<16xi32>
        %add3A_1111 = arith.addi %add3A_1110, %and3A_1109 : vector<16xi32>
        %gather3A_1112 = arith.constant 1 : i32
        %gather3A_1113 = arith.constant 0 : i32
        %gather3A_1114 = arith.constant 0 : i32
        %gather3A_1115 = tpu.memref_slice %arg7[%gather3A_1112, %gather3A_1113, %gather3A_1114] : memref<2x128x128xf32, #tpu.memory_space<vmem>> -> memref<1x128x128xf32, #tpu.memory_space<vmem>>
        %gather3A_1116 = tpu.memref_squeeze %gather3A_1115 : memref<1x128x128xf32, #tpu.memory_space<vmem>> -> memref<128x128xf32, #tpu.memory_space<vmem>>
        %gather3A_1117 = tpu.vector_load_idx %gather3A_1116[%add3A_894, %add3A_1111] : memref<128x128xf32, #tpu.memory_space<vmem>>[vector<16xi32>, vector<16xi32>], vector<16xf32>,
        %scatter3A_1118 = arith.constant 1 : i32
        %scatter3A_1119 = arith.constant 0 : i32
        %scatter3A_1120 = arith.constant 0 : i32
        %scatter3A_1121 = tpu.memref_slice %arg8[%scatter3A_1118, %scatter3A_1119, %scatter3A_1120] : memref<2x64x128xf32, #tpu.memory_space<vmem>> -> memref<1x64x128xf32, #tpu.memory_space<vmem>>
        %scatter3A_1122 = tpu.memref_squeeze %scatter3A_1121 : memref<1x64x128xf32, #tpu.memory_space<vmem>> -> memref<64x128xf32, #tpu.memory_space<vmem>>
        tpu.vector_store_idx %scatter3A_1122[%add3A_1111, %add3A_894], %gather3A_1117 : memref<64x128xf32, #tpu.memory_space<vmem>>[vector<16xi32>, vector<16xi32>], vector<16xf32>,
        %add3A_1123 = arith.constant 12 : i32
        %add3A_1124 = vector.broadcast %add3A_1123 : i32 to vector<16xi32>
        %add3A_1125 = arith.addi %iota3A, %add3A_1124 : vector<16xi32>
        %and3A_1126 = arith.constant 15 : i32
        %and3A_1127 = vector.broadcast %and3A_1126 : i32 to vector<16xi32>
        %and3A_1128 = arith.andi %add3A_1125, %and3A_1127 : vector<16xi32>
        %add3A_1129 = vector.broadcast %mul3A_874 : i32 to vector<16xi32>
        %add3A_1130 = arith.addi %add3A_1129, %and3A_1128 : vector<16xi32>
        %gather3A_1131 = arith.constant 1 : i32
        %gather3A_1132 = arith.constant 0 : i32
        %gather3A_1133 = arith.constant 0 : i32
        %gather3A_1134 = tpu.memref_slice %arg7[%gather3A_1131, %gather3A_1132, %gather3A_1133] : memref<2x128x128xf32, #tpu.memory_space<vmem>> -> memref<1x128x128xf32, #tpu.memory_space<vmem>>
        %gather3A_1135 = tpu.memref_squeeze %gather3A_1134 : memref<1x128x128xf32, #tpu.memory_space<vmem>> -> memref<128x128xf32, #tpu.memory_space<vmem>>
        %gather3A_1136 = tpu.vector_load_idx %gather3A_1135[%add3A_894, %add3A_1130] : memref<128x128xf32, #tpu.memory_space<vmem>>[vector<16xi32>, vector<16xi32>], vector<16xf32>,
        %scatter3A_1137 = arith.constant 1 : i32
        %scatter3A_1138 = arith.constant 0 : i32
        %scatter3A_1139 = arith.constant 0 : i32
        %scatter3A_1140 = tpu.memref_slice %arg8[%scatter3A_1137, %scatter3A_1138, %scatter3A_1139] : memref<2x64x128xf32, #tpu.memory_space<vmem>> -> memref<1x64x128xf32, #tpu.memory_space<vmem>>
        %scatter3A_1141 = tpu.memref_squeeze %scatter3A_1140 : memref<1x64x128xf32, #tpu.memory_space<vmem>> -> memref<64x128xf32, #tpu.memory_space<vmem>>
        tpu.vector_store_idx %scatter3A_1141[%add3A_1130, %add3A_894], %gather3A_1136 : memref<64x128xf32, #tpu.memory_space<vmem>>[vector<16xi32>, vector<16xi32>], vector<16xf32>,
        %add3A_1142 = arith.constant 13 : i32
        %add3A_1143 = vector.broadcast %add3A_1142 : i32 to vector<16xi32>
        %add3A_1144 = arith.addi %iota3A, %add3A_1143 : vector<16xi32>
        %and3A_1145 = arith.constant 15 : i32
        %and3A_1146 = vector.broadcast %and3A_1145 : i32 to vector<16xi32>
        %and3A_1147 = arith.andi %add3A_1144, %and3A_1146 : vector<16xi32>
        %add3A_1148 = vector.broadcast %mul3A_874 : i32 to vector<16xi32>
        %add3A_1149 = arith.addi %add3A_1148, %and3A_1147 : vector<16xi32>
        %gather3A_1150 = arith.constant 1 : i32
        %gather3A_1151 = arith.constant 0 : i32
        %gather3A_1152 = arith.constant 0 : i32
        %gather3A_1153 = tpu.memref_slice %arg7[%gather3A_1150, %gather3A_1151, %gather3A_1152] : memref<2x128x128xf32, #tpu.memory_space<vmem>> -> memref<1x128x128xf32, #tpu.memory_space<vmem>>
        %gather3A_1154 = tpu.memref_squeeze %gather3A_1153 : memref<1x128x128xf32, #tpu.memory_space<vmem>> -> memref<128x128xf32, #tpu.memory_space<vmem>>
        %gather3A_1155 = tpu.vector_load_idx %gather3A_1154[%add3A_894, %add3A_1149] : memref<128x128xf32, #tpu.memory_space<vmem>>[vector<16xi32>, vector<16xi32>], vector<16xf32>,
        %scatter3A_1156 = arith.constant 1 : i32
        %scatter3A_1157 = arith.constant 0 : i32
        %scatter3A_1158 = arith.constant 0 : i32
        %scatter3A_1159 = tpu.memref_slice %arg8[%scatter3A_1156, %scatter3A_1157, %scatter3A_1158] : memref<2x64x128xf32, #tpu.memory_space<vmem>> -> memref<1x64x128xf32, #tpu.memory_space<vmem>>
        %scatter3A_1160 = tpu.memref_squeeze %scatter3A_1159 : memref<1x64x128xf32, #tpu.memory_space<vmem>> -> memref<64x128xf32, #tpu.memory_space<vmem>>
        tpu.vector_store_idx %scatter3A_1160[%add3A_1149, %add3A_894], %gather3A_1155 : memref<64x128xf32, #tpu.memory_space<vmem>>[vector<16xi32>, vector<16xi32>], vector<16xf32>,
        %add3A_1161 = arith.constant 14 : i32
        %add3A_1162 = vector.broadcast %add3A_1161 : i32 to vector<16xi32>
        %add3A_1163 = arith.addi %iota3A, %add3A_1162 : vector<16xi32>
        %and3A_1164 = arith.constant 15 : i32
        %and3A_1165 = vector.broadcast %and3A_1164 : i32 to vector<16xi32>
        %and3A_1166 = arith.andi %add3A_1163, %and3A_1165 : vector<16xi32>
        %add3A_1167 = vector.broadcast %mul3A_874 : i32 to vector<16xi32>
        %add3A_1168 = arith.addi %add3A_1167, %and3A_1166 : vector<16xi32>
        %gather3A_1169 = arith.constant 1 : i32
        %gather3A_1170 = arith.constant 0 : i32
        %gather3A_1171 = arith.constant 0 : i32
        %gather3A_1172 = tpu.memref_slice %arg7[%gather3A_1169, %gather3A_1170, %gather3A_1171] : memref<2x128x128xf32, #tpu.memory_space<vmem>> -> memref<1x128x128xf32, #tpu.memory_space<vmem>>
        %gather3A_1173 = tpu.memref_squeeze %gather3A_1172 : memref<1x128x128xf32, #tpu.memory_space<vmem>> -> memref<128x128xf32, #tpu.memory_space<vmem>>
        %gather3A_1174 = tpu.vector_load_idx %gather3A_1173[%add3A_894, %add3A_1168] : memref<128x128xf32, #tpu.memory_space<vmem>>[vector<16xi32>, vector<16xi32>], vector<16xf32>,
        %scatter3A_1175 = arith.constant 1 : i32
        %scatter3A_1176 = arith.constant 0 : i32
        %scatter3A_1177 = arith.constant 0 : i32
        %scatter3A_1178 = tpu.memref_slice %arg8[%scatter3A_1175, %scatter3A_1176, %scatter3A_1177] : memref<2x64x128xf32, #tpu.memory_space<vmem>> -> memref<1x64x128xf32, #tpu.memory_space<vmem>>
        %scatter3A_1179 = tpu.memref_squeeze %scatter3A_1178 : memref<1x64x128xf32, #tpu.memory_space<vmem>> -> memref<64x128xf32, #tpu.memory_space<vmem>>
        tpu.vector_store_idx %scatter3A_1179[%add3A_1168, %add3A_894], %gather3A_1174 : memref<64x128xf32, #tpu.memory_space<vmem>>[vector<16xi32>, vector<16xi32>], vector<16xf32>,
        %add3A_1180 = arith.constant 15 : i32
        %add3A_1181 = vector.broadcast %add3A_1180 : i32 to vector<16xi32>
        %add3A_1182 = arith.addi %iota3A, %add3A_1181 : vector<16xi32>
        %and3A_1183 = arith.constant 15 : i32
        %and3A_1184 = vector.broadcast %and3A_1183 : i32 to vector<16xi32>
        %and3A_1185 = arith.andi %add3A_1182, %and3A_1184 : vector<16xi32>
        %add3A_1186 = vector.broadcast %mul3A_874 : i32 to vector<16xi32>
        %add3A_1187 = arith.addi %add3A_1186, %and3A_1185 : vector<16xi32>
        %gather3A_1188 = arith.constant 1 : i32
        %gather3A_1189 = arith.constant 0 : i32
        %gather3A_1190 = arith.constant 0 : i32
        %gather3A_1191 = tpu.memref_slice %arg7[%gather3A_1188, %gather3A_1189, %gather3A_1190] : memref<2x128x128xf32, #tpu.memory_space<vmem>> -> memref<1x128x128xf32, #tpu.memory_space<vmem>>
        %gather3A_1192 = tpu.memref_squeeze %gather3A_1191 : memref<1x128x128xf32, #tpu.memory_space<vmem>> -> memref<128x128xf32, #tpu.memory_space<vmem>>
        %gather3A_1193 = tpu.vector_load_idx %gather3A_1192[%add3A_894, %add3A_1187] : memref<128x128xf32, #tpu.memory_space<vmem>>[vector<16xi32>, vector<16xi32>], vector<16xf32>,
        %scatter3A_1194 = arith.constant 1 : i32
        %scatter3A_1195 = arith.constant 0 : i32
        %scatter3A_1196 = arith.constant 0 : i32
        %scatter3A_1197 = tpu.memref_slice %arg8[%scatter3A_1194, %scatter3A_1195, %scatter3A_1196] : memref<2x64x128xf32, #tpu.memory_space<vmem>> -> memref<1x64x128xf32, #tpu.memory_space<vmem>>
        %scatter3A_1198 = tpu.memref_squeeze %scatter3A_1197 : memref<1x64x128xf32, #tpu.memory_space<vmem>> -> memref<64x128xf32, #tpu.memory_space<vmem>>
        tpu.vector_store_idx %scatter3A_1198[%add3A_1187, %add3A_894], %gather3A_1193 : memref<64x128xf32, #tpu.memory_space<vmem>>[vector<16xi32>, vector<16xi32>], vector<16xf32>,
        %scan3A_1199 = arith.constant 3 : i32
        %scan3A_1200 = arith.addi %scan3A_143, %scan3A_1199 : i32
        %mul3A_1201 = arith.constant 1 : i32
        %mul3A_1202 = arith.muli %scan3A_1200, %mul3A_1201 : i32
        %add3A_1203 = arith.constant 0 : i32
        %add3A_1204 = arith.addi %add3A_1203, %mul3A_1202 : i32
        %jit3A_1205 = arith.constant 8 : i32
        %div3A_1206 = arith.divsi %add3A_1204, %jit3A_1205 : i32
        %sign3A_1207 = arith.constant 0 : i32
        %sign3A_1208 = arith.cmpi sgt, %add3A_1204, %sign3A_1207 : i32
        %sign3A_1209 = arith.extui %sign3A_1208 : i1 to i32
        %sign3A_1210 = arith.constant 0 : i32
        %sign3A_1211 = arith.cmpi slt, %add3A_1204, %sign3A_1210 : i32
        %sign3A_1212 = arith.extui %sign3A_1211 : i1 to i32
        %sign3A_1213 = arith.subi %sign3A_1209, %sign3A_1212 : i32
        %sign3A_1214 = arith.constant 0 : i32
        %sign3A_1215 = arith.cmpi sgt, %jit3A_1205, %sign3A_1214 : i32
        %sign3A_1216 = arith.extui %sign3A_1215 : i1 to i32
        %sign3A_1217 = arith.constant 0 : i32
        %sign3A_1218 = arith.cmpi slt, %jit3A_1205, %sign3A_1217 : i32
        %sign3A_1219 = arith.extui %sign3A_1218 : i1 to i32
        %sign3A_1220 = arith.subi %sign3A_1216, %sign3A_1219 : i32
        %ne3A_1221 = arith.cmpi ne, %sign3A_1213, %sign3A_1220 : i32
        %rem3A_1222 = arith.remsi %add3A_1204, %jit3A_1205 : i32
        %ne3A_1223 = arith.constant 0 : i32
        %ne3A_1224 = arith.cmpi ne, %rem3A_1222, %ne3A_1223 : i32
        %and3A_1225 = arith.andi %ne3A_1221, %ne3A_1224 : i1
        %sub3A_1226 = arith.constant 1 : i32
        %sub3A_1227 = arith.subi %div3A_1206, %sub3A_1226 : i32
        %select_n3A_1228 = arith.select %and3A_1225, %sub3A_1227, %div3A_1206 : i32
        %mul3A_1229 = arith.constant 16 : i32
        %mul3A_1230 = arith.muli %select_n3A_1228, %mul3A_1229 : i32
        %jit3A_1231 = arith.constant 8 : i32
        %eq3A_1232 = arith.constant 0 : i32
        %eq3A_1233 = arith.cmpi eq, %jit3A_1231, %eq3A_1232 : i32
        %jit3A_1234 = arith.constant 1 : i32
        %select_n3A_1235 = arith.select %eq3A_1233, %jit3A_1234, %jit3A_1231 : i32
        %rem3A_1236 = arith.remsi %add3A_1204, %select_n3A_1235 : i32
        %ne3A_1237 = arith.constant 0 : i32
        %ne3A_1238 = arith.cmpi ne, %rem3A_1236, %ne3A_1237 : i32
        %lt3A_1239 = arith.constant 0 : i32
        %lt3A_1240 = arith.cmpi slt, %rem3A_1236, %lt3A_1239 : i32
        %lt3A_1241 = arith.constant 0 : i32
        %lt3A_1242 = arith.cmpi slt, %select_n3A_1235, %lt3A_1241 : i32
        %ne3A_1243 = arith.xori %lt3A_1240, %lt3A_1242 : i1
        %and3A_1244 = arith.andi %ne3A_1243, %ne3A_1238 : i1
        %add3A_1245 = arith.addi %rem3A_1236, %select_n3A_1235 : i32
        %select_n3A_1246 = arith.select %and3A_1244, %add3A_1245, %rem3A_1236 : i32
        %mul3A_1247 = arith.constant 16 : i32
        %mul3A_1248 = arith.muli %select_n3A_1246, %mul3A_1247 : i32
        %add3A_1249 = vector.broadcast %mul3A_1248 : i32 to vector<16xi32>
        %add3A_1250 = arith.addi %add3A_1249, %iota3A : vector<16xi32>
        %add3A_1251 = arith.constant 0 : i32
        %add3A_1252 = vector.broadcast %add3A_1251 : i32 to vector<16xi32>
        %add3A_1253 = arith.addi %iota3A, %add3A_1252 : vector<16xi32>
        %and3A_1254 = arith.constant 15 : i32
        %and3A_1255 = vector.broadcast %and3A_1254 : i32 to vector<16xi32>
        %and3A_1256 = arith.andi %add3A_1253, %and3A_1255 : vector<16xi32>
        %add3A_1257 = vector.broadcast %mul3A_1230 : i32 to vector<16xi32>
        %add3A_1258 = arith.addi %add3A_1257, %and3A_1256 : vector<16xi32>
        %gather3A_1259 = arith.constant 1 : i32
        %gather3A_1260 = arith.constant 0 : i32
        %gather3A_1261 = arith.constant 0 : i32
        %gather3A_1262 = tpu.memref_slice %arg7[%gather3A_1259, %gather3A_1260, %gather3A_1261] : memref<2x128x128xf32, #tpu.memory_space<vmem>> -> memref<1x128x128xf32, #tpu.memory_space<vmem>>
        %gather3A_1263 = tpu.memref_squeeze %gather3A_1262 : memref<1x128x128xf32, #tpu.memory_space<vmem>> -> memref<128x128xf32, #tpu.memory_space<vmem>>
        %gather3A_1264 = tpu.vector_load_idx %gather3A_1263[%add3A_1250, %add3A_1258] : memref<128x128xf32, #tpu.memory_space<vmem>>[vector<16xi32>, vector<16xi32>], vector<16xf32>,
        %scatter3A_1265 = arith.constant 1 : i32
        %scatter3A_1266 = arith.constant 0 : i32
        %scatter3A_1267 = arith.constant 0 : i32
        %scatter3A_1268 = tpu.memref_slice %arg8[%scatter3A_1265, %scatter3A_1266, %scatter3A_1267] : memref<2x64x128xf32, #tpu.memory_space<vmem>> -> memref<1x64x128xf32, #tpu.memory_space<vmem>>
        %scatter3A_1269 = tpu.memref_squeeze %scatter3A_1268 : memref<1x64x128xf32, #tpu.memory_space<vmem>> -> memref<64x128xf32, #tpu.memory_space<vmem>>
        tpu.vector_store_idx %scatter3A_1269[%add3A_1258, %add3A_1250], %gather3A_1264 : memref<64x128xf32, #tpu.memory_space<vmem>>[vector<16xi32>, vector<16xi32>], vector<16xf32>,
        %add3A_1270 = arith.constant 1 : i32
        %add3A_1271 = vector.broadcast %add3A_1270 : i32 to vector<16xi32>
        %add3A_1272 = arith.addi %iota3A, %add3A_1271 : vector<16xi32>
        %and3A_1273 = arith.constant 15 : i32
        %and3A_1274 = vector.broadcast %and3A_1273 : i32 to vector<16xi32>
        %and3A_1275 = arith.andi %add3A_1272, %and3A_1274 : vector<16xi32>
        %add3A_1276 = vector.broadcast %mul3A_1230 : i32 to vector<16xi32>
        %add3A_1277 = arith.addi %add3A_1276, %and3A_1275 : vector<16xi32>
        %gather3A_1278 = arith.constant 1 : i32
        %gather3A_1279 = arith.constant 0 : i32
        %gather3A_1280 = arith.constant 0 : i32
        %gather3A_1281 = tpu.memref_slice %arg7[%gather3A_1278, %gather3A_1279, %gather3A_1280] : memref<2x128x128xf32, #tpu.memory_space<vmem>> -> memref<1x128x128xf32, #tpu.memory_space<vmem>>
        %gather3A_1282 = tpu.memref_squeeze %gather3A_1281 : memref<1x128x128xf32, #tpu.memory_space<vmem>> -> memref<128x128xf32, #tpu.memory_space<vmem>>
        %gather3A_1283 = tpu.vector_load_idx %gather3A_1282[%add3A_1250, %add3A_1277] : memref<128x128xf32, #tpu.memory_space<vmem>>[vector<16xi32>, vector<16xi32>], vector<16xf32>,
        %scatter3A_1284 = arith.constant 1 : i32
        %scatter3A_1285 = arith.constant 0 : i32
        %scatter3A_1286 = arith.constant 0 : i32
        %scatter3A_1287 = tpu.memref_slice %arg8[%scatter3A_1284, %scatter3A_1285, %scatter3A_1286] : memref<2x64x128xf32, #tpu.memory_space<vmem>> -> memref<1x64x128xf32, #tpu.memory_space<vmem>>
        %scatter3A_1288 = tpu.memref_squeeze %scatter3A_1287 : memref<1x64x128xf32, #tpu.memory_space<vmem>> -> memref<64x128xf32, #tpu.memory_space<vmem>>
        tpu.vector_store_idx %scatter3A_1288[%add3A_1277, %add3A_1250], %gather3A_1283 : memref<64x128xf32, #tpu.memory_space<vmem>>[vector<16xi32>, vector<16xi32>], vector<16xf32>,
        %add3A_1289 = arith.constant 2 : i32
        %add3A_1290 = vector.broadcast %add3A_1289 : i32 to vector<16xi32>
        %add3A_1291 = arith.addi %iota3A, %add3A_1290 : vector<16xi32>
        %and3A_1292 = arith.constant 15 : i32
        %and3A_1293 = vector.broadcast %and3A_1292 : i32 to vector<16xi32>
        %and3A_1294 = arith.andi %add3A_1291, %and3A_1293 : vector<16xi32>
        %add3A_1295 = vector.broadcast %mul3A_1230 : i32 to vector<16xi32>
        %add3A_1296 = arith.addi %add3A_1295, %and3A_1294 : vector<16xi32>
        %gather3A_1297 = arith.constant 1 : i32
        %gather3A_1298 = arith.constant 0 : i32
        %gather3A_1299 = arith.constant 0 : i32
        %gather3A_1300 = tpu.memref_slice %arg7[%gather3A_1297, %gather3A_1298, %gather3A_1299] : memref<2x128x128xf32, #tpu.memory_space<vmem>> -> memref<1x128x128xf32, #tpu.memory_space<vmem>>
        %gather3A_1301 = tpu.memref_squeeze %gather3A_1300 : memref<1x128x128xf32, #tpu.memory_space<vmem>> -> memref<128x128xf32, #tpu.memory_space<vmem>>
        %gather3A_1302 = tpu.vector_load_idx %gather3A_1301[%add3A_1250, %add3A_1296] : memref<128x128xf32, #tpu.memory_space<vmem>>[vector<16xi32>, vector<16xi32>], vector<16xf32>,
        %scatter3A_1303 = arith.constant 1 : i32
        %scatter3A_1304 = arith.constant 0 : i32
        %scatter3A_1305 = arith.constant 0 : i32
        %scatter3A_1306 = tpu.memref_slice %arg8[%scatter3A_1303, %scatter3A_1304, %scatter3A_1305] : memref<2x64x128xf32, #tpu.memory_space<vmem>> -> memref<1x64x128xf32, #tpu.memory_space<vmem>>
        %scatter3A_1307 = tpu.memref_squeeze %scatter3A_1306 : memref<1x64x128xf32, #tpu.memory_space<vmem>> -> memref<64x128xf32, #tpu.memory_space<vmem>>
        tpu.vector_store_idx %scatter3A_1307[%add3A_1296, %add3A_1250], %gather3A_1302 : memref<64x128xf32, #tpu.memory_space<vmem>>[vector<16xi32>, vector<16xi32>], vector<16xf32>,
        %add3A_1308 = arith.constant 3 : i32
        %add3A_1309 = vector.broadcast %add3A_1308 : i32 to vector<16xi32>
        %add3A_1310 = arith.addi %iota3A, %add3A_1309 : vector<16xi32>
        %and3A_1311 = arith.constant 15 : i32
        %and3A_1312 = vector.broadcast %and3A_1311 : i32 to vector<16xi32>
        %and3A_1313 = arith.andi %add3A_1310, %and3A_1312 : vector<16xi32>
        %add3A_1314 = vector.broadcast %mul3A_1230 : i32 to vector<16xi32>
        %add3A_1315 = arith.addi %add3A_1314, %and3A_1313 : vector<16xi32>
        %gather3A_1316 = arith.constant 1 : i32
        %gather3A_1317 = arith.constant 0 : i32
        %gather3A_1318 = arith.constant 0 : i32
        %gather3A_1319 = tpu.memref_slice %arg7[%gather3A_1316, %gather3A_1317, %gather3A_1318] : memref<2x128x128xf32, #tpu.memory_space<vmem>> -> memref<1x128x128xf32, #tpu.memory_space<vmem>>
        %gather3A_1320 = tpu.memref_squeeze %gather3A_1319 : memref<1x128x128xf32, #tpu.memory_space<vmem>> -> memref<128x128xf32, #tpu.memory_space<vmem>>
        %gather3A_1321 = tpu.vector_load_idx %gather3A_1320[%add3A_1250, %add3A_1315] : memref<128x128xf32, #tpu.memory_space<vmem>>[vector<16xi32>, vector<16xi32>], vector<16xf32>,
        %scatter3A_1322 = arith.constant 1 : i32
        %scatter3A_1323 = arith.constant 0 : i32
        %scatter3A_1324 = arith.constant 0 : i32
        %scatter3A_1325 = tpu.memref_slice %arg8[%scatter3A_1322, %scatter3A_1323, %scatter3A_1324] : memref<2x64x128xf32, #tpu.memory_space<vmem>> -> memref<1x64x128xf32, #tpu.memory_space<vmem>>
        %scatter3A_1326 = tpu.memref_squeeze %scatter3A_1325 : memref<1x64x128xf32, #tpu.memory_space<vmem>> -> memref<64x128xf32, #tpu.memory_space<vmem>>
        tpu.vector_store_idx %scatter3A_1326[%add3A_1315, %add3A_1250], %gather3A_1321 : memref<64x128xf32, #tpu.memory_space<vmem>>[vector<16xi32>, vector<16xi32>], vector<16xf32>,
        %add3A_1327 = arith.constant 4 : i32
        %add3A_1328 = vector.broadcast %add3A_1327 : i32 to vector<16xi32>
        %add3A_1329 = arith.addi %iota3A, %add3A_1328 : vector<16xi32>
        %and3A_1330 = arith.constant 15 : i32
        %and3A_1331 = vector.broadcast %and3A_1330 : i32 to vector<16xi32>
        %and3A_1332 = arith.andi %add3A_1329, %and3A_1331 : vector<16xi32>
        %add3A_1333 = vector.broadcast %mul3A_1230 : i32 to vector<16xi32>
        %add3A_1334 = arith.addi %add3A_1333, %and3A_1332 : vector<16xi32>
        %gather3A_1335 = arith.constant 1 : i32
        %gather3A_1336 = arith.constant 0 : i32
        %gather3A_1337 = arith.constant 0 : i32
        %gather3A_1338 = tpu.memref_slice %arg7[%gather3A_1335, %gather3A_1336, %gather3A_1337] : memref<2x128x128xf32, #tpu.memory_space<vmem>> -> memref<1x128x128xf32, #tpu.memory_space<vmem>>
        %gather3A_1339 = tpu.memref_squeeze %gather3A_1338 : memref<1x128x128xf32, #tpu.memory_space<vmem>> -> memref<128x128xf32, #tpu.memory_space<vmem>>
        %gather3A_1340 = tpu.vector_load_idx %gather3A_1339[%add3A_1250, %add3A_1334] : memref<128x128xf32, #tpu.memory_space<vmem>>[vector<16xi32>, vector<16xi32>], vector<16xf32>,
        %scatter3A_1341 = arith.constant 1 : i32
        %scatter3A_1342 = arith.constant 0 : i32
        %scatter3A_1343 = arith.constant 0 : i32
        %scatter3A_1344 = tpu.memref_slice %arg8[%scatter3A_1341, %scatter3A_1342, %scatter3A_1343] : memref<2x64x128xf32, #tpu.memory_space<vmem>> -> memref<1x64x128xf32, #tpu.memory_space<vmem>>
        %scatter3A_1345 = tpu.memref_squeeze %scatter3A_1344 : memref<1x64x128xf32, #tpu.memory_space<vmem>> -> memref<64x128xf32, #tpu.memory_space<vmem>>
        tpu.vector_store_idx %scatter3A_1345[%add3A_1334, %add3A_1250], %gather3A_1340 : memref<64x128xf32, #tpu.memory_space<vmem>>[vector<16xi32>, vector<16xi32>], vector<16xf32>,
        %add3A_1346 = arith.constant 5 : i32
        %add3A_1347 = vector.broadcast %add3A_1346 : i32 to vector<16xi32>
        %add3A_1348 = arith.addi %iota3A, %add3A_1347 : vector<16xi32>
        %and3A_1349 = arith.constant 15 : i32
        %and3A_1350 = vector.broadcast %and3A_1349 : i32 to vector<16xi32>
        %and3A_1351 = arith.andi %add3A_1348, %and3A_1350 : vector<16xi32>
        %add3A_1352 = vector.broadcast %mul3A_1230 : i32 to vector<16xi32>
        %add3A_1353 = arith.addi %add3A_1352, %and3A_1351 : vector<16xi32>
        %gather3A_1354 = arith.constant 1 : i32
        %gather3A_1355 = arith.constant 0 : i32
        %gather3A_1356 = arith.constant 0 : i32
        %gather3A_1357 = tpu.memref_slice %arg7[%gather3A_1354, %gather3A_1355, %gather3A_1356] : memref<2x128x128xf32, #tpu.memory_space<vmem>> -> memref<1x128x128xf32, #tpu.memory_space<vmem>>
        %gather3A_1358 = tpu.memref_squeeze %gather3A_1357 : memref<1x128x128xf32, #tpu.memory_space<vmem>> -> memref<128x128xf32, #tpu.memory_space<vmem>>
        %gather3A_1359 = tpu.vector_load_idx %gather3A_1358[%add3A_1250, %add3A_1353] : memref<128x128xf32, #tpu.memory_space<vmem>>[vector<16xi32>, vector<16xi32>], vector<16xf32>,
        %scatter3A_1360 = arith.constant 1 : i32
        %scatter3A_1361 = arith.constant 0 : i32
        %scatter3A_1362 = arith.constant 0 : i32
        %scatter3A_1363 = tpu.memref_slice %arg8[%scatter3A_1360, %scatter3A_1361, %scatter3A_1362] : memref<2x64x128xf32, #tpu.memory_space<vmem>> -> memref<1x64x128xf32, #tpu.memory_space<vmem>>
        %scatter3A_1364 = tpu.memref_squeeze %scatter3A_1363 : memref<1x64x128xf32, #tpu.memory_space<vmem>> -> memref<64x128xf32, #tpu.memory_space<vmem>>
        tpu.vector_store_idx %scatter3A_1364[%add3A_1353, %add3A_1250], %gather3A_1359 : memref<64x128xf32, #tpu.memory_space<vmem>>[vector<16xi32>, vector<16xi32>], vector<16xf32>,
        %add3A_1365 = arith.constant 6 : i32
        %add3A_1366 = vector.broadcast %add3A_1365 : i32 to vector<16xi32>
        %add3A_1367 = arith.addi %iota3A, %add3A_1366 : vector<16xi32>
        %and3A_1368 = arith.constant 15 : i32
        %and3A_1369 = vector.broadcast %and3A_1368 : i32 to vector<16xi32>
        %and3A_1370 = arith.andi %add3A_1367, %and3A_1369 : vector<16xi32>
        %add3A_1371 = vector.broadcast %mul3A_1230 : i32 to vector<16xi32>
        %add3A_1372 = arith.addi %add3A_1371, %and3A_1370 : vector<16xi32>
        %gather3A_1373 = arith.constant 1 : i32
        %gather3A_1374 = arith.constant 0 : i32
        %gather3A_1375 = arith.constant 0 : i32
        %gather3A_1376 = tpu.memref_slice %arg7[%gather3A_1373, %gather3A_1374, %gather3A_1375] : memref<2x128x128xf32, #tpu.memory_space<vmem>> -> memref<1x128x128xf32, #tpu.memory_space<vmem>>
        %gather3A_1377 = tpu.memref_squeeze %gather3A_1376 : memref<1x128x128xf32, #tpu.memory_space<vmem>> -> memref<128x128xf32, #tpu.memory_space<vmem>>
        %gather3A_1378 = tpu.vector_load_idx %gather3A_1377[%add3A_1250, %add3A_1372] : memref<128x128xf32, #tpu.memory_space<vmem>>[vector<16xi32>, vector<16xi32>], vector<16xf32>,
        %scatter3A_1379 = arith.constant 1 : i32
        %scatter3A_1380 = arith.constant 0 : i32
        %scatter3A_1381 = arith.constant 0 : i32
        %scatter3A_1382 = tpu.memref_slice %arg8[%scatter3A_1379, %scatter3A_1380, %scatter3A_1381] : memref<2x64x128xf32, #tpu.memory_space<vmem>> -> memref<1x64x128xf32, #tpu.memory_space<vmem>>
        %scatter3A_1383 = tpu.memref_squeeze %scatter3A_1382 : memref<1x64x128xf32, #tpu.memory_space<vmem>> -> memref<64x128xf32, #tpu.memory_space<vmem>>
        tpu.vector_store_idx %scatter3A_1383[%add3A_1372, %add3A_1250], %gather3A_1378 : memref<64x128xf32, #tpu.memory_space<vmem>>[vector<16xi32>, vector<16xi32>], vector<16xf32>,
        %add3A_1384 = arith.constant 7 : i32
        %add3A_1385 = vector.broadcast %add3A_1384 : i32 to vector<16xi32>
        %add3A_1386 = arith.addi %iota3A, %add3A_1385 : vector<16xi32>
        %and3A_1387 = arith.constant 15 : i32
        %and3A_1388 = vector.broadcast %and3A_1387 : i32 to vector<16xi32>
        %and3A_1389 = arith.andi %add3A_1386, %and3A_1388 : vector<16xi32>
        %add3A_1390 = vector.broadcast %mul3A_1230 : i32 to vector<16xi32>
        %add3A_1391 = arith.addi %add3A_1390, %and3A_1389 : vector<16xi32>
        %gather3A_1392 = arith.constant 1 : i32
        %gather3A_1393 = arith.constant 0 : i32
        %gather3A_1394 = arith.constant 0 : i32
        %gather3A_1395 = tpu.memref_slice %arg7[%gather3A_1392, %gather3A_1393, %gather3A_1394] : memref<2x128x128xf32, #tpu.memory_space<vmem>> -> memref<1x128x128xf32, #tpu.memory_space<vmem>>
        %gather3A_1396 = tpu.memref_squeeze %gather3A_1395 : memref<1x128x128xf32, #tpu.memory_space<vmem>> -> memref<128x128xf32, #tpu.memory_space<vmem>>
        %gather3A_1397 = tpu.vector_load_idx %gather3A_1396[%add3A_1250, %add3A_1391] : memref<128x128xf32, #tpu.memory_space<vmem>>[vector<16xi32>, vector<16xi32>], vector<16xf32>,
        %scatter3A_1398 = arith.constant 1 : i32
        %scatter3A_1399 = arith.constant 0 : i32
        %scatter3A_1400 = arith.constant 0 : i32
        %scatter3A_1401 = tpu.memref_slice %arg8[%scatter3A_1398, %scatter3A_1399, %scatter3A_1400] : memref<2x64x128xf32, #tpu.memory_space<vmem>> -> memref<1x64x128xf32, #tpu.memory_space<vmem>>
        %scatter3A_1402 = tpu.memref_squeeze %scatter3A_1401 : memref<1x64x128xf32, #tpu.memory_space<vmem>> -> memref<64x128xf32, #tpu.memory_space<vmem>>
        tpu.vector_store_idx %scatter3A_1402[%add3A_1391, %add3A_1250], %gather3A_1397 : memref<64x128xf32, #tpu.memory_space<vmem>>[vector<16xi32>, vector<16xi32>], vector<16xf32>,
        %add3A_1403 = arith.constant 8 : i32
        %add3A_1404 = vector.broadcast %add3A_1403 : i32 to vector<16xi32>
        %add3A_1405 = arith.addi %iota3A, %add3A_1404 : vector<16xi32>
        %and3A_1406 = arith.constant 15 : i32
        %and3A_1407 = vector.broadcast %and3A_1406 : i32 to vector<16xi32>
        %and3A_1408 = arith.andi %add3A_1405, %and3A_1407 : vector<16xi32>
        %add3A_1409 = vector.broadcast %mul3A_1230 : i32 to vector<16xi32>
        %add3A_1410 = arith.addi %add3A_1409, %and3A_1408 : vector<16xi32>
        %gather3A_1411 = arith.constant 1 : i32
        %gather3A_1412 = arith.constant 0 : i32
        %gather3A_1413 = arith.constant 0 : i32
        %gather3A_1414 = tpu.memref_slice %arg7[%gather3A_1411, %gather3A_1412, %gather3A_1413] : memref<2x128x128xf32, #tpu.memory_space<vmem>> -> memref<1x128x128xf32, #tpu.memory_space<vmem>>
        %gather3A_1415 = tpu.memref_squeeze %gather3A_1414 : memref<1x128x128xf32, #tpu.memory_space<vmem>> -> memref<128x128xf32, #tpu.memory_space<vmem>>
        %gather3A_1416 = tpu.vector_load_idx %gather3A_1415[%add3A_1250, %add3A_1410] : memref<128x128xf32, #tpu.memory_space<vmem>>[vector<16xi32>, vector<16xi32>], vector<16xf32>,
        %scatter3A_1417 = arith.constant 1 : i32
        %scatter3A_1418 = arith.constant 0 : i32
        %scatter3A_1419 = arith.constant 0 : i32
        %scatter3A_1420 = tpu.memref_slice %arg8[%scatter3A_1417, %scatter3A_1418, %scatter3A_1419] : memref<2x64x128xf32, #tpu.memory_space<vmem>> -> memref<1x64x128xf32, #tpu.memory_space<vmem>>
        %scatter3A_1421 = tpu.memref_squeeze %scatter3A_1420 : memref<1x64x128xf32, #tpu.memory_space<vmem>> -> memref<64x128xf32, #tpu.memory_space<vmem>>
        tpu.vector_store_idx %scatter3A_1421[%add3A_1410, %add3A_1250], %gather3A_1416 : memref<64x128xf32, #tpu.memory_space<vmem>>[vector<16xi32>, vector<16xi32>], vector<16xf32>,
        %add3A_1422 = arith.constant 9 : i32
        %add3A_1423 = vector.broadcast %add3A_1422 : i32 to vector<16xi32>
        %add3A_1424 = arith.addi %iota3A, %add3A_1423 : vector<16xi32>
        %and3A_1425 = arith.constant 15 : i32
        %and3A_1426 = vector.broadcast %and3A_1425 : i32 to vector<16xi32>
        %and3A_1427 = arith.andi %add3A_1424, %and3A_1426 : vector<16xi32>
        %add3A_1428 = vector.broadcast %mul3A_1230 : i32 to vector<16xi32>
        %add3A_1429 = arith.addi %add3A_1428, %and3A_1427 : vector<16xi32>
        %gather3A_1430 = arith.constant 1 : i32
        %gather3A_1431 = arith.constant 0 : i32
        %gather3A_1432 = arith.constant 0 : i32
        %gather3A_1433 = tpu.memref_slice %arg7[%gather3A_1430, %gather3A_1431, %gather3A_1432] : memref<2x128x128xf32, #tpu.memory_space<vmem>> -> memref<1x128x128xf32, #tpu.memory_space<vmem>>
        %gather3A_1434 = tpu.memref_squeeze %gather3A_1433 : memref<1x128x128xf32, #tpu.memory_space<vmem>> -> memref<128x128xf32, #tpu.memory_space<vmem>>
        %gather3A_1435 = tpu.vector_load_idx %gather3A_1434[%add3A_1250, %add3A_1429] : memref<128x128xf32, #tpu.memory_space<vmem>>[vector<16xi32>, vector<16xi32>], vector<16xf32>,
        %scatter3A_1436 = arith.constant 1 : i32
        %scatter3A_1437 = arith.constant 0 : i32
        %scatter3A_1438 = arith.constant 0 : i32
        %scatter3A_1439 = tpu.memref_slice %arg8[%scatter3A_1436, %scatter3A_1437, %scatter3A_1438] : memref<2x64x128xf32, #tpu.memory_space<vmem>> -> memref<1x64x128xf32, #tpu.memory_space<vmem>>
        %scatter3A_1440 = tpu.memref_squeeze %scatter3A_1439 : memref<1x64x128xf32, #tpu.memory_space<vmem>> -> memref<64x128xf32, #tpu.memory_space<vmem>>
        tpu.vector_store_idx %scatter3A_1440[%add3A_1429, %add3A_1250], %gather3A_1435 : memref<64x128xf32, #tpu.memory_space<vmem>>[vector<16xi32>, vector<16xi32>], vector<16xf32>,
        %add3A_1441 = arith.constant 10 : i32
        %add3A_1442 = vector.broadcast %add3A_1441 : i32 to vector<16xi32>
        %add3A_1443 = arith.addi %iota3A, %add3A_1442 : vector<16xi32>
        %and3A_1444 = arith.constant 15 : i32
        %and3A_1445 = vector.broadcast %and3A_1444 : i32 to vector<16xi32>
        %and3A_1446 = arith.andi %add3A_1443, %and3A_1445 : vector<16xi32>
        %add3A_1447 = vector.broadcast %mul3A_1230 : i32 to vector<16xi32>
        %add3A_1448 = arith.addi %add3A_1447, %and3A_1446 : vector<16xi32>
        %gather3A_1449 = arith.constant 1 : i32
        %gather3A_1450 = arith.constant 0 : i32
        %gather3A_1451 = arith.constant 0 : i32
        %gather3A_1452 = tpu.memref_slice %arg7[%gather3A_1449, %gather3A_1450, %gather3A_1451] : memref<2x128x128xf32, #tpu.memory_space<vmem>> -> memref<1x128x128xf32, #tpu.memory_space<vmem>>
        %gather3A_1453 = tpu.memref_squeeze %gather3A_1452 : memref<1x128x128xf32, #tpu.memory_space<vmem>> -> memref<128x128xf32, #tpu.memory_space<vmem>>
        %gather3A_1454 = tpu.vector_load_idx %gather3A_1453[%add3A_1250, %add3A_1448] : memref<128x128xf32, #tpu.memory_space<vmem>>[vector<16xi32>, vector<16xi32>], vector<16xf32>,
        %scatter3A_1455 = arith.constant 1 : i32
        %scatter3A_1456 = arith.constant 0 : i32
        %scatter3A_1457 = arith.constant 0 : i32
        %scatter3A_1458 = tpu.memref_slice %arg8[%scatter3A_1455, %scatter3A_1456, %scatter3A_1457] : memref<2x64x128xf32, #tpu.memory_space<vmem>> -> memref<1x64x128xf32, #tpu.memory_space<vmem>>
        %scatter3A_1459 = tpu.memref_squeeze %scatter3A_1458 : memref<1x64x128xf32, #tpu.memory_space<vmem>> -> memref<64x128xf32, #tpu.memory_space<vmem>>
        tpu.vector_store_idx %scatter3A_1459[%add3A_1448, %add3A_1250], %gather3A_1454 : memref<64x128xf32, #tpu.memory_space<vmem>>[vector<16xi32>, vector<16xi32>], vector<16xf32>,
        %add3A_1460 = arith.constant 11 : i32
        %add3A_1461 = vector.broadcast %add3A_1460 : i32 to vector<16xi32>
        %add3A_1462 = arith.addi %iota3A, %add3A_1461 : vector<16xi32>
        %and3A_1463 = arith.constant 15 : i32
        %and3A_1464 = vector.broadcast %and3A_1463 : i32 to vector<16xi32>
        %and3A_1465 = arith.andi %add3A_1462, %and3A_1464 : vector<16xi32>
        %add3A_1466 = vector.broadcast %mul3A_1230 : i32 to vector<16xi32>
        %add3A_1467 = arith.addi %add3A_1466, %and3A_1465 : vector<16xi32>
        %gather3A_1468 = arith.constant 1 : i32
        %gather3A_1469 = arith.constant 0 : i32
        %gather3A_1470 = arith.constant 0 : i32
        %gather3A_1471 = tpu.memref_slice %arg7[%gather3A_1468, %gather3A_1469, %gather3A_1470] : memref<2x128x128xf32, #tpu.memory_space<vmem>> -> memref<1x128x128xf32, #tpu.memory_space<vmem>>
        %gather3A_1472 = tpu.memref_squeeze %gather3A_1471 : memref<1x128x128xf32, #tpu.memory_space<vmem>> -> memref<128x128xf32, #tpu.memory_space<vmem>>
        %gather3A_1473 = tpu.vector_load_idx %gather3A_1472[%add3A_1250, %add3A_1467] : memref<128x128xf32, #tpu.memory_space<vmem>>[vector<16xi32>, vector<16xi32>], vector<16xf32>,
        %scatter3A_1474 = arith.constant 1 : i32
        %scatter3A_1475 = arith.constant 0 : i32
        %scatter3A_1476 = arith.constant 0 : i32
        %scatter3A_1477 = tpu.memref_slice %arg8[%scatter3A_1474, %scatter3A_1475, %scatter3A_1476] : memref<2x64x128xf32, #tpu.memory_space<vmem>> -> memref<1x64x128xf32, #tpu.memory_space<vmem>>
        %scatter3A_1478 = tpu.memref_squeeze %scatter3A_1477 : memref<1x64x128xf32, #tpu.memory_space<vmem>> -> memref<64x128xf32, #tpu.memory_space<vmem>>
        tpu.vector_store_idx %scatter3A_1478[%add3A_1467, %add3A_1250], %gather3A_1473 : memref<64x128xf32, #tpu.memory_space<vmem>>[vector<16xi32>, vector<16xi32>], vector<16xf32>,
        %add3A_1479 = arith.constant 12 : i32
        %add3A_1480 = vector.broadcast %add3A_1479 : i32 to vector<16xi32>
        %add3A_1481 = arith.addi %iota3A, %add3A_1480 : vector<16xi32>
        %and3A_1482 = arith.constant 15 : i32
        %and3A_1483 = vector.broadcast %and3A_1482 : i32 to vector<16xi32>
        %and3A_1484 = arith.andi %add3A_1481, %and3A_1483 : vector<16xi32>
        %add3A_1485 = vector.broadcast %mul3A_1230 : i32 to vector<16xi32>
        %add3A_1486 = arith.addi %add3A_1485, %and3A_1484 : vector<16xi32>
        %gather3A_1487 = arith.constant 1 : i32
        %gather3A_1488 = arith.constant 0 : i32
        %gather3A_1489 = arith.constant 0 : i32
        %gather3A_1490 = tpu.memref_slice %arg7[%gather3A_1487, %gather3A_1488, %gather3A_1489] : memref<2x128x128xf32, #tpu.memory_space<vmem>> -> memref<1x128x128xf32, #tpu.memory_space<vmem>>
        %gather3A_1491 = tpu.memref_squeeze %gather3A_1490 : memref<1x128x128xf32, #tpu.memory_space<vmem>> -> memref<128x128xf32, #tpu.memory_space<vmem>>
        %gather3A_1492 = tpu.vector_load_idx %gather3A_1491[%add3A_1250, %add3A_1486] : memref<128x128xf32, #tpu.memory_space<vmem>>[vector<16xi32>, vector<16xi32>], vector<16xf32>,
        %scatter3A_1493 = arith.constant 1 : i32
        %scatter3A_1494 = arith.constant 0 : i32
        %scatter3A_1495 = arith.constant 0 : i32
        %scatter3A_1496 = tpu.memref_slice %arg8[%scatter3A_1493, %scatter3A_1494, %scatter3A_1495] : memref<2x64x128xf32, #tpu.memory_space<vmem>> -> memref<1x64x128xf32, #tpu.memory_space<vmem>>
        %scatter3A_1497 = tpu.memref_squeeze %scatter3A_1496 : memref<1x64x128xf32, #tpu.memory_space<vmem>> -> memref<64x128xf32, #tpu.memory_space<vmem>>
        tpu.vector_store_idx %scatter3A_1497[%add3A_1486, %add3A_1250], %gather3A_1492 : memref<64x128xf32, #tpu.memory_space<vmem>>[vector<16xi32>, vector<16xi32>], vector<16xf32>,
        %add3A_1498 = arith.constant 13 : i32
        %add3A_1499 = vector.broadcast %add3A_1498 : i32 to vector<16xi32>
        %add3A_1500 = arith.addi %iota3A, %add3A_1499 : vector<16xi32>
        %and3A_1501 = arith.constant 15 : i32
        %and3A_1502 = vector.broadcast %and3A_1501 : i32 to vector<16xi32>
        %and3A_1503 = arith.andi %add3A_1500, %and3A_1502 : vector<16xi32>
        %add3A_1504 = vector.broadcast %mul3A_1230 : i32 to vector<16xi32>
        %add3A_1505 = arith.addi %add3A_1504, %and3A_1503 : vector<16xi32>
        %gather3A_1506 = arith.constant 1 : i32
        %gather3A_1507 = arith.constant 0 : i32
        %gather3A_1508 = arith.constant 0 : i32
        %gather3A_1509 = tpu.memref_slice %arg7[%gather3A_1506, %gather3A_1507, %gather3A_1508] : memref<2x128x128xf32, #tpu.memory_space<vmem>> -> memref<1x128x128xf32, #tpu.memory_space<vmem>>
        %gather3A_1510 = tpu.memref_squeeze %gather3A_1509 : memref<1x128x128xf32, #tpu.memory_space<vmem>> -> memref<128x128xf32, #tpu.memory_space<vmem>>
        %gather3A_1511 = tpu.vector_load_idx %gather3A_1510[%add3A_1250, %add3A_1505] : memref<128x128xf32, #tpu.memory_space<vmem>>[vector<16xi32>, vector<16xi32>], vector<16xf32>,
        %scatter3A_1512 = arith.constant 1 : i32
        %scatter3A_1513 = arith.constant 0 : i32
        %scatter3A_1514 = arith.constant 0 : i32
        %scatter3A_1515 = tpu.memref_slice %arg8[%scatter3A_1512, %scatter3A_1513, %scatter3A_1514] : memref<2x64x128xf32, #tpu.memory_space<vmem>> -> memref<1x64x128xf32, #tpu.memory_space<vmem>>
        %scatter3A_1516 = tpu.memref_squeeze %scatter3A_1515 : memref<1x64x128xf32, #tpu.memory_space<vmem>> -> memref<64x128xf32, #tpu.memory_space<vmem>>
        tpu.vector_store_idx %scatter3A_1516[%add3A_1505, %add3A_1250], %gather3A_1511 : memref<64x128xf32, #tpu.memory_space<vmem>>[vector<16xi32>, vector<16xi32>], vector<16xf32>,
        %add3A_1517 = arith.constant 14 : i32
        %add3A_1518 = vector.broadcast %add3A_1517 : i32 to vector<16xi32>
        %add3A_1519 = arith.addi %iota3A, %add3A_1518 : vector<16xi32>
        %and3A_1520 = arith.constant 15 : i32
        %and3A_1521 = vector.broadcast %and3A_1520 : i32 to vector<16xi32>
        %and3A_1522 = arith.andi %add3A_1519, %and3A_1521 : vector<16xi32>
        %add3A_1523 = vector.broadcast %mul3A_1230 : i32 to vector<16xi32>
        %add3A_1524 = arith.addi %add3A_1523, %and3A_1522 : vector<16xi32>
        %gather3A_1525 = arith.constant 1 : i32
        %gather3A_1526 = arith.constant 0 : i32
        %gather3A_1527 = arith.constant 0 : i32
        %gather3A_1528 = tpu.memref_slice %arg7[%gather3A_1525, %gather3A_1526, %gather3A_1527] : memref<2x128x128xf32, #tpu.memory_space<vmem>> -> memref<1x128x128xf32, #tpu.memory_space<vmem>>
        %gather3A_1529 = tpu.memref_squeeze %gather3A_1528 : memref<1x128x128xf32, #tpu.memory_space<vmem>> -> memref<128x128xf32, #tpu.memory_space<vmem>>
        %gather3A_1530 = tpu.vector_load_idx %gather3A_1529[%add3A_1250, %add3A_1524] : memref<128x128xf32, #tpu.memory_space<vmem>>[vector<16xi32>, vector<16xi32>], vector<16xf32>,
        %scatter3A_1531 = arith.constant 1 : i32
        %scatter3A_1532 = arith.constant 0 : i32
        %scatter3A_1533 = arith.constant 0 : i32
        %scatter3A_1534 = tpu.memref_slice %arg8[%scatter3A_1531, %scatter3A_1532, %scatter3A_1533] : memref<2x64x128xf32, #tpu.memory_space<vmem>> -> memref<1x64x128xf32, #tpu.memory_space<vmem>>
        %scatter3A_1535 = tpu.memref_squeeze %scatter3A_1534 : memref<1x64x128xf32, #tpu.memory_space<vmem>> -> memref<64x128xf32, #tpu.memory_space<vmem>>
        tpu.vector_store_idx %scatter3A_1535[%add3A_1524, %add3A_1250], %gather3A_1530 : memref<64x128xf32, #tpu.memory_space<vmem>>[vector<16xi32>, vector<16xi32>], vector<16xf32>,
        %add3A_1536 = arith.constant 15 : i32
        %add3A_1537 = vector.broadcast %add3A_1536 : i32 to vector<16xi32>
        %add3A_1538 = arith.addi %iota3A, %add3A_1537 : vector<16xi32>
        %and3A_1539 = arith.constant 15 : i32
        %and3A_1540 = vector.broadcast %and3A_1539 : i32 to vector<16xi32>
        %and3A_1541 = arith.andi %add3A_1538, %and3A_1540 : vector<16xi32>
        %add3A_1542 = vector.broadcast %mul3A_1230 : i32 to vector<16xi32>
        %add3A_1543 = arith.addi %add3A_1542, %and3A_1541 : vector<16xi32>
        %gather3A_1544 = arith.constant 1 : i32
        %gather3A_1545 = arith.constant 0 : i32
        %gather3A_1546 = arith.constant 0 : i32
        %gather3A_1547 = tpu.memref_slice %arg7[%gather3A_1544, %gather3A_1545, %gather3A_1546] : memref<2x128x128xf32, #tpu.memory_space<vmem>> -> memref<1x128x128xf32, #tpu.memory_space<vmem>>
        %gather3A_1548 = tpu.memref_squeeze %gather3A_1547 : memref<1x128x128xf32, #tpu.memory_space<vmem>> -> memref<128x128xf32, #tpu.memory_space<vmem>>
        %gather3A_1549 = tpu.vector_load_idx %gather3A_1548[%add3A_1250, %add3A_1543] : memref<128x128xf32, #tpu.memory_space<vmem>>[vector<16xi32>, vector<16xi32>], vector<16xf32>,
        %scatter3A_1550 = arith.constant 1 : i32
        %scatter3A_1551 = arith.constant 0 : i32
        %scatter3A_1552 = arith.constant 0 : i32
        %scatter3A_1553 = tpu.memref_slice %arg8[%scatter3A_1550, %scatter3A_1551, %scatter3A_1552] : memref<2x64x128xf32, #tpu.memory_space<vmem>> -> memref<1x64x128xf32, #tpu.memory_space<vmem>>
        %scatter3A_1554 = tpu.memref_squeeze %scatter3A_1553 : memref<1x64x128xf32, #tpu.memory_space<vmem>> -> memref<64x128xf32, #tpu.memory_space<vmem>>
        tpu.vector_store_idx %scatter3A_1554[%add3A_1543, %add3A_1250], %gather3A_1549 : memref<64x128xf32, #tpu.memory_space<vmem>>[vector<16xi32>, vector<16xi32>], vector<16xf32>,
      }
      %scan3A_127 = arith.constant 32 : i32
      %dma_start3A_128 = arith.constant 1 : i32
      %dma_start3A_129 = arith.constant 0 : i32
      %dma_start3A_130 = arith.constant 0 : i32
      %dma_start3A_131 = tpu.memref_slice %arg8[%dma_start3A_128, %dma_start3A_129, %dma_start3A_130] : memref<2x64x128xf32, #tpu.memory_space<vmem>> -> memref<1x64x128xf32, #tpu.memory_space<vmem>>
      %dma_start3A_132 = tpu.memref_squeeze %dma_start3A_131 : memref<1x64x128xf32, #tpu.memory_space<vmem>> -> memref<64x128xf32, #tpu.memory_space<vmem>>
      %dma_start3A_133 = arith.constant 0 : i32
      %dma_start3A_134 = tpu.memref_slice %arg4[%add3A_100, %dma_start3A_133, %mul3A_2] : memref<200x64x4096xf32, #tpu.memory_space<hbm>> -> memref<1x64x128xf32, #tpu.memory_space<hbm>>
      %dma_start3A_135 = tpu.memref_squeeze %dma_start3A_134 : memref<1x64x128xf32, #tpu.memory_space<hbm>> -> memref<64x128xf32, #tpu.memory_space<hbm>>
      %dma_start3A_136 = arith.constant 0 : i32
      %dma_start3A_137 = tpu.memref_slice %arg4[%add3A_100, %dma_start3A_136, %mul3A_2] : memref<200x64x4096xf32, #tpu.memory_space<hbm>> -> memref<1x64x128xf32, #tpu.memory_space<hbm>>
      %dma_start3A_138 = tpu.memref_squeeze %dma_start3A_137 : memref<1x64x128xf32, #tpu.memory_space<hbm>> -> memref<64x128xf32, #tpu.memory_space<hbm>>
      %dma_start3A_139 = arith.constant 0 : i32
      %dma_start3A_140 = arith.constant 0 : i32
      %dma_start3A_141 = tpu.memref_slice %arg8[%dma_start3A_128, %dma_start3A_139, %dma_start3A_140] : memref<2x64x128xf32, #tpu.memory_space<vmem>> -> memref<1x64x128xf32, #tpu.memory_space<vmem>>
      %dma_start3A_142 = tpu.memref_squeeze %dma_start3A_141 : memref<1x64x128xf32, #tpu.memory_space<vmem>> -> memref<64x128xf32, #tpu.memory_space<vmem>>
      tpu.enqueue_dma source(%dma_start3A_142 : memref<64x128xf32, #tpu.memory_space<vmem>>) target(%dma_start3A_138 : memref<64x128xf32, #tpu.memory_space<hbm>>) target_semaphore(%arg10 : memref<!tpu.dma_semaphore, #tpu.memory_space<semaphore_mem>>)
    }
    %scan3A_22 = arith.constant 100 : i32
    %dma_wait3A = arith.constant 0 : i32
    %dma_wait3A_23 = arith.constant 0 : i32
    %dma_wait3A_24 = arith.constant 0 : i32
    %dma_wait3A_25 = arith.constant 0 : i32
    %dma_wait3A_26 = tpu.memref_slice %arg8[%dma_wait3A, %dma_wait3A_24, %dma_wait3A_25] : memref<2x64x128xf32, #tpu.memory_space<vmem>> -> memref<1x64x128xf32, #tpu.memory_space<vmem>>
    %dma_wait3A_27 = tpu.memref_squeeze %dma_wait3A_26 : memref<1x64x128xf32, #tpu.memory_space<vmem>> -> memref<64x128xf32, #tpu.memory_space<vmem>>
    %dma_wait3A_28 = arith.constant 0 : i32
    %dma_wait3A_29 = tpu.memref_slice %arg4[%dma_wait3A_23, %dma_wait3A_28, %mul3A_2] : memref<200x64x4096xf32, #tpu.memory_space<hbm>> -> memref<1x64x128xf32, #tpu.memory_space<hbm>>
    %dma_wait3A_30 = tpu.memref_squeeze %dma_wait3A_29 : memref<1x64x128xf32, #tpu.memory_space<hbm>> -> memref<64x128xf32, #tpu.memory_space<hbm>>
    %dma_wait3A_31 = arith.constant 0 : i32
    %dma_wait3A_32 = tpu.memref_slice %arg4[%dma_wait3A_23, %dma_wait3A_31, %mul3A_2] : memref<200x64x4096xf32, #tpu.memory_space<hbm>> -> memref<1x64x128xf32, #tpu.memory_space<hbm>>
    %dma_wait3A_33 = tpu.memref_squeeze %dma_wait3A_32 : memref<1x64x128xf32, #tpu.memory_space<hbm>> -> memref<64x128xf32, #tpu.memory_space<hbm>>
    %dma_wait3A_34 = arith.constant 0 : i32
    %dma_wait3A_35 = arith.constant 0 : i32
    %dma_wait3A_36 = tpu.memref_slice %arg8[%dma_wait3A, %dma_wait3A_34, %dma_wait3A_35] : memref<2x64x128xf32, #tpu.memory_space<vmem>> -> memref<1x64x128xf32, #tpu.memory_space<vmem>>
    %dma_wait3A_37 = tpu.memref_squeeze %dma_wait3A_36 : memref<1x64x128xf32, #tpu.memory_space<vmem>> -> memref<64x128xf32, #tpu.memory_space<vmem>>
    tpu.wait_dma2 semaphore(%arg10 : memref<!tpu.dma_semaphore, #tpu.memory_space<semaphore_mem>>) src(%dma_wait3A_37 : memref<64x128xf32, #tpu.memory_space<vmem>>) dst(%dma_wait3A_33 : memref<64x128xf32, #tpu.memory_space<hbm>>)
    %dma_wait3A_38 = arith.constant 1 : i32
    %dma_wait3A_39 = arith.constant 0 : i32
    %dma_wait3A_40 = arith.constant 0 : i32
    %dma_wait3A_41 = arith.constant 0 : i32
    %dma_wait3A_42 = tpu.memref_slice %arg8[%dma_wait3A_38, %dma_wait3A_40, %dma_wait3A_41] : memref<2x64x128xf32, #tpu.memory_space<vmem>> -> memref<1x64x128xf32, #tpu.memory_space<vmem>>
    %dma_wait3A_43 = tpu.memref_squeeze %dma_wait3A_42 : memref<1x64x128xf32, #tpu.memory_space<vmem>> -> memref<64x128xf32, #tpu.memory_space<vmem>>
    %dma_wait3A_44 = arith.constant 0 : i32
    %dma_wait3A_45 = tpu.memref_slice %arg4[%dma_wait3A_39, %dma_wait3A_44, %mul3A_2] : memref<200x64x4096xf32, #tpu.memory_space<hbm>> -> memref<1x64x128xf32, #tpu.memory_space<hbm>>
    %dma_wait3A_46 = tpu.memref_squeeze %dma_wait3A_45 : memref<1x64x128xf32, #tpu.memory_space<hbm>> -> memref<64x128xf32, #tpu.memory_space<hbm>>
    %dma_wait3A_47 = arith.constant 0 : i32
    %dma_wait3A_48 = tpu.memref_slice %arg4[%dma_wait3A_39, %dma_wait3A_47, %mul3A_2] : memref<200x64x4096xf32, #tpu.memory_space<hbm>> -> memref<1x64x128xf32, #tpu.memory_space<hbm>>
    %dma_wait3A_49 = tpu.memref_squeeze %dma_wait3A_48 : memref<1x64x128xf32, #tpu.memory_space<hbm>> -> memref<64x128xf32, #tpu.memory_space<hbm>>
    %dma_wait3A_50 = arith.constant 0 : i32
    %dma_wait3A_51 = arith.constant 0 : i32
    %dma_wait3A_52 = tpu.memref_slice %arg8[%dma_wait3A_38, %dma_wait3A_50, %dma_wait3A_51] : memref<2x64x128xf32, #tpu.memory_space<vmem>> -> memref<1x64x128xf32, #tpu.memory_space<vmem>>
    %dma_wait3A_53 = tpu.memref_squeeze %dma_wait3A_52 : memref<1x64x128xf32, #tpu.memory_space<vmem>> -> memref<64x128xf32, #tpu.memory_space<vmem>>
    tpu.wait_dma2 semaphore(%arg10 : memref<!tpu.dma_semaphore, #tpu.memory_space<semaphore_mem>>) src(%dma_wait3A_53 : memref<64x128xf32, #tpu.memory_space<vmem>>) dst(%dma_wait3A_49 : memref<64x128xf32, #tpu.memory_space<hbm>>)
    return
  }
}

</mosaic_0001>

<sc_bundles>
// kernel: kernel.3.cloned.1.call-start
scs
__scs_entry_jumppad:
0x0: {  	(pc) =	sbr.rel $0x88, $3  }
0x1: {  	(tag) =	ssettag $0x0;
	lr =	simm.s32 $0x1  }
0x2: {  	[smem:$0x3F9F] =	sst lr;
	_ =	strace $0xD0000000  }
0x3: {  	_ = 	snop  }
0x4: {  	_ = 	snop  }
0x5: {  	_ = 	snop  }
0x6: {  	_ = 	snop  }
0x7: {  	_ = 	snop  }
__scs_overlays_trampoline_lowered:
0x8: {  	[smem:$0x3FAE] =	sst s0  }
0x9: {  	[smem:$0x3FAF] =	sst s1  }
0xa: {  	[smem:$0x3FB0] =	sst s2  }
0xb: {  	[smem:$0x3FB1] =	sst s3  }
0xc: {  	[smem:$0x3FB2] =	sst s4  }
0xd: {  	[smem:$0x3FB3] =	sst s5  }
0xe: {  	[smem:$0x3FB4] =	sst s6  }
0xf: {  	[smem:$0x3FB5] =	sst s7  }
0x10: {  	[smem:$0x3FB6] =	sst s8  }
0x11: {  	[smem:$0x3FB7] =	sst s9;
	s0 =	simm.s32 @!p0 $0x0  }
0x12: {  	s1 =	sld [smem:$0x3F9D];
	s0 =	simm.s32 @p0 $0x1  }
0x13: {  	[smem:$0x3FB8] =	sst s0;
	s0 =	simm.s32 @!p1 $0x0  }
0x14: {  	s2 =	sld [smem:$0x3F9C];
	s0 =	simm.s32 @p1 $0x1  }
0x15: {  	[smem:$0x3FB9] =	sst s0;
	s0 =	simm.s32 @!p2 $0x0  }
0x16: {  	s3 =	sld [smem:$0x3FDB];
	s0 =	simm.s32 @p2 $0x1  }
0x17: {  	s4 =	simm.s32 $0x1BF5;
	[smem:$0x3FBB] =	sst s0  }
0x18: {  	s0 =	sld [smem:$0x3F9E];
	_ =	swait.ge [sflag:s4], $0x0  }
0x19: {  	s7 =	sld [smem:$0x3F9F]  }
0x1a: {  	s8 =	sadd.s32 $0xFFFFE003, lr  }
0x1b: {  	s9 =	sadd.s32 $0xFFFFFEF7, lr;
	s5 =	simm.s32 $0xFFFFFFFF;
	p2 =	slt.u32 s8, $0xFFFFF086  }
0x1c: {  	p1 =	slt.u32 s9, $0xF7A;
	s5 =	simm.s32 @!p2 $0x0  }
0x1d: {  	s5 =	simm.s32 @p1 $0x1;
	p0 =	seq.s32 s7, s2  }
0x1e: {  	s7 =	smul.u32 @!p0 $0xF7A, s2;
	p2 =	seq.s32 @!p0 s5, $0x0  }
0x1f: {  	s9 =	smul.u32 $0xF7A, s1;
	s8 =	simm.s32 @!p0 $0x1BF5;
	p2 =	por !p2, p0  }
0x20: {  	[sflag:s8] =	ssyncset.s32 @!p0 $0xFFFFF086;
	s6 =	sadd.s32 @!p0 s3, s7;
	s7 =	simm.s32 @!p0 $0x108  }
0x21: {  	s3 =	sadd.s32 s3, s9;
	s6 =	sadd.s32 @!p0 $0x88, s6;
	s7 =	simm.s32 @p2 $0x1082  }
0x22: {  	[simem:s7], [sflag:s8] =	dma.local @!p0 [hbm:s6], $0xF7A  }
0x23: {  	s9 =	sor.u32 $0xD0000000, s2;
	s6 =	simm.s32 $0x108;
	_ =	swait.ge @!p0 [sflag:s8], $0x0  }
0x24: {  	s3 =	sadd.s32 $0x88, s3;
	s6 =	simm.s32 @!p1 $0x1082;
	[sflag:s4] =	ssyncset.s32 $0xFFFFF086  }
0x25: {  	[simem:s6], [sflag:s4] =	dma.local [hbm:s3], $0xF7A  }
0x26: {  	[smem:$0x3F9F] =	sst s1;
	(tag) =	ssettag s2;
	_ =	strace s9  }
0x27: {  	s1 =	sld [smem:$0x3FAF]  }
0x28: {  	s2 =	sld [smem:$0x3FB0]  }
0x29: {  	s4 =	sld [smem:$0x3FB2]  }
0x2a: {  	p0 =	seq.s32 s5, $0x0;
	s5 =	sld [smem:$0x3FB3]  }
0x2b: {  	s6 =	sld [smem:$0x3FB4]  }
0x2c: {  	s7 =	sld [smem:$0x3FB5]  }
0x2d: {  	s3 =	simm.s32 $0x108;
	s8 =	sld [smem:$0x3FB6]  }
0x2e: {  	s3 =	simm.s32 @!p0 $0x1082;
	s9 =	sld [smem:$0x3FB7]  }
0x2f: {  	lr =	sadd.s32 s0, s3;
	s0 =	sld [smem:$0x3FAE]  }
0x30: {  	s3 =	sld [smem:$0x3FB1]  }
0x31: {  	[smem:$0x3FBA] =	sst s10  }
0x32: {  	s10 =	sld [smem:$0x3FB8];
	_ =	sdelay $0x3  }
0x33: {  	p0 =	seq.s32 s10, $0x1;
	s10 =	sld [smem:$0x3FBA];
	_ =	sdelay $0x3  }
0x34: {  	[smem:$0x3FBA] =	sst s10  }
0x35: {  	s10 =	sld [smem:$0x3FB9];
	_ =	sdelay $0x3  }
0x36: {  	p1 =	seq.s32 s10, $0x1;
	s10 =	sld [smem:$0x3FBA];
	_ =	sdelay $0x3  }
0x37: {  	[smem:$0x3FBA] =	sst s10  }
0x38: {  	s10 =	sld [smem:$0x3FBB]  }
0x39: {  	_ = 	snop;
	(pc) =	sbr.ind lr, $3  }
0x3a: {  	_ = 	snop  }
0x3b: {  	_ = 	snop  }
0x3c: {  	p2 =	seq.s32 s10, $0x1;
	s10 =	sld [smem:$0x3FBA]  }
0x3d: {  	_ =	shalt  }
0x3e: {  	_ =	shalt  }
0x3f: {  	_ =	shalt  }
0x40: {  	_ =	shalt  }
0x41: {  	_ =	shalt  }
0x42: {  	_ =	shalt  }
0x43: {  	_ =	shalt  }
0x44: {  	_ =	shalt  }
0x45: {  	_ =	shalt  }
0x46: {  	_ =	shalt  }
0x47: {  	_ =	shalt  }
0x48: {  	_ =	shalt  }
0x49: {  	_ =	shalt  }
0x4a: {  	_ =	shalt  }
0x4b: {  	_ =	shalt  }
0x4c: {  	_ =	shalt  }
0x4d: {  	_ =	shalt  }
0x4e: {  	_ =	shalt  }
0x4f: {  	_ =	shalt  }
0x50: {  	_ =	shalt  }
0x51: {  	_ =	shalt  }
0x52: {  	_ =	shalt  }
0x53: {  	_ =	shalt  }
0x54: {  	_ =	shalt  }
0x55: {  	_ =	shalt  }
0x56: {  	_ =	shalt  }
0x57: {  	_ =	shalt  }
0x58: {  	_ =	shalt  }
0x59: {  	_ =	shalt  }
0x5a: {  	_ =	shalt  }
0x5b: {  	_ =	shalt  }
0x5c: {  	_ =	shalt  }
0x5d: {  	_ =	shalt  }
0x5e: {  	_ =	shalt  }
0x5f: {  	_ =	shalt  }
0x60: {  	_ =	shalt  }
0x61: {  	_ =	shalt  }
0x62: {  	_ =	shalt  }
0x63: {  	_ =	shalt  }
0x64: {  	_ =	shalt  }
0x65: {  	_ =	shalt  }
0x66: {  	_ =	shalt  }
0x67: {  	_ =	shalt  }
0x68: {  	_ =	shalt  }
0x69: {  	_ =	shalt  }
0x6a: {  	_ =	shalt  }
0x6b: {  	_ =	shalt  }
0x6c: {  	_ =	shalt  }
0x6d: {  	_ =	shalt  }
0x6e: {  	_ =	shalt  }
0x6f: {  	_ =	shalt  }
0x70: {  	_ =	shalt  }
0x71: {  	_ =	shalt  }
0x72: {  	_ =	shalt  }
0x73: {  	_ =	shalt  }
0x74: {  	_ =	shalt  }
0x75: {  	_ =	shalt  }
0x76: {  	_ =	shalt  }
0x77: {  	_ =	shalt  }
0x78: {  	_ =	shalt  }
0x79: {  	_ =	shalt  }
0x7a: {  	_ =	shalt  }
0x7b: {  	_ =	shalt  }
0x7c: {  	_ =	shalt  }
0x7d: {  	_ =	shalt  }
0x7e: {  	_ =	shalt  }
0x7f: {  	_ =	shalt  }
0x80: {  	_ =	shalt  }
0x81: {  	_ =	shalt  }
0x82: {  	_ =	shalt  }
0x83: {  	_ =	shalt  }
0x84: {  	_ =	shalt  }
0x85: {  	_ =	shalt  }
0x86: {  	_ =	shalt  }
0x87: {  	_ =	shalt  }
.Lfunc_end0:
.L_simem_size_0:
called_computation_lowered:
.L_overlay_start_0:
0x88: {  	s2 =	sld [smem:$0x3FD9]  }
0x89: {  	s3 =	sld [smem:$0x3FFE];
	_ =	sdelay $0x1  }
0x8a: {  	s1 =	srdreg.scid  }
0x8b: {  	s0 =	sand.u32 $0x1, s1  }
0x8c: {  	s17 =	sshll.u32 s0, $0xA;
	s2 =	sadd.s32 s3, s2  }
0x8d: {  	s2 =	sadd.s32 s2, s17  }
0x8e: {  	[smem:$0x3FC6] =	sst s2  }
0x8f: {  	_ = 	snop  }
0x90: {  	s2 =	sld [smem:$0x3FD0];
	(tm) =	ssettm $0x1  }
0x91: {  	s18 =	sld [smem:$0x3FFB];
	_ =	sdelay $0x3  }
0x92: {  	_ =	strace s18  }
0x93: {  	s3 =	sld [smem:$0x3FFC];
	_ =	sdelay $0x3  }
0x94: {  	_ =	strace s3  }
0x95: {  	s3 =	sld [smem:$0x3FFD];
	_ =	sdelay $0x3  }
0x96: {  	_ =	strace s3  }
0x97: {  	_ =	strace $0x8FFFFFFF  }
0x98: {  	s19 =	sld [smem:$0x3FDB];
	_ =	sdelay $0x1  }
0x99: {  	s4 =	simm.s32 $_scs_section_size  }
0x9a: {  	s5 =	simm.s32 $_size__tile_overlayer_lowered;
	s6 =	simm.s32 $_tile_overlayer_lowered  }
0x9b: {  	s22 =	simm.s32 $0x1BFF;
	s21 =	sshll.u32 s6, $0x1;
	s3 =	sadd.s32 s4, s19  }
0x9c: {  	s7 =	simm.s32 $0x0;
	s20 =	sshll.u32 s5, $0x1;
	s5 =	sadd.s32 s21, s3  }
0x9d: {  	[timem:s7], [sflag:s22] =	dma.local [hbm:s5], s20  }
0x9e: {  	_ =	swait.ge [sflag:s22], s20  }
0x9f: {  	s4 =	ssub.s32 $0x0, s20;
	[sflag:s22] =	ssyncset.done $0x0  }
0xa0: {  	[sflag:s22] =	ssyncadd.s32 s4;
	_ =	sdelay $0x1  }
0xa1: {  	s23 =	simm.s32 $0x1B8B  }
0xa2: {  	_ =	swait.ge [sflag:s23], $0x1  }
0xa3: {  	[sflag:s23] =	ssyncset.done $0x0  }
0xa4: {  	s25 =	simm.s32 $0x1B8E;
	s24 =	sld [smem:$0x3FFE];
	[sflag:s23] =	ssyncadd.s32 $0xFFFFFFFF  }
0xa5: {  	s26 =	simm.s32 $execute0_lowered;
	[smem:$0x3FD2] =	sst s25  }
0xa6: {  	s5 =	sshll.u32 s26, $0x1;
	_ =	strace $0x80000046;
	[dreg:$0x1] =	wrdreg $0xFFFFFFFF  }
0xa7: {  	s28 =	simm.s32 $_size_execute0_lowered;
	s3 =	sadd.s32 s3, s5;
	[dreg:$0x0] =	wrdreg $0x0  }
0xa8: {  	s5 =	sshll.u32 s28, $0x1;
	[dreg:$0x2] =	wrdreg s3  }
0xa9: {  	[dreg:$0x3] =	wrdreg s5  }
0xaa: {  	[dreg:$0x4] =	wrdreg $0xC0  }
0xab: {  	_ =	task [dreg:s7], $0x5FFFF  }
0xac: {  	[dreg:$0x1] =	wrdreg $0xFFFFFFFF  }
0xad: {  	[dreg:$0x0] =	wrdreg $0x60  }
0xae: {  	[dreg:$0x2] =	wrdreg s24  }
0xaf: {  	[dreg:$0x3] =	wrdreg s2  }
0xb0: {  	[dreg:$0x4] =	wrdreg $0x9  }
0xb1: {  	_ =	task.clear_ibuf [dreg:s7], $0x5FFFF;
	_ =	strace $0x90000046  }
0xb2: {  	s29 =	simm.s32 $0x9;
	_ =	strace $0x80000048  }
0xb3: {  	_ =	swait.ge [sflag:s29], $0x1  }
0xb4: {  	[sflag:s29] =	ssyncadd.s32 $0xFFFFFFFF  }
0xb5: {  	_ =	strace $0x90000048  }
0xb6: {  	_ =	sfence  }
0xb7: {  	s30 =	sld [smem:$0x0];
	_ =	sdelay $0x2  }
0xb8: {  	s31 =	sshll.u32 s1, $0xD;
	s1 =	sshrl.u32 s1, $0x2  }
0xb9: {  	s3 =	sand.u32 $0x4000, s31;
	s1 =	sadd.s32 s1, s30  }
0xba: {  	s0 =	sor.u32 s3, s0;
	s1 =	sshll.u32 s1, $0x11  }
0xbb: {  	s0 =	sor.u32 s1, s0  }
0xbc: {  	s0 =	sadd.s32 $0x8F2B, s0  }
0xbd: {  	[sflag:s0] =	ssyncadd.remote.s32 $0x1  }
0xbe: {  	_ =	sfence.sel $0xFFFF  }
0xbf: {  	[dreg:$0x0] =	wrdreg $0xFFFFFFFF;
	(pc) =	sbr.abs _section_cstart, $3  }
0xc0: {  	[dreg:$0x1] =	wrdreg $0xFFFFFFFF  }
0xc1: {  	_ =	task.clear_ibuf [dreg:s7], $0x2FFFF;
	_ =	strace $0x9FFFFFFF  }
0xc2: {  	(tm) =	ssettm $0x7FFFFFFF  }
0xc3: {  	_ =	shalt  }
tec
execute0_lowered:
.L_overlay_start_1:
0x0: {  	(tag) =	ssettag $0x1  }
0x1: {  	v0 =	vlaneseq.u32;
	v12 =	vimm.s32 $0xFEDCBA9  }
0x2: {  	v15 =	vimm.s32 $0x87654321;
	v16 =	vimm.s32 $0x98765432;
	v17 =	vimm.s32 $0x210FEDCB  }
0x3: {  	v18 =	vimm.s32 $0xA9876543;
	v28 =	vimm.s32 $0xCBA98765;
	v30 =	vimm.s32 $0x6543210F  }
0x4: {  	v31 =	vimm.s32 $0xEDCBA987;
	v32 =	vimm.s32 $0xFEDCBA98;
	v33 =	vimm.s32 $0x76543210  }
0x5: {  	v1 =	vmul.u32 $0x80, v0;
	v14 =	vunpack.c.l.s4.s8 v12;
	v16 =	vunpack.c.l.s4.s8 v16  }
0x6: {  	v17 =	vunpack.c.l.s4.s8 v17;
	v30 =	vunpack.c.l.s4.s8 v30;
	v31 =	vunpack.c.l.s4.s8 v31  }
0x7: {  	v32 =	vunpack.c.l.s4.s8 v32;
	v2 =	vor.u32 $0x800, v1;
	v3 =	vor.u32 $0x1000, v1  }
0x8: {  	v4 =	vor.u32 $0x1800, v1;
	v5 =	vor.u32 $0x2000, v1;
	v6 =	vor.u32 $0x2800, v1  }
0x9: {  	v7 =	vor.u32 $0x3000, v1;
	v8 =	vor.u32 $0x3800, v1;
	v9 =	vor.u32 $0x4000, v1  }
0xa: {  	v10 =	vor.u32 $0x4800, v1;
	v11 =	vor.u32 $0x5000, v1;
	v12 =	vor.u32 $0x5800, v1  }
0xb: {  	v13 =	vor.u32 $0x6000, v1;
	v20 =	vunpack.c.0.s8.s32 v14;
	v14 =	vunpack.c.l.s4.s8 v15  }
0xc: {  	v15 =	vimm.s32 $0x10FEDCBA;
	v23 =	vunpack.c.0.s8.s32 v16;
	v24 =	vunpack.c.0.s8.s32 v17  }
0xd: {  	v30 =	vunpack.c.0.s8.s32 v30;
	v31 =	vunpack.c.0.s8.s32 v31;
	v15 =	vunpack.c.l.s4.s8 v15  }
0xe: {  	v32 =	vunpack.c.0.s8.s32 v32;
	v21 =	vunpack.c.0.s8.s32 v14;
	v14 =	vunpack.c.l.s4.s8 v18  }
0xf: {  	v36 =	vcombine.low v31, v30;
	v22 =	vunpack.c.0.s8.s32 v15;
	v15 =	vimm.s32 $0x3210FEDC  }
0x10: {  	v32 =	vand.u32 $0xF, v32;
	v25 =	vunpack.c.0.s8.s32 v14;
	v14 =	vunpack.c.l.s4.s8 v15  }
0x11: {  	v15 =	vimm.s32 $0xBA987654;
	v16 =	vcombine.low v21, v20;
	v63 =	vcombine.low v20, v21  }
0x12: {  	v21 =	vand.u32 $0xF, v36;
	v17 =	vcombine.low v23, v22;
	v15 =	vunpack.c.l.s4.s8 v15  }
0x13: {  	v23 =	vcombine.low v22, v23;
	v18 =	vcombine.low v25, v24;
	v26 =	vunpack.c.0.s8.s32 v14  }
0x14: {  	v14 =	vimm.s32 $0x43210FED;
	v24 =	vcombine.low v24, v25;
	v27 =	vunpack.c.0.s8.s32 v15  }
0x15: {  	s4 =	rddreg [dreg:$0x0];
	s1 =	srdreg.scid;
	v19 =	vunpack.c.l.s4.s8 v14;
	v15 =	vand.u32 $0xF, v17;
	v17 =	vunpack.c.l.s4.s8 v28  }
0x16: {  	s0 =	stileid.u32;
	s2 =	rddreg [dreg:$0x1];
	s3 =	simm.s32 $0x0;
	v22 =	vand.u32 $0xF, v63;
	v14 =	vand.u32 $0xF, v16;
	v23 =	vand.u32 $0xF, v23  }
0x17: {  	s9 =	simm.s32 $0x6480;
	s10 =	simm.s32 $0x80;
	s11 =	simm.s32 $0xC880;
	v16 =	vand.u32 $0xF, v18;
	v28 =	vunpack.c.0.s8.s32 v19;
	v29 =	vunpack.c.0.s8.s32 v17  }
0x18: {  	s12 =	simm.s32 $0x1;
	s13 =	simm.s32 $0x10880;
	s14 =	simm.s32 $0x14880;
	v17 =	vimm.s32 $0x543210FE;
	v19 =	vimm.s32 $0xDCBA9876;
	v25 =	vcombine.low v26, v27  }
0x19: {  	s15 =	simm.s32 $0x400;
	s16 =	simm.s32 $0x8000;
	s17 =	simm.s32 $0x16880;
	v24 =	vand.u32 $0xF, v24;
	v17 =	vunpack.c.l.s4.s8 v17;
	v19 =	vunpack.c.l.s4.s8 v19  }
0x1a: {  	s18 =	simm.s32 $0x2;
	s5 =	sand.u32 $0x1, s1;
	s6 =	sshll.u32 s0, $0x1;
	v18 =	vcombine.low v27, v26;
	v26 =	vcombine.low v28, v29;
	v25 =	vand.u32 $0xF, v25  }
0x1b: {  	s19 =	simm.s32 $0x0;
	s1 =	rddreg [dreg:$0x2];
	s6 =	sor.u32 s5, s6;
	v34 =	vunpack.c.0.s8.s32 v17;
	v35 =	vunpack.c.0.s8.s32 v19;
	v19 =	vunpack.c.l.s4.s8 v33  }
0x1c: {  	[smem:$0x7FF] =	sst s3;
	s5 =	ssub.s32 $0x2, s5;
	s7 =	smul.u32 $0xC80, s6;
	v17 =	vand.u32 $0xF, v18;
	v18 =	vcombine.low v29, v28;
	v28 =	vcombine.low v30, v31  }
0x1d: {  	_ =	strace $0x80000047;
	s8 =	sshrl.u32 s5, $0x1;
	s6 =	sshll.u32 s6, $0xA;
	v19 =	vunpack.c.0.s8.s32 v19;
	v62 =	vcombine.low v35, v34;
	v27 =	vcombine.low v34, v35  }
0x1e: {  	[tilespmem:$0x1FFE0] =	vst v1;
	s8 =	ssub.s32 s5, s8;
	s7 =	sadd.s32 s7, s4;
	s4 =	sadd.s32 $0xF5BA00, s4;
	v26 =	vand.u32 $0xF, v26;
	v18 =	vand.u32 $0xF, v18;
	v28 =	vand.u32 $0xF, v28  }
0x1f: {  	[tilespmem:$0x1FFF0] =	vst v2;
	s5 =	sadd.s32 $0xF42A00, s7;
	s7 =	smax.u32 s8, $0x1;
	s8 =	simm.s32 $0x3;
	v19 =	vcombine.low v32, v19;
	v20 =	vand.u32 $0xF, v62;
	v27 =	vand.u32 $0xF, v27  }
.LBB2_1:
0x20: {  	[tilespmem:s3], [sflag:$0x3] =	stream.linear.gather [hbm4b:s5+s3], $0x6400, $0x38;
	[tilespmem:$0x18880] =	vst v63  }
0x21: {  	_ =	swait.ge [sflag:s8], $0x6400  }
0x22: {  	[sflag:s8] =	ssyncset.done $0x0  }
0x23: {  	s20 =	simm.s32 $0x60;
	[sflag:s8] =	ssyncadd.s32 $0xFFFF9C00  }
0x24: {  	v30 =	vor.u32 s3, v1;
	v29 =	vld [tilespmem:s20+$0xFFFFFFA0];
	_ =	sdelay $0x4  }
0x25: {  	[tilespmem:v30+s9+$0x0] =	vst.idx.msk $0xffff, v29  }
0x26: {  	v30 =	vor.u32 s3, v2;
	v29 =	vld [tilespmem:s20+$0xFFFFFFB0];
	_ =	sdelay $0x4  }
0x27: {  	[tilespmem:v30+s9+$0x0] =	vst.idx.msk $0xffff, v29  }
0x28: {  	v30 =	vor.u32 s3, v3;
	v29 =	vld [tilespmem:s20+$0xFFFFFFC0];
	_ =	sdelay $0x4  }
0x29: {  	[tilespmem:v30+s9+$0x0] =	vst.idx.msk $0xffff, v29  }
0x2a: {  	v30 =	vor.u32 s3, v4;
	v29 =	vld [tilespmem:s20+$0xFFFFFFD0];
	_ =	sdelay $0x4  }
0x2b: {  	[tilespmem:v30+s9+$0x0] =	vst.idx.msk $0xffff, v29  }
0x2c: {  	v30 =	vor.u32 s3, v5;
	v29 =	vld [tilespmem:s20+$0xFFFFFFE0];
	_ =	sdelay $0x4  }
0x2d: {  	[tilespmem:v30+s9+$0x0] =	vst.idx.msk $0xffff, v29  }
0x2e: {  	v30 =	vor.u32 s3, v6;
	v29 =	vld [tilespmem:s20+$0xFFFFFFF0];
	_ =	sdelay $0x4  }
0x2f: {  	[tilespmem:v30+s9+$0x0] =	vst.idx.msk $0xffff, v29  }
0x30: {  	v30 =	vor.u32 s3, v7;
	v29 =	vld [tilespmem:s20+$0x0];
	_ =	sdelay $0x4  }
0x31: {  	[tilespmem:v30+s9+$0x0] =	vst.idx.msk $0xffff, v29  }
0x32: {  	v30 =	vor.u32 s3, v8;
	v29 =	vld [tilespmem:s20+$0x10];
	_ =	sdelay $0x4  }
0x33: {  	s21 =	sand.u32 $0x7FF8, s3;
	[tilespmem:v30+s9+$0x0] =	vst.idx.msk $0xffff, v29  }
0x34: {  	v30 =	vor.u32 s3, v9;
	v29 =	vld [tilespmem:s21+$0x80];
	_ =	sdelay $0x4  }
0x35: {  	[tilespmem:v30+s9+$0x0] =	vst.idx.msk $0xffff, v29  }
0x36: {  	v30 =	vor.u32 s3, v10;
	v29 =	vld [tilespmem:s20+$0x30];
	_ =	sdelay $0x4  }
0x37: {  	[tilespmem:v30+s9+$0x0] =	vst.idx.msk $0xffff, v29  }
0x38: {  	v30 =	vor.u32 s3, v11;
	v29 =	vld [tilespmem:s20+$0x40];
	_ =	sdelay $0x4  }
0x39: {  	[tilespmem:v30+s9+$0x0] =	vst.idx.msk $0xffff, v29  }
0x3a: {  	v30 =	vor.u32 s3, v12;
	v29 =	vld [tilespmem:s20+$0x50];
	_ =	sdelay $0x4  }
0x3b: {  	[tilespmem:v30+s9+$0x0] =	vst.idx.msk $0xffff, v29  }
0x3c: {  	v30 =	vor.u32 s3, v13;
	v29 =	vld [tilespmem:s20+$0x60];
	_ =	sdelay $0x4  }
0x3d: {  	s21 =	simm.s32 $0x128;
	s20 =	simm.s32 $0x1;
	[tilespmem:v30+s9+$0x0] =	vst.idx.msk $0xff, v29  }
0x3e: {  	s23 =	simm.s32 $0x2;
	s22 =	simm.s32 $0x0;
	v30 =	vor.u32 s20, v1;
	v29 =	vld [tilespmem:s21+$0xFFFFFFA0]  }
.LBB2_2:
0x3f: {  	p0 =	sne.s32 s23, $0x7F;
	_ =	sdelay $0x3  }
0x40: {  	[tilespmem:v30+s9+$0x0] =	vst.idx.msk $0xffff, v29  }
0x41: {  	v30 =	vor.u32 s20, v2;
	v29 =	vld [tilespmem:s21+$0xFFFFFFB0];
	_ =	sdelay $0x4  }
0x42: {  	[tilespmem:v30+s9+$0x0] =	vst.idx.msk $0xffff, v29  }
0x43: {  	v30 =	vor.u32 s20, v3;
	v29 =	vld [tilespmem:s21+$0xFFFFFFC0];
	_ =	sdelay $0x4  }
0x44: {  	[tilespmem:v30+s9+$0x0] =	vst.idx.msk $0xffff, v29  }
0x45: {  	v30 =	vor.u32 s20, v4;
	v29 =	vld [tilespmem:s21+$0xFFFFFFD0];
	_ =	sdelay $0x4  }
0x46: {  	[tilespmem:v30+s9+$0x0] =	vst.idx.msk $0xffff, v29  }
0x47: {  	v30 =	vor.u32 s20, v5;
	v29 =	vld [tilespmem:s21+$0xFFFFFFE0];
	_ =	sdelay $0x4  }
0x48: {  	[tilespmem:v30+s9+$0x0] =	vst.idx.msk $0xffff, v29  }
0x49: {  	v30 =	vor.u32 s20, v6;
	v29 =	vld [tilespmem:s21+$0xFFFFFFF0];
	_ =	sdelay $0x4  }
0x4a: {  	[tilespmem:v30+s9+$0x0] =	vst.idx.msk $0xffff, v29  }
0x4b: {  	v30 =	vor.u32 s20, v7;
	v29 =	vld [tilespmem:s21+$0x0];
	_ =	sdelay $0x4  }
0x4c: {  	[tilespmem:v30+s9+$0x0] =	vst.idx.msk $0xffff, v29  }
0x4d: {  	v30 =	vor.u32 s20, v8;
	v29 =	vld [tilespmem:s21+$0x10];
	_ =	sdelay $0x3  }
0x4e: {  	s22 =	sadd.s32 $0xC8, s22  }
0x4f: {  	s24 =	sand.u32 $0x7FF8, s22;
	[tilespmem:v30+s9+$0x0] =	vst.idx.msk $0xffff, v29  }
0x50: {  	v30 =	vor.u32 s20, v9;
	v29 =	vld [tilespmem:s24+$0x80];
	_ =	sdelay $0x4  }
0x51: {  	[tilespmem:v30+s9+$0x0] =	vst.idx.msk $0xffff, v29  }
0x52: {  	v30 =	vor.u32 s20, v10;
	v29 =	vld [tilespmem:s21+$0x30];
	_ =	sdelay $0x4  }
0x53: {  	[tilespmem:v30+s9+$0x0] =	vst.idx.msk $0xffff, v29  }
0x54: {  	v30 =	vor.u32 s20, v11;
	v29 =	vld [tilespmem:s21+$0x40];
	_ =	sdelay $0x4  }
0x55: {  	[tilespmem:v30+s9+$0x0] =	vst.idx.msk $0xffff, v29  }
0x56: {  	v30 =	vor.u32 s20, v12;
	v29 =	vld [tilespmem:s21+$0x50];
	_ =	sdelay $0x4  }
0x57: {  	[tilespmem:v30+s9+$0x0] =	vst.idx.msk $0xffff, v29  }
0x58: {  	v30 =	vor.u32 s20, v13;
	s20 =	smov.u32 s23;
	v29 =	vld [tilespmem:s21+$0x60];
	_ =	sdelay $0x1  }
.Ltmp0:
0x59: {  	(pc) =	sbr.rel @p0 .LBB2_2-.Ltmp0, $3  }
0x5a: {  	_ =	sdelay $0x1  }
0x5b: {  	s21 =	sadd.s32 $0xC8, s21;
	[tilespmem:v30+s9+$0x0] =	vst.idx.msk $0xff, v29  }
0x5c: {  	s23 =	sadd.s32 $0x1, s23;
	v30 =	vor.u32 s20, v1;
	v29 =	vld [tilespmem:s21+$0xFFFFFFA0]  }
0x5d: {  	_ =	sdelay $0x3  }
0x5e: {  	[tilespmem:v30+s9+$0x0] =	vst.idx.msk $0xffff, v29  }
0x5f: {  	v30 =	vor.u32 s20, v2;
	v29 =	vld [tilespmem:s21+$0xFFFFFFB0];
	_ =	sdelay $0x4  }
0x60: {  	[tilespmem:v30+s9+$0x0] =	vst.idx.msk $0xffff, v29  }
0x61: {  	v30 =	vor.u32 s20, v3;
	v29 =	vld [tilespmem:s21+$0xFFFFFFC0];
	_ =	sdelay $0x4  }
0x62: {  	[tilespmem:v30+s9+$0x0] =	vst.idx.msk $0xffff, v29  }
0x63: {  	v30 =	vor.u32 s20, v4;
	v29 =	vld [tilespmem:s21+$0xFFFFFFD0];
	_ =	sdelay $0x4  }
0x64: {  	[tilespmem:v30+s9+$0x0] =	vst.idx.msk $0xffff, v29  }
0x65: {  	v30 =	vor.u32 s20, v5;
	v29 =	vld [tilespmem:s21+$0xFFFFFFE0];
	_ =	sdelay $0x4  }
0x66: {  	[tilespmem:v30+s9+$0x0] =	vst.idx.msk $0xffff, v29  }
0x67: {  	v30 =	vor.u32 s20, v6;
	v29 =	vld [tilespmem:s21+$0xFFFFFFF0];
	_ =	sdelay $0x4  }
0x68: {  	[tilespmem:v30+s9+$0x0] =	vst.idx.msk $0xffff, v29  }
0x69: {  	v30 =	vor.u32 s20, v7;
	v29 =	vld [tilespmem:s21+$0x0];
	_ =	sdelay $0x4  }
0x6a: {  	[tilespmem:v30+s9+$0x0] =	vst.idx.msk $0xffff, v29  }
0x6b: {  	v30 =	vor.u32 s20, v8;
	v29 =	vld [tilespmem:s21+$0x10];
	_ =	sdelay $0x3  }
0x6c: {  	s22 =	sadd.s32 $0xC8, s22  }
0x6d: {  	s22 =	sand.u32 $0x7FF8, s22;
	[tilespmem:v30+s9+$0x0] =	vst.idx.msk $0xffff, v29  }
0x6e: {  	v30 =	vor.u32 s20, v9;
	v29 =	vld [tilespmem:s22+$0x80];
	_ =	sdelay $0x4  }
0x6f: {  	[tilespmem:v30+s9+$0x0] =	vst.idx.msk $0xffff, v29  }
0x70: {  	v30 =	vor.u32 s20, v10;
	v29 =	vld [tilespmem:s21+$0x30];
	_ =	sdelay $0x4  }
0x71: {  	[tilespmem:v30+s9+$0x0] =	vst.idx.msk $0xffff, v29  }
0x72: {  	v30 =	vor.u32 s20, v11;
	v29 =	vld [tilespmem:s21+$0x40];
	_ =	sdelay $0x4  }
0x73: {  	[tilespmem:v30+s9+$0x0] =	vst.idx.msk $0xffff, v29  }
0x74: {  	v30 =	vor.u32 s20, v12;
	v29 =	vld [tilespmem:s21+$0x50];
	_ =	sdelay $0x4  }
0x75: {  	[tilespmem:v30+s9+$0x0] =	vst.idx.msk $0xffff, v29  }
0x76: {  	v30 =	vor.u32 s20, v13;
	v29 =	vld [tilespmem:s21+$0x60];
	_ =	sdelay $0x4  }
0x77: {  	s20 =	simm.s32 $0x0;
	s21 =	simm.s32 $0x0;
	[tilespmem:v30+s9+$0x0] =	vst.idx.msk $0xff, v29  }
0x78: {  	[tilespmem:s11], [sflag:$0x1] =	stream.indirect.gather [hbm4b:s4+s10], $0x80, s9, s10, $0xb8;
	[tilespmem:$0x18880] =	vst v63  }
.LBB2_4:
0x79: {  	s22 =	sshllo.u32 s21, $0x1  }
0x7a: {  	_ =	swait.ge [sflag:s12], $0x4000;
	s28 =	sand.u32 $0x40, s20;
	s23 =	sshll.u32 s22, $0x7  }
0x7b: {  	s29 =	sand.u32 $0x30, s20;
	[sflag:s12] =	ssyncset.done $0x0;
	v61 =	vor.u32 s28, v0;
	s24 =	sand.u32 $0x3FFFFF80, s23  }
0x7c: {  	p0 =	seq.s32 s21, $0x0;
	v30 =	vor.u32 s29, v0;
	[sflag:s12] =	ssyncadd.s32 $0xFFFFC000;
	v29 =	vshll.u32 v61, $0x7;
	s25 =	sadd.s32 $0x6480, s24  }
0x7d: {  	v32 =	vor.u32 v30, v29;
	[tilespmem:s13], [sflag:$0x1] =	stream.indirect.gather [hbm4b:s4+s10], $0x80, s25, s10, $0xb8;
	[tilespmem:$0x18880] =	vst v63  }
0x7e: {  	s25 =	simm.s32 @!p0 $0x2  }
0x7f: {  	_ =	swait.ge @!p0 [sflag:s25], $0x2000  }
0x80: {  	[sflag:s25] =	ssyncset.done @!p0 $0x0  }
0x81: {  	v31 =	vshll.u32 v30, $0x7;
	[sflag:s25] =	ssyncadd.s32 @!p0 $0xFFFFE000  }
0x82: {  	v34 =	vor.u32 v61, v31;
	v33 =	vld.idx.msk [tilespmem:v32+s11+$0x0], $0xffff;
	v32 =	vor.u32 s29, v14  }
0x83: {  	v35 =	vor.u32 v32, v29;
	_ =	sdelay $0x3  }
0x84: {  	[tilespmem:v34+s14+$0x0] =	vst.idx.msk $0xffff, v33;
	v33 =	vshll.u32 v32, $0x7  }
0x85: {  	v34 =	vor.u32 s29, v15;
	v35 =	vld.idx.msk [tilespmem:v35+s11+$0x0], $0xffff;
	v36 =	vor.u32 v61, v33  }
0x86: {  	v37 =	vor.u32 v34, v29;
	_ =	sdelay $0x3  }
0x87: {  	[tilespmem:v36+s14+$0x0] =	vst.idx.msk $0xffff, v35;
	v35 =	vshll.u32 v34, $0x7  }
0x88: {  	v36 =	vor.u32 s29, v16;
	v37 =	vld.idx.msk [tilespmem:v37+s11+$0x0], $0xffff;
	v38 =	vor.u32 v61, v35  }
0x89: {  	v39 =	vor.u32 v36, v29;
	_ =	sdelay $0x3  }
0x8a: {  	[tilespmem:v38+s14+$0x0] =	vst.idx.msk $0xffff, v37;
	v37 =	vshll.u32 v36, $0x7  }
0x8b: {  	v38 =	vor.u32 s29, v17;
	v39 =	vld.idx.msk [tilespmem:v39+s11+$0x0], $0xffff;
	v40 =	vor.u32 v61, v37  }
0x8c: {  	v41 =	vor.u32 v38, v29;
	_ =	sdelay $0x3  }
0x8d: {  	[tilespmem:v40+s14+$0x0] =	vst.idx.msk $0xffff, v39;
	v39 =	vshll.u32 v38, $0x7  }
0x8e: {  	v40 =	vor.u32 s29, v18;
	v41 =	vld.idx.msk [tilespmem:v41+s11+$0x0], $0xffff;
	v42 =	vor.u32 v61, v39  }
0x8f: {  	v43 =	vor.u32 v40, v29;
	_ =	sdelay $0x3  }
0x90: {  	[tilespmem:v42+s14+$0x0] =	vst.idx.msk $0xffff, v41;
	v41 =	vshll.u32 v40, $0x7  }
0x91: {  	v42 =	vor.u32 s29, v20;
	v43 =	vld.idx.msk [tilespmem:v43+s11+$0x0], $0xffff;
	v44 =	vor.u32 v61, v41  }
0x92: {  	v45 =	vor.u32 v42, v29;
	_ =	sdelay $0x3  }
0x93: {  	[tilespmem:v44+s14+$0x0] =	vst.idx.msk $0xffff, v43;
	v43 =	vshll.u32 v42, $0x7  }
0x94: {  	v44 =	vor.u32 s29, v21;
	v45 =	vld.idx.msk [tilespmem:v45+s11+$0x0], $0xffff;
	v46 =	vor.u32 v61, v43  }
0x95: {  	v47 =	vor.u32 v44, v29;
	_ =	sdelay $0x3  }
0x96: {  	[tilespmem:v46+s14+$0x0] =	vst.idx.msk $0xffff, v45;
	v45 =	vshll.u32 v44, $0x7  }
0x97: {  	v46 =	vor.u32 s29, v19;
	v47 =	vld.idx.msk [tilespmem:v47+s11+$0x0], $0xffff;
	v48 =	vor.u32 v61, v45  }
0x98: {  	v49 =	vor.u32 v46, v29;
	_ =	sdelay $0x3  }
0x99: {  	[tilespmem:v48+s14+$0x0] =	vst.idx.msk $0xffff, v47;
	v47 =	vshll.u32 v46, $0x7  }
0x9a: {  	v48 =	vor.u32 s29, v22;
	v49 =	vld.idx.msk [tilespmem:v49+s11+$0x0], $0xffff;
	v50 =	vor.u32 v61, v47  }
0x9b: {  	v51 =	vor.u32 v48, v29;
	_ =	sdelay $0x3  }
0x9c: {  	[tilespmem:v50+s14+$0x0] =	vst.idx.msk $0xffff, v49;
	v49 =	vshll.u32 v48, $0x7  }
0x9d: {  	v50 =	vor.u32 s29, v23;
	v51 =	vld.idx.msk [tilespmem:v51+s11+$0x0], $0xffff;
	v52 =	vor.u32 v61, v49  }
0x9e: {  	v53 =	vor.u32 v50, v29;
	_ =	sdelay $0x3  }
0x9f: {  	[tilespmem:v52+s14+$0x0] =	vst.idx.msk $0xffff, v51;
	v51 =	vshll.u32 v50, $0x7  }
0xa0: {  	v52 =	vor.u32 s29, v24;
	v53 =	vld.idx.msk [tilespmem:v53+s11+$0x0], $0xffff;
	v54 =	vor.u32 v61, v51  }
0xa1: {  	v55 =	vor.u32 v52, v29;
	_ =	sdelay $0x3  }
0xa2: {  	[tilespmem:v54+s14+$0x0] =	vst.idx.msk $0xffff, v53;
	v53 =	vshll.u32 v52, $0x7  }
0xa3: {  	v54 =	vor.u32 s29, v25;
	v55 =	vld.idx.msk [tilespmem:v55+s11+$0x0], $0xffff;
	v56 =	vor.u32 v61, v53  }
0xa4: {  	v57 =	vor.u32 v54, v29;
	_ =	sdelay $0x3  }
0xa5: {  	[tilespmem:v56+s14+$0x0] =	vst.idx.msk $0xffff, v55;
	v55 =	vshll.u32 v54, $0x7  }
0xa6: {  	v56 =	vor.u32 s29, v26;
	v57 =	vld.idx.msk [tilespmem:v57+s11+$0x0], $0xffff;
	v58 =	vor.u32 v61, v55  }
0xa7: {  	v59 =	vor.u32 v56, v29;
	_ =	sdelay $0x3  }
0xa8: {  	[tilespmem:v58+s14+$0x0] =	vst.idx.msk $0xffff, v57;
	v57 =	vshll.u32 v56, $0x7  }
0xa9: {  	v58 =	vld.idx.msk [tilespmem:v59+s11+$0x0], $0xffff;
	v60 =	vor.u32 v61, v57;
	v59 =	vor.u32 s29, v27  }
0xaa: {  	v62 =	vor.u32 v59, v29;
	_ =	sdelay $0x3  }
0xab: {  	[tilespmem:v60+s14+$0x0] =	vst.idx.msk $0xffff, v58;
	v58 =	vshll.u32 v59, $0x7  }
0xac: {  	v60 =	vor.u32 s29, v28;
	v62 =	vld.idx.msk [tilespmem:v62+s11+$0x0], $0xffff;
	v63 =	vor.u32 v61, v58  }
0xad: {  	v1 =	vor.u32 v60, v29;
	_ =	sdelay $0x2  }
0xae: {  	s30 =	sor.u32 $0x10, s28  }
0xaf: {  	v29 =	vshll.u32 v60, $0x7;
	[tilespmem:v63+s14+$0x0] =	vst.idx.msk $0xffff, v62;
	v62 =	vor.u32 s30, v0  }
0xb0: {  	v61 =	vor.u32 v61, v29;
	v1 =	vld.idx.msk [tilespmem:v1+s11+$0x0], $0xffff;
	v63 =	vshll.u32 v62, $0x7  }
0xb1: {  	v2 =	vor.u32 v30, v63;
	_ =	sdelay $0x3  }
0xb2: {  	[tilespmem:v61+s14+$0x0] =	vst.idx.msk $0xffff, v1  }
0xb3: {  	v1 =	vld.idx.msk [tilespmem:v2+s11+$0x0], $0xffff;
	v2 =	vor.u32 v62, v31  }
0xb4: {  	v61 =	vor.u32 v32, v63;
	_ =	sdelay $0x3  }
0xb5: {  	[tilespmem:v2+s14+$0x0] =	vst.idx.msk $0xffff, v1  }
0xb6: {  	v2 =	vor.u32 v62, v33;
	v1 =	vld.idx.msk [tilespmem:v61+s11+$0x0], $0xffff  }
0xb7: {  	v61 =	vor.u32 v34, v63;
	_ =	sdelay $0x3  }
0xb8: {  	[tilespmem:v2+s14+$0x0] =	vst.idx.msk $0xffff, v1  }
0xb9: {  	v2 =	vor.u32 v62, v35;
	v1 =	vld.idx.msk [tilespmem:v61+s11+$0x0], $0xffff  }
0xba: {  	v61 =	vor.u32 v36, v63;
	_ =	sdelay $0x3  }
0xbb: {  	[tilespmem:v2+s14+$0x0] =	vst.idx.msk $0xffff, v1  }
0xbc: {  	v2 =	vor.u32 v62, v37;
	v1 =	vld.idx.msk [tilespmem:v61+s11+$0x0], $0xffff  }
0xbd: {  	v61 =	vor.u32 v38, v63;
	_ =	sdelay $0x3  }
0xbe: {  	[tilespmem:v2+s14+$0x0] =	vst.idx.msk $0xffff, v1  }
0xbf: {  	v2 =	vor.u32 v62, v39;
	v1 =	vld.idx.msk [tilespmem:v61+s11+$0x0], $0xffff  }
0xc0: {  	v61 =	vor.u32 v40, v63;
	_ =	sdelay $0x3  }
0xc1: {  	[tilespmem:v2+s14+$0x0] =	vst.idx.msk $0xffff, v1  }
0xc2: {  	v2 =	vor.u32 v62, v41;
	v1 =	vld.idx.msk [tilespmem:v61+s11+$0x0], $0xffff  }
0xc3: {  	v61 =	vor.u32 v42, v63;
	_ =	sdelay $0x3  }
0xc4: {  	[tilespmem:v2+s14+$0x0] =	vst.idx.msk $0xffff, v1  }
0xc5: {  	v2 =	vor.u32 v62, v43;
	v1 =	vld.idx.msk [tilespmem:v61+s11+$0x0], $0xffff  }
0xc6: {  	v61 =	vor.u32 v44, v63;
	_ =	sdelay $0x3  }
0xc7: {  	[tilespmem:v2+s14+$0x0] =	vst.idx.msk $0xffff, v1  }
0xc8: {  	v2 =	vor.u32 v62, v45;
	v1 =	vld.idx.msk [tilespmem:v61+s11+$0x0], $0xffff  }
0xc9: {  	v61 =	vor.u32 v46, v63;
	_ =	sdelay $0x3  }
0xca: {  	[tilespmem:v2+s14+$0x0] =	vst.idx.msk $0xffff, v1  }
0xcb: {  	v2 =	vor.u32 v62, v47;
	v1 =	vld.idx.msk [tilespmem:v61+s11+$0x0], $0xffff  }
0xcc: {  	v61 =	vor.u32 v48, v63;
	_ =	sdelay $0x3  }
0xcd: {  	[tilespmem:v2+s14+$0x0] =	vst.idx.msk $0xffff, v1  }
0xce: {  	v2 =	vor.u32 v62, v49;
	v1 =	vld.idx.msk [tilespmem:v61+s11+$0x0], $0xffff  }
0xcf: {  	v61 =	vor.u32 v50, v63;
	_ =	sdelay $0x3  }
0xd0: {  	[tilespmem:v2+s14+$0x0] =	vst.idx.msk $0xffff, v1  }
0xd1: {  	v2 =	vor.u32 v62, v51;
	v1 =	vld.idx.msk [tilespmem:v61+s11+$0x0], $0xffff  }
0xd2: {  	v61 =	vor.u32 v52, v63;
	_ =	sdelay $0x3  }
0xd3: {  	[tilespmem:v2+s14+$0x0] =	vst.idx.msk $0xffff, v1  }
0xd4: {  	v2 =	vor.u32 v62, v53;
	v1 =	vld.idx.msk [tilespmem:v61+s11+$0x0], $0xffff  }
0xd5: {  	v61 =	vor.u32 v54, v63;
	_ =	sdelay $0x3  }
0xd6: {  	[tilespmem:v2+s14+$0x0] =	vst.idx.msk $0xffff, v1  }
0xd7: {  	v2 =	vor.u32 v62, v55;
	v1 =	vld.idx.msk [tilespmem:v61+s11+$0x0], $0xffff  }
0xd8: {  	v61 =	vor.u32 v56, v63;
	_ =	sdelay $0x3  }
0xd9: {  	[tilespmem:v2+s14+$0x0] =	vst.idx.msk $0xffff, v1  }
0xda: {  	v2 =	vor.u32 v62, v57;
	v1 =	vld.idx.msk [tilespmem:v61+s11+$0x0], $0xffff  }
0xdb: {  	v61 =	vor.u32 v59, v63;
	_ =	sdelay $0x3  }
0xdc: {  	[tilespmem:v2+s14+$0x0] =	vst.idx.msk $0xffff, v1  }
0xdd: {  	v2 =	vor.u32 v62, v58;
	v1 =	vld.idx.msk [tilespmem:v61+s11+$0x0], $0xffff  }
0xde: {  	v61 =	vor.u32 v60, v63;
	_ =	sdelay $0x2  }
0xdf: {  	s31 =	sor.u32 $0x20, s28  }
0xe0: {  	[tilespmem:v2+s14+$0x0] =	vst.idx.msk $0xffff, v1;
	v1 =	vor.u32 s31, v0  }
0xe1: {  	v2 =	vld.idx.msk [tilespmem:v61+s11+$0x0], $0xffff;
	v61 =	vor.u32 v62, v29;
	v62 =	vshll.u32 v1, $0x7  }
0xe2: {  	v63 =	vor.u32 v30, v62;
	_ =	sdelay $0x3  }
0xe3: {  	[tilespmem:v61+s14+$0x0] =	vst.idx.msk $0xffff, v2  }
0xe4: {  	v61 =	vor.u32 v1, v31;
	v2 =	vld.idx.msk [tilespmem:v63+s11+$0x0], $0xffff  }
0xe5: {  	v63 =	vor.u32 v32, v62;
	_ =	sdelay $0x3  }
0xe6: {  	[tilespmem:v61+s14+$0x0] =	vst.idx.msk $0xffff, v2  }
0xe7: {  	v61 =	vor.u32 v1, v33;
	v2 =	vld.idx.msk [tilespmem:v63+s11+$0x0], $0xffff  }
0xe8: {  	v63 =	vor.u32 v34, v62;
	_ =	sdelay $0x3  }
0xe9: {  	[tilespmem:v61+s14+$0x0] =	vst.idx.msk $0xffff, v2  }
0xea: {  	v61 =	vor.u32 v1, v35;
	v2 =	vld.idx.msk [tilespmem:v63+s11+$0x0], $0xffff  }
0xeb: {  	v63 =	vor.u32 v36, v62;
	_ =	sdelay $0x3  }
0xec: {  	[tilespmem:v61+s14+$0x0] =	vst.idx.msk $0xffff, v2  }
0xed: {  	v61 =	vor.u32 v1, v37;
	v2 =	vld.idx.msk [tilespmem:v63+s11+$0x0], $0xffff  }
0xee: {  	v63 =	vor.u32 v38, v62;
	_ =	sdelay $0x3  }
0xef: {  	[tilespmem:v61+s14+$0x0] =	vst.idx.msk $0xffff, v2  }
0xf0: {  	v61 =	vor.u32 v1, v39;
	v2 =	vld.idx.msk [tilespmem:v63+s11+$0x0], $0xffff  }
0xf1: {  	v63 =	vor.u32 v40, v62;
	_ =	sdelay $0x3  }
0xf2: {  	[tilespmem:v61+s14+$0x0] =	vst.idx.msk $0xffff, v2  }
0xf3: {  	v61 =	vor.u32 v1, v41;
	v2 =	vld.idx.msk [tilespmem:v63+s11+$0x0], $0xffff  }
0xf4: {  	v63 =	vor.u32 v42, v62;
	_ =	sdelay $0x3  }
0xf5: {  	[tilespmem:v61+s14+$0x0] =	vst.idx.msk $0xffff, v2  }
0xf6: {  	v61 =	vor.u32 v1, v43;
	v2 =	vld.idx.msk [tilespmem:v63+s11+$0x0], $0xffff  }
0xf7: {  	v63 =	vor.u32 v44, v62;
	_ =	sdelay $0x3  }
0xf8: {  	[tilespmem:v61+s14+$0x0] =	vst.idx.msk $0xffff, v2  }
0xf9: {  	v61 =	vor.u32 v1, v45;
	v2 =	vld.idx.msk [tilespmem:v63+s11+$0x0], $0xffff  }
0xfa: {  	v63 =	vor.u32 v46, v62;
	_ =	sdelay $0x3  }
0xfb: {  	[tilespmem:v61+s14+$0x0] =	vst.idx.msk $0xffff, v2  }
0xfc: {  	v61 =	vor.u32 v1, v47;
	v2 =	vld.idx.msk [tilespmem:v63+s11+$0x0], $0xffff  }
0xfd: {  	v63 =	vor.u32 v48, v62;
	_ =	sdelay $0x3  }
0xfe: {  	[tilespmem:v61+s14+$0x0] =	vst.idx.msk $0xffff, v2  }
0xff: {  	v61 =	vor.u32 v1, v49;
	v2 =	vld.idx.msk [tilespmem:v63+s11+$0x0], $0xffff  }
0x100: {  	v63 =	vor.u32 v50, v62;
	_ =	sdelay $0x3  }
0x101: {  	[tilespmem:v61+s14+$0x0] =	vst.idx.msk $0xffff, v2  }
0x102: {  	v61 =	vor.u32 v1, v51;
	v2 =	vld.idx.msk [tilespmem:v63+s11+$0x0], $0xffff  }
0x103: {  	v63 =	vor.u32 v52, v62;
	_ =	sdelay $0x3  }
0x104: {  	[tilespmem:v61+s14+$0x0] =	vst.idx.msk $0xffff, v2  }
0x105: {  	v61 =	vor.u32 v1, v53;
	v2 =	vld.idx.msk [tilespmem:v63+s11+$0x0], $0xffff  }
0x106: {  	v63 =	vor.u32 v54, v62;
	_ =	sdelay $0x3  }
0x107: {  	[tilespmem:v61+s14+$0x0] =	vst.idx.msk $0xffff, v2  }
0x108: {  	v61 =	vor.u32 v1, v55;
	v2 =	vld.idx.msk [tilespmem:v63+s11+$0x0], $0xffff  }
0x109: {  	v63 =	vor.u32 v56, v62;
	_ =	sdelay $0x3  }
0x10a: {  	[tilespmem:v61+s14+$0x0] =	vst.idx.msk $0xffff, v2  }
0x10b: {  	v61 =	vor.u32 v1, v57;
	v2 =	vld.idx.msk [tilespmem:v63+s11+$0x0], $0xffff  }
0x10c: {  	v63 =	vor.u32 v59, v62;
	_ =	sdelay $0x3  }
0x10d: {  	[tilespmem:v61+s14+$0x0] =	vst.idx.msk $0xffff, v2  }
0x10e: {  	v61 =	vor.u32 v1, v58;
	v2 =	vld.idx.msk [tilespmem:v63+s11+$0x0], $0xffff  }
0x10f: {  	v62 =	vor.u32 v60, v62;
	_ =	sdelay $0x2  }
0x110: {  	s23 =	sor.u32 $0x30, s28  }
0x111: {  	[tilespmem:v61+s14+$0x0] =	vst.idx.msk $0xffff, v2;
	v61 =	vor.u32 s23, v0  }
0x112: {  	v1 =	vor.u32 v1, v29;
	v2 =	vld.idx.msk [tilespmem:v62+s11+$0x0], $0xffff;
	v62 =	vshll.u32 v61, $0x7  }
0x113: {  	v30 =	vor.u32 v30, v62;
	_ =	sdelay $0x3  }
0x114: {  	[tilespmem:v1+s14+$0x0] =	vst.idx.msk $0xffff, v2  }
0x115: {  	v2 =	vor.u32 v61, v31;
	v1 =	vld.idx.msk [tilespmem:v30+s11+$0x0], $0xffff  }
0x116: {  	v30 =	vor.u32 v32, v62;
	_ =	sdelay $0x3  }
0x117: {  	[tilespmem:v2+s14+$0x0] =	vst.idx.msk $0xffff, v1  }
0x118: {  	v2 =	vor.u32 v61, v33;
	v1 =	vld.idx.msk [tilespmem:v30+s11+$0x0], $0xffff  }
0x119: {  	v30 =	vor.u32 v34, v62;
	_ =	sdelay $0x3  }
0x11a: {  	[tilespmem:v2+s14+$0x0] =	vst.idx.msk $0xffff, v1  }
0x11b: {  	v2 =	vor.u32 v61, v35;
	v1 =	vld.idx.msk [tilespmem:v30+s11+$0x0], $0xffff  }
0x11c: {  	v30 =	vor.u32 v36, v62;
	_ =	sdelay $0x3  }
0x11d: {  	[tilespmem:v2+s14+$0x0] =	vst.idx.msk $0xffff, v1  }
0x11e: {  	v2 =	vor.u32 v61, v37;
	v1 =	vld.idx.msk [tilespmem:v30+s11+$0x0], $0xffff  }
0x11f: {  	v30 =	vor.u32 v38, v62;
	_ =	sdelay $0x3  }
0x120: {  	[tilespmem:v2+s14+$0x0] =	vst.idx.msk $0xffff, v1  }
0x121: {  	v2 =	vor.u32 v61, v39;
	v1 =	vld.idx.msk [tilespmem:v30+s11+$0x0], $0xffff  }
0x122: {  	v30 =	vor.u32 v40, v62;
	_ =	sdelay $0x3  }
0x123: {  	[tilespmem:v2+s14+$0x0] =	vst.idx.msk $0xffff, v1  }
0x124: {  	v2 =	vor.u32 v61, v41;
	v1 =	vld.idx.msk [tilespmem:v30+s11+$0x0], $0xffff  }
0x125: {  	v30 =	vor.u32 v42, v62;
	_ =	sdelay $0x3  }
0x126: {  	[tilespmem:v2+s14+$0x0] =	vst.idx.msk $0xffff, v1  }
0x127: {  	v2 =	vor.u32 v61, v43;
	v1 =	vld.idx.msk [tilespmem:v30+s11+$0x0], $0xffff  }
0x128: {  	v30 =	vor.u32 v44, v62;
	_ =	sdelay $0x3  }
0x129: {  	[tilespmem:v2+s14+$0x0] =	vst.idx.msk $0xffff, v1  }
0x12a: {  	v2 =	vor.u32 v61, v45;
	v1 =	vld.idx.msk [tilespmem:v30+s11+$0x0], $0xffff  }
0x12b: {  	v30 =	vor.u32 v46, v62;
	_ =	sdelay $0x3  }
0x12c: {  	[tilespmem:v2+s14+$0x0] =	vst.idx.msk $0xffff, v1  }
0x12d: {  	v2 =	vor.u32 v61, v47;
	v1 =	vld.idx.msk [tilespmem:v30+s11+$0x0], $0xffff  }
0x12e: {  	v30 =	vor.u32 v48, v62;
	_ =	sdelay $0x3  }
0x12f: {  	[tilespmem:v2+s14+$0x0] =	vst.idx.msk $0xffff, v1  }
0x130: {  	v2 =	vor.u32 v61, v49;
	v1 =	vld.idx.msk [tilespmem:v30+s11+$0x0], $0xffff  }
0x131: {  	v30 =	vor.u32 v50, v62;
	_ =	sdelay $0x3  }
0x132: {  	[tilespmem:v2+s14+$0x0] =	vst.idx.msk $0xffff, v1  }
0x133: {  	v2 =	vor.u32 v61, v51;
	v1 =	vld.idx.msk [tilespmem:v30+s11+$0x0], $0xffff  }
0x134: {  	v30 =	vor.u32 v52, v62;
	_ =	sdelay $0x3  }
0x135: {  	[tilespmem:v2+s14+$0x0] =	vst.idx.msk $0xffff, v1  }
0x136: {  	v2 =	vor.u32 v61, v53;
	v1 =	vld.idx.msk [tilespmem:v30+s11+$0x0], $0xffff  }
0x137: {  	v30 =	vor.u32 v54, v62;
	_ =	sdelay $0x3  }
0x138: {  	[tilespmem:v2+s14+$0x0] =	vst.idx.msk $0xffff, v1  }
0x139: {  	v2 =	vor.u32 v61, v55;
	v1 =	vld.idx.msk [tilespmem:v30+s11+$0x0], $0xffff  }
0x13a: {  	v30 =	vor.u32 v56, v62;
	_ =	sdelay $0x3  }
0x13b: {  	[tilespmem:v2+s14+$0x0] =	vst.idx.msk $0xffff, v1  }
0x13c: {  	v2 =	vor.u32 v61, v57;
	v1 =	vld.idx.msk [tilespmem:v30+s11+$0x0], $0xffff  }
0x13d: {  	v30 =	vor.u32 v59, v62;
	_ =	sdelay $0x3  }
0x13e: {  	[tilespmem:v2+s14+$0x0] =	vst.idx.msk $0xffff, v1  }
0x13f: {  	v32 =	vor.u32 v61, v58;
	v31 =	vld.idx.msk [tilespmem:v30+s11+$0x0], $0xffff  }
0x140: {  	v30 =	vor.u32 v60, v62;
	_ =	sdelay $0x2  }
0x141: {  	s24 =	simm.s32 $0x40;
	s25 =	simm.s32 $0x0;
	s23 =	simm.s32 $0x0  }
.LBB2_5:
0x142: {  	s26 =	sand.u32 $0x40, s24;
	s23 =	sadd.s32 $0x4, s23;
	[tilespmem:v32+s14+$0x0] =	vst.idx.msk $0xffff, v31;
	s25 =	sadd.s32 $0x8, s25  }
0x143: {  	s28 =	sand.u32 $0x30, s25;
	v62 =	vor.u32 s26, v0;
	p0 =	slt.u32 s23, $0x1C;
	v1 =	vld.idx.msk [tilespmem:v30+s11+$0x0], $0xffff  }
0x144: {  	v2 =	vor.u32 v61, v29;
	v30 =	vor.u32 s28, v0;
	v63 =	vshll.u32 v62, $0x7  }
0x145: {  	v29 =	vor.u32 v30, v63;
	_ =	sdelay $0x3  }
0x146: {  	[tilespmem:v2+s14+$0x0] =	vst.idx.msk $0xffff, v1  }
0x147: {  	v31 =	vshll.u32 v30, $0x7;
	v1 =	vld.idx.msk [tilespmem:v29+s11+$0x0], $0xffff  }
0x148: {  	v32 =	vor.u32 s28, v14;
	v2 =	vor.u32 v62, v31  }
0x149: {  	v29 =	vor.u32 v32, v63;
	_ =	sdelay $0x3  }
0x14a: {  	[tilespmem:v2+s14+$0x0] =	vst.idx.msk $0xffff, v1  }
0x14b: {  	v33 =	vshll.u32 v32, $0x7;
	v1 =	vld.idx.msk [tilespmem:v29+s11+$0x0], $0xffff  }
0x14c: {  	v34 =	vor.u32 s28, v15;
	v2 =	vor.u32 v62, v33  }
0x14d: {  	v29 =	vor.u32 v34, v63;
	_ =	sdelay $0x3  }
0x14e: {  	[tilespmem:v2+s14+$0x0] =	vst.idx.msk $0xffff, v1  }
0x14f: {  	v35 =	vshll.u32 v34, $0x7;
	v1 =	vld.idx.msk [tilespmem:v29+s11+$0x0], $0xffff  }
0x150: {  	v36 =	vor.u32 s28, v16;
	v2 =	vor.u32 v62, v35  }
0x151: {  	v29 =	vor.u32 v36, v63;
	_ =	sdelay $0x3  }
0x152: {  	[tilespmem:v2+s14+$0x0] =	vst.idx.msk $0xffff, v1  }
0x153: {  	v37 =	vshll.u32 v36, $0x7;
	v1 =	vld.idx.msk [tilespmem:v29+s11+$0x0], $0xffff  }
0x154: {  	v38 =	vor.u32 s28, v17;
	v2 =	vor.u32 v62, v37  }
0x155: {  	v29 =	vor.u32 v38, v63;
	_ =	sdelay $0x3  }
0x156: {  	[tilespmem:v2+s14+$0x0] =	vst.idx.msk $0xffff, v1  }
0x157: {  	v39 =	vshll.u32 v38, $0x7;
	v1 =	vld.idx.msk [tilespmem:v29+s11+$0x0], $0xffff  }
0x158: {  	v40 =	vor.u32 s28, v18;
	v2 =	vor.u32 v62, v39  }
0x159: {  	v29 =	vor.u32 v40, v63;
	_ =	sdelay $0x3  }
0x15a: {  	[tilespmem:v2+s14+$0x0] =	vst.idx.msk $0xffff, v1  }
0x15b: {  	v41 =	vshll.u32 v40, $0x7;
	v1 =	vld.idx.msk [tilespmem:v29+s11+$0x0], $0xffff  }
0x15c: {  	v42 =	vor.u32 s28, v20;
	v2 =	vor.u32 v62, v41  }
0x15d: {  	v29 =	vor.u32 v42, v63;
	_ =	sdelay $0x3  }
0x15e: {  	[tilespmem:v2+s14+$0x0] =	vst.idx.msk $0xffff, v1  }
0x15f: {  	v43 =	vshll.u32 v42, $0x7;
	v1 =	vld.idx.msk [tilespmem:v29+s11+$0x0], $0xffff  }
0x160: {  	v44 =	vor.u32 s28, v21;
	v2 =	vor.u32 v62, v43  }
0x161: {  	v29 =	vor.u32 v44, v63;
	_ =	sdelay $0x3  }
0x162: {  	[tilespmem:v2+s14+$0x0] =	vst.idx.msk $0xffff, v1  }
0x163: {  	v45 =	vshll.u32 v44, $0x7;
	v1 =	vld.idx.msk [tilespmem:v29+s11+$0x0], $0xffff  }
0x164: {  	v46 =	vor.u32 s28, v19;
	v2 =	vor.u32 v62, v45  }
0x165: {  	v29 =	vor.u32 v46, v63;
	_ =	sdelay $0x3  }
0x166: {  	[tilespmem:v2+s14+$0x0] =	vst.idx.msk $0xffff, v1  }
0x167: {  	v47 =	vshll.u32 v46, $0x7;
	v1 =	vld.idx.msk [tilespmem:v29+s11+$0x0], $0xffff  }
0x168: {  	v48 =	vor.u32 s28, v22;
	v2 =	vor.u32 v62, v47  }
0x169: {  	v29 =	vor.u32 v48, v63;
	_ =	sdelay $0x3  }
0x16a: {  	[tilespmem:v2+s14+$0x0] =	vst.idx.msk $0xffff, v1  }
0x16b: {  	v49 =	vshll.u32 v48, $0x7;
	v1 =	vld.idx.msk [tilespmem:v29+s11+$0x0], $0xffff  }
0x16c: {  	v50 =	vor.u32 s28, v23;
	v2 =	vor.u32 v62, v49  }
0x16d: {  	v29 =	vor.u32 v50, v63;
	_ =	sdelay $0x3  }
0x16e: {  	[tilespmem:v2+s14+$0x0] =	vst.idx.msk $0xffff, v1  }
0x16f: {  	v51 =	vshll.u32 v50, $0x7;
	v1 =	vld.idx.msk [tilespmem:v29+s11+$0x0], $0xffff  }
0x170: {  	v52 =	vor.u32 s28, v24;
	v2 =	vor.u32 v62, v51  }
0x171: {  	v29 =	vor.u32 v52, v63;
	_ =	sdelay $0x3  }
0x172: {  	[tilespmem:v2+s14+$0x0] =	vst.idx.msk $0xffff, v1  }
0x173: {  	v53 =	vshll.u32 v52, $0x7;
	v1 =	vld.idx.msk [tilespmem:v29+s11+$0x0], $0xffff  }
0x174: {  	v54 =	vor.u32 s28, v25;
	v2 =	vor.u32 v62, v53  }
0x175: {  	v29 =	vor.u32 v54, v63;
	_ =	sdelay $0x3  }
0x176: {  	[tilespmem:v2+s14+$0x0] =	vst.idx.msk $0xffff, v1  }
0x177: {  	v55 =	vshll.u32 v54, $0x7;
	v1 =	vld.idx.msk [tilespmem:v29+s11+$0x0], $0xffff  }
0x178: {  	v56 =	vor.u32 s28, v26;
	v2 =	vor.u32 v62, v55  }
0x179: {  	v29 =	vor.u32 v56, v63;
	_ =	sdelay $0x3  }
0x17a: {  	[tilespmem:v2+s14+$0x0] =	vst.idx.msk $0xffff, v1  }
0x17b: {  	v57 =	vshll.u32 v56, $0x7;
	v1 =	vld.idx.msk [tilespmem:v29+s11+$0x0], $0xffff  }
0x17c: {  	v58 =	vor.u32 s28, v27;
	v2 =	vor.u32 v62, v57  }
0x17d: {  	v29 =	vor.u32 v58, v63;
	_ =	sdelay $0x3  }
0x17e: {  	[tilespmem:v2+s14+$0x0] =	vst.idx.msk $0xffff, v1  }
0x17f: {  	v59 =	vshll.u32 v58, $0x7;
	v1 =	vld.idx.msk [tilespmem:v29+s11+$0x0], $0xffff  }
0x180: {  	v60 =	vor.u32 s28, v28;
	v2 =	vor.u32 v62, v59  }
0x181: {  	v29 =	vor.u32 v60, v63;
	_ =	sdelay $0x3  }
0x182: {  	s28 =	sor.u32 $0x10, s26;
	[tilespmem:v2+s14+$0x0] =	vst.idx.msk $0xffff, v1  }
0x183: {  	v61 =	vor.u32 s28, v0;
	v1 =	vld.idx.msk [tilespmem:v29+s11+$0x0], $0xffff;
	v29 =	vshll.u32 v60, $0x7  }
0x184: {  	v2 =	vor.u32 v62, v29;
	v62 =	vshll.u32 v61, $0x7  }
0x185: {  	v63 =	vor.u32 v30, v62;
	_ =	sdelay $0x3  }
0x186: {  	[tilespmem:v2+s14+$0x0] =	vst.idx.msk $0xffff, v1  }
0x187: {  	v1 =	vld.idx.msk [tilespmem:v63+s11+$0x0], $0xffff  }
0x188: {  	v2 =	vor.u32 v61, v31  }
0x189: {  	v63 =	vor.u32 v32, v62;
	_ =	sdelay $0x3  }
0x18a: {  	[tilespmem:v2+s14+$0x0] =	vst.idx.msk $0xffff, v1  }
0x18b: {  	v1 =	vld.idx.msk [tilespmem:v63+s11+$0x0], $0xffff  }
0x18c: {  	v2 =	vor.u32 v61, v33  }
0x18d: {  	v63 =	vor.u32 v34, v62;
	_ =	sdelay $0x3  }
0x18e: {  	[tilespmem:v2+s14+$0x0] =	vst.idx.msk $0xffff, v1  }
0x18f: {  	v1 =	vld.idx.msk [tilespmem:v63+s11+$0x0], $0xffff  }
0x190: {  	v2 =	vor.u32 v61, v35  }
0x191: {  	v63 =	vor.u32 v36, v62;
	_ =	sdelay $0x3  }
0x192: {  	[tilespmem:v2+s14+$0x0] =	vst.idx.msk $0xffff, v1  }
0x193: {  	v1 =	vld.idx.msk [tilespmem:v63+s11+$0x0], $0xffff  }
0x194: {  	v2 =	vor.u32 v61, v37  }
0x195: {  	v63 =	vor.u32 v38, v62;
	_ =	sdelay $0x3  }
0x196: {  	[tilespmem:v2+s14+$0x0] =	vst.idx.msk $0xffff, v1  }
0x197: {  	v1 =	vld.idx.msk [tilespmem:v63+s11+$0x0], $0xffff  }
0x198: {  	v2 =	vor.u32 v61, v39  }
0x199: {  	v63 =	vor.u32 v40, v62;
	_ =	sdelay $0x3  }
0x19a: {  	[tilespmem:v2+s14+$0x0] =	vst.idx.msk $0xffff, v1  }
0x19b: {  	v1 =	vld.idx.msk [tilespmem:v63+s11+$0x0], $0xffff  }
0x19c: {  	v2 =	vor.u32 v61, v41  }
0x19d: {  	v63 =	vor.u32 v42, v62;
	_ =	sdelay $0x3  }
0x19e: {  	[tilespmem:v2+s14+$0x0] =	vst.idx.msk $0xffff, v1  }
0x19f: {  	v1 =	vld.idx.msk [tilespmem:v63+s11+$0x0], $0xffff  }
0x1a0: {  	v2 =	vor.u32 v61, v43  }
0x1a1: {  	v63 =	vor.u32 v44, v62;
	_ =	sdelay $0x3  }
0x1a2: {  	[tilespmem:v2+s14+$0x0] =	vst.idx.msk $0xffff, v1  }
0x1a3: {  	v1 =	vld.idx.msk [tilespmem:v63+s11+$0x0], $0xffff  }
0x1a4: {  	v2 =	vor.u32 v61, v45  }
0x1a5: {  	v63 =	vor.u32 v46, v62;
	_ =	sdelay $0x3  }
0x1a6: {  	[tilespmem:v2+s14+$0x0] =	vst.idx.msk $0xffff, v1  }
0x1a7: {  	v1 =	vld.idx.msk [tilespmem:v63+s11+$0x0], $0xffff  }
0x1a8: {  	v2 =	vor.u32 v61, v47  }
0x1a9: {  	v63 =	vor.u32 v48, v62;
	_ =	sdelay $0x3  }
0x1aa: {  	[tilespmem:v2+s14+$0x0] =	vst.idx.msk $0xffff, v1  }
0x1ab: {  	v1 =	vld.idx.msk [tilespmem:v63+s11+$0x0], $0xffff  }
0x1ac: {  	v2 =	vor.u32 v61, v49  }
0x1ad: {  	v63 =	vor.u32 v50, v62;
	_ =	sdelay $0x3  }
0x1ae: {  	[tilespmem:v2+s14+$0x0] =	vst.idx.msk $0xffff, v1  }
0x1af: {  	v1 =	vld.idx.msk [tilespmem:v63+s11+$0x0], $0xffff  }
0x1b0: {  	v2 =	vor.u32 v61, v51  }
0x1b1: {  	v63 =	vor.u32 v52, v62;
	_ =	sdelay $0x3  }
0x1b2: {  	[tilespmem:v2+s14+$0x0] =	vst.idx.msk $0xffff, v1  }
0x1b3: {  	v1 =	vld.idx.msk [tilespmem:v63+s11+$0x0], $0xffff  }
0x1b4: {  	v2 =	vor.u32 v61, v53  }
0x1b5: {  	v63 =	vor.u32 v54, v62;
	_ =	sdelay $0x3  }
0x1b6: {  	[tilespmem:v2+s14+$0x0] =	vst.idx.msk $0xffff, v1  }
0x1b7: {  	v1 =	vld.idx.msk [tilespmem:v63+s11+$0x0], $0xffff  }
0x1b8: {  	v2 =	vor.u32 v61, v55  }
0x1b9: {  	v63 =	vor.u32 v56, v62;
	_ =	sdelay $0x3  }
0x1ba: {  	[tilespmem:v2+s14+$0x0] =	vst.idx.msk $0xffff, v1  }
0x1bb: {  	v1 =	vld.idx.msk [tilespmem:v63+s11+$0x0], $0xffff  }
0x1bc: {  	v2 =	vor.u32 v61, v57  }
0x1bd: {  	v63 =	vor.u32 v58, v62;
	_ =	sdelay $0x3  }
0x1be: {  	[tilespmem:v2+s14+$0x0] =	vst.idx.msk $0xffff, v1  }
0x1bf: {  	v1 =	vld.idx.msk [tilespmem:v63+s11+$0x0], $0xffff  }
0x1c0: {  	v2 =	vor.u32 v61, v59  }
0x1c1: {  	v62 =	vor.u32 v60, v62;
	_ =	sdelay $0x3  }
0x1c2: {  	s28 =	sor.u32 $0x20, s26;
	[tilespmem:v2+s14+$0x0] =	vst.idx.msk $0xffff, v1  }
0x1c3: {  	v1 =	vld.idx.msk [tilespmem:v62+s11+$0x0], $0xffff;
	v62 =	vor.u32 s28, v0  }
0x1c4: {  	v2 =	vor.u32 v61, v29;
	v61 =	vshll.u32 v62, $0x7  }
0x1c5: {  	v63 =	vor.u32 v30, v61;
	_ =	sdelay $0x3  }
0x1c6: {  	[tilespmem:v2+s14+$0x0] =	vst.idx.msk $0xffff, v1  }
0x1c7: {  	v1 =	vld.idx.msk [tilespmem:v63+s11+$0x0], $0xffff  }
0x1c8: {  	v2 =	vor.u32 v62, v31  }
0x1c9: {  	v63 =	vor.u32 v32, v61;
	_ =	sdelay $0x3  }
0x1ca: {  	[tilespmem:v2+s14+$0x0] =	vst.idx.msk $0xffff, v1  }
0x1cb: {  	v1 =	vld.idx.msk [tilespmem:v63+s11+$0x0], $0xffff  }
0x1cc: {  	v2 =	vor.u32 v62, v33  }
0x1cd: {  	v63 =	vor.u32 v34, v61;
	_ =	sdelay $0x3  }
0x1ce: {  	[tilespmem:v2+s14+$0x0] =	vst.idx.msk $0xffff, v1  }
0x1cf: {  	v1 =	vld.idx.msk [tilespmem:v63+s11+$0x0], $0xffff  }
0x1d0: {  	v2 =	vor.u32 v62, v35  }
0x1d1: {  	v63 =	vor.u32 v36, v61;
	_ =	sdelay $0x3  }
0x1d2: {  	[tilespmem:v2+s14+$0x0] =	vst.idx.msk $0xffff, v1  }
0x1d3: {  	v1 =	vld.idx.msk [tilespmem:v63+s11+$0x0], $0xffff  }
0x1d4: {  	v2 =	vor.u32 v62, v37  }
0x1d5: {  	v63 =	vor.u32 v38, v61;
	_ =	sdelay $0x3  }
0x1d6: {  	[tilespmem:v2+s14+$0x0] =	vst.idx.msk $0xffff, v1  }
0x1d7: {  	v1 =	vld.idx.msk [tilespmem:v63+s11+$0x0], $0xffff  }
0x1d8: {  	v2 =	vor.u32 v62, v39  }
0x1d9: {  	v63 =	vor.u32 v40, v61;
	_ =	sdelay $0x3  }
0x1da: {  	[tilespmem:v2+s14+$0x0] =	vst.idx.msk $0xffff, v1  }
0x1db: {  	v1 =	vld.idx.msk [tilespmem:v63+s11+$0x0], $0xffff  }
0x1dc: {  	v2 =	vor.u32 v62, v41  }
0x1dd: {  	v63 =	vor.u32 v42, v61;
	_ =	sdelay $0x3  }
0x1de: {  	[tilespmem:v2+s14+$0x0] =	vst.idx.msk $0xffff, v1  }
0x1df: {  	v1 =	vld.idx.msk [tilespmem:v63+s11+$0x0], $0xffff  }
0x1e0: {  	v2 =	vor.u32 v62, v43  }
0x1e1: {  	v63 =	vor.u32 v44, v61;
	_ =	sdelay $0x3  }
0x1e2: {  	[tilespmem:v2+s14+$0x0] =	vst.idx.msk $0xffff, v1  }
0x1e3: {  	v1 =	vld.idx.msk [tilespmem:v63+s11+$0x0], $0xffff  }
0x1e4: {  	v2 =	vor.u32 v62, v45  }
0x1e5: {  	v63 =	vor.u32 v46, v61;
	_ =	sdelay $0x3  }
0x1e6: {  	[tilespmem:v2+s14+$0x0] =	vst.idx.msk $0xffff, v1  }
0x1e7: {  	v1 =	vld.idx.msk [tilespmem:v63+s11+$0x0], $0xffff  }
0x1e8: {  	v2 =	vor.u32 v62, v47  }
0x1e9: {  	v63 =	vor.u32 v48, v61;
	_ =	sdelay $0x3  }
0x1ea: {  	[tilespmem:v2+s14+$0x0] =	vst.idx.msk $0xffff, v1  }
0x1eb: {  	v1 =	vld.idx.msk [tilespmem:v63+s11+$0x0], $0xffff  }
0x1ec: {  	v2 =	vor.u32 v62, v49  }
0x1ed: {  	v63 =	vor.u32 v50, v61;
	_ =	sdelay $0x3  }
0x1ee: {  	[tilespmem:v2+s14+$0x0] =	vst.idx.msk $0xffff, v1  }
0x1ef: {  	v1 =	vld.idx.msk [tilespmem:v63+s11+$0x0], $0xffff  }
0x1f0: {  	v2 =	vor.u32 v62, v51  }
0x1f1: {  	v63 =	vor.u32 v52, v61;
	_ =	sdelay $0x3  }
0x1f2: {  	[tilespmem:v2+s14+$0x0] =	vst.idx.msk $0xffff, v1  }
0x1f3: {  	v1 =	vld.idx.msk [tilespmem:v63+s11+$0x0], $0xffff  }
0x1f4: {  	v2 =	vor.u32 v62, v53  }
0x1f5: {  	v63 =	vor.u32 v54, v61;
	_ =	sdelay $0x3  }
0x1f6: {  	[tilespmem:v2+s14+$0x0] =	vst.idx.msk $0xffff, v1  }
0x1f7: {  	v1 =	vld.idx.msk [tilespmem:v63+s11+$0x0], $0xffff  }
0x1f8: {  	v2 =	vor.u32 v62, v55  }
0x1f9: {  	v63 =	vor.u32 v56, v61;
	_ =	sdelay $0x3  }
0x1fa: {  	[tilespmem:v2+s14+$0x0] =	vst.idx.msk $0xffff, v1  }
0x1fb: {  	v1 =	vld.idx.msk [tilespmem:v63+s11+$0x0], $0xffff  }
0x1fc: {  	v2 =	vor.u32 v62, v57  }
0x1fd: {  	v63 =	vor.u32 v58, v61;
	_ =	sdelay $0x3  }
0x1fe: {  	[tilespmem:v2+s14+$0x0] =	vst.idx.msk $0xffff, v1  }
0x1ff: {  	v1 =	vld.idx.msk [tilespmem:v63+s11+$0x0], $0xffff  }
0x200: {  	v2 =	vor.u32 v62, v59  }
0x201: {  	v61 =	vor.u32 v60, v61;
	_ =	sdelay $0x3  }
0x202: {  	s26 =	sor.u32 $0x30, s26;
	[tilespmem:v2+s14+$0x0] =	vst.idx.msk $0xffff, v1  }
0x203: {  	v1 =	vld.idx.msk [tilespmem:v61+s11+$0x0], $0xffff;
	v61 =	vor.u32 s26, v0  }
0x204: {  	v2 =	vor.u32 v62, v29;
	v62 =	vshll.u32 v61, $0x7  }
0x205: {  	v30 =	vor.u32 v30, v62;
	_ =	sdelay $0x3  }
0x206: {  	[tilespmem:v2+s14+$0x0] =	vst.idx.msk $0xffff, v1  }
0x207: {  	v1 =	vld.idx.msk [tilespmem:v30+s11+$0x0], $0xffff  }
0x208: {  	v2 =	vor.u32 v61, v31  }
0x209: {  	v30 =	vor.u32 v32, v62;
	_ =	sdelay $0x3  }
0x20a: {  	[tilespmem:v2+s14+$0x0] =	vst.idx.msk $0xffff, v1  }
0x20b: {  	v1 =	vld.idx.msk [tilespmem:v30+s11+$0x0], $0xffff  }
0x20c: {  	v2 =	vor.u32 v61, v33  }
0x20d: {  	v30 =	vor.u32 v34, v62;
	_ =	sdelay $0x3  }
0x20e: {  	[tilespmem:v2+s14+$0x0] =	vst.idx.msk $0xffff, v1  }
0x20f: {  	v1 =	vld.idx.msk [tilespmem:v30+s11+$0x0], $0xffff  }
0x210: {  	v2 =	vor.u32 v61, v35  }
0x211: {  	v30 =	vor.u32 v36, v62;
	_ =	sdelay $0x3  }
0x212: {  	[tilespmem:v2+s14+$0x0] =	vst.idx.msk $0xffff, v1  }
0x213: {  	v1 =	vld.idx.msk [tilespmem:v30+s11+$0x0], $0xffff  }
0x214: {  	v2 =	vor.u32 v61, v37  }
0x215: {  	v30 =	vor.u32 v38, v62;
	_ =	sdelay $0x3  }
0x216: {  	[tilespmem:v2+s14+$0x0] =	vst.idx.msk $0xffff, v1  }
0x217: {  	v1 =	vld.idx.msk [tilespmem:v30+s11+$0x0], $0xffff  }
0x218: {  	v2 =	vor.u32 v61, v39  }
0x219: {  	v30 =	vor.u32 v40, v62;
	_ =	sdelay $0x3  }
0x21a: {  	[tilespmem:v2+s14+$0x0] =	vst.idx.msk $0xffff, v1  }
0x21b: {  	v1 =	vld.idx.msk [tilespmem:v30+s11+$0x0], $0xffff  }
0x21c: {  	v2 =	vor.u32 v61, v41  }
0x21d: {  	v30 =	vor.u32 v42, v62;
	_ =	sdelay $0x3  }
0x21e: {  	[tilespmem:v2+s14+$0x0] =	vst.idx.msk $0xffff, v1  }
0x21f: {  	v1 =	vld.idx.msk [tilespmem:v30+s11+$0x0], $0xffff  }
0x220: {  	v2 =	vor.u32 v61, v43  }
0x221: {  	v30 =	vor.u32 v44, v62;
	_ =	sdelay $0x3  }
0x222: {  	[tilespmem:v2+s14+$0x0] =	vst.idx.msk $0xffff, v1  }
0x223: {  	v1 =	vld.idx.msk [tilespmem:v30+s11+$0x0], $0xffff  }
0x224: {  	v2 =	vor.u32 v61, v45  }
0x225: {  	v30 =	vor.u32 v46, v62;
	_ =	sdelay $0x3  }
0x226: {  	[tilespmem:v2+s14+$0x0] =	vst.idx.msk $0xffff, v1  }
0x227: {  	v1 =	vld.idx.msk [tilespmem:v30+s11+$0x0], $0xffff  }
0x228: {  	v2 =	vor.u32 v61, v47  }
0x229: {  	v30 =	vor.u32 v48, v62;
	_ =	sdelay $0x3  }
0x22a: {  	[tilespmem:v2+s14+$0x0] =	vst.idx.msk $0xffff, v1  }
0x22b: {  	v1 =	vld.idx.msk [tilespmem:v30+s11+$0x0], $0xffff  }
0x22c: {  	v2 =	vor.u32 v61, v49  }
0x22d: {  	v30 =	vor.u32 v50, v62;
	_ =	sdelay $0x3  }
0x22e: {  	[tilespmem:v2+s14+$0x0] =	vst.idx.msk $0xffff, v1  }
0x22f: {  	v1 =	vld.idx.msk [tilespmem:v30+s11+$0x0], $0xffff  }
0x230: {  	v2 =	vor.u32 v61, v51  }
0x231: {  	v30 =	vor.u32 v52, v62;
	_ =	sdelay $0x3  }
0x232: {  	[tilespmem:v2+s14+$0x0] =	vst.idx.msk $0xffff, v1  }
0x233: {  	v1 =	vld.idx.msk [tilespmem:v30+s11+$0x0], $0xffff  }
0x234: {  	v2 =	vor.u32 v61, v53  }
0x235: {  	v30 =	vor.u32 v54, v62;
	_ =	sdelay $0x3  }
0x236: {  	[tilespmem:v2+s14+$0x0] =	vst.idx.msk $0xffff, v1  }
0x237: {  	v1 =	vld.idx.msk [tilespmem:v30+s11+$0x0], $0xffff  }
0x238: {  	v2 =	vor.u32 v61, v55  }
0x239: {  	v30 =	vor.u32 v56, v62;
	_ =	sdelay $0x3  }
0x23a: {  	[tilespmem:v2+s14+$0x0] =	vst.idx.msk $0xffff, v1  }
0x23b: {  	v1 =	vld.idx.msk [tilespmem:v30+s11+$0x0], $0xffff  }
0x23c: {  	v2 =	vor.u32 v61, v57  }
0x23d: {  	v30 =	vor.u32 v58, v62;
	_ =	sdelay $0x3  }
0x23e: {  	[tilespmem:v2+s14+$0x0] =	vst.idx.msk $0xffff, v1  }
0x23f: {  	v31 =	vld.idx.msk [tilespmem:v30+s11+$0x0], $0xffff  }
.Ltmp1:
0x240: {  	v32 =	vor.u32 v61, v59;
	(pc) =	sbr.rel @p0 .LBB2_5-.Ltmp1, $2  }
0x241: {  	v30 =	vor.u32 v60, v62;
	_ =	sdelay $0x2  }
0x242: {  	s24 =	sadd.s32 $0x40, s24  }
0x243: {  	_ =	sdelay $0x3  }
0x244: {  	[tilespmem:v32+s14+$0x0] =	vst.idx.msk $0xffff, v31  }
0x245: {  	v2 =	vor.u32 v61, v29;
	v1 =	vld.idx.msk [tilespmem:v30+s11+$0x0], $0xffff;
	_ =	sdelay $0x1  }
0x246: {  	s23 =	sshll.u32 s21, $0x13  }
0x247: {  	s23 =	sor.u32 s6, s23  }
0x248: {  	s23 =	sshrl.u32 s23, $0x3  }
0x249: {  	p0 =	seq.s32 s21, $0x63;
	s23 =	sadd.s32 s2, s23;
	[tilespmem:v2+s14+$0x0] =	vst.idx.msk $0xffff, v1  }
0x24a: {  	[hbm4b:s23+s15] =	stream.strided.scatter [tilespmem:s14], [sflag:$0x2], $0x2000, s16, s15, $0x38;
	[tilespmem:$0x18880] =	vst v63  }
0x24b: {  	s23 =	sshll.u32 @!p0 s21, $0x8;
	_ =	swait.ge [sflag:s12], $0x4000  }
0x24c: {  	s24 =	simm.s32 @!p0 $0x80;
	s23 =	sand.u32 @!p0 $0x3FFFFF00, s23;
	[sflag:s12] =	ssyncset.done $0x0  }
0x24d: {  	s25 =	simm.s32 @!p0 $0xC880;
	s23 =	sadd.s32 @!p0 $0x6580, s23;
	[sflag:s12] =	ssyncadd.s32 $0xFFFFC000  }
0x24e: {  	[tilespmem:s25], [sflag:$0x1] =	stream.indirect.gather @!p0 [hbm4b:s4+s24], $0x80, s23, s24, $0xb8;
	[tilespmem:$0x18880] =	vst v63  }
0x24f: {  	s23 =	simm.s32 $0x0  }
0x250: {  	s28 =	sand.u32 $0x40, s23  }
0x251: {  	s29 =	sand.u32 $0x30, s23;
	v1 =	vor.u32 s28, v0  }
0x252: {  	v30 =	vor.u32 s29, v0;
	v2 =	vshll.u32 v1, $0x7  }
0x253: {  	p1 =	seq.s32 @!p0 s21, $0x0;
	v29 =	vor.u32 v30, v2  }
0x254: {  	p0 =	por p0, !p1  }
0x255: {  	_ =	swait.ge @p0 [sflag:s18], $0x2000  }
0x256: {  	[sflag:s18] =	ssyncset.done @p0 $0x0  }
0x257: {  	[sflag:s18] =	ssyncadd.s32 @p0 $0xFFFFE000;
	v31 =	vshll.u32 v30, $0x7  }
0x258: {  	v32 =	vor.u32 s29, v14;
	v33 =	vor.u32 v1, v31;
	v29 =	vld.idx.msk [tilespmem:v29+s13+$0x0], $0xffff  }
0x259: {  	v34 =	vor.u32 v32, v2;
	_ =	sdelay $0x3  }
0x25a: {  	[tilespmem:v33+s17+$0x0] =	vst.idx.msk $0xffff, v29;
	v33 =	vshll.u32 v32, $0x7  }
0x25b: {  	v29 =	vld.idx.msk [tilespmem:v34+s13+$0x0], $0xffff;
	v35 =	vor.u32 v1, v33;
	v34 =	vor.u32 s29, v15  }
0x25c: {  	v36 =	vor.u32 v34, v2;
	_ =	sdelay $0x3  }
0x25d: {  	[tilespmem:v35+s17+$0x0] =	vst.idx.msk $0xffff, v29;
	v35 =	vshll.u32 v34, $0x7  }
0x25e: {  	v29 =	vld.idx.msk [tilespmem:v36+s13+$0x0], $0xffff;
	v37 =	vor.u32 v1, v35;
	v36 =	vor.u32 s29, v16  }
0x25f: {  	v38 =	vor.u32 v36, v2;
	_ =	sdelay $0x3  }
0x260: {  	[tilespmem:v37+s17+$0x0] =	vst.idx.msk $0xffff, v29;
	v37 =	vshll.u32 v36, $0x7  }
0x261: {  	v29 =	vld.idx.msk [tilespmem:v38+s13+$0x0], $0xffff;
	v39 =	vor.u32 v1, v37;
	v38 =	vor.u32 s29, v17  }
0x262: {  	v40 =	vor.u32 v38, v2;
	_ =	sdelay $0x3  }
0x263: {  	[tilespmem:v39+s17+$0x0] =	vst.idx.msk $0xffff, v29;
	v39 =	vshll.u32 v38, $0x7  }
0x264: {  	v29 =	vld.idx.msk [tilespmem:v40+s13+$0x0], $0xffff;
	v41 =	vor.u32 v1, v39;
	v40 =	vor.u32 s29, v18  }
0x265: {  	v42 =	vor.u32 v40, v2;
	_ =	sdelay $0x3  }
0x266: {  	[tilespmem:v41+s17+$0x0] =	vst.idx.msk $0xffff, v29;
	v41 =	vshll.u32 v40, $0x7  }
0x267: {  	v29 =	vld.idx.msk [tilespmem:v42+s13+$0x0], $0xffff;
	v43 =	vor.u32 v1, v41;
	v42 =	vor.u32 s29, v20  }
0x268: {  	v44 =	vor.u32 v42, v2;
	_ =	sdelay $0x3  }
0x269: {  	[tilespmem:v43+s17+$0x0] =	vst.idx.msk $0xffff, v29;
	v43 =	vshll.u32 v42, $0x7  }
0x26a: {  	v29 =	vld.idx.msk [tilespmem:v44+s13+$0x0], $0xffff;
	v45 =	vor.u32 v1, v43;
	v44 =	vor.u32 s29, v21  }
0x26b: {  	v46 =	vor.u32 v44, v2;
	_ =	sdelay $0x3  }
0x26c: {  	[tilespmem:v45+s17+$0x0] =	vst.idx.msk $0xffff, v29;
	v45 =	vshll.u32 v44, $0x7  }
0x26d: {  	v29 =	vld.idx.msk [tilespmem:v46+s13+$0x0], $0xffff;
	v47 =	vor.u32 v1, v45;
	v46 =	vor.u32 s29, v19  }
0x26e: {  	v48 =	vor.u32 v46, v2;
	_ =	sdelay $0x3  }
0x26f: {  	[tilespmem:v47+s17+$0x0] =	vst.idx.msk $0xffff, v29;
	v47 =	vshll.u32 v46, $0x7  }
0x270: {  	v29 =	vld.idx.msk [tilespmem:v48+s13+$0x0], $0xffff;
	v49 =	vor.u32 v1, v47;
	v48 =	vor.u32 s29, v22  }
0x271: {  	v50 =	vor.u32 v48, v2;
	_ =	sdelay $0x3  }
0x272: {  	[tilespmem:v49+s17+$0x0] =	vst.idx.msk $0xffff, v29;
	v49 =	vshll.u32 v48, $0x7  }
0x273: {  	v29 =	vld.idx.msk [tilespmem:v50+s13+$0x0], $0xffff;
	v51 =	vor.u32 v1, v49;
	v50 =	vor.u32 s29, v23  }
0x274: {  	v52 =	vor.u32 v50, v2;
	_ =	sdelay $0x3  }
0x275: {  	[tilespmem:v51+s17+$0x0] =	vst.idx.msk $0xffff, v29;
	v51 =	vshll.u32 v50, $0x7  }
0x276: {  	v29 =	vld.idx.msk [tilespmem:v52+s13+$0x0], $0xffff;
	v53 =	vor.u32 v1, v51;
	v52 =	vor.u32 s29, v24  }
0x277: {  	v54 =	vor.u32 v52, v2;
	_ =	sdelay $0x3  }
0x278: {  	[tilespmem:v53+s17+$0x0] =	vst.idx.msk $0xffff, v29;
	v53 =	vshll.u32 v52, $0x7  }
0x279: {  	v29 =	vld.idx.msk [tilespmem:v54+s13+$0x0], $0xffff;
	v55 =	vor.u32 v1, v53;
	v54 =	vor.u32 s29, v25  }
0x27a: {  	v56 =	vor.u32 v54, v2;
	_ =	sdelay $0x3  }
0x27b: {  	[tilespmem:v55+s17+$0x0] =	vst.idx.msk $0xffff, v29;
	v55 =	vshll.u32 v54, $0x7  }
0x27c: {  	v29 =	vld.idx.msk [tilespmem:v56+s13+$0x0], $0xffff;
	v57 =	vor.u32 v1, v55;
	v56 =	vor.u32 s29, v26  }
0x27d: {  	v58 =	vor.u32 v56, v2;
	_ =	sdelay $0x3  }
0x27e: {  	[tilespmem:v57+s17+$0x0] =	vst.idx.msk $0xffff, v29;
	v57 =	vshll.u32 v56, $0x7  }
0x27f: {  	v59 =	vor.u32 s29, v27;
	v29 =	vld.idx.msk [tilespmem:v58+s13+$0x0], $0xffff;
	v58 =	vor.u32 v1, v57  }
0x280: {  	v60 =	vor.u32 v59, v2;
	_ =	sdelay $0x3  }
0x281: {  	[tilespmem:v58+s17+$0x0] =	vst.idx.msk $0xffff, v29;
	v58 =	vshll.u32 v59, $0x7  }
0x282: {  	v29 =	vld.idx.msk [tilespmem:v60+s13+$0x0], $0xffff;
	v61 =	vor.u32 v1, v58;
	v60 =	vor.u32 s29, v28  }
0x283: {  	v2 =	vor.u32 v60, v2;
	_ =	sdelay $0x2  }
0x284: {  	s30 =	sor.u32 $0x10, s28  }
0x285: {  	[tilespmem:v61+s17+$0x0] =	vst.idx.msk $0xffff, v29;
	v29 =	vshll.u32 v60, $0x7;
	v61 =	vor.u32 s30, v0  }
0x286: {  	v2 =	vld.idx.msk [tilespmem:v2+s13+$0x0], $0xffff;
	v1 =	vor.u32 v1, v29;
	v62 =	vshll.u32 v61, $0x7  }
0x287: {  	v63 =	vor.u32 v30, v62;
	_ =	sdelay $0x3  }
0x288: {  	[tilespmem:v1+s17+$0x0] =	vst.idx.msk $0xffff, v2  }
0x289: {  	v2 =	vor.u32 v61, v31;
	v1 =	vld.idx.msk [tilespmem:v63+s13+$0x0], $0xffff  }
0x28a: {  	v63 =	vor.u32 v32, v62;
	_ =	sdelay $0x3  }
0x28b: {  	[tilespmem:v2+s17+$0x0] =	vst.idx.msk $0xffff, v1  }
0x28c: {  	v2 =	vor.u32 v61, v33;
	v1 =	vld.idx.msk [tilespmem:v63+s13+$0x0], $0xffff  }
0x28d: {  	v63 =	vor.u32 v34, v62;
	_ =	sdelay $0x3  }
0x28e: {  	[tilespmem:v2+s17+$0x0] =	vst.idx.msk $0xffff, v1  }
0x28f: {  	v2 =	vor.u32 v61, v35;
	v1 =	vld.idx.msk [tilespmem:v63+s13+$0x0], $0xffff  }
0x290: {  	v63 =	vor.u32 v36, v62;
	_ =	sdelay $0x3  }
0x291: {  	[tilespmem:v2+s17+$0x0] =	vst.idx.msk $0xffff, v1  }
0x292: {  	v2 =	vor.u32 v61, v37;
	v1 =	vld.idx.msk [tilespmem:v63+s13+$0x0], $0xffff  }
0x293: {  	v63 =	vor.u32 v38, v62;
	_ =	sdelay $0x3  }
0x294: {  	[tilespmem:v2+s17+$0x0] =	vst.idx.msk $0xffff, v1  }
0x295: {  	v2 =	vor.u32 v61, v39;
	v1 =	vld.idx.msk [tilespmem:v63+s13+$0x0], $0xffff  }
0x296: {  	v63 =	vor.u32 v40, v62;
	_ =	sdelay $0x3  }
0x297: {  	[tilespmem:v2+s17+$0x0] =	vst.idx.msk $0xffff, v1  }
0x298: {  	v2 =	vor.u32 v61, v41;
	v1 =	vld.idx.msk [tilespmem:v63+s13+$0x0], $0xffff  }
0x299: {  	v63 =	vor.u32 v42, v62;
	_ =	sdelay $0x3  }
0x29a: {  	[tilespmem:v2+s17+$0x0] =	vst.idx.msk $0xffff, v1  }
0x29b: {  	v2 =	vor.u32 v61, v43;
	v1 =	vld.idx.msk [tilespmem:v63+s13+$0x0], $0xffff  }
0x29c: {  	v63 =	vor.u32 v44, v62;
	_ =	sdelay $0x3  }
0x29d: {  	[tilespmem:v2+s17+$0x0] =	vst.idx.msk $0xffff, v1  }
0x29e: {  	v2 =	vor.u32 v61, v45;
	v1 =	vld.idx.msk [tilespmem:v63+s13+$0x0], $0xffff  }
0x29f: {  	v63 =	vor.u32 v46, v62;
	_ =	sdelay $0x3  }
0x2a0: {  	[tilespmem:v2+s17+$0x0] =	vst.idx.msk $0xffff, v1  }
0x2a1: {  	v2 =	vor.u32 v61, v47;
	v1 =	vld.idx.msk [tilespmem:v63+s13+$0x0], $0xffff  }
0x2a2: {  	v63 =	vor.u32 v48, v62;
	_ =	sdelay $0x3  }
0x2a3: {  	[tilespmem:v2+s17+$0x0] =	vst.idx.msk $0xffff, v1  }
0x2a4: {  	v2 =	vor.u32 v61, v49;
	v1 =	vld.idx.msk [tilespmem:v63+s13+$0x0], $0xffff  }
0x2a5: {  	v63 =	vor.u32 v50, v62;
	_ =	sdelay $0x3  }
0x2a6: {  	[tilespmem:v2+s17+$0x0] =	vst.idx.msk $0xffff, v1  }
0x2a7: {  	v2 =	vor.u32 v61, v51;
	v1 =	vld.idx.msk [tilespmem:v63+s13+$0x0], $0xffff  }
0x2a8: {  	v63 =	vor.u32 v52, v62;
	_ =	sdelay $0x3  }
0x2a9: {  	[tilespmem:v2+s17+$0x0] =	vst.idx.msk $0xffff, v1  }
0x2aa: {  	v2 =	vor.u32 v61, v53;
	v1 =	vld.idx.msk [tilespmem:v63+s13+$0x0], $0xffff  }
0x2ab: {  	v63 =	vor.u32 v54, v62;
	_ =	sdelay $0x3  }
0x2ac: {  	[tilespmem:v2+s17+$0x0] =	vst.idx.msk $0xffff, v1  }
0x2ad: {  	v2 =	vor.u32 v61, v55;
	v1 =	vld.idx.msk [tilespmem:v63+s13+$0x0], $0xffff  }
0x2ae: {  	v63 =	vor.u32 v56, v62;
	_ =	sdelay $0x3  }
0x2af: {  	[tilespmem:v2+s17+$0x0] =	vst.idx.msk $0xffff, v1  }
0x2b0: {  	v2 =	vor.u32 v61, v57;
	v1 =	vld.idx.msk [tilespmem:v63+s13+$0x0], $0xffff  }
0x2b1: {  	v63 =	vor.u32 v59, v62;
	_ =	sdelay $0x3  }
0x2b2: {  	[tilespmem:v2+s17+$0x0] =	vst.idx.msk $0xffff, v1  }
0x2b3: {  	v2 =	vor.u32 v61, v58;
	v1 =	vld.idx.msk [tilespmem:v63+s13+$0x0], $0xffff  }
0x2b4: {  	v62 =	vor.u32 v60, v62;
	_ =	sdelay $0x2  }
0x2b5: {  	s31 =	sor.u32 $0x20, s28  }
0x2b6: {  	[tilespmem:v2+s17+$0x0] =	vst.idx.msk $0xffff, v1;
	v1 =	vor.u32 s31, v0  }
0x2b7: {  	v61 =	vor.u32 v61, v29;
	v2 =	vld.idx.msk [tilespmem:v62+s13+$0x0], $0xffff;
	v62 =	vshll.u32 v1, $0x7  }
0x2b8: {  	v63 =	vor.u32 v30, v62;
	_ =	sdelay $0x3  }
0x2b9: {  	[tilespmem:v61+s17+$0x0] =	vst.idx.msk $0xffff, v2  }
0x2ba: {  	v61 =	vor.u32 v1, v31;
	v2 =	vld.idx.msk [tilespmem:v63+s13+$0x0], $0xffff  }
0x2bb: {  	v63 =	vor.u32 v32, v62;
	_ =	sdelay $0x3  }
0x2bc: {  	[tilespmem:v61+s17+$0x0] =	vst.idx.msk $0xffff, v2  }
0x2bd: {  	v61 =	vor.u32 v1, v33;
	v2 =	vld.idx.msk [tilespmem:v63+s13+$0x0], $0xffff  }
0x2be: {  	v63 =	vor.u32 v34, v62;
	_ =	sdelay $0x3  }
0x2bf: {  	[tilespmem:v61+s17+$0x0] =	vst.idx.msk $0xffff, v2  }
0x2c0: {  	v61 =	vor.u32 v1, v35;
	v2 =	vld.idx.msk [tilespmem:v63+s13+$0x0], $0xffff  }
0x2c1: {  	v63 =	vor.u32 v36, v62;
	_ =	sdelay $0x3  }
0x2c2: {  	[tilespmem:v61+s17+$0x0] =	vst.idx.msk $0xffff, v2  }
0x2c3: {  	v61 =	vor.u32 v1, v37;
	v2 =	vld.idx.msk [tilespmem:v63+s13+$0x0], $0xffff  }
0x2c4: {  	v63 =	vor.u32 v38, v62;
	_ =	sdelay $0x3  }
0x2c5: {  	[tilespmem:v61+s17+$0x0] =	vst.idx.msk $0xffff, v2  }
0x2c6: {  	v61 =	vor.u32 v1, v39;
	v2 =	vld.idx.msk [tilespmem:v63+s13+$0x0], $0xffff  }
0x2c7: {  	v63 =	vor.u32 v40, v62;
	_ =	sdelay $0x3  }
0x2c8: {  	[tilespmem:v61+s17+$0x0] =	vst.idx.msk $0xffff, v2  }
0x2c9: {  	v61 =	vor.u32 v1, v41;
	v2 =	vld.idx.msk [tilespmem:v63+s13+$0x0], $0xffff  }
0x2ca: {  	v63 =	vor.u32 v42, v62;
	_ =	sdelay $0x3  }
0x2cb: {  	[tilespmem:v61+s17+$0x0] =	vst.idx.msk $0xffff, v2  }
0x2cc: {  	v61 =	vor.u32 v1, v43;
	v2 =	vld.idx.msk [tilespmem:v63+s13+$0x0], $0xffff  }
0x2cd: {  	v63 =	vor.u32 v44, v62;
	_ =	sdelay $0x3  }
0x2ce: {  	[tilespmem:v61+s17+$0x0] =	vst.idx.msk $0xffff, v2  }
0x2cf: {  	v61 =	vor.u32 v1, v45;
	v2 =	vld.idx.msk [tilespmem:v63+s13+$0x0], $0xffff  }
0x2d0: {  	v63 =	vor.u32 v46, v62;
	_ =	sdelay $0x3  }
0x2d1: {  	[tilespmem:v61+s17+$0x0] =	vst.idx.msk $0xffff, v2  }
0x2d2: {  	v61 =	vor.u32 v1, v47;
	v2 =	vld.idx.msk [tilespmem:v63+s13+$0x0], $0xffff  }
0x2d3: {  	v63 =	vor.u32 v48, v62;
	_ =	sdelay $0x3  }
0x2d4: {  	[tilespmem:v61+s17+$0x0] =	vst.idx.msk $0xffff, v2  }
0x2d5: {  	v61 =	vor.u32 v1, v49;
	v2 =	vld.idx.msk [tilespmem:v63+s13+$0x0], $0xffff  }
0x2d6: {  	v63 =	vor.u32 v50, v62;
	_ =	sdelay $0x3  }
0x2d7: {  	[tilespmem:v61+s17+$0x0] =	vst.idx.msk $0xffff, v2  }
0x2d8: {  	v61 =	vor.u32 v1, v51;
	v2 =	vld.idx.msk [tilespmem:v63+s13+$0x0], $0xffff  }
0x2d9: {  	v63 =	vor.u32 v52, v62;
	_ =	sdelay $0x3  }
0x2da: {  	[tilespmem:v61+s17+$0x0] =	vst.idx.msk $0xffff, v2  }
0x2db: {  	v61 =	vor.u32 v1, v53;
	v2 =	vld.idx.msk [tilespmem:v63+s13+$0x0], $0xffff  }
0x2dc: {  	v63 =	vor.u32 v54, v62;
	_ =	sdelay $0x3  }
0x2dd: {  	[tilespmem:v61+s17+$0x0] =	vst.idx.msk $0xffff, v2  }
0x2de: {  	v61 =	vor.u32 v1, v55;
	v2 =	vld.idx.msk [tilespmem:v63+s13+$0x0], $0xffff  }
0x2df: {  	v63 =	vor.u32 v56, v62;
	_ =	sdelay $0x3  }
0x2e0: {  	[tilespmem:v61+s17+$0x0] =	vst.idx.msk $0xffff, v2  }
0x2e1: {  	v61 =	vor.u32 v1, v57;
	v2 =	vld.idx.msk [tilespmem:v63+s13+$0x0], $0xffff  }
0x2e2: {  	v63 =	vor.u32 v59, v62;
	_ =	sdelay $0x3  }
0x2e3: {  	[tilespmem:v61+s17+$0x0] =	vst.idx.msk $0xffff, v2  }
0x2e4: {  	v61 =	vor.u32 v1, v58;
	v2 =	vld.idx.msk [tilespmem:v63+s13+$0x0], $0xffff  }
0x2e5: {  	v62 =	vor.u32 v60, v62;
	_ =	sdelay $0x2  }
0x2e6: {  	s24 =	sor.u32 $0x30, s28  }
0x2e7: {  	[tilespmem:v61+s17+$0x0] =	vst.idx.msk $0xffff, v2;
	v61 =	vor.u32 s24, v0  }
0x2e8: {  	v1 =	vor.u32 v1, v29;
	v2 =	vld.idx.msk [tilespmem:v62+s13+$0x0], $0xffff;
	v62 =	vshll.u32 v61, $0x7  }
0x2e9: {  	v30 =	vor.u32 v30, v62;
	_ =	sdelay $0x3  }
0x2ea: {  	[tilespmem:v1+s17+$0x0] =	vst.idx.msk $0xffff, v2  }
0x2eb: {  	v2 =	vor.u32 v61, v31;
	v1 =	vld.idx.msk [tilespmem:v30+s13+$0x0], $0xffff  }
0x2ec: {  	v30 =	vor.u32 v32, v62;
	_ =	sdelay $0x3  }
0x2ed: {  	[tilespmem:v2+s17+$0x0] =	vst.idx.msk $0xffff, v1  }
0x2ee: {  	v2 =	vor.u32 v61, v33;
	v1 =	vld.idx.msk [tilespmem:v30+s13+$0x0], $0xffff  }
0x2ef: {  	v30 =	vor.u32 v34, v62;
	_ =	sdelay $0x3  }
0x2f0: {  	[tilespmem:v2+s17+$0x0] =	vst.idx.msk $0xffff, v1  }
0x2f1: {  	v2 =	vor.u32 v61, v35;
	v1 =	vld.idx.msk [tilespmem:v30+s13+$0x0], $0xffff  }
0x2f2: {  	v30 =	vor.u32 v36, v62;
	_ =	sdelay $0x3  }
0x2f3: {  	[tilespmem:v2+s17+$0x0] =	vst.idx.msk $0xffff, v1  }
0x2f4: {  	v2 =	vor.u32 v61, v37;
	v1 =	vld.idx.msk [tilespmem:v30+s13+$0x0], $0xffff  }
0x2f5: {  	v30 =	vor.u32 v38, v62;
	_ =	sdelay $0x3  }
0x2f6: {  	[tilespmem:v2+s17+$0x0] =	vst.idx.msk $0xffff, v1  }
0x2f7: {  	v2 =	vor.u32 v61, v39;
	v1 =	vld.idx.msk [tilespmem:v30+s13+$0x0], $0xffff  }
0x2f8: {  	v30 =	vor.u32 v40, v62;
	_ =	sdelay $0x3  }
0x2f9: {  	[tilespmem:v2+s17+$0x0] =	vst.idx.msk $0xffff, v1  }
0x2fa: {  	v2 =	vor.u32 v61, v41;
	v1 =	vld.idx.msk [tilespmem:v30+s13+$0x0], $0xffff  }
0x2fb: {  	v30 =	vor.u32 v42, v62;
	_ =	sdelay $0x3  }
0x2fc: {  	[tilespmem:v2+s17+$0x0] =	vst.idx.msk $0xffff, v1  }
0x2fd: {  	v2 =	vor.u32 v61, v43;
	v1 =	vld.idx.msk [tilespmem:v30+s13+$0x0], $0xffff  }
0x2fe: {  	v30 =	vor.u32 v44, v62;
	_ =	sdelay $0x3  }
0x2ff: {  	[tilespmem:v2+s17+$0x0] =	vst.idx.msk $0xffff, v1  }
0x300: {  	v2 =	vor.u32 v61, v45;
	v1 =	vld.idx.msk [tilespmem:v30+s13+$0x0], $0xffff  }
0x301: {  	v30 =	vor.u32 v46, v62;
	_ =	sdelay $0x3  }
0x302: {  	[tilespmem:v2+s17+$0x0] =	vst.idx.msk $0xffff, v1  }
0x303: {  	v2 =	vor.u32 v61, v47;
	v1 =	vld.idx.msk [tilespmem:v30+s13+$0x0], $0xffff  }
0x304: {  	v30 =	vor.u32 v48, v62;
	_ =	sdelay $0x3  }
0x305: {  	[tilespmem:v2+s17+$0x0] =	vst.idx.msk $0xffff, v1  }
0x306: {  	v2 =	vor.u32 v61, v49;
	v1 =	vld.idx.msk [tilespmem:v30+s13+$0x0], $0xffff  }
0x307: {  	v30 =	vor.u32 v50, v62;
	_ =	sdelay $0x3  }
0x308: {  	[tilespmem:v2+s17+$0x0] =	vst.idx.msk $0xffff, v1  }
0x309: {  	v2 =	vor.u32 v61, v51;
	v1 =	vld.idx.msk [tilespmem:v30+s13+$0x0], $0xffff  }
0x30a: {  	v30 =	vor.u32 v52, v62;
	_ =	sdelay $0x3  }
0x30b: {  	[tilespmem:v2+s17+$0x0] =	vst.idx.msk $0xffff, v1  }
0x30c: {  	v2 =	vor.u32 v61, v53;
	v1 =	vld.idx.msk [tilespmem:v30+s13+$0x0], $0xffff  }
0x30d: {  	v30 =	vor.u32 v54, v62;
	_ =	sdelay $0x3  }
0x30e: {  	[tilespmem:v2+s17+$0x0] =	vst.idx.msk $0xffff, v1  }
0x30f: {  	v2 =	vor.u32 v61, v55;
	v1 =	vld.idx.msk [tilespmem:v30+s13+$0x0], $0xffff  }
0x310: {  	v30 =	vor.u32 v56, v62;
	_ =	sdelay $0x3  }
0x311: {  	[tilespmem:v2+s17+$0x0] =	vst.idx.msk $0xffff, v1  }
0x312: {  	v2 =	vor.u32 v61, v57;
	v1 =	vld.idx.msk [tilespmem:v30+s13+$0x0], $0xffff  }
0x313: {  	v30 =	vor.u32 v59, v62;
	_ =	sdelay $0x3  }
0x314: {  	[tilespmem:v2+s17+$0x0] =	vst.idx.msk $0xffff, v1  }
0x315: {  	v32 =	vor.u32 v61, v58;
	v31 =	vld.idx.msk [tilespmem:v30+s13+$0x0], $0xffff  }
0x316: {  	v30 =	vor.u32 v60, v62;
	_ =	sdelay $0x2  }
0x317: {  	s25 =	simm.s32 $0x40;
	s24 =	simm.s32 $0x0  }
.LBB2_7:
0x318: {  	s26 =	sand.u32 $0x40, s25;
	s24 =	sadd.s32 $0x4, s24;
	[tilespmem:v32+s17+$0x0] =	vst.idx.msk $0xffff, v31;
	s23 =	sadd.s32 $0x8, s23  }
0x319: {  	s28 =	sand.u32 $0x30, s23;
	v62 =	vor.u32 s26, v0;
	p0 =	slt.u32 s24, $0x1C;
	v1 =	vld.idx.msk [tilespmem:v30+s13+$0x0], $0xffff  }
0x31a: {  	v2 =	vor.u32 v61, v29;
	v30 =	vor.u32 s28, v0;
	v63 =	vshll.u32 v62, $0x7  }
0x31b: {  	v29 =	vor.u32 v30, v63;
	_ =	sdelay $0x3  }
0x31c: {  	[tilespmem:v2+s17+$0x0] =	vst.idx.msk $0xffff, v1  }
0x31d: {  	v31 =	vshll.u32 v30, $0x7;
	v1 =	vld.idx.msk [tilespmem:v29+s13+$0x0], $0xffff  }
0x31e: {  	v32 =	vor.u32 s28, v14;
	v2 =	vor.u32 v62, v31  }
0x31f: {  	v29 =	vor.u32 v32, v63;
	_ =	sdelay $0x3  }
0x320: {  	[tilespmem:v2+s17+$0x0] =	vst.idx.msk $0xffff, v1  }
0x321: {  	v33 =	vshll.u32 v32, $0x7;
	v1 =	vld.idx.msk [tilespmem:v29+s13+$0x0], $0xffff  }
0x322: {  	v34 =	vor.u32 s28, v15;
	v2 =	vor.u32 v62, v33  }
0x323: {  	v29 =	vor.u32 v34, v63;
	_ =	sdelay $0x3  }
0x324: {  	[tilespmem:v2+s17+$0x0] =	vst.idx.msk $0xffff, v1  }
0x325: {  	v35 =	vshll.u32 v34, $0x7;
	v1 =	vld.idx.msk [tilespmem:v29+s13+$0x0], $0xffff  }
0x326: {  	v36 =	vor.u32 s28, v16;
	v2 =	vor.u32 v62, v35  }
0x327: {  	v29 =	vor.u32 v36, v63;
	_ =	sdelay $0x3  }
0x328: {  	[tilespmem:v2+s17+$0x0] =	vst.idx.msk $0xffff, v1  }
0x329: {  	v37 =	vshll.u32 v36, $0x7;
	v1 =	vld.idx.msk [tilespmem:v29+s13+$0x0], $0xffff  }
0x32a: {  	v38 =	vor.u32 s28, v17;
	v2 =	vor.u32 v62, v37  }
0x32b: {  	v29 =	vor.u32 v38, v63;
	_ =	sdelay $0x3  }
0x32c: {  	[tilespmem:v2+s17+$0x0] =	vst.idx.msk $0xffff, v1  }
0x32d: {  	v39 =	vshll.u32 v38, $0x7;
	v1 =	vld.idx.msk [tilespmem:v29+s13+$0x0], $0xffff  }
0x32e: {  	v40 =	vor.u32 s28, v18;
	v2 =	vor.u32 v62, v39  }
0x32f: {  	v29 =	vor.u32 v40, v63;
	_ =	sdelay $0x3  }
0x330: {  	[tilespmem:v2+s17+$0x0] =	vst.idx.msk $0xffff, v1  }
0x331: {  	v41 =	vshll.u32 v40, $0x7;
	v1 =	vld.idx.msk [tilespmem:v29+s13+$0x0], $0xffff  }
0x332: {  	v42 =	vor.u32 s28, v20;
	v2 =	vor.u32 v62, v41  }
0x333: {  	v29 =	vor.u32 v42, v63;
	_ =	sdelay $0x3  }
0x334: {  	[tilespmem:v2+s17+$0x0] =	vst.idx.msk $0xffff, v1  }
0x335: {  	v43 =	vshll.u32 v42, $0x7;
	v1 =	vld.idx.msk [tilespmem:v29+s13+$0x0], $0xffff  }
0x336: {  	v44 =	vor.u32 s28, v21;
	v2 =	vor.u32 v62, v43  }
0x337: {  	v29 =	vor.u32 v44, v63;
	_ =	sdelay $0x3  }
0x338: {  	[tilespmem:v2+s17+$0x0] =	vst.idx.msk $0xffff, v1  }
0x339: {  	v45 =	vshll.u32 v44, $0x7;
	v1 =	vld.idx.msk [tilespmem:v29+s13+$0x0], $0xffff  }
0x33a: {  	v46 =	vor.u32 s28, v19;
	v2 =	vor.u32 v62, v45  }
0x33b: {  	v29 =	vor.u32 v46, v63;
	_ =	sdelay $0x3  }
0x33c: {  	[tilespmem:v2+s17+$0x0] =	vst.idx.msk $0xffff, v1  }
0x33d: {  	v47 =	vshll.u32 v46, $0x7;
	v1 =	vld.idx.msk [tilespmem:v29+s13+$0x0], $0xffff  }
0x33e: {  	v48 =	vor.u32 s28, v22;
	v2 =	vor.u32 v62, v47  }
0x33f: {  	v29 =	vor.u32 v48, v63;
	_ =	sdelay $0x3  }
0x340: {  	[tilespmem:v2+s17+$0x0] =	vst.idx.msk $0xffff, v1  }
0x341: {  	v49 =	vshll.u32 v48, $0x7;
	v1 =	vld.idx.msk [tilespmem:v29+s13+$0x0], $0xffff  }
0x342: {  	v50 =	vor.u32 s28, v23;
	v2 =	vor.u32 v62, v49  }
0x343: {  	v29 =	vor.u32 v50, v63;
	_ =	sdelay $0x3  }
0x344: {  	[tilespmem:v2+s17+$0x0] =	vst.idx.msk $0xffff, v1  }
0x345: {  	v51 =	vshll.u32 v50, $0x7;
	v1 =	vld.idx.msk [tilespmem:v29+s13+$0x0], $0xffff  }
0x346: {  	v52 =	vor.u32 s28, v24;
	v2 =	vor.u32 v62, v51  }
0x347: {  	v29 =	vor.u32 v52, v63;
	_ =	sdelay $0x3  }
0x348: {  	[tilespmem:v2+s17+$0x0] =	vst.idx.msk $0xffff, v1  }
0x349: {  	v53 =	vshll.u32 v52, $0x7;
	v1 =	vld.idx.msk [tilespmem:v29+s13+$0x0], $0xffff  }
0x34a: {  	v54 =	vor.u32 s28, v25;
	v2 =	vor.u32 v62, v53  }
0x34b: {  	v29 =	vor.u32 v54, v63;
	_ =	sdelay $0x3  }
0x34c: {  	[tilespmem:v2+s17+$0x0] =	vst.idx.msk $0xffff, v1  }
0x34d: {  	v55 =	vshll.u32 v54, $0x7;
	v1 =	vld.idx.msk [tilespmem:v29+s13+$0x0], $0xffff  }
0x34e: {  	v56 =	vor.u32 s28, v26;
	v2 =	vor.u32 v62, v55  }
0x34f: {  	v29 =	vor.u32 v56, v63;
	_ =	sdelay $0x3  }
0x350: {  	[tilespmem:v2+s17+$0x0] =	vst.idx.msk $0xffff, v1  }
0x351: {  	v57 =	vshll.u32 v56, $0x7;
	v1 =	vld.idx.msk [tilespmem:v29+s13+$0x0], $0xffff  }
0x352: {  	v58 =	vor.u32 s28, v27;
	v2 =	vor.u32 v62, v57  }
0x353: {  	v29 =	vor.u32 v58, v63;
	_ =	sdelay $0x3  }
0x354: {  	[tilespmem:v2+s17+$0x0] =	vst.idx.msk $0xffff, v1  }
0x355: {  	v59 =	vshll.u32 v58, $0x7;
	v1 =	vld.idx.msk [tilespmem:v29+s13+$0x0], $0xffff  }
0x356: {  	v60 =	vor.u32 s28, v28;
	v2 =	vor.u32 v62, v59  }
0x357: {  	v29 =	vor.u32 v60, v63;
	_ =	sdelay $0x3  }
0x358: {  	s28 =	sor.u32 $0x10, s26;
	[tilespmem:v2+s17+$0x0] =	vst.idx.msk $0xffff, v1  }
0x359: {  	v61 =	vor.u32 s28, v0;
	v1 =	vld.idx.msk [tilespmem:v29+s13+$0x0], $0xffff;
	v29 =	vshll.u32 v60, $0x7  }
0x35a: {  	v2 =	vor.u32 v62, v29;
	v62 =	vshll.u32 v61, $0x7  }
0x35b: {  	v63 =	vor.u32 v30, v62;
	_ =	sdelay $0x3  }
0x35c: {  	[tilespmem:v2+s17+$0x0] =	vst.idx.msk $0xffff, v1  }
0x35d: {  	v1 =	vld.idx.msk [tilespmem:v63+s13+$0x0], $0xffff  }
0x35e: {  	v2 =	vor.u32 v61, v31  }
0x35f: {  	v63 =	vor.u32 v32, v62;
	_ =	sdelay $0x3  }
0x360: {  	[tilespmem:v2+s17+$0x0] =	vst.idx.msk $0xffff, v1  }
0x361: {  	v1 =	vld.idx.msk [tilespmem:v63+s13+$0x0], $0xffff  }
0x362: {  	v2 =	vor.u32 v61, v33  }
0x363: {  	v63 =	vor.u32 v34, v62;
	_ =	sdelay $0x3  }
0x364: {  	[tilespmem:v2+s17+$0x0] =	vst.idx.msk $0xffff, v1  }
0x365: {  	v1 =	vld.idx.msk [tilespmem:v63+s13+$0x0], $0xffff  }
0x366: {  	v2 =	vor.u32 v61, v35  }
0x367: {  	v63 =	vor.u32 v36, v62;
	_ =	sdelay $0x3  }
0x368: {  	[tilespmem:v2+s17+$0x0] =	vst.idx.msk $0xffff, v1  }
0x369: {  	v1 =	vld.idx.msk [tilespmem:v63+s13+$0x0], $0xffff  }
0x36a: {  	v2 =	vor.u32 v61, v37  }
0x36b: {  	v63 =	vor.u32 v38, v62;
	_ =	sdelay $0x3  }
0x36c: {  	[tilespmem:v2+s17+$0x0] =	vst.idx.msk $0xffff, v1  }
0x36d: {  	v1 =	vld.idx.msk [tilespmem:v63+s13+$0x0], $0xffff  }
0x36e: {  	v2 =	vor.u32 v61, v39  }
0x36f: {  	v63 =	vor.u32 v40, v62;
	_ =	sdelay $0x3  }
0x370: {  	[tilespmem:v2+s17+$0x0] =	vst.idx.msk $0xffff, v1  }
0x371: {  	v1 =	vld.idx.msk [tilespmem:v63+s13+$0x0], $0xffff  }
0x372: {  	v2 =	vor.u32 v61, v41  }
0x373: {  	v63 =	vor.u32 v42, v62;
	_ =	sdelay $0x3  }
0x374: {  	[tilespmem:v2+s17+$0x0] =	vst.idx.msk $0xffff, v1  }
0x375: {  	v1 =	vld.idx.msk [tilespmem:v63+s13+$0x0], $0xffff  }
0x376: {  	v2 =	vor.u32 v61, v43  }
0x377: {  	v63 =	vor.u32 v44, v62;
	_ =	sdelay $0x3  }
0x378: {  	[tilespmem:v2+s17+$0x0] =	vst.idx.msk $0xffff, v1  }
0x379: {  	v1 =	vld.idx.msk [tilespmem:v63+s13+$0x0], $0xffff  }
0x37a: {  	v2 =	vor.u32 v61, v45  }
0x37b: {  	v63 =	vor.u32 v46, v62;
	_ =	sdelay $0x3  }
0x37c: {  	[tilespmem:v2+s17+$0x0] =	vst.idx.msk $0xffff, v1  }
0x37d: {  	v1 =	vld.idx.msk [tilespmem:v63+s13+$0x0], $0xffff  }
0x37e: {  	v2 =	vor.u32 v61, v47  }
0x37f: {  	v63 =	vor.u32 v48, v62;
	_ =	sdelay $0x3  }
0x380: {  	[tilespmem:v2+s17+$0x0] =	vst.idx.msk $0xffff, v1  }
0x381: {  	v1 =	vld.idx.msk [tilespmem:v63+s13+$0x0], $0xffff  }
0x382: {  	v2 =	vor.u32 v61, v49  }
0x383: {  	v63 =	vor.u32 v50, v62;
	_ =	sdelay $0x3  }
0x384: {  	[tilespmem:v2+s17+$0x0] =	vst.idx.msk $0xffff, v1  }
0x385: {  	v1 =	vld.idx.msk [tilespmem:v63+s13+$0x0], $0xffff  }
0x386: {  	v2 =	vor.u32 v61, v51  }
0x387: {  	v63 =	vor.u32 v52, v62;
	_ =	sdelay $0x3  }
0x388: {  	[tilespmem:v2+s17+$0x0] =	vst.idx.msk $0xffff, v1  }
0x389: {  	v1 =	vld.idx.msk [tilespmem:v63+s13+$0x0], $0xffff  }
0x38a: {  	v2 =	vor.u32 v61, v53  }
0x38b: {  	v63 =	vor.u32 v54, v62;
	_ =	sdelay $0x3  }
0x38c: {  	[tilespmem:v2+s17+$0x0] =	vst.idx.msk $0xffff, v1  }
0x38d: {  	v1 =	vld.idx.msk [tilespmem:v63+s13+$0x0], $0xffff  }
0x38e: {  	v2 =	vor.u32 v61, v55  }
0x38f: {  	v63 =	vor.u32 v56, v62;
	_ =	sdelay $0x3  }
0x390: {  	[tilespmem:v2+s17+$0x0] =	vst.idx.msk $0xffff, v1  }
0x391: {  	v1 =	vld.idx.msk [tilespmem:v63+s13+$0x0], $0xffff  }
0x392: {  	v2 =	vor.u32 v61, v57  }
0x393: {  	v63 =	vor.u32 v58, v62;
	_ =	sdelay $0x3  }
0x394: {  	[tilespmem:v2+s17+$0x0] =	vst.idx.msk $0xffff, v1  }
0x395: {  	v1 =	vld.idx.msk [tilespmem:v63+s13+$0x0], $0xffff  }
0x396: {  	v2 =	vor.u32 v61, v59  }
0x397: {  	v62 =	vor.u32 v60, v62;
	_ =	sdelay $0x3  }
0x398: {  	s28 =	sor.u32 $0x20, s26;
	[tilespmem:v2+s17+$0x0] =	vst.idx.msk $0xffff, v1  }
0x399: {  	v1 =	vld.idx.msk [tilespmem:v62+s13+$0x0], $0xffff;
	v62 =	vor.u32 s28, v0  }
0x39a: {  	v2 =	vor.u32 v61, v29;
	v61 =	vshll.u32 v62, $0x7  }
0x39b: {  	v63 =	vor.u32 v30, v61;
	_ =	sdelay $0x3  }
0x39c: {  	[tilespmem:v2+s17+$0x0] =	vst.idx.msk $0xffff, v1  }
0x39d: {  	v1 =	vld.idx.msk [tilespmem:v63+s13+$0x0], $0xffff  }
0x39e: {  	v2 =	vor.u32 v62, v31  }
0x39f: {  	v63 =	vor.u32 v32, v61;
	_ =	sdelay $0x3  }
0x3a0: {  	[tilespmem:v2+s17+$0x0] =	vst.idx.msk $0xffff, v1  }
0x3a1: {  	v1 =	vld.idx.msk [tilespmem:v63+s13+$0x0], $0xffff  }
0x3a2: {  	v2 =	vor.u32 v62, v33  }
0x3a3: {  	v63 =	vor.u32 v34, v61;
	_ =	sdelay $0x3  }
0x3a4: {  	[tilespmem:v2+s17+$0x0] =	vst.idx.msk $0xffff, v1  }
0x3a5: {  	v1 =	vld.idx.msk [tilespmem:v63+s13+$0x0], $0xffff  }
0x3a6: {  	v2 =	vor.u32 v62, v35  }
0x3a7: {  	v63 =	vor.u32 v36, v61;
	_ =	sdelay $0x3  }
0x3a8: {  	[tilespmem:v2+s17+$0x0] =	vst.idx.msk $0xffff, v1  }
0x3a9: {  	v1 =	vld.idx.msk [tilespmem:v63+s13+$0x0], $0xffff  }
0x3aa: {  	v2 =	vor.u32 v62, v37  }
0x3ab: {  	v63 =	vor.u32 v38, v61;
	_ =	sdelay $0x3  }
0x3ac: {  	[tilespmem:v2+s17+$0x0] =	vst.idx.msk $0xffff, v1  }
0x3ad: {  	v1 =	vld.idx.msk [tilespmem:v63+s13+$0x0], $0xffff  }
0x3ae: {  	v2 =	vor.u32 v62, v39  }
0x3af: {  	v63 =	vor.u32 v40, v61;
	_ =	sdelay $0x3  }
0x3b0: {  	[tilespmem:v2+s17+$0x0] =	vst.idx.msk $0xffff, v1  }
0x3b1: {  	v1 =	vld.idx.msk [tilespmem:v63+s13+$0x0], $0xffff  }
0x3b2: {  	v2 =	vor.u32 v62, v41  }
0x3b3: {  	v63 =	vor.u32 v42, v61;
	_ =	sdelay $0x3  }
0x3b4: {  	[tilespmem:v2+s17+$0x0] =	vst.idx.msk $0xffff, v1  }
0x3b5: {  	v1 =	vld.idx.msk [tilespmem:v63+s13+$0x0], $0xffff  }
0x3b6: {  	v2 =	vor.u32 v62, v43  }
0x3b7: {  	v63 =	vor.u32 v44, v61;
	_ =	sdelay $0x3  }
0x3b8: {  	[tilespmem:v2+s17+$0x0] =	vst.idx.msk $0xffff, v1  }
0x3b9: {  	v1 =	vld.idx.msk [tilespmem:v63+s13+$0x0], $0xffff  }
0x3ba: {  	v2 =	vor.u32 v62, v45  }
0x3bb: {  	v63 =	vor.u32 v46, v61;
	_ =	sdelay $0x3  }
0x3bc: {  	[tilespmem:v2+s17+$0x0] =	vst.idx.msk $0xffff, v1  }
0x3bd: {  	v1 =	vld.idx.msk [tilespmem:v63+s13+$0x0], $0xffff  }
0x3be: {  	v2 =	vor.u32 v62, v47  }
0x3bf: {  	v63 =	vor.u32 v48, v61;
	_ =	sdelay $0x3  }
0x3c0: {  	[tilespmem:v2+s17+$0x0] =	vst.idx.msk $0xffff, v1  }
0x3c1: {  	v1 =	vld.idx.msk [tilespmem:v63+s13+$0x0], $0xffff  }
0x3c2: {  	v2 =	vor.u32 v62, v49  }
0x3c3: {  	v63 =	vor.u32 v50, v61;
	_ =	sdelay $0x3  }
0x3c4: {  	[tilespmem:v2+s17+$0x0] =	vst.idx.msk $0xffff, v1  }
0x3c5: {  	v1 =	vld.idx.msk [tilespmem:v63+s13+$0x0], $0xffff  }
0x3c6: {  	v2 =	vor.u32 v62, v51  }
0x3c7: {  	v63 =	vor.u32 v52, v61;
	_ =	sdelay $0x3  }
0x3c8: {  	[tilespmem:v2+s17+$0x0] =	vst.idx.msk $0xffff, v1  }
0x3c9: {  	v1 =	vld.idx.msk [tilespmem:v63+s13+$0x0], $0xffff  }
0x3ca: {  	v2 =	vor.u32 v62, v53  }
0x3cb: {  	v63 =	vor.u32 v54, v61;
	_ =	sdelay $0x3  }
0x3cc: {  	[tilespmem:v2+s17+$0x0] =	vst.idx.msk $0xffff, v1  }
0x3cd: {  	v1 =	vld.idx.msk [tilespmem:v63+s13+$0x0], $0xffff  }
0x3ce: {  	v2 =	vor.u32 v62, v55  }
0x3cf: {  	v63 =	vor.u32 v56, v61;
	_ =	sdelay $0x3  }
0x3d0: {  	[tilespmem:v2+s17+$0x0] =	vst.idx.msk $0xffff, v1  }
0x3d1: {  	v1 =	vld.idx.msk [tilespmem:v63+s13+$0x0], $0xffff  }
0x3d2: {  	v2 =	vor.u32 v62, v57  }
0x3d3: {  	v63 =	vor.u32 v58, v61;
	_ =	sdelay $0x3  }
0x3d4: {  	[tilespmem:v2+s17+$0x0] =	vst.idx.msk $0xffff, v1  }
0x3d5: {  	v1 =	vld.idx.msk [tilespmem:v63+s13+$0x0], $0xffff  }
0x3d6: {  	v2 =	vor.u32 v62, v59  }
0x3d7: {  	v61 =	vor.u32 v60, v61;
	_ =	sdelay $0x3  }
0x3d8: {  	s26 =	sor.u32 $0x30, s26;
	[tilespmem:v2+s17+$0x0] =	vst.idx.msk $0xffff, v1  }
0x3d9: {  	v1 =	vld.idx.msk [tilespmem:v61+s13+$0x0], $0xffff;
	v61 =	vor.u32 s26, v0  }
0x3da: {  	v2 =	vor.u32 v62, v29;
	v62 =	vshll.u32 v61, $0x7  }
0x3db: {  	v30 =	vor.u32 v30, v62;
	_ =	sdelay $0x3  }
0x3dc: {  	[tilespmem:v2+s17+$0x0] =	vst.idx.msk $0xffff, v1  }
0x3dd: {  	v1 =	vld.idx.msk [tilespmem:v30+s13+$0x0], $0xffff  }
0x3de: {  	v2 =	vor.u32 v61, v31  }
0x3df: {  	v30 =	vor.u32 v32, v62;
	_ =	sdelay $0x3  }
0x3e0: {  	[tilespmem:v2+s17+$0x0] =	vst.idx.msk $0xffff, v1  }
0x3e1: {  	v1 =	vld.idx.msk [tilespmem:v30+s13+$0x0], $0xffff  }
0x3e2: {  	v2 =	vor.u32 v61, v33  }
0x3e3: {  	v30 =	vor.u32 v34, v62;
	_ =	sdelay $0x3  }
0x3e4: {  	[tilespmem:v2+s17+$0x0] =	vst.idx.msk $0xffff, v1  }
0x3e5: {  	v1 =	vld.idx.msk [tilespmem:v30+s13+$0x0], $0xffff  }
0x3e6: {  	v2 =	vor.u32 v61, v35  }
0x3e7: {  	v30 =	vor.u32 v36, v62;
	_ =	sdelay $0x3  }
0x3e8: {  	[tilespmem:v2+s17+$0x0] =	vst.idx.msk $0xffff, v1  }
0x3e9: {  	v1 =	vld.idx.msk [tilespmem:v30+s13+$0x0], $0xffff  }
0x3ea: {  	v2 =	vor.u32 v61, v37  }
0x3eb: {  	v30 =	vor.u32 v38, v62;
	_ =	sdelay $0x3  }
0x3ec: {  	[tilespmem:v2+s17+$0x0] =	vst.idx.msk $0xffff, v1  }
0x3ed: {  	v1 =	vld.idx.msk [tilespmem:v30+s13+$0x0], $0xffff  }
0x3ee: {  	v2 =	vor.u32 v61, v39  }
0x3ef: {  	v30 =	vor.u32 v40, v62;
	_ =	sdelay $0x3  }
0x3f0: {  	[tilespmem:v2+s17+$0x0] =	vst.idx.msk $0xffff, v1  }
0x3f1: {  	v1 =	vld.idx.msk [tilespmem:v30+s13+$0x0], $0xffff  }
0x3f2: {  	v2 =	vor.u32 v61, v41  }
0x3f3: {  	v30 =	vor.u32 v42, v62;
	_ =	sdelay $0x3  }
0x3f4: {  	[tilespmem:v2+s17+$0x0] =	vst.idx.msk $0xffff, v1  }
0x3f5: {  	v1 =	vld.idx.msk [tilespmem:v30+s13+$0x0], $0xffff  }
0x3f6: {  	v2 =	vor.u32 v61, v43  }
0x3f7: {  	v30 =	vor.u32 v44, v62;
	_ =	sdelay $0x3  }
0x3f8: {  	[tilespmem:v2+s17+$0x0] =	vst.idx.msk $0xffff, v1  }
0x3f9: {  	v1 =	vld.idx.msk [tilespmem:v30+s13+$0x0], $0xffff  }
0x3fa: {  	v2 =	vor.u32 v61, v45  }
0x3fb: {  	v30 =	vor.u32 v46, v62;
	_ =	sdelay $0x3  }
0x3fc: {  	[tilespmem:v2+s17+$0x0] =	vst.idx.msk $0xffff, v1  }
0x3fd: {  	v1 =	vld.idx.msk [tilespmem:v30+s13+$0x0], $0xffff  }
0x3fe: {  	v2 =	vor.u32 v61, v47  }
0x3ff: {  	v30 =	vor.u32 v48, v62;
	_ =	sdelay $0x3  }
0x400: {  	[tilespmem:v2+s17+$0x0] =	vst.idx.msk $0xffff, v1  }
0x401: {  	v1 =	vld.idx.msk [tilespmem:v30+s13+$0x0], $0xffff  }
0x402: {  	v2 =	vor.u32 v61, v49  }
0x403: {  	v30 =	vor.u32 v50, v62;
	_ =	sdelay $0x3  }
0x404: {  	[tilespmem:v2+s17+$0x0] =	vst.idx.msk $0xffff, v1  }
0x405: {  	v1 =	vld.idx.msk [tilespmem:v30+s13+$0x0], $0xffff  }
0x406: {  	v2 =	vor.u32 v61, v51  }
0x407: {  	v30 =	vor.u32 v52, v62;
	_ =	sdelay $0x3  }
0x408: {  	[tilespmem:v2+s17+$0x0] =	vst.idx.msk $0xffff, v1  }
0x409: {  	v1 =	vld.idx.msk [tilespmem:v30+s13+$0x0], $0xffff  }
0x40a: {  	v2 =	vor.u32 v61, v53  }
0x40b: {  	v30 =	vor.u32 v54, v62;
	_ =	sdelay $0x3  }
0x40c: {  	[tilespmem:v2+s17+$0x0] =	vst.idx.msk $0xffff, v1  }
0x40d: {  	v1 =	vld.idx.msk [tilespmem:v30+s13+$0x0], $0xffff  }
0x40e: {  	v2 =	vor.u32 v61, v55  }
0x40f: {  	v30 =	vor.u32 v56, v62;
	_ =	sdelay $0x3  }
0x410: {  	[tilespmem:v2+s17+$0x0] =	vst.idx.msk $0xffff, v1  }
0x411: {  	v1 =	vld.idx.msk [tilespmem:v30+s13+$0x0], $0xffff  }
0x412: {  	v2 =	vor.u32 v61, v57  }
0x413: {  	v30 =	vor.u32 v58, v62;
	_ =	sdelay $0x3  }
0x414: {  	[tilespmem:v2+s17+$0x0] =	vst.idx.msk $0xffff, v1  }
0x415: {  	v31 =	vld.idx.msk [tilespmem:v30+s13+$0x0], $0xffff  }
.Ltmp2:
0x416: {  	v32 =	vor.u32 v61, v59;
	(pc) =	sbr.rel @p0 .LBB2_7-.Ltmp2, $2  }
0x417: {  	v30 =	vor.u32 v60, v62;
	_ =	sdelay $0x2  }
0x418: {  	s25 =	sadd.s32 $0x40, s25  }
0x419: {  	_ =	sdelay $0x3  }
0x41a: {  	[tilespmem:v32+s17+$0x0] =	vst.idx.msk $0xffff, v31  }
0x41b: {  	v2 =	vor.u32 v61, v29;
	s21 =	sadd.s32 $0x1, s21;
	v1 =	vld.idx.msk [tilespmem:v30+s13+$0x0], $0xffff  }
0x41c: {  	p0 =	sne.s32 s21, $0x64  }
.Ltmp3:
0x41d: {  	s22 =	sshll.u32 s22, $0x12;
	(pc) =	sbr.rel @p0 .LBB2_4-.Ltmp3, $4  }
0x41e: {  	s22 =	sor.u32 s6, s22  }
0x41f: {  	s22 =	sshrl.u32 s22, $0x3  }
0x420: {  	s22 =	sadd.s32 s2, s22;
	[tilespmem:v2+s17+$0x0] =	vst.idx.msk $0xffff, v1  }
0x421: {  	[hbm4b:s22+s15] =	stream.strided.scatter [tilespmem:s17], [sflag:$0x2], $0x2000, s16, s15, $0x38;
	[tilespmem:$0x18880] =	vst v63  }
0x422: {  	s19 =	sadd.s32 $0x1, s19  }
0x423: {  	_ =	swait.ge [sflag:s18], $0x2000;
	p0 =	sne.s32 s19, s7  }
.Ltmp4:
0x424: {  	[sflag:s18] =	ssyncset.done $0x0;
	(pc) =	sbr.rel @p0 .LBB2_1-.Ltmp4, $4  }
0x425: {  	[sflag:s18] =	ssyncadd.s32 $0xFFFFE000  }
0x426: {  	_ =	swait.ge [sflag:s18], $0x2000  }
0x427: {  	[sflag:s18] =	ssyncset.done $0x0;
	v1 =	vld [tilespmem:$0x1FFE0]  }
0x428: {  	v2 =	vld [tilespmem:$0x1FFF0];
	[sflag:s18] =	ssyncadd.s32 $0xFFFFE000  }
0x429: {  	_ =	sfence.sel $0x180000  }
0x42a: {  	[bflag:$0x0] =	sbarrier.arrive $0xFFFF  }
0x42b: {  	p0 =	sne.s32 s0, $0x0;
	_ =	strace $0x90000047  }
0x42c: {  	s0 =	sadd.s32 @!p0 $0x100000, s1;
	[bflag:$0x2] =	sbarrier.arrive $0xFFFF  }
0x42d: {  	[sflag:s0] =	ssyncadd.tile.s32 @!p0 $0x1;
	_ =	shalt  }
.Lfunc_end2:
_tile_overlayer_lowered:
.L_overlay_start_2:
0x42e: {  	(tag) =	ssettag $0x2  }
0x42f: {  	s0 =	rddreg [dreg:$0x0];
	s2 =	stileid.u32  }
0x430: {  	s1 =	rddreg [dreg:$0x1];
	p0 =	sne.s32 s2, $0x0  }
0x431: {  	s3 =	rddreg [dreg:$0x2];
	[bflag:$0x3] =	sbarrier.arrive $0xFFFF;
	s2 =	simm.s32 @!p0 $0x1C03  }
0x432: {  	[timem:s3], [sflag:s2] =	dma.local @!p0 [hbm:s0], s1  }
0x433: {  	s0 =	simm.s32 @!p0 $0x3  }
0x434: {  	_ =	swait.ge @!p0 [sflag:s0], s1  }
0x435: {  	s1 =	ssub.s32 @!p0 $0x0, s1;
	[sflag:s0] =	ssyncset.done @!p0 $0x0  }
0x436: {  	[sflag:s0] =	ssyncadd.s32 @!p0 s1  }
0x437: {  	[bflag:$0x3] =	sbarrier.arrive $0xFFFF  }
0x438: {  	_ =	shalt  }

</sc_bundles>
